<compile_context>
chip_gen: v7x
topology: tpu7x:2x2x1
jax: 0.10.2.dev20260603
libtpu: 0.0.44.dev20260713+nightly
codegen_flags: <defaults>
</compile_context>

<pallas_src>
import functools

import jax
import jax.numpy as jnp
from jax import lax
from jax.experimental import pallas as pl
from jax.experimental.pallas import tpu as pltpu
from jax.experimental.pallas import tpu_sc as plsc

N = 10000
E = 320000
D_IN = 128
D = 16

NC = 2
NS = 16
NW = NC * NS

NP = 10240
ROWS_PER_TILE = NP // NS

CHUNK = 128
K = 8

CHUNKS_C0 = 80
CHUNKS_C1 = 80
NCHUNK_MAX = CHUNKS_C0
ECHUNKS = NS * (CHUNKS_C0 + CHUNKS_C1)
C1_BASE = NS * CHUNKS_C0
EROWS = 2560
DST_BASE = EROWS

_SC_MESH = plsc.VectorSubcoreMesh(
    core_axis_name="c", subcore_axis_name="s", num_cores=NC, num_subcores=NS
)


def _tile_ids():
    cid = lax.axis_index("c")
    sid = lax.axis_index("s")
    return cid, sid


def _tile_chunks(cid, sid):
    base = jnp.where(cid == 0, sid * CHUNKS_C0, C1_BASE + sid * CHUNKS_C1)
    nwaves = jnp.where(cid == 0, CHUNKS_C0 // K, CHUNKS_C1 // K)
    return base, nwaves


@functools.partial(
    pl.kernel,
    out_type=jax.ShapeDtypeStruct((NC, NP), jnp.float32),
    mesh=_SC_MESH,
    scratch_types=[
        pltpu.VMEM((CHUNK,), jnp.float32),
        pltpu.VMEM((NCHUNK_MAX, CHUNK), jnp.int32),
        pltpu.VMEM_SHARED((NP,), jnp.float32),
        pltpu.SemaphoreType.DMA,
    ],
)
def _deg_kernel(edges_hbm, out_hbm, ones_v, idx_all, deg_sh, ssem):
    cid, sid = _tile_ids()
    base, nwaves = _tile_chunks(cid, sid)
    pltpu.sync_copy(edges_hbm.at[pl.ds(DST_BASE + base, NCHUNK_MAX)], idx_all)

    def zfill(i, _):
        ones_v[pl.ds(i * 16, 16)] = jnp.zeros((16,), jnp.float32)
        return ()
    lax.fori_loop(0, CHUNK // 16, zfill, ())
    for k in range(ROWS_PER_TILE // CHUNK):
        pltpu.sync_copy(ones_v, deg_sh.at[pl.ds(sid * ROWS_PER_TILE + k * CHUNK, CHUNK)])

    def fill(i, _):
        ones_v[pl.ds(i * 16, 16)] = jnp.ones((16,), jnp.float32)
        return ()
    lax.fori_loop(0, CHUNK // 16, fill, ())
    plsc.subcore_barrier()

    def wave(w, _):
        @pl.when(w < nwaves)
        def _fire():
            for b in range(K):
                pltpu.async_copy(ones_v, deg_sh.at[idx_all.at[w * K + b]],
                                 ssem, add=True)

        @pl.when(w > 0)
        def _drain():
            for b in range(K):
                pltpu.make_async_copy(ones_v, deg_sh.at[pl.ds(0, CHUNK)], ssem).wait()
        return ()
    lax.fori_loop(0, nwaves + 1, wave, ())
    plsc.subcore_barrier()

    pltpu.sync_copy(
        deg_sh.at[pl.ds(sid * ROWS_PER_TILE, ROWS_PER_TILE)],
        out_hbm.at[cid, pl.ds(sid * ROWS_PER_TILE, ROWS_PER_TILE)],
    )


@functools.partial(
    pl.kernel,
    out_type=jax.ShapeDtypeStruct((NC * NP, D), jnp.float32),
    mesh=_SC_MESH,
    scratch_types=[
        pltpu.VMEM((NCHUNK_MAX, CHUNK), jnp.int32),
        pltpu.VMEM((NCHUNK_MAX, CHUNK), jnp.int32),
        pltpu.VMEM((2, K, CHUNK, D), jnp.float32),
        pltpu.VMEM_SHARED((NP, D), jnp.float32),
        pltpu.SemaphoreType.DMA,
        pltpu.SemaphoreType.DMA,
    ],
    compiler_params=pltpu.CompilerParams(use_tc_tiling_on_sc=False),
)
def _agg_kernel(table_hbm, edges_hbm, out_hbm,
                idx_s, idx_d, rows_v, acc_sh, gsem, ssem):
    cid, sid = _tile_ids()
    base, nwaves = _tile_chunks(cid, sid)
    pltpu.sync_copy(edges_hbm.at[pl.ds(base, NCHUNK_MAX)], idx_s)
    pltpu.sync_copy(edges_hbm.at[pl.ds(DST_BASE + base, NCHUNK_MAX)], idx_d)

    def zfill(i, _):
        rows_v[0, 0, i, :] = jnp.zeros((D,), jnp.float32)
        return ()
    lax.fori_loop(0, CHUNK, zfill, ())
    for k in range(ROWS_PER_TILE // CHUNK):
        pltpu.sync_copy(rows_v.at[0, 0],
                        acc_sh.at[pl.ds(sid * ROWS_PER_TILE + k * CHUNK, CHUNK)])
    plsc.subcore_barrier()

    for b in range(K):
        pltpu.async_copy(table_hbm.at[idx_s.at[b]], rows_v.at[0, b], gsem)

    def wave(w, _):
        p = lax.rem(w, 2)
        c0 = w * K
        for b in range(K):
            pltpu.make_async_copy(table_hbm.at[pl.ds(0, CHUNK)],
                                  rows_v.at[p, b], gsem).wait()
        for b in range(K):
            pltpu.async_copy(rows_v.at[p, b], acc_sh.at[idx_d.at[c0 + b]],
                             ssem, add=True)

        @pl.when(w + 1 < nwaves)
        def _fire_next():
            for b in range(K):
                pltpu.async_copy(table_hbm.at[idx_s.at[c0 + K + b]],
                                 rows_v.at[1 - p, b], gsem)

        for b in range(K):
            pltpu.make_async_copy(rows_v.at[p, b],
                                  acc_sh.at[pl.ds(0, CHUNK)], ssem).wait()
        return ()
    lax.fori_loop(0, nwaves, wave, ())
    plsc.subcore_barrier()

    pltpu.sync_copy(
        acc_sh.at[pl.ds(sid * ROWS_PER_TILE, ROWS_PER_TILE)],
        out_hbm.at[pl.ds(cid * NP + sid * ROWS_PER_TILE, ROWS_PER_TILE)],
    )


_BR = 1024
_BP = _BR // 8


def _pack(h):
    h3 = h.reshape(_BP, 8, D)
    parts = [
        lax.squeeze(lax.slice(h3, (0, r, 0), (_BP, r + 1, D)), (1,))
        for r in range(8)
    ]
    return jnp.concatenate(parts, axis=1)


def _tc1_body(x_ref, g_ref, b_ref, w_ref, hs_ref):
    xb = x_ref[...]
    mean = jnp.mean(xb, axis=1, keepdims=True)
    xc = xb - mean
    var = jnp.mean(xc * xc, axis=1, keepdims=True)
    xn = xc * lax.rsqrt(var + 1e-5) * g_ref[...] + b_ref[...]
    h = jnp.dot(xn, w_ref[...], preferred_element_type=jnp.float32)
    hs_ref[...] = _pack(h)


def _tc1(xp, g2, b2d, W1):
    return pl.pallas_call(
        _tc1_body,
        grid=(NP // _BR,),
        in_specs=[
            pl.BlockSpec((_BR, D_IN), lambda i: (i, 0)),
            pl.BlockSpec((1, D_IN), lambda i: (0, 0)),
            pl.BlockSpec((1, D_IN), lambda i: (0, 0)),
            pl.BlockSpec((D_IN, D), lambda i: (0, 0)),
        ],
        out_specs=pl.BlockSpec((_BP, 8 * D), lambda i: (i, 0)),
        out_shape=jax.ShapeDtypeStruct((NP // 8, 8 * D), jnp.float32),
    )(xp, g2, b2d, W1)


def _scale_body(h_ref, disp_ref, out_ref):
    out_ref[...] = h_ref[...] * disp_ref[...]


def _scale(hp, disp):
    return pl.pallas_call(
        _scale_body,
        grid=(NP // _BR,),
        in_specs=[
            pl.BlockSpec((_BP, 8 * D), lambda i: (i, 0)),
            pl.BlockSpec((_BP, 8 * D), lambda i: (i, 0)),
        ],
        out_specs=pl.BlockSpec((_BP, 8 * D), lambda i: (i, 0)),
        out_shape=jax.ShapeDtypeStruct((NP // 8, 8 * D), jnp.float32),
    )(hp, disp)


def _tc2_body(a0_ref, a1_ref, hs_ref, disp_ref, bias_ref, w_ref, out_ref):
    disp = disp_ref[...]
    t = (a0_ref[...] + a1_ref[...] + hs_ref[...]) * disp + bias_ref[...]
    t = jnp.maximum(t, 0.0)
    h2 = jnp.dot(t, w_ref[...], preferred_element_type=jnp.float32)
    out_ref[...] = h2 * disp


def _tc2(ap, hs1p, disp, biastile, W2p):
    nb = NP // _BR
    return pl.pallas_call(
        _tc2_body,
        grid=(nb,),
        in_specs=[
            pl.BlockSpec((_BP, 8 * D), lambda i: (i, 0)),
            pl.BlockSpec((_BP, 8 * D), lambda i: (i + nb, 0)),
            pl.BlockSpec((_BP, 8 * D), lambda i: (i, 0)),
            pl.BlockSpec((_BP, 8 * D), lambda i: (i, 0)),
            pl.BlockSpec((1, 8 * D), lambda i: (0, 0)),
            pl.BlockSpec((8 * D, 8 * D), lambda i: (0, 0)),
        ],
        out_specs=pl.BlockSpec((_BP, 8 * D), lambda i: (i, 0)),
        out_shape=jax.ShapeDtypeStruct((NP // 8, 8 * D), jnp.float32),
    )(ap, ap, hs1p, disp, biastile, W2p)


def _tc3_body(a0_ref, a1_ref, hs_ref, disp_ref, bias_ref, out_ref):
    t = (a0_ref[...] + a1_ref[...] + hs_ref[...]) * disp_ref[...] + bias_ref[...]
    out_ref[...] = jnp.maximum(t, 0.0)


def _tc3(ap, hs2p, disp, biastile):
    nb = NP // _BR
    return pl.pallas_call(
        _tc3_body,
        grid=(nb,),
        in_specs=[
            pl.BlockSpec((_BP, 8 * D), lambda i: (i, 0)),
            pl.BlockSpec((_BP, 8 * D), lambda i: (i + nb, 0)),
            pl.BlockSpec((_BP, 8 * D), lambda i: (i, 0)),
            pl.BlockSpec((_BP, 8 * D), lambda i: (i, 0)),
            pl.BlockSpec((1, 8 * D), lambda i: (0, 0)),
        ],
        out_specs=pl.BlockSpec((_BP, 8 * D), lambda i: (i, 0)),
        out_shape=jax.ShapeDtypeStruct((NP // 8, 8 * D), jnp.float32),
    )(ap, ap, hs2p, disp, biastile)


def kernel(x, edge_index, ln_gamma, ln_beta, W1, b1, W2, b2):
    e3 = jnp.swapaxes(edge_index.astype(jnp.int32).reshape(2, E // CHUNK, CHUNK), 0, 1)
    pad2 = jnp.full((EROWS - E // CHUNK, CHUNK), N, jnp.int32)
    edges = jnp.concatenate([e3[:, 0, :], pad2, e3[:, 1, :], pad2])
    g2 = ln_gamma.reshape(1, D_IN)
    be2 = ln_beta.reshape(1, D_IN)
    b1t = jnp.tile(b1, 8).reshape(1, 8 * D)
    b2t = jnp.tile(b2, 8).reshape(1, 8 * D)
    W2p = jnp.kron(jnp.eye(8, dtype=jnp.float32), W2)

    degp = _deg_kernel(edges)
    h1p = _tc1(x, g2, be2, W1)
    dis = lax.rsqrt(degp[0] + degp[1] + 1.0)
    disp = jnp.repeat(dis.reshape(NP // 8, 8), D, axis=1)

    hs1p = _scale(h1p, disp)
    a1 = _agg_kernel(jnp.reshape(hs1p, (NP, D)), edges)
    hs2p = _tc2(jnp.reshape(a1, (NC * NP // 8, 8 * D)), hs1p, disp, b1t, W2p)
    a2 = _agg_kernel(jnp.reshape(hs2p, (NP, D)), edges)
    outp = _tc3(jnp.reshape(a2, (NC * NP // 8, 8 * D)), hs2p, disp, b2t)
    return jnp.reshape(outp, (NP, D))[:N]

# --- scband reference (transcript-rebuilt; emitter-appended) ---
"""Pipeline reference for scband-gcnnode-encoder-44023414784042 (READ-ONLY COPY).

The authoritative reference and input builder live on the scoring server;
editing this copy changes nothing except your own understanding.
"""

import jax, jax.numpy as jnp
import numpy as np

N_NODES = 10000
N_EDGES = 320000
IN_DIM = 128
HIDDEN = 16


def setup_inputs(seed: int = 0) -> dict:
    key = jax.random.key(seed)
    k_x, k_e, k_w1, k_w2 = jax.random.split(key, 4)
    x = jax.random.normal(k_x, (N_NODES, IN_DIM), dtype=jnp.float32)
    edge_index = jax.random.randint(k_e, (2, N_EDGES), 0, N_NODES, dtype=jnp.int64)
    ln_gamma = jnp.ones((IN_DIM,), dtype=jnp.float32)
    ln_beta = jnp.zeros((IN_DIM,), dtype=jnp.float32)
    W1 = jax.random.normal(k_w1, (IN_DIM, HIDDEN), dtype=jnp.float32) * (1.0 / np.sqrt(IN_DIM))
    b1 = jnp.zeros((HIDDEN,), dtype=jnp.float32)
    W2 = jax.random.normal(k_w2, (HIDDEN, HIDDEN), dtype=jnp.float32) * (1.0 / np.sqrt(HIDDEN))
    b2 = jnp.zeros((HIDDEN,), dtype=jnp.float32)
    return {"x": x, "edge_index": edge_index, "ln_gamma": ln_gamma, "ln_beta": ln_beta, "W1": W1, "b1": b1, "W2": W2, "b2": b2}


def _layer_norm(x, gamma, beta, eps=1e-5):
    mean = jnp.mean(x, axis=-1, keepdims=True)
    var = jnp.mean(jnp.square(x - mean), axis=-1, keepdims=True)
    return (x - mean) * jax.lax.rsqrt(var + eps) * gamma + beta


def _gcn_conv(x, edge_index, W, b):
    # PyG GCNConv: add self-loops, symmetric normalization, linear transform, scatter-add aggregation
    N = x.shape[0]
    loop = jnp.arange(N, dtype=edge_index.dtype)
    src = jnp.concatenate([edge_index[0], loop])
    dst = jnp.concatenate([edge_index[1], loop])
    deg = jnp.zeros((N,), dtype=x.dtype).at[dst].add(1.0)
    deg_inv_sqrt = jax.lax.rsqrt(deg)
    deg_inv_sqrt = jnp.where(jnp.isinf(deg_inv_sqrt), 0.0, deg_inv_sqrt)
    norm = deg_inv_sqrt[src] * deg_inv_sqrt[dst]
    h = x @ W
    msg = h[src] * norm[:, None]
    out = jnp.zeros((N, h.shape[1]), dtype=x.dtype).at[dst].add(msg)
    return out + b


def reference(x, edge_index, ln_gamma, ln_beta, W1, b1, W2, b2):
    # Dropout acts as identity in eval mode
    x = _layer_norm(x, ln_gamma, ln_beta)
    h = jax.nn.relu(_gcn_conv(x, edge_index, W1, b1))
    h = jax.nn.relu(_gcn_conv(h, edge_index, W2, b2))
    return h

if __name__ == "__main__":
    import jax
    _d = setup_inputs()
    print(jax.jit(kernel)(*tuple(_d.values())))

</pallas_src>

<mosaic_0001>
#map = affine_map<(d0, d1) -> (0, 0)>
module attributes {stable_mosaic.version = 14 : i64} {
  func.func @_agg_kernel(%arg0: i32, %arg1: i32, %arg2: memref<10240x16xf32, #tpu.memory_space<hbm>>, %arg3: memref<5120x128xi32, #tpu.memory_space<hbm>>, %arg4: memref<20480x16xf32, #tpu.memory_space<hbm>>, %arg5: memref<80x128xi32, #tpu.memory_space<vmem>>, %arg6: memref<80x128xi32, #tpu.memory_space<vmem>>, %arg7: memref<2x8x128x16xf32, #tpu.memory_space<vmem>>, %arg8: memref<10240x16xf32, #tpu.memory_space<vmem_shared>>, %arg9: memref<!tpu.dma_semaphore, #tpu.memory_space<semaphore_mem>>, %arg10: memref<!tpu.dma_semaphore, #tpu.memory_space<semaphore_mem>>) attributes {dimension_semantics = [#tpu.dimension_semantics<core_parallel>, #tpu.dimension_semantics<subcore_parallel>], iteration_bounds = array<i64: 2, 16>, scalar_prefetch = 0 : i64, scratch_operands = 6 : i64, tpu.core_type = #tpu.core_type<sc_vector_subcore>, window_params = [{transform_indices = #map}, {transform_indices = #map}, {transform_indices = #map}]} {
    %eq3A = arith.constant 0 : i32
    %eq3A_0 = arith.cmpi eq, %arg0, %eq3A : i32
    %mul3A = arith.constant 80 : i32
    %mul3A_1 = arith.muli %arg1, %mul3A : i32
    %mul3A_2 = arith.constant 80 : i32
    %mul3A_3 = arith.muli %arg1, %mul3A_2 : i32
    %add3A = arith.constant 1280 : i32
    %add3A_4 = arith.addi %add3A, %mul3A_3 : i32
    %select_n3A = arith.select %eq3A_0, %mul3A_1, %add3A_4 : i32
    %eq3A_5 = arith.constant 0 : i32
    %eq3A_6 = arith.cmpi eq, %arg0, %eq3A_5 : i32
    %jit3A = arith.constant 10 : i32
    %jit3A_7 = arith.constant 10 : i32
    %select_n3A_8 = arith.select %eq3A_6, %jit3A, %jit3A_7 : i32
    "tpu.region"() ({
      %run_scoped3A_163 = tpu.sem_alloc : memref<!tpu.dma_semaphore, #tpu.memory_space<semaphore_mem>>
      %dma_start3A_164 = arith.constant 0 : i32
      %dma_start3A_165 = tpu.memref_slice %arg3[%select_n3A, %dma_start3A_164] : memref<5120x128xi32, #tpu.memory_space<hbm>> -> memref<80x128xi32, #tpu.memory_space<hbm>>
      %dma_start3A_166 = arith.constant 0 : i32
      %dma_start3A_167 = tpu.memref_slice %arg3[%select_n3A, %dma_start3A_166] : memref<5120x128xi32, #tpu.memory_space<hbm>> -> memref<80x128xi32, #tpu.memory_space<hbm>>
      tpu.enqueue_dma source(%dma_start3A_167 : memref<80x128xi32, #tpu.memory_space<hbm>>) target(%arg5 : memref<80x128xi32, #tpu.memory_space<vmem>>) target_semaphore(%run_scoped3A_163 : memref<!tpu.dma_semaphore, #tpu.memory_space<semaphore_mem>>)
      %dma_wait3A = arith.constant 0 : i32
      %dma_wait3A_168 = tpu.memref_slice %arg3[%select_n3A, %dma_wait3A] : memref<5120x128xi32, #tpu.memory_space<hbm>> -> memref<80x128xi32, #tpu.memory_space<hbm>>
      %dma_wait3A_169 = arith.constant 0 : i32
      %dma_wait3A_170 = tpu.memref_slice %arg3[%select_n3A, %dma_wait3A_169] : memref<5120x128xi32, #tpu.memory_space<hbm>> -> memref<80x128xi32, #tpu.memory_space<hbm>>
      tpu.wait_dma2 semaphore(%run_scoped3A_163 : memref<!tpu.dma_semaphore, #tpu.memory_space<semaphore_mem>>) src(%dma_wait3A_170 : memref<80x128xi32, #tpu.memory_space<hbm>>) dst(%arg5 : memref<80x128xi32, #tpu.memory_space<vmem>>)
      tpu.yield
    }) : () -> ()
    %add3A_9 = arith.constant 2560 : i32
    %add3A_10 = arith.addi %add3A_9, %select_n3A : i32
    "tpu.region"() ({
      %run_scoped3A_163 = tpu.sem_alloc : memref<!tpu.dma_semaphore, #tpu.memory_space<semaphore_mem>>
      %dma_start3A_164 = arith.constant 0 : i32
      %dma_start3A_165 = tpu.memref_slice %arg3[%add3A_10, %dma_start3A_164] : memref<5120x128xi32, #tpu.memory_space<hbm>> -> memref<80x128xi32, #tpu.memory_space<hbm>>
      %dma_start3A_166 = arith.constant 0 : i32
      %dma_start3A_167 = tpu.memref_slice %arg3[%add3A_10, %dma_start3A_166] : memref<5120x128xi32, #tpu.memory_space<hbm>> -> memref<80x128xi32, #tpu.memory_space<hbm>>
      tpu.enqueue_dma source(%dma_start3A_167 : memref<80x128xi32, #tpu.memory_space<hbm>>) target(%arg6 : memref<80x128xi32, #tpu.memory_space<vmem>>) target_semaphore(%run_scoped3A_163 : memref<!tpu.dma_semaphore, #tpu.memory_space<semaphore_mem>>)
      %dma_wait3A = arith.constant 0 : i32
      %dma_wait3A_168 = tpu.memref_slice %arg3[%add3A_10, %dma_wait3A] : memref<5120x128xi32, #tpu.memory_space<hbm>> -> memref<80x128xi32, #tpu.memory_space<hbm>>
      %dma_wait3A_169 = arith.constant 0 : i32
      %dma_wait3A_170 = tpu.memref_slice %arg3[%add3A_10, %dma_wait3A_169] : memref<5120x128xi32, #tpu.memory_space<hbm>> -> memref<80x128xi32, #tpu.memory_space<hbm>>
      tpu.wait_dma2 semaphore(%run_scoped3A_163 : memref<!tpu.dma_semaphore, #tpu.memory_space<semaphore_mem>>) src(%dma_wait3A_170 : memref<80x128xi32, #tpu.memory_space<hbm>>) dst(%arg6 : memref<80x128xi32, #tpu.memory_space<vmem>>)
      tpu.yield
    }) : () -> ()
    %scan3A = arith.constant 0 : i32
    %scan3A_11 = arith.constant 128 : i32
    %scan3A_12 = arith.addi %scan3A, %scan3A_11 : i32
    %scan3A_13 = arith.constant 1 : i32
    scf.for %scan3A_163 = %scan3A to %scan3A_12 step %scan3A_13  : i32 {
      %broadcast_in_dim3A = arith.constant 0.000000e+00 : f32
      %broadcast_in_dim3A_164 = vector.broadcast %broadcast_in_dim3A : f32 to vector<16xf32>
      %swap3A = arith.constant 0 : i32
      %swap3A_165 = arith.constant 0 : i32
      %swap3A_166 = arith.index_cast %swap3A : i32 to index
      %swap3A_167 = arith.index_cast %swap3A_165 : i32 to index
      %swap3A_168 = arith.index_cast %scan3A_163 : i32 to index
      %swap3A_169 = arith.constant 0 : index
      %swap3A_170 = tpu.vector_load %arg7[%swap3A_166, %swap3A_167, %swap3A_168, %swap3A_169] {strides = array<i32>} : memref<2x8x128x16xf32, #tpu.memory_space<vmem>>, vector<1x1x1x16xf32>,
      %swap3A_171 = vector.shape_cast %swap3A_170 : vector<1x1x1x16xf32> to vector<16xf32>
      %swap3A_172 = vector.shape_cast %broadcast_in_dim3A_164 : vector<16xf32> to vector<1x1x1x16xf32>
      tpu.vector_store %arg7[%swap3A_166, %swap3A_167, %swap3A_168, %swap3A_169], %swap3A_172 {strides = array<i32>} : memref<2x8x128x16xf32, #tpu.memory_space<vmem>>, vector<1x1x1x16xf32>,
    }
    %scan3A_14 = arith.constant 128 : i32
    %mul3A_15 = arith.constant 640 : i32
    %mul3A_16 = arith.muli %arg1, %mul3A_15 : i32
    %add3A_17 = arith.constant 0 : i32
    %add3A_18 = arith.addi %mul3A_16, %add3A_17 : i32
    %run_scoped3A = arith.constant 0 : i32
    %run_scoped3A_19 = arith.constant 0 : i32
    "tpu.region"() ({
      %run_scoped3A_163 = tpu.sem_alloc : memref<!tpu.dma_semaphore, #tpu.memory_space<semaphore_mem>>
      %dma_start3A_164 = arith.constant 0 : i32
      %dma_start3A_165 = arith.constant 0 : i32
      %dma_start3A_166 = tpu.memref_slice %arg7[%run_scoped3A, %run_scoped3A_19, %dma_start3A_164, %dma_start3A_165] : memref<2x8x128x16xf32, #tpu.memory_space<vmem>> -> memref<1x1x128x16xf32, #tpu.memory_space<vmem>>
      %dma_start3A_167 = tpu.memref_squeeze %dma_start3A_166 : memref<1x1x128x16xf32, #tpu.memory_space<vmem>> -> memref<128x16xf32, #tpu.memory_space<vmem>>
      %dma_start3A_168 = arith.constant 0 : i32
      %dma_start3A_169 = tpu.memref_slice %arg8[%add3A_18, %dma_start3A_168] : memref<10240x16xf32, #tpu.memory_space<vmem_shared>> -> memref<128x16xf32, #tpu.memory_space<vmem_shared>>
      %dma_start3A_170 = arith.constant 0 : i32
      %dma_start3A_171 = tpu.memref_slice %arg8[%add3A_18, %dma_start3A_170] : memref<10240x16xf32, #tpu.memory_space<vmem_shared>> -> memref<128x16xf32, #tpu.memory_space<vmem_shared>>
      %dma_start3A_172 = arith.constant 0 : i32
      %dma_start3A_173 = arith.constant 0 : i32
      %dma_start3A_174 = tpu.memref_slice %arg7[%run_scoped3A, %run_scoped3A_19, %dma_start3A_172, %dma_start3A_173] : memref<2x8x128x16xf32, #tpu.memory_space<vmem>> -> memref<1x1x128x16xf32, #tpu.memory_space<vmem>>
      %dma_start3A_175 = tpu.memref_squeeze %dma_start3A_174 : memref<1x1x128x16xf32, #tpu.memory_space<vmem>> -> memref<128x16xf32, #tpu.memory_space<vmem>>
      tpu.enqueue_dma source(%dma_start3A_175 : memref<128x16xf32, #tpu.memory_space<vmem>>) target(%dma_start3A_171 : memref<128x16xf32, #tpu.memory_space<vmem_shared>>) target_semaphore(%run_scoped3A_163 : memref<!tpu.dma_semaphore, #tpu.memory_space<semaphore_mem>>)
      %dma_wait3A = arith.constant 0 : i32
      %dma_wait3A_176 = arith.constant 0 : i32
      %dma_wait3A_177 = tpu.memref_slice %arg7[%run_scoped3A, %run_scoped3A_19, %dma_wait3A, %dma_wait3A_176] : memref<2x8x128x16xf32, #tpu.memory_space<vmem>> -> memref<1x1x128x16xf32, #tpu.memory_space<vmem>>
      %dma_wait3A_178 = tpu.memref_squeeze %dma_wait3A_177 : memref<1x1x128x16xf32, #tpu.memory_space<vmem>> -> memref<128x16xf32, #tpu.memory_space<vmem>>
      %dma_wait3A_179 = arith.constant 0 : i32
      %dma_wait3A_180 = tpu.memref_slice %arg8[%add3A_18, %dma_wait3A_179] : memref<10240x16xf32, #tpu.memory_space<vmem_shared>> -> memref<128x16xf32, #tpu.memory_space<vmem_shared>>
      %dma_wait3A_181 = arith.constant 0 : i32
      %dma_wait3A_182 = tpu.memref_slice %arg8[%add3A_18, %dma_wait3A_181] : memref<10240x16xf32, #tpu.memory_space<vmem_shared>> -> memref<128x16xf32, #tpu.memory_space<vmem_shared>>
      %dma_wait3A_183 = arith.constant 0 : i32
      %dma_wait3A_184 = arith.constant 0 : i32
      %dma_wait3A_185 = tpu.memref_slice %arg7[%run_scoped3A, %run_scoped3A_19, %dma_wait3A_183, %dma_wait3A_184] : memref<2x8x128x16xf32, #tpu.memory_space<vmem>> -> memref<1x1x128x16xf32, #tpu.memory_space<vmem>>
      %dma_wait3A_186 = tpu.memref_squeeze %dma_wait3A_185 : memref<1x1x128x16xf32, #tpu.memory_space<vmem>> -> memref<128x16xf32, #tpu.memory_space<vmem>>
      tpu.wait_dma2 semaphore(%run_scoped3A_163 : memref<!tpu.dma_semaphore, #tpu.memory_space<semaphore_mem>>) src(%dma_wait3A_186 : memref<128x16xf32, #tpu.memory_space<vmem>>) dst(%dma_wait3A_182 : memref<128x16xf32, #tpu.memory_space<vmem_shared>>)
      tpu.yield
    }) : () -> ()
    %mul3A_20 = arith.constant 640 : i32
    %mul3A_21 = arith.muli %arg1, %mul3A_20 : i32
    %add3A_22 = arith.constant 128 : i32
    %add3A_23 = arith.addi %mul3A_21, %add3A_22 : i32
    %run_scoped3A_24 = arith.constant 0 : i32
    %run_scoped3A_25 = arith.constant 0 : i32
    "tpu.region"() ({
      %run_scoped3A_163 = tpu.sem_alloc : memref<!tpu.dma_semaphore, #tpu.memory_space<semaphore_mem>>
      %dma_start3A_164 = arith.constant 0 : i32
      %dma_start3A_165 = arith.constant 0 : i32
      %dma_start3A_166 = tpu.memref_slice %arg7[%run_scoped3A_24, %run_scoped3A_25, %dma_start3A_164, %dma_start3A_165] : memref<2x8x128x16xf32, #tpu.memory_space<vmem>> -> memref<1x1x128x16xf32, #tpu.memory_space<vmem>>
      %dma_start3A_167 = tpu.memref_squeeze %dma_start3A_166 : memref<1x1x128x16xf32, #tpu.memory_space<vmem>> -> memref<128x16xf32, #tpu.memory_space<vmem>>
      %dma_start3A_168 = arith.constant 0 : i32
      %dma_start3A_169 = tpu.memref_slice %arg8[%add3A_23, %dma_start3A_168] : memref<10240x16xf32, #tpu.memory_space<vmem_shared>> -> memref<128x16xf32, #tpu.memory_space<vmem_shared>>
      %dma_start3A_170 = arith.constant 0 : i32
      %dma_start3A_171 = tpu.memref_slice %arg8[%add3A_23, %dma_start3A_170] : memref<10240x16xf32, #tpu.memory_space<vmem_shared>> -> memref<128x16xf32, #tpu.memory_space<vmem_shared>>
      %dma_start3A_172 = arith.constant 0 : i32
      %dma_start3A_173 = arith.constant 0 : i32
      %dma_start3A_174 = tpu.memref_slice %arg7[%run_scoped3A_24, %run_scoped3A_25, %dma_start3A_172, %dma_start3A_173] : memref<2x8x128x16xf32, #tpu.memory_space<vmem>> -> memref<1x1x128x16xf32, #tpu.memory_space<vmem>>
      %dma_start3A_175 = tpu.memref_squeeze %dma_start3A_174 : memref<1x1x128x16xf32, #tpu.memory_space<vmem>> -> memref<128x16xf32, #tpu.memory_space<vmem>>
      tpu.enqueue_dma source(%dma_start3A_175 : memref<128x16xf32, #tpu.memory_space<vmem>>) target(%dma_start3A_171 : memref<128x16xf32, #tpu.memory_space<vmem_shared>>) target_semaphore(%run_scoped3A_163 : memref<!tpu.dma_semaphore, #tpu.memory_space<semaphore_mem>>)
      %dma_wait3A = arith.constant 0 : i32
      %dma_wait3A_176 = arith.constant 0 : i32
      %dma_wait3A_177 = tpu.memref_slice %arg7[%run_scoped3A_24, %run_scoped3A_25, %dma_wait3A, %dma_wait3A_176] : memref<2x8x128x16xf32, #tpu.memory_space<vmem>> -> memref<1x1x128x16xf32, #tpu.memory_space<vmem>>
      %dma_wait3A_178 = tpu.memref_squeeze %dma_wait3A_177 : memref<1x1x128x16xf32, #tpu.memory_space<vmem>> -> memref<128x16xf32, #tpu.memory_space<vmem>>
      %dma_wait3A_179 = arith.constant 0 : i32
      %dma_wait3A_180 = tpu.memref_slice %arg8[%add3A_23, %dma_wait3A_179] : memref<10240x16xf32, #tpu.memory_space<vmem_shared>> -> memref<128x16xf32, #tpu.memory_space<vmem_shared>>
      %dma_wait3A_181 = arith.constant 0 : i32
      %dma_wait3A_182 = tpu.memref_slice %arg8[%add3A_23, %dma_wait3A_181] : memref<10240x16xf32, #tpu.memory_space<vmem_shared>> -> memref<128x16xf32, #tpu.memory_space<vmem_shared>>
      %dma_wait3A_183 = arith.constant 0 : i32
      %dma_wait3A_184 = arith.constant 0 : i32
      %dma_wait3A_185 = tpu.memref_slice %arg7[%run_scoped3A_24, %run_scoped3A_25, %dma_wait3A_183, %dma_wait3A_184] : memref<2x8x128x16xf32, #tpu.memory_space<vmem>> -> memref<1x1x128x16xf32, #tpu.memory_space<vmem>>
      %dma_wait3A_186 = tpu.memref_squeeze %dma_wait3A_185 : memref<1x1x128x16xf32, #tpu.memory_space<vmem>> -> memref<128x16xf32, #tpu.memory_space<vmem>>
      tpu.wait_dma2 semaphore(%run_scoped3A_163 : memref<!tpu.dma_semaphore, #tpu.memory_space<semaphore_mem>>) src(%dma_wait3A_186 : memref<128x16xf32, #tpu.memory_space<vmem>>) dst(%dma_wait3A_182 : memref<128x16xf32, #tpu.memory_space<vmem_shared>>)
      tpu.yield
    }) : () -> ()
    %mul3A_26 = arith.constant 640 : i32
    %mul3A_27 = arith.muli %arg1, %mul3A_26 : i32
    %add3A_28 = arith.constant 256 : i32
    %add3A_29 = arith.addi %mul3A_27, %add3A_28 : i32
    %run_scoped3A_30 = arith.constant 0 : i32
    %run_scoped3A_31 = arith.constant 0 : i32
    "tpu.region"() ({
      %run_scoped3A_163 = tpu.sem_alloc : memref<!tpu.dma_semaphore, #tpu.memory_space<semaphore_mem>>
      %dma_start3A_164 = arith.constant 0 : i32
      %dma_start3A_165 = arith.constant 0 : i32
      %dma_start3A_166 = tpu.memref_slice %arg7[%run_scoped3A_30, %run_scoped3A_31, %dma_start3A_164, %dma_start3A_165] : memref<2x8x128x16xf32, #tpu.memory_space<vmem>> -> memref<1x1x128x16xf32, #tpu.memory_space<vmem>>
      %dma_start3A_167 = tpu.memref_squeeze %dma_start3A_166 : memref<1x1x128x16xf32, #tpu.memory_space<vmem>> -> memref<128x16xf32, #tpu.memory_space<vmem>>
      %dma_start3A_168 = arith.constant 0 : i32
      %dma_start3A_169 = tpu.memref_slice %arg8[%add3A_29, %dma_start3A_168] : memref<10240x16xf32, #tpu.memory_space<vmem_shared>> -> memref<128x16xf32, #tpu.memory_space<vmem_shared>>
      %dma_start3A_170 = arith.constant 0 : i32
      %dma_start3A_171 = tpu.memref_slice %arg8[%add3A_29, %dma_start3A_170] : memref<10240x16xf32, #tpu.memory_space<vmem_shared>> -> memref<128x16xf32, #tpu.memory_space<vmem_shared>>
      %dma_start3A_172 = arith.constant 0 : i32
      %dma_start3A_173 = arith.constant 0 : i32
      %dma_start3A_174 = tpu.memref_slice %arg7[%run_scoped3A_30, %run_scoped3A_31, %dma_start3A_172, %dma_start3A_173] : memref<2x8x128x16xf32, #tpu.memory_space<vmem>> -> memref<1x1x128x16xf32, #tpu.memory_space<vmem>>
      %dma_start3A_175 = tpu.memref_squeeze %dma_start3A_174 : memref<1x1x128x16xf32, #tpu.memory_space<vmem>> -> memref<128x16xf32, #tpu.memory_space<vmem>>
      tpu.enqueue_dma source(%dma_start3A_175 : memref<128x16xf32, #tpu.memory_space<vmem>>) target(%dma_start3A_171 : memref<128x16xf32, #tpu.memory_space<vmem_shared>>) target_semaphore(%run_scoped3A_163 : memref<!tpu.dma_semaphore, #tpu.memory_space<semaphore_mem>>)
      %dma_wait3A = arith.constant 0 : i32
      %dma_wait3A_176 = arith.constant 0 : i32
      %dma_wait3A_177 = tpu.memref_slice %arg7[%run_scoped3A_30, %run_scoped3A_31, %dma_wait3A, %dma_wait3A_176] : memref<2x8x128x16xf32, #tpu.memory_space<vmem>> -> memref<1x1x128x16xf32, #tpu.memory_space<vmem>>
      %dma_wait3A_178 = tpu.memref_squeeze %dma_wait3A_177 : memref<1x1x128x16xf32, #tpu.memory_space<vmem>> -> memref<128x16xf32, #tpu.memory_space<vmem>>
      %dma_wait3A_179 = arith.constant 0 : i32
      %dma_wait3A_180 = tpu.memref_slice %arg8[%add3A_29, %dma_wait3A_179] : memref<10240x16xf32, #tpu.memory_space<vmem_shared>> -> memref<128x16xf32, #tpu.memory_space<vmem_shared>>
      %dma_wait3A_181 = arith.constant 0 : i32
      %dma_wait3A_182 = tpu.memref_slice %arg8[%add3A_29, %dma_wait3A_181] : memref<10240x16xf32, #tpu.memory_space<vmem_shared>> -> memref<128x16xf32, #tpu.memory_space<vmem_shared>>
      %dma_wait3A_183 = arith.constant 0 : i32
      %dma_wait3A_184 = arith.constant 0 : i32
      %dma_wait3A_185 = tpu.memref_slice %arg7[%run_scoped3A_30, %run_scoped3A_31, %dma_wait3A_183, %dma_wait3A_184] : memref<2x8x128x16xf32, #tpu.memory_space<vmem>> -> memref<1x1x128x16xf32, #tpu.memory_space<vmem>>
      %dma_wait3A_186 = tpu.memref_squeeze %dma_wait3A_185 : memref<1x1x128x16xf32, #tpu.memory_space<vmem>> -> memref<128x16xf32, #tpu.memory_space<vmem>>
      tpu.wait_dma2 semaphore(%run_scoped3A_163 : memref<!tpu.dma_semaphore, #tpu.memory_space<semaphore_mem>>) src(%dma_wait3A_186 : memref<128x16xf32, #tpu.memory_space<vmem>>) dst(%dma_wait3A_182 : memref<128x16xf32, #tpu.memory_space<vmem_shared>>)
      tpu.yield
    }) : () -> ()
    %mul3A_32 = arith.constant 640 : i32
    %mul3A_33 = arith.muli %arg1, %mul3A_32 : i32
    %add3A_34 = arith.constant 384 : i32
    %add3A_35 = arith.addi %mul3A_33, %add3A_34 : i32
    %run_scoped3A_36 = arith.constant 0 : i32
    %run_scoped3A_37 = arith.constant 0 : i32
    "tpu.region"() ({
      %run_scoped3A_163 = tpu.sem_alloc : memref<!tpu.dma_semaphore, #tpu.memory_space<semaphore_mem>>
      %dma_start3A_164 = arith.constant 0 : i32
      %dma_start3A_165 = arith.constant 0 : i32
      %dma_start3A_166 = tpu.memref_slice %arg7[%run_scoped3A_36, %run_scoped3A_37, %dma_start3A_164, %dma_start3A_165] : memref<2x8x128x16xf32, #tpu.memory_space<vmem>> -> memref<1x1x128x16xf32, #tpu.memory_space<vmem>>
      %dma_start3A_167 = tpu.memref_squeeze %dma_start3A_166 : memref<1x1x128x16xf32, #tpu.memory_space<vmem>> -> memref<128x16xf32, #tpu.memory_space<vmem>>
      %dma_start3A_168 = arith.constant 0 : i32
      %dma_start3A_169 = tpu.memref_slice %arg8[%add3A_35, %dma_start3A_168] : memref<10240x16xf32, #tpu.memory_space<vmem_shared>> -> memref<128x16xf32, #tpu.memory_space<vmem_shared>>
      %dma_start3A_170 = arith.constant 0 : i32
      %dma_start3A_171 = tpu.memref_slice %arg8[%add3A_35, %dma_start3A_170] : memref<10240x16xf32, #tpu.memory_space<vmem_shared>> -> memref<128x16xf32, #tpu.memory_space<vmem_shared>>
      %dma_start3A_172 = arith.constant 0 : i32
      %dma_start3A_173 = arith.constant 0 : i32
      %dma_start3A_174 = tpu.memref_slice %arg7[%run_scoped3A_36, %run_scoped3A_37, %dma_start3A_172, %dma_start3A_173] : memref<2x8x128x16xf32, #tpu.memory_space<vmem>> -> memref<1x1x128x16xf32, #tpu.memory_space<vmem>>
      %dma_start3A_175 = tpu.memref_squeeze %dma_start3A_174 : memref<1x1x128x16xf32, #tpu.memory_space<vmem>> -> memref<128x16xf32, #tpu.memory_space<vmem>>
      tpu.enqueue_dma source(%dma_start3A_175 : memref<128x16xf32, #tpu.memory_space<vmem>>) target(%dma_start3A_171 : memref<128x16xf32, #tpu.memory_space<vmem_shared>>) target_semaphore(%run_scoped3A_163 : memref<!tpu.dma_semaphore, #tpu.memory_space<semaphore_mem>>)
      %dma_wait3A = arith.constant 0 : i32
      %dma_wait3A_176 = arith.constant 0 : i32
      %dma_wait3A_177 = tpu.memref_slice %arg7[%run_scoped3A_36, %run_scoped3A_37, %dma_wait3A, %dma_wait3A_176] : memref<2x8x128x16xf32, #tpu.memory_space<vmem>> -> memref<1x1x128x16xf32, #tpu.memory_space<vmem>>
      %dma_wait3A_178 = tpu.memref_squeeze %dma_wait3A_177 : memref<1x1x128x16xf32, #tpu.memory_space<vmem>> -> memref<128x16xf32, #tpu.memory_space<vmem>>
      %dma_wait3A_179 = arith.constant 0 : i32
      %dma_wait3A_180 = tpu.memref_slice %arg8[%add3A_35, %dma_wait3A_179] : memref<10240x16xf32, #tpu.memory_space<vmem_shared>> -> memref<128x16xf32, #tpu.memory_space<vmem_shared>>
      %dma_wait3A_181 = arith.constant 0 : i32
      %dma_wait3A_182 = tpu.memref_slice %arg8[%add3A_35, %dma_wait3A_181] : memref<10240x16xf32, #tpu.memory_space<vmem_shared>> -> memref<128x16xf32, #tpu.memory_space<vmem_shared>>
      %dma_wait3A_183 = arith.constant 0 : i32
      %dma_wait3A_184 = arith.constant 0 : i32
      %dma_wait3A_185 = tpu.memref_slice %arg7[%run_scoped3A_36, %run_scoped3A_37, %dma_wait3A_183, %dma_wait3A_184] : memref<2x8x128x16xf32, #tpu.memory_space<vmem>> -> memref<1x1x128x16xf32, #tpu.memory_space<vmem>>
      %dma_wait3A_186 = tpu.memref_squeeze %dma_wait3A_185 : memref<1x1x128x16xf32, #tpu.memory_space<vmem>> -> memref<128x16xf32, #tpu.memory_space<vmem>>
      tpu.wait_dma2 semaphore(%run_scoped3A_163 : memref<!tpu.dma_semaphore, #tpu.memory_space<semaphore_mem>>) src(%dma_wait3A_186 : memref<128x16xf32, #tpu.memory_space<vmem>>) dst(%dma_wait3A_182 : memref<128x16xf32, #tpu.memory_space<vmem_shared>>)
      tpu.yield
    }) : () -> ()
    %mul3A_38 = arith.constant 640 : i32
    %mul3A_39 = arith.muli %arg1, %mul3A_38 : i32
    %add3A_40 = arith.constant 512 : i32
    %add3A_41 = arith.addi %mul3A_39, %add3A_40 : i32
    %run_scoped3A_42 = arith.constant 0 : i32
    %run_scoped3A_43 = arith.constant 0 : i32
    "tpu.region"() ({
      %run_scoped3A_163 = tpu.sem_alloc : memref<!tpu.dma_semaphore, #tpu.memory_space<semaphore_mem>>
      %dma_start3A_164 = arith.constant 0 : i32
      %dma_start3A_165 = arith.constant 0 : i32
      %dma_start3A_166 = tpu.memref_slice %arg7[%run_scoped3A_42, %run_scoped3A_43, %dma_start3A_164, %dma_start3A_165] : memref<2x8x128x16xf32, #tpu.memory_space<vmem>> -> memref<1x1x128x16xf32, #tpu.memory_space<vmem>>
      %dma_start3A_167 = tpu.memref_squeeze %dma_start3A_166 : memref<1x1x128x16xf32, #tpu.memory_space<vmem>> -> memref<128x16xf32, #tpu.memory_space<vmem>>
      %dma_start3A_168 = arith.constant 0 : i32
      %dma_start3A_169 = tpu.memref_slice %arg8[%add3A_41, %dma_start3A_168] : memref<10240x16xf32, #tpu.memory_space<vmem_shared>> -> memref<128x16xf32, #tpu.memory_space<vmem_shared>>
      %dma_start3A_170 = arith.constant 0 : i32
      %dma_start3A_171 = tpu.memref_slice %arg8[%add3A_41, %dma_start3A_170] : memref<10240x16xf32, #tpu.memory_space<vmem_shared>> -> memref<128x16xf32, #tpu.memory_space<vmem_shared>>
      %dma_start3A_172 = arith.constant 0 : i32
      %dma_start3A_173 = arith.constant 0 : i32
      %dma_start3A_174 = tpu.memref_slice %arg7[%run_scoped3A_42, %run_scoped3A_43, %dma_start3A_172, %dma_start3A_173] : memref<2x8x128x16xf32, #tpu.memory_space<vmem>> -> memref<1x1x128x16xf32, #tpu.memory_space<vmem>>
      %dma_start3A_175 = tpu.memref_squeeze %dma_start3A_174 : memref<1x1x128x16xf32, #tpu.memory_space<vmem>> -> memref<128x16xf32, #tpu.memory_space<vmem>>
      tpu.enqueue_dma source(%dma_start3A_175 : memref<128x16xf32, #tpu.memory_space<vmem>>) target(%dma_start3A_171 : memref<128x16xf32, #tpu.memory_space<vmem_shared>>) target_semaphore(%run_scoped3A_163 : memref<!tpu.dma_semaphore, #tpu.memory_space<semaphore_mem>>)
      %dma_wait3A = arith.constant 0 : i32
      %dma_wait3A_176 = arith.constant 0 : i32
      %dma_wait3A_177 = tpu.memref_slice %arg7[%run_scoped3A_42, %run_scoped3A_43, %dma_wait3A, %dma_wait3A_176] : memref<2x8x128x16xf32, #tpu.memory_space<vmem>> -> memref<1x1x128x16xf32, #tpu.memory_space<vmem>>
      %dma_wait3A_178 = tpu.memref_squeeze %dma_wait3A_177 : memref<1x1x128x16xf32, #tpu.memory_space<vmem>> -> memref<128x16xf32, #tpu.memory_space<vmem>>
      %dma_wait3A_179 = arith.constant 0 : i32
      %dma_wait3A_180 = tpu.memref_slice %arg8[%add3A_41, %dma_wait3A_179] : memref<10240x16xf32, #tpu.memory_space<vmem_shared>> -> memref<128x16xf32, #tpu.memory_space<vmem_shared>>
      %dma_wait3A_181 = arith.constant 0 : i32
      %dma_wait3A_182 = tpu.memref_slice %arg8[%add3A_41, %dma_wait3A_181] : memref<10240x16xf32, #tpu.memory_space<vmem_shared>> -> memref<128x16xf32, #tpu.memory_space<vmem_shared>>
      %dma_wait3A_183 = arith.constant 0 : i32
      %dma_wait3A_184 = arith.constant 0 : i32
      %dma_wait3A_185 = tpu.memref_slice %arg7[%run_scoped3A_42, %run_scoped3A_43, %dma_wait3A_183, %dma_wait3A_184] : memref<2x8x128x16xf32, #tpu.memory_space<vmem>> -> memref<1x1x128x16xf32, #tpu.memory_space<vmem>>
      %dma_wait3A_186 = tpu.memref_squeeze %dma_wait3A_185 : memref<1x1x128x16xf32, #tpu.memory_space<vmem>> -> memref<128x16xf32, #tpu.memory_space<vmem>>
      tpu.wait_dma2 semaphore(%run_scoped3A_163 : memref<!tpu.dma_semaphore, #tpu.memory_space<semaphore_mem>>) src(%dma_wait3A_186 : memref<128x16xf32, #tpu.memory_space<vmem>>) dst(%dma_wait3A_182 : memref<128x16xf32, #tpu.memory_space<vmem_shared>>)
      tpu.yield
    }) : () -> ()
    %barrier3A = arith.constant 0 : index
    tpu.barrier barrier_id(%barrier3A)
    %dma_start3A = arith.constant 0 : i32
    %dma_start3A_44 = arith.constant 0 : i32
    %dma_start3A_45 = arith.constant 0 : i32
    %dma_start3A_46 = arith.constant 0 : i32
    %dma_start3A_47 = arith.constant 0 : i32
    %dma_start3A_48 = tpu.memref_slice %arg7[%dma_start3A_44, %dma_start3A_45, %dma_start3A_46, %dma_start3A_47] : memref<2x8x128x16xf32, #tpu.memory_space<vmem>> -> memref<1x1x128x16xf32, #tpu.memory_space<vmem>>
    %dma_start3A_49 = tpu.memref_squeeze %dma_start3A_48 : memref<1x1x128x16xf32, #tpu.memory_space<vmem>> -> memref<128x16xf32, #tpu.memory_space<vmem>>
    %dma_start3A_50 = arith.constant 0 : i32
    %dma_start3A_51 = tpu.memref_slice %arg5[%dma_start3A, %dma_start3A_50] : memref<80x128xi32, #tpu.memory_space<vmem>> -> memref<1x128xi32, #tpu.memory_space<vmem>>
    %dma_start3A_52 = tpu.memref_squeeze %dma_start3A_51 : memref<1x128xi32, #tpu.memory_space<vmem>> -> memref<128xi32, #tpu.memory_space<vmem>>
    %dma_start3A_53 = arith.constant 0 : i32
    %dma_start3A_54 = arith.constant 0 : i32
    %dma_start3A_55 = tpu.memref_slice %arg2[%dma_start3A_53, %dma_start3A_54] : memref<10240x16xf32, #tpu.memory_space<hbm>> -> memref<10240x16xf32, #tpu.memory_space<hbm>>
    tpu.enqueue_indirect_dma source(%dma_start3A_55 : memref<10240x16xf32, #tpu.memory_space<hbm>>) target(%dma_start3A_49 : memref<128x16xf32, #tpu.memory_space<vmem>>) offsets(%dma_start3A_52 : memref<128xi32, #tpu.memory_space<vmem>>) semaphore(%arg9 : memref<!tpu.dma_semaphore, #tpu.memory_space<semaphore_mem>>)
    %dma_start3A_56 = arith.constant 1 : i32
    %dma_start3A_57 = arith.constant 0 : i32
    %dma_start3A_58 = arith.constant 1 : i32
    %dma_start3A_59 = arith.constant 0 : i32
    %dma_start3A_60 = arith.constant 0 : i32
    %dma_start3A_61 = tpu.memref_slice %arg7[%dma_start3A_57, %dma_start3A_58, %dma_start3A_59, %dma_start3A_60] : memref<2x8x128x16xf32, #tpu.memory_space<vmem>> -> memref<1x1x128x16xf32, #tpu.memory_space<vmem>>
    %dma_start3A_62 = tpu.memref_squeeze %dma_start3A_61 : memref<1x1x128x16xf32, #tpu.memory_space<vmem>> -> memref<128x16xf32, #tpu.memory_space<vmem>>
    %dma_start3A_63 = arith.constant 0 : i32
    %dma_start3A_64 = tpu.memref_slice %arg5[%dma_start3A_56, %dma_start3A_63] : memref<80x128xi32, #tpu.memory_space<vmem>> -> memref<1x128xi32, #tpu.memory_space<vmem>>
    %dma_start3A_65 = tpu.memref_squeeze %dma_start3A_64 : memref<1x128xi32, #tpu.memory_space<vmem>> -> memref<128xi32, #tpu.memory_space<vmem>>
    %dma_start3A_66 = arith.constant 0 : i32
    %dma_start3A_67 = arith.constant 0 : i32
    %dma_start3A_68 = tpu.memref_slice %arg2[%dma_start3A_66, %dma_start3A_67] : memref<10240x16xf32, #tpu.memory_space<hbm>> -> memref<10240x16xf32, #tpu.memory_space<hbm>>
    tpu.enqueue_indirect_dma source(%dma_start3A_68 : memref<10240x16xf32, #tpu.memory_space<hbm>>) target(%dma_start3A_62 : memref<128x16xf32, #tpu.memory_space<vmem>>) offsets(%dma_start3A_65 : memref<128xi32, #tpu.memory_space<vmem>>) semaphore(%arg9 : memref<!tpu.dma_semaphore, #tpu.memory_space<semaphore_mem>>)
    %dma_start3A_69 = arith.constant 2 : i32
    %dma_start3A_70 = arith.constant 0 : i32
    %dma_start3A_71 = arith.constant 2 : i32
    %dma_start3A_72 = arith.constant 0 : i32
    %dma_start3A_73 = arith.constant 0 : i32
    %dma_start3A_74 = tpu.memref_slice %arg7[%dma_start3A_70, %dma_start3A_71, %dma_start3A_72, %dma_start3A_73] : memref<2x8x128x16xf32, #tpu.memory_space<vmem>> -> memref<1x1x128x16xf32, #tpu.memory_space<vmem>>
    %dma_start3A_75 = tpu.memref_squeeze %dma_start3A_74 : memref<1x1x128x16xf32, #tpu.memory_space<vmem>> -> memref<128x16xf32, #tpu.memory_space<vmem>>
    %dma_start3A_76 = arith.constant 0 : i32
    %dma_start3A_77 = tpu.memref_slice %arg5[%dma_start3A_69, %dma_start3A_76] : memref<80x128xi32, #tpu.memory_space<vmem>> -> memref<1x128xi32, #tpu.memory_space<vmem>>
    %dma_start3A_78 = tpu.memref_squeeze %dma_start3A_77 : memref<1x128xi32, #tpu.memory_space<vmem>> -> memref<128xi32, #tpu.memory_space<vmem>>
    %dma_start3A_79 = arith.constant 0 : i32
    %dma_start3A_80 = arith.constant 0 : i32
    %dma_start3A_81 = tpu.memref_slice %arg2[%dma_start3A_79, %dma_start3A_80] : memref<10240x16xf32, #tpu.memory_space<hbm>> -> memref<10240x16xf32, #tpu.memory_space<hbm>>
    tpu.enqueue_indirect_dma source(%dma_start3A_81 : memref<10240x16xf32, #tpu.memory_space<hbm>>) target(%dma_start3A_75 : memref<128x16xf32, #tpu.memory_space<vmem>>) offsets(%dma_start3A_78 : memref<128xi32, #tpu.memory_space<vmem>>) semaphore(%arg9 : memref<!tpu.dma_semaphore, #tpu.memory_space<semaphore_mem>>)
    %dma_start3A_82 = arith.constant 3 : i32
    %dma_start3A_83 = arith.constant 0 : i32
    %dma_start3A_84 = arith.constant 3 : i32
    %dma_start3A_85 = arith.constant 0 : i32
    %dma_start3A_86 = arith.constant 0 : i32
    %dma_start3A_87 = tpu.memref_slice %arg7[%dma_start3A_83, %dma_start3A_84, %dma_start3A_85, %dma_start3A_86] : memref<2x8x128x16xf32, #tpu.memory_space<vmem>> -> memref<1x1x128x16xf32, #tpu.memory_space<vmem>>
    %dma_start3A_88 = tpu.memref_squeeze %dma_start3A_87 : memref<1x1x128x16xf32, #tpu.memory_space<vmem>> -> memref<128x16xf32, #tpu.memory_space<vmem>>
    %dma_start3A_89 = arith.constant 0 : i32
    %dma_start3A_90 = tpu.memref_slice %arg5[%dma_start3A_82, %dma_start3A_89] : memref<80x128xi32, #tpu.memory_space<vmem>> -> memref<1x128xi32, #tpu.memory_space<vmem>>
    %dma_start3A_91 = tpu.memref_squeeze %dma_start3A_90 : memref<1x128xi32, #tpu.memory_space<vmem>> -> memref<128xi32, #tpu.memory_space<vmem>>
    %dma_start3A_92 = arith.constant 0 : i32
    %dma_start3A_93 = arith.constant 0 : i32
    %dma_start3A_94 = tpu.memref_slice %arg2[%dma_start3A_92, %dma_start3A_93] : memref<10240x16xf32, #tpu.memory_space<hbm>> -> memref<10240x16xf32, #tpu.memory_space<hbm>>
    tpu.enqueue_indirect_dma source(%dma_start3A_94 : memref<10240x16xf32, #tpu.memory_space<hbm>>) target(%dma_start3A_88 : memref<128x16xf32, #tpu.memory_space<vmem>>) offsets(%dma_start3A_91 : memref<128xi32, #tpu.memory_space<vmem>>) semaphore(%arg9 : memref<!tpu.dma_semaphore, #tpu.memory_space<semaphore_mem>>)
    %dma_start3A_95 = arith.constant 4 : i32
    %dma_start3A_96 = arith.constant 0 : i32
    %dma_start3A_97 = arith.constant 4 : i32
    %dma_start3A_98 = arith.constant 0 : i32
    %dma_start3A_99 = arith.constant 0 : i32
    %dma_start3A_100 = tpu.memref_slice %arg7[%dma_start3A_96, %dma_start3A_97, %dma_start3A_98, %dma_start3A_99] : memref<2x8x128x16xf32, #tpu.memory_space<vmem>> -> memref<1x1x128x16xf32, #tpu.memory_space<vmem>>
    %dma_start3A_101 = tpu.memref_squeeze %dma_start3A_100 : memref<1x1x128x16xf32, #tpu.memory_space<vmem>> -> memref<128x16xf32, #tpu.memory_space<vmem>>
    %dma_start3A_102 = arith.constant 0 : i32
    %dma_start3A_103 = tpu.memref_slice %arg5[%dma_start3A_95, %dma_start3A_102] : memref<80x128xi32, #tpu.memory_space<vmem>> -> memref<1x128xi32, #tpu.memory_space<vmem>>
    %dma_start3A_104 = tpu.memref_squeeze %dma_start3A_103 : memref<1x128xi32, #tpu.memory_space<vmem>> -> memref<128xi32, #tpu.memory_space<vmem>>
    %dma_start3A_105 = arith.constant 0 : i32
    %dma_start3A_106 = arith.constant 0 : i32
    %dma_start3A_107 = tpu.memref_slice %arg2[%dma_start3A_105, %dma_start3A_106] : memref<10240x16xf32, #tpu.memory_space<hbm>> -> memref<10240x16xf32, #tpu.memory_space<hbm>>
    tpu.enqueue_indirect_dma source(%dma_start3A_107 : memref<10240x16xf32, #tpu.memory_space<hbm>>) target(%dma_start3A_101 : memref<128x16xf32, #tpu.memory_space<vmem>>) offsets(%dma_start3A_104 : memref<128xi32, #tpu.memory_space<vmem>>) semaphore(%arg9 : memref<!tpu.dma_semaphore, #tpu.memory_space<semaphore_mem>>)
    %dma_start3A_108 = arith.constant 5 : i32
    %dma_start3A_109 = arith.constant 0 : i32
    %dma_start3A_110 = arith.constant 5 : i32
    %dma_start3A_111 = arith.constant 0 : i32
    %dma_start3A_112 = arith.constant 0 : i32
    %dma_start3A_113 = tpu.memref_slice %arg7[%dma_start3A_109, %dma_start3A_110, %dma_start3A_111, %dma_start3A_112] : memref<2x8x128x16xf32, #tpu.memory_space<vmem>> -> memref<1x1x128x16xf32, #tpu.memory_space<vmem>>
    %dma_start3A_114 = tpu.memref_squeeze %dma_start3A_113 : memref<1x1x128x16xf32, #tpu.memory_space<vmem>> -> memref<128x16xf32, #tpu.memory_space<vmem>>
    %dma_start3A_115 = arith.constant 0 : i32
    %dma_start3A_116 = tpu.memref_slice %arg5[%dma_start3A_108, %dma_start3A_115] : memref<80x128xi32, #tpu.memory_space<vmem>> -> memref<1x128xi32, #tpu.memory_space<vmem>>
    %dma_start3A_117 = tpu.memref_squeeze %dma_start3A_116 : memref<1x128xi32, #tpu.memory_space<vmem>> -> memref<128xi32, #tpu.memory_space<vmem>>
    %dma_start3A_118 = arith.constant 0 : i32
    %dma_start3A_119 = arith.constant 0 : i32
    %dma_start3A_120 = tpu.memref_slice %arg2[%dma_start3A_118, %dma_start3A_119] : memref<10240x16xf32, #tpu.memory_space<hbm>> -> memref<10240x16xf32, #tpu.memory_space<hbm>>
    tpu.enqueue_indirect_dma source(%dma_start3A_120 : memref<10240x16xf32, #tpu.memory_space<hbm>>) target(%dma_start3A_114 : memref<128x16xf32, #tpu.memory_space<vmem>>) offsets(%dma_start3A_117 : memref<128xi32, #tpu.memory_space<vmem>>) semaphore(%arg9 : memref<!tpu.dma_semaphore, #tpu.memory_space<semaphore_mem>>)
    %dma_start3A_121 = arith.constant 6 : i32
    %dma_start3A_122 = arith.constant 0 : i32
    %dma_start3A_123 = arith.constant 6 : i32
    %dma_start3A_124 = arith.constant 0 : i32
    %dma_start3A_125 = arith.constant 0 : i32
    %dma_start3A_126 = tpu.memref_slice %arg7[%dma_start3A_122, %dma_start3A_123, %dma_start3A_124, %dma_start3A_125] : memref<2x8x128x16xf32, #tpu.memory_space<vmem>> -> memref<1x1x128x16xf32, #tpu.memory_space<vmem>>
    %dma_start3A_127 = tpu.memref_squeeze %dma_start3A_126 : memref<1x1x128x16xf32, #tpu.memory_space<vmem>> -> memref<128x16xf32, #tpu.memory_space<vmem>>
    %dma_start3A_128 = arith.constant 0 : i32
    %dma_start3A_129 = tpu.memref_slice %arg5[%dma_start3A_121, %dma_start3A_128] : memref<80x128xi32, #tpu.memory_space<vmem>> -> memref<1x128xi32, #tpu.memory_space<vmem>>
    %dma_start3A_130 = tpu.memref_squeeze %dma_start3A_129 : memref<1x128xi32, #tpu.memory_space<vmem>> -> memref<128xi32, #tpu.memory_space<vmem>>
    %dma_start3A_131 = arith.constant 0 : i32
    %dma_start3A_132 = arith.constant 0 : i32
    %dma_start3A_133 = tpu.memref_slice %arg2[%dma_start3A_131, %dma_start3A_132] : memref<10240x16xf32, #tpu.memory_space<hbm>> -> memref<10240x16xf32, #tpu.memory_space<hbm>>
    tpu.enqueue_indirect_dma source(%dma_start3A_133 : memref<10240x16xf32, #tpu.memory_space<hbm>>) target(%dma_start3A_127 : memref<128x16xf32, #tpu.memory_space<vmem>>) offsets(%dma_start3A_130 : memref<128xi32, #tpu.memory_space<vmem>>) semaphore(%arg9 : memref<!tpu.dma_semaphore, #tpu.memory_space<semaphore_mem>>)
    %dma_start3A_134 = arith.constant 7 : i32
    %dma_start3A_135 = arith.constant 0 : i32
    %dma_start3A_136 = arith.constant 7 : i32
    %dma_start3A_137 = arith.constant 0 : i32
    %dma_start3A_138 = arith.constant 0 : i32
    %dma_start3A_139 = tpu.memref_slice %arg7[%dma_start3A_135, %dma_start3A_136, %dma_start3A_137, %dma_start3A_138] : memref<2x8x128x16xf32, #tpu.memory_space<vmem>> -> memref<1x1x128x16xf32, #tpu.memory_space<vmem>>
    %dma_start3A_140 = tpu.memref_squeeze %dma_start3A_139 : memref<1x1x128x16xf32, #tpu.memory_space<vmem>> -> memref<128x16xf32, #tpu.memory_space<vmem>>
    %dma_start3A_141 = arith.constant 0 : i32
    %dma_start3A_142 = tpu.memref_slice %arg5[%dma_start3A_134, %dma_start3A_141] : memref<80x128xi32, #tpu.memory_space<vmem>> -> memref<1x128xi32, #tpu.memory_space<vmem>>
    %dma_start3A_143 = tpu.memref_squeeze %dma_start3A_142 : memref<1x128xi32, #tpu.memory_space<vmem>> -> memref<128xi32, #tpu.memory_space<vmem>>
    %dma_start3A_144 = arith.constant 0 : i32
    %dma_start3A_145 = arith.constant 0 : i32
    %dma_start3A_146 = tpu.memref_slice %arg2[%dma_start3A_144, %dma_start3A_145] : memref<10240x16xf32, #tpu.memory_space<hbm>> -> memref<10240x16xf32, #tpu.memory_space<hbm>>
    tpu.enqueue_indirect_dma source(%dma_start3A_146 : memref<10240x16xf32, #tpu.memory_space<hbm>>) target(%dma_start3A_140 : memref<128x16xf32, #tpu.memory_space<vmem>>) offsets(%dma_start3A_143 : memref<128xi32, #tpu.memory_space<vmem>>) semaphore(%arg9 : memref<!tpu.dma_semaphore, #tpu.memory_space<semaphore_mem>>)
    %while3A = arith.constant 0 : i32
    %while3A_147 = arith.subi %select_n3A_8, %while3A : i32
    %while3A_148 = arith.addi %while3A, %while3A_147 : i32
    %while3A_149 = arith.constant 1 : i32
    %while3A_150 = arith.divsi %while3A_147, %while3A_149 : i32
    %while3A_151 = arith.muli %while3A_150, %while3A_149 : i32
    %while3A_152 = arith.addi %while3A, %while3A_151 : i32
    %while3A_153 = arith.constant 1 : i32
    scf.for %while3A_163 = %while3A to %while3A_152 step %while3A_153  : i32 {
      %rem3A = arith.constant 2 : i32
      %rem3A_164 = arith.remsi %while3A_163, %rem3A : i32
      %mul3A_165 = arith.constant 8 : i32
      %mul3A_166 = arith.muli %while3A_163, %mul3A_165 : i32
      %dma_wait3A = arith.constant 0 : i32
      %dma_wait3A_167 = arith.constant 0 : i32
      %dma_wait3A_168 = arith.constant 0 : i32
      %dma_wait3A_169 = tpu.memref_slice %arg7[%rem3A_164, %dma_wait3A, %dma_wait3A_167, %dma_wait3A_168] : memref<2x8x128x16xf32, #tpu.memory_space<vmem>> -> memref<1x1x128x16xf32, #tpu.memory_space<vmem>>
      %dma_wait3A_170 = tpu.memref_squeeze %dma_wait3A_169 : memref<1x1x128x16xf32, #tpu.memory_space<vmem>> -> memref<128x16xf32, #tpu.memory_space<vmem>>
      %dma_wait3A_171 = arith.constant 0 : i32
      %dma_wait3A_172 = arith.constant 0 : i32
      %dma_wait3A_173 = tpu.memref_slice %arg2[%dma_wait3A_171, %dma_wait3A_172] : memref<10240x16xf32, #tpu.memory_space<hbm>> -> memref<128x16xf32, #tpu.memory_space<hbm>>
      %dma_wait3A_174 = arith.constant 0 : i32
      %dma_wait3A_175 = arith.constant 0 : i32
      %dma_wait3A_176 = tpu.memref_slice %arg7[%rem3A_164, %dma_wait3A, %dma_wait3A_174, %dma_wait3A_175] : memref<2x8x128x16xf32, #tpu.memory_space<vmem>> -> memref<1x1x128x16xf32, #tpu.memory_space<vmem>>
      %dma_wait3A_177 = tpu.memref_squeeze %dma_wait3A_176 : memref<1x1x128x16xf32, #tpu.memory_space<vmem>> -> memref<128x16xf32, #tpu.memory_space<vmem>>
      %dma_wait3A_178 = arith.constant 0 : i32
      %dma_wait3A_179 = arith.constant 0 : i32
      %dma_wait3A_180 = tpu.memref_slice %arg2[%dma_wait3A_178, %dma_wait3A_179] : memref<10240x16xf32, #tpu.memory_space<hbm>> -> memref<128x16xf32, #tpu.memory_space<hbm>>
      tpu.wait_dma2 semaphore(%arg9 : memref<!tpu.dma_semaphore, #tpu.memory_space<semaphore_mem>>) src(%dma_wait3A_180 : memref<128x16xf32, #tpu.memory_space<hbm>>) dst(%dma_wait3A_177 : memref<128x16xf32, #tpu.memory_space<vmem>>)
      %dma_wait3A_181 = arith.constant 1 : i32
      %dma_wait3A_182 = arith.constant 0 : i32
      %dma_wait3A_183 = arith.constant 0 : i32
      %dma_wait3A_184 = tpu.memref_slice %arg7[%rem3A_164, %dma_wait3A_181, %dma_wait3A_182, %dma_wait3A_183] : memref<2x8x128x16xf32, #tpu.memory_space<vmem>> -> memref<1x1x128x16xf32, #tpu.memory_space<vmem>>
      %dma_wait3A_185 = tpu.memref_squeeze %dma_wait3A_184 : memref<1x1x128x16xf32, #tpu.memory_space<vmem>> -> memref<128x16xf32, #tpu.memory_space<vmem>>
      %dma_wait3A_186 = arith.constant 0 : i32
      %dma_wait3A_187 = arith.constant 0 : i32
      %dma_wait3A_188 = tpu.memref_slice %arg2[%dma_wait3A_186, %dma_wait3A_187] : memref<10240x16xf32, #tpu.memory_space<hbm>> -> memref<128x16xf32, #tpu.memory_space<hbm>>
      %dma_wait3A_189 = arith.constant 0 : i32
      %dma_wait3A_190 = arith.constant 0 : i32
      %dma_wait3A_191 = tpu.memref_slice %arg7[%rem3A_164, %dma_wait3A_181, %dma_wait3A_189, %dma_wait3A_190] : memref<2x8x128x16xf32, #tpu.memory_space<vmem>> -> memref<1x1x128x16xf32, #tpu.memory_space<vmem>>
      %dma_wait3A_192 = tpu.memref_squeeze %dma_wait3A_191 : memref<1x1x128x16xf32, #tpu.memory_space<vmem>> -> memref<128x16xf32, #tpu.memory_space<vmem>>
      %dma_wait3A_193 = arith.constant 0 : i32
      %dma_wait3A_194 = arith.constant 0 : i32
      %dma_wait3A_195 = tpu.memref_slice %arg2[%dma_wait3A_193, %dma_wait3A_194] : memref<10240x16xf32, #tpu.memory_space<hbm>> -> memref<128x16xf32, #tpu.memory_space<hbm>>
      tpu.wait_dma2 semaphore(%arg9 : memref<!tpu.dma_semaphore, #tpu.memory_space<semaphore_mem>>) src(%dma_wait3A_195 : memref<128x16xf32, #tpu.memory_space<hbm>>) dst(%dma_wait3A_192 : memref<128x16xf32, #tpu.memory_space<vmem>>)
      %dma_wait3A_196 = arith.constant 2 : i32
      %dma_wait3A_197 = arith.constant 0 : i32
      %dma_wait3A_198 = arith.constant 0 : i32
      %dma_wait3A_199 = tpu.memref_slice %arg7[%rem3A_164, %dma_wait3A_196, %dma_wait3A_197, %dma_wait3A_198] : memref<2x8x128x16xf32, #tpu.memory_space<vmem>> -> memref<1x1x128x16xf32, #tpu.memory_space<vmem>>
      %dma_wait3A_200 = tpu.memref_squeeze %dma_wait3A_199 : memref<1x1x128x16xf32, #tpu.memory_space<vmem>> -> memref<128x16xf32, #tpu.memory_space<vmem>>
      %dma_wait3A_201 = arith.constant 0 : i32
      %dma_wait3A_202 = arith.constant 0 : i32
      %dma_wait3A_203 = tpu.memref_slice %arg2[%dma_wait3A_201, %dma_wait3A_202] : memref<10240x16xf32, #tpu.memory_space<hbm>> -> memref<128x16xf32, #tpu.memory_space<hbm>>
      %dma_wait3A_204 = arith.constant 0 : i32
      %dma_wait3A_205 = arith.constant 0 : i32
      %dma_wait3A_206 = tpu.memref_slice %arg7[%rem3A_164, %dma_wait3A_196, %dma_wait3A_204, %dma_wait3A_205] : memref<2x8x128x16xf32, #tpu.memory_space<vmem>> -> memref<1x1x128x16xf32, #tpu.memory_space<vmem>>
      %dma_wait3A_207 = tpu.memref_squeeze %dma_wait3A_206 : memref<1x1x128x16xf32, #tpu.memory_space<vmem>> -> memref<128x16xf32, #tpu.memory_space<vmem>>
      %dma_wait3A_208 = arith.constant 0 : i32
      %dma_wait3A_209 = arith.constant 0 : i32
      %dma_wait3A_210 = tpu.memref_slice %arg2[%dma_wait3A_208, %dma_wait3A_209] : memref<10240x16xf32, #tpu.memory_space<hbm>> -> memref<128x16xf32, #tpu.memory_space<hbm>>
      tpu.wait_dma2 semaphore(%arg9 : memref<!tpu.dma_semaphore, #tpu.memory_space<semaphore_mem>>) src(%dma_wait3A_210 : memref<128x16xf32, #tpu.memory_space<hbm>>) dst(%dma_wait3A_207 : memref<128x16xf32, #tpu.memory_space<vmem>>)
      %dma_wait3A_211 = arith.constant 3 : i32
      %dma_wait3A_212 = arith.constant 0 : i32
      %dma_wait3A_213 = arith.constant 0 : i32
      %dma_wait3A_214 = tpu.memref_slice %arg7[%rem3A_164, %dma_wait3A_211, %dma_wait3A_212, %dma_wait3A_213] : memref<2x8x128x16xf32, #tpu.memory_space<vmem>> -> memref<1x1x128x16xf32, #tpu.memory_space<vmem>>
      %dma_wait3A_215 = tpu.memref_squeeze %dma_wait3A_214 : memref<1x1x128x16xf32, #tpu.memory_space<vmem>> -> memref<128x16xf32, #tpu.memory_space<vmem>>
      %dma_wait3A_216 = arith.constant 0 : i32
      %dma_wait3A_217 = arith.constant 0 : i32
      %dma_wait3A_218 = tpu.memref_slice %arg2[%dma_wait3A_216, %dma_wait3A_217] : memref<10240x16xf32, #tpu.memory_space<hbm>> -> memref<128x16xf32, #tpu.memory_space<hbm>>
      %dma_wait3A_219 = arith.constant 0 : i32
      %dma_wait3A_220 = arith.constant 0 : i32
      %dma_wait3A_221 = tpu.memref_slice %arg7[%rem3A_164, %dma_wait3A_211, %dma_wait3A_219, %dma_wait3A_220] : memref<2x8x128x16xf32, #tpu.memory_space<vmem>> -> memref<1x1x128x16xf32, #tpu.memory_space<vmem>>
      %dma_wait3A_222 = tpu.memref_squeeze %dma_wait3A_221 : memref<1x1x128x16xf32, #tpu.memory_space<vmem>> -> memref<128x16xf32, #tpu.memory_space<vmem>>
      %dma_wait3A_223 = arith.constant 0 : i32
      %dma_wait3A_224 = arith.constant 0 : i32
      %dma_wait3A_225 = tpu.memref_slice %arg2[%dma_wait3A_223, %dma_wait3A_224] : memref<10240x16xf32, #tpu.memory_space<hbm>> -> memref<128x16xf32, #tpu.memory_space<hbm>>
      tpu.wait_dma2 semaphore(%arg9 : memref<!tpu.dma_semaphore, #tpu.memory_space<semaphore_mem>>) src(%dma_wait3A_225 : memref<128x16xf32, #tpu.memory_space<hbm>>) dst(%dma_wait3A_222 : memref<128x16xf32, #tpu.memory_space<vmem>>)
      %dma_wait3A_226 = arith.constant 4 : i32
      %dma_wait3A_227 = arith.constant 0 : i32
      %dma_wait3A_228 = arith.constant 0 : i32
      %dma_wait3A_229 = tpu.memref_slice %arg7[%rem3A_164, %dma_wait3A_226, %dma_wait3A_227, %dma_wait3A_228] : memref<2x8x128x16xf32, #tpu.memory_space<vmem>> -> memref<1x1x128x16xf32, #tpu.memory_space<vmem>>
      %dma_wait3A_230 = tpu.memref_squeeze %dma_wait3A_229 : memref<1x1x128x16xf32, #tpu.memory_space<vmem>> -> memref<128x16xf32, #tpu.memory_space<vmem>>
      %dma_wait3A_231 = arith.constant 0 : i32
      %dma_wait3A_232 = arith.constant 0 : i32
      %dma_wait3A_233 = tpu.memref_slice %arg2[%dma_wait3A_231, %dma_wait3A_232] : memref<10240x16xf32, #tpu.memory_space<hbm>> -> memref<128x16xf32, #tpu.memory_space<hbm>>
      %dma_wait3A_234 = arith.constant 0 : i32
      %dma_wait3A_235 = arith.constant 0 : i32
      %dma_wait3A_236 = tpu.memref_slice %arg7[%rem3A_164, %dma_wait3A_226, %dma_wait3A_234, %dma_wait3A_235] : memref<2x8x128x16xf32, #tpu.memory_space<vmem>> -> memref<1x1x128x16xf32, #tpu.memory_space<vmem>>
      %dma_wait3A_237 = tpu.memref_squeeze %dma_wait3A_236 : memref<1x1x128x16xf32, #tpu.memory_space<vmem>> -> memref<128x16xf32, #tpu.memory_space<vmem>>
      %dma_wait3A_238 = arith.constant 0 : i32
      %dma_wait3A_239 = arith.constant 0 : i32
      %dma_wait3A_240 = tpu.memref_slice %arg2[%dma_wait3A_238, %dma_wait3A_239] : memref<10240x16xf32, #tpu.memory_space<hbm>> -> memref<128x16xf32, #tpu.memory_space<hbm>>
      tpu.wait_dma2 semaphore(%arg9 : memref<!tpu.dma_semaphore, #tpu.memory_space<semaphore_mem>>) src(%dma_wait3A_240 : memref<128x16xf32, #tpu.memory_space<hbm>>) dst(%dma_wait3A_237 : memref<128x16xf32, #tpu.memory_space<vmem>>)
      %dma_wait3A_241 = arith.constant 5 : i32
      %dma_wait3A_242 = arith.constant 0 : i32
      %dma_wait3A_243 = arith.constant 0 : i32
      %dma_wait3A_244 = tpu.memref_slice %arg7[%rem3A_164, %dma_wait3A_241, %dma_wait3A_242, %dma_wait3A_243] : memref<2x8x128x16xf32, #tpu.memory_space<vmem>> -> memref<1x1x128x16xf32, #tpu.memory_space<vmem>>
      %dma_wait3A_245 = tpu.memref_squeeze %dma_wait3A_244 : memref<1x1x128x16xf32, #tpu.memory_space<vmem>> -> memref<128x16xf32, #tpu.memory_space<vmem>>
      %dma_wait3A_246 = arith.constant 0 : i32
      %dma_wait3A_247 = arith.constant 0 : i32
      %dma_wait3A_248 = tpu.memref_slice %arg2[%dma_wait3A_246, %dma_wait3A_247] : memref<10240x16xf32, #tpu.memory_space<hbm>> -> memref<128x16xf32, #tpu.memory_space<hbm>>
      %dma_wait3A_249 = arith.constant 0 : i32
      %dma_wait3A_250 = arith.constant 0 : i32
      %dma_wait3A_251 = tpu.memref_slice %arg7[%rem3A_164, %dma_wait3A_241, %dma_wait3A_249, %dma_wait3A_250] : memref<2x8x128x16xf32, #tpu.memory_space<vmem>> -> memref<1x1x128x16xf32, #tpu.memory_space<vmem>>
      %dma_wait3A_252 = tpu.memref_squeeze %dma_wait3A_251 : memref<1x1x128x16xf32, #tpu.memory_space<vmem>> -> memref<128x16xf32, #tpu.memory_space<vmem>>
      %dma_wait3A_253 = arith.constant 0 : i32
      %dma_wait3A_254 = arith.constant 0 : i32
      %dma_wait3A_255 = tpu.memref_slice %arg2[%dma_wait3A_253, %dma_wait3A_254] : memref<10240x16xf32, #tpu.memory_space<hbm>> -> memref<128x16xf32, #tpu.memory_space<hbm>>
      tpu.wait_dma2 semaphore(%arg9 : memref<!tpu.dma_semaphore, #tpu.memory_space<semaphore_mem>>) src(%dma_wait3A_255 : memref<128x16xf32, #tpu.memory_space<hbm>>) dst(%dma_wait3A_252 : memref<128x16xf32, #tpu.memory_space<vmem>>)
      %dma_wait3A_256 = arith.constant 6 : i32
      %dma_wait3A_257 = arith.constant 0 : i32
      %dma_wait3A_258 = arith.constant 0 : i32
      %dma_wait3A_259 = tpu.memref_slice %arg7[%rem3A_164, %dma_wait3A_256, %dma_wait3A_257, %dma_wait3A_258] : memref<2x8x128x16xf32, #tpu.memory_space<vmem>> -> memref<1x1x128x16xf32, #tpu.memory_space<vmem>>
      %dma_wait3A_260 = tpu.memref_squeeze %dma_wait3A_259 : memref<1x1x128x16xf32, #tpu.memory_space<vmem>> -> memref<128x16xf32, #tpu.memory_space<vmem>>
      %dma_wait3A_261 = arith.constant 0 : i32
      %dma_wait3A_262 = arith.constant 0 : i32
      %dma_wait3A_263 = tpu.memref_slice %arg2[%dma_wait3A_261, %dma_wait3A_262] : memref<10240x16xf32, #tpu.memory_space<hbm>> -> memref<128x16xf32, #tpu.memory_space<hbm>>
      %dma_wait3A_264 = arith.constant 0 : i32
      %dma_wait3A_265 = arith.constant 0 : i32
      %dma_wait3A_266 = tpu.memref_slice %arg7[%rem3A_164, %dma_wait3A_256, %dma_wait3A_264, %dma_wait3A_265] : memref<2x8x128x16xf32, #tpu.memory_space<vmem>> -> memref<1x1x128x16xf32, #tpu.memory_space<vmem>>
      %dma_wait3A_267 = tpu.memref_squeeze %dma_wait3A_266 : memref<1x1x128x16xf32, #tpu.memory_space<vmem>> -> memref<128x16xf32, #tpu.memory_space<vmem>>
      %dma_wait3A_268 = arith.constant 0 : i32
      %dma_wait3A_269 = arith.constant 0 : i32
      %dma_wait3A_270 = tpu.memref_slice %arg2[%dma_wait3A_268, %dma_wait3A_269] : memref<10240x16xf32, #tpu.memory_space<hbm>> -> memref<128x16xf32, #tpu.memory_space<hbm>>
      tpu.wait_dma2 semaphore(%arg9 : memref<!tpu.dma_semaphore, #tpu.memory_space<semaphore_mem>>) src(%dma_wait3A_270 : memref<128x16xf32, #tpu.memory_space<hbm>>) dst(%dma_wait3A_267 : memref<128x16xf32, #tpu.memory_space<vmem>>)
      %dma_wait3A_271 = arith.constant 7 : i32
      %dma_wait3A_272 = arith.constant 0 : i32
      %dma_wait3A_273 = arith.constant 0 : i32
      %dma_wait3A_274 = tpu.memref_slice %arg7[%rem3A_164, %dma_wait3A_271, %dma_wait3A_272, %dma_wait3A_273] : memref<2x8x128x16xf32, #tpu.memory_space<vmem>> -> memref<1x1x128x16xf32, #tpu.memory_space<vmem>>
      %dma_wait3A_275 = tpu.memref_squeeze %dma_wait3A_274 : memref<1x1x128x16xf32, #tpu.memory_space<vmem>> -> memref<128x16xf32, #tpu.memory_space<vmem>>
      %dma_wait3A_276 = arith.constant 0 : i32
      %dma_wait3A_277 = arith.constant 0 : i32
      %dma_wait3A_278 = tpu.memref_slice %arg2[%dma_wait3A_276, %dma_wait3A_277] : memref<10240x16xf32, #tpu.memory_space<hbm>> -> memref<128x16xf32, #tpu.memory_space<hbm>>
      %dma_wait3A_279 = arith.constant 0 : i32
      %dma_wait3A_280 = arith.constant 0 : i32
      %dma_wait3A_281 = tpu.memref_slice %arg7[%rem3A_164, %dma_wait3A_271, %dma_wait3A_279, %dma_wait3A_280] : memref<2x8x128x16xf32, #tpu.memory_space<vmem>> -> memref<1x1x128x16xf32, #tpu.memory_space<vmem>>
      %dma_wait3A_282 = tpu.memref_squeeze %dma_wait3A_281 : memref<1x1x128x16xf32, #tpu.memory_space<vmem>> -> memref<128x16xf32, #tpu.memory_space<vmem>>
      %dma_wait3A_283 = arith.constant 0 : i32
      %dma_wait3A_284 = arith.constant 0 : i32
      %dma_wait3A_285 = tpu.memref_slice %arg2[%dma_wait3A_283, %dma_wait3A_284] : memref<10240x16xf32, #tpu.memory_space<hbm>> -> memref<128x16xf32, #tpu.memory_space<hbm>>
      tpu.wait_dma2 semaphore(%arg9 : memref<!tpu.dma_semaphore, #tpu.memory_space<semaphore_mem>>) src(%dma_wait3A_285 : memref<128x16xf32, #tpu.memory_space<hbm>>) dst(%dma_wait3A_282 : memref<128x16xf32, #tpu.memory_space<vmem>>)
      %add3A_286 = arith.constant 0 : i32
      %add3A_287 = arith.addi %mul3A_166, %add3A_286 : i32
      %dma_start3A_288 = arith.constant 0 : i32
      %dma_start3A_289 = arith.constant 0 : i32
      %dma_start3A_290 = arith.constant 0 : i32
      %dma_start3A_291 = tpu.memref_slice %arg7[%rem3A_164, %dma_start3A_288, %dma_start3A_289, %dma_start3A_290] : memref<2x8x128x16xf32, #tpu.memory_space<vmem>> -> memref<1x1x128x16xf32, #tpu.memory_space<vmem>>
      %dma_start3A_292 = tpu.memref_squeeze %dma_start3A_291 : memref<1x1x128x16xf32, #tpu.memory_space<vmem>> -> memref<128x16xf32, #tpu.memory_space<vmem>>
      %dma_start3A_293 = arith.constant 0 : i32
      %dma_start3A_294 = tpu.memref_slice %arg6[%add3A_287, %dma_start3A_293] : memref<80x128xi32, #tpu.memory_space<vmem>> -> memref<1x128xi32, #tpu.memory_space<vmem>>
      %dma_start3A_295 = tpu.memref_squeeze %dma_start3A_294 : memref<1x128xi32, #tpu.memory_space<vmem>> -> memref<128xi32, #tpu.memory_space<vmem>>
      %dma_start3A_296 = arith.constant 0 : i32
      %dma_start3A_297 = arith.constant 0 : i32
      %dma_start3A_298 = tpu.memref_slice %arg8[%dma_start3A_296, %dma_start3A_297] : memref<10240x16xf32, #tpu.memory_space<vmem_shared>> -> memref<10240x16xf32, #tpu.memory_space<vmem_shared>>
      tpu.enqueue_indirect_dma source(%dma_start3A_292 : memref<128x16xf32, #tpu.memory_space<vmem>>) target(%dma_start3A_298 : memref<10240x16xf32, #tpu.memory_space<vmem_shared>>) offsets(%dma_start3A_295 : memref<128xi32, #tpu.memory_space<vmem>>) semaphore(%arg10 : memref<!tpu.dma_semaphore, #tpu.memory_space<semaphore_mem>>) {add = true}
      %add3A_299 = arith.constant 1 : i32
      %add3A_300 = arith.addi %mul3A_166, %add3A_299 : i32
      %dma_start3A_301 = arith.constant 1 : i32
      %dma_start3A_302 = arith.constant 0 : i32
      %dma_start3A_303 = arith.constant 0 : i32
      %dma_start3A_304 = tpu.memref_slice %arg7[%rem3A_164, %dma_start3A_301, %dma_start3A_302, %dma_start3A_303] : memref<2x8x128x16xf32, #tpu.memory_space<vmem>> -> memref<1x1x128x16xf32, #tpu.memory_space<vmem>>
      %dma_start3A_305 = tpu.memref_squeeze %dma_start3A_304 : memref<1x1x128x16xf32, #tpu.memory_space<vmem>> -> memref<128x16xf32, #tpu.memory_space<vmem>>
      %dma_start3A_306 = arith.constant 0 : i32
      %dma_start3A_307 = tpu.memref_slice %arg6[%add3A_300, %dma_start3A_306] : memref<80x128xi32, #tpu.memory_space<vmem>> -> memref<1x128xi32, #tpu.memory_space<vmem>>
      %dma_start3A_308 = tpu.memref_squeeze %dma_start3A_307 : memref<1x128xi32, #tpu.memory_space<vmem>> -> memref<128xi32, #tpu.memory_space<vmem>>
      %dma_start3A_309 = arith.constant 0 : i32
      %dma_start3A_310 = arith.constant 0 : i32
      %dma_start3A_311 = tpu.memref_slice %arg8[%dma_start3A_309, %dma_start3A_310] : memref<10240x16xf32, #tpu.memory_space<vmem_shared>> -> memref<10240x16xf32, #tpu.memory_space<vmem_shared>>
      tpu.enqueue_indirect_dma source(%dma_start3A_305 : memref<128x16xf32, #tpu.memory_space<vmem>>) target(%dma_start3A_311 : memref<10240x16xf32, #tpu.memory_space<vmem_shared>>) offsets(%dma_start3A_308 : memref<128xi32, #tpu.memory_space<vmem>>) semaphore(%arg10 : memref<!tpu.dma_semaphore, #tpu.memory_space<semaphore_mem>>) {add = true}
      %add3A_312 = arith.constant 2 : i32
      %add3A_313 = arith.addi %mul3A_166, %add3A_312 : i32
      %dma_start3A_314 = arith.constant 2 : i32
      %dma_start3A_315 = arith.constant 0 : i32
      %dma_start3A_316 = arith.constant 0 : i32
      %dma_start3A_317 = tpu.memref_slice %arg7[%rem3A_164, %dma_start3A_314, %dma_start3A_315, %dma_start3A_316] : memref<2x8x128x16xf32, #tpu.memory_space<vmem>> -> memref<1x1x128x16xf32, #tpu.memory_space<vmem>>
      %dma_start3A_318 = tpu.memref_squeeze %dma_start3A_317 : memref<1x1x128x16xf32, #tpu.memory_space<vmem>> -> memref<128x16xf32, #tpu.memory_space<vmem>>
      %dma_start3A_319 = arith.constant 0 : i32
      %dma_start3A_320 = tpu.memref_slice %arg6[%add3A_313, %dma_start3A_319] : memref<80x128xi32, #tpu.memory_space<vmem>> -> memref<1x128xi32, #tpu.memory_space<vmem>>
      %dma_start3A_321 = tpu.memref_squeeze %dma_start3A_320 : memref<1x128xi32, #tpu.memory_space<vmem>> -> memref<128xi32, #tpu.memory_space<vmem>>
      %dma_start3A_322 = arith.constant 0 : i32
      %dma_start3A_323 = arith.constant 0 : i32
      %dma_start3A_324 = tpu.memref_slice %arg8[%dma_start3A_322, %dma_start3A_323] : memref<10240x16xf32, #tpu.memory_space<vmem_shared>> -> memref<10240x16xf32, #tpu.memory_space<vmem_shared>>
      tpu.enqueue_indirect_dma source(%dma_start3A_318 : memref<128x16xf32, #tpu.memory_space<vmem>>) target(%dma_start3A_324 : memref<10240x16xf32, #tpu.memory_space<vmem_shared>>) offsets(%dma_start3A_321 : memref<128xi32, #tpu.memory_space<vmem>>) semaphore(%arg10 : memref<!tpu.dma_semaphore, #tpu.memory_space<semaphore_mem>>) {add = true}
      %add3A_325 = arith.constant 3 : i32
      %add3A_326 = arith.addi %mul3A_166, %add3A_325 : i32
      %dma_start3A_327 = arith.constant 3 : i32
      %dma_start3A_328 = arith.constant 0 : i32
      %dma_start3A_329 = arith.constant 0 : i32
      %dma_start3A_330 = tpu.memref_slice %arg7[%rem3A_164, %dma_start3A_327, %dma_start3A_328, %dma_start3A_329] : memref<2x8x128x16xf32, #tpu.memory_space<vmem>> -> memref<1x1x128x16xf32, #tpu.memory_space<vmem>>
      %dma_start3A_331 = tpu.memref_squeeze %dma_start3A_330 : memref<1x1x128x16xf32, #tpu.memory_space<vmem>> -> memref<128x16xf32, #tpu.memory_space<vmem>>
      %dma_start3A_332 = arith.constant 0 : i32
      %dma_start3A_333 = tpu.memref_slice %arg6[%add3A_326, %dma_start3A_332] : memref<80x128xi32, #tpu.memory_space<vmem>> -> memref<1x128xi32, #tpu.memory_space<vmem>>
      %dma_start3A_334 = tpu.memref_squeeze %dma_start3A_333 : memref<1x128xi32, #tpu.memory_space<vmem>> -> memref<128xi32, #tpu.memory_space<vmem>>
      %dma_start3A_335 = arith.constant 0 : i32
      %dma_start3A_336 = arith.constant 0 : i32
      %dma_start3A_337 = tpu.memref_slice %arg8[%dma_start3A_335, %dma_start3A_336] : memref<10240x16xf32, #tpu.memory_space<vmem_shared>> -> memref<10240x16xf32, #tpu.memory_space<vmem_shared>>
      tpu.enqueue_indirect_dma source(%dma_start3A_331 : memref<128x16xf32, #tpu.memory_space<vmem>>) target(%dma_start3A_337 : memref<10240x16xf32, #tpu.memory_space<vmem_shared>>) offsets(%dma_start3A_334 : memref<128xi32, #tpu.memory_space<vmem>>) semaphore(%arg10 : memref<!tpu.dma_semaphore, #tpu.memory_space<semaphore_mem>>) {add = true}
      %add3A_338 = arith.constant 4 : i32
      %add3A_339 = arith.addi %mul3A_166, %add3A_338 : i32
      %dma_start3A_340 = arith.constant 4 : i32
      %dma_start3A_341 = arith.constant 0 : i32
      %dma_start3A_342 = arith.constant 0 : i32
      %dma_start3A_343 = tpu.memref_slice %arg7[%rem3A_164, %dma_start3A_340, %dma_start3A_341, %dma_start3A_342] : memref<2x8x128x16xf32, #tpu.memory_space<vmem>> -> memref<1x1x128x16xf32, #tpu.memory_space<vmem>>
      %dma_start3A_344 = tpu.memref_squeeze %dma_start3A_343 : memref<1x1x128x16xf32, #tpu.memory_space<vmem>> -> memref<128x16xf32, #tpu.memory_space<vmem>>
      %dma_start3A_345 = arith.constant 0 : i32
      %dma_start3A_346 = tpu.memref_slice %arg6[%add3A_339, %dma_start3A_345] : memref<80x128xi32, #tpu.memory_space<vmem>> -> memref<1x128xi32, #tpu.memory_space<vmem>>
      %dma_start3A_347 = tpu.memref_squeeze %dma_start3A_346 : memref<1x128xi32, #tpu.memory_space<vmem>> -> memref<128xi32, #tpu.memory_space<vmem>>
      %dma_start3A_348 = arith.constant 0 : i32
      %dma_start3A_349 = arith.constant 0 : i32
      %dma_start3A_350 = tpu.memref_slice %arg8[%dma_start3A_348, %dma_start3A_349] : memref<10240x16xf32, #tpu.memory_space<vmem_shared>> -> memref<10240x16xf32, #tpu.memory_space<vmem_shared>>
      tpu.enqueue_indirect_dma source(%dma_start3A_344 : memref<128x16xf32, #tpu.memory_space<vmem>>) target(%dma_start3A_350 : memref<10240x16xf32, #tpu.memory_space<vmem_shared>>) offsets(%dma_start3A_347 : memref<128xi32, #tpu.memory_space<vmem>>) semaphore(%arg10 : memref<!tpu.dma_semaphore, #tpu.memory_space<semaphore_mem>>) {add = true}
      %add3A_351 = arith.constant 5 : i32
      %add3A_352 = arith.addi %mul3A_166, %add3A_351 : i32
      %dma_start3A_353 = arith.constant 5 : i32
      %dma_start3A_354 = arith.constant 0 : i32
      %dma_start3A_355 = arith.constant 0 : i32
      %dma_start3A_356 = tpu.memref_slice %arg7[%rem3A_164, %dma_start3A_353, %dma_start3A_354, %dma_start3A_355] : memref<2x8x128x16xf32, #tpu.memory_space<vmem>> -> memref<1x1x128x16xf32, #tpu.memory_space<vmem>>
      %dma_start3A_357 = tpu.memref_squeeze %dma_start3A_356 : memref<1x1x128x16xf32, #tpu.memory_space<vmem>> -> memref<128x16xf32, #tpu.memory_space<vmem>>
      %dma_start3A_358 = arith.constant 0 : i32
      %dma_start3A_359 = tpu.memref_slice %arg6[%add3A_352, %dma_start3A_358] : memref<80x128xi32, #tpu.memory_space<vmem>> -> memref<1x128xi32, #tpu.memory_space<vmem>>
      %dma_start3A_360 = tpu.memref_squeeze %dma_start3A_359 : memref<1x128xi32, #tpu.memory_space<vmem>> -> memref<128xi32, #tpu.memory_space<vmem>>
      %dma_start3A_361 = arith.constant 0 : i32
      %dma_start3A_362 = arith.constant 0 : i32
      %dma_start3A_363 = tpu.memref_slice %arg8[%dma_start3A_361, %dma_start3A_362] : memref<10240x16xf32, #tpu.memory_space<vmem_shared>> -> memref<10240x16xf32, #tpu.memory_space<vmem_shared>>
      tpu.enqueue_indirect_dma source(%dma_start3A_357 : memref<128x16xf32, #tpu.memory_space<vmem>>) target(%dma_start3A_363 : memref<10240x16xf32, #tpu.memory_space<vmem_shared>>) offsets(%dma_start3A_360 : memref<128xi32, #tpu.memory_space<vmem>>) semaphore(%arg10 : memref<!tpu.dma_semaphore, #tpu.memory_space<semaphore_mem>>) {add = true}
      %add3A_364 = arith.constant 6 : i32
      %add3A_365 = arith.addi %mul3A_166, %add3A_364 : i32
      %dma_start3A_366 = arith.constant 6 : i32
      %dma_start3A_367 = arith.constant 0 : i32
      %dma_start3A_368 = arith.constant 0 : i32
      %dma_start3A_369 = tpu.memref_slice %arg7[%rem3A_164, %dma_start3A_366, %dma_start3A_367, %dma_start3A_368] : memref<2x8x128x16xf32, #tpu.memory_space<vmem>> -> memref<1x1x128x16xf32, #tpu.memory_space<vmem>>
      %dma_start3A_370 = tpu.memref_squeeze %dma_start3A_369 : memref<1x1x128x16xf32, #tpu.memory_space<vmem>> -> memref<128x16xf32, #tpu.memory_space<vmem>>
      %dma_start3A_371 = arith.constant 0 : i32
      %dma_start3A_372 = tpu.memref_slice %arg6[%add3A_365, %dma_start3A_371] : memref<80x128xi32, #tpu.memory_space<vmem>> -> memref<1x128xi32, #tpu.memory_space<vmem>>
      %dma_start3A_373 = tpu.memref_squeeze %dma_start3A_372 : memref<1x128xi32, #tpu.memory_space<vmem>> -> memref<128xi32, #tpu.memory_space<vmem>>
      %dma_start3A_374 = arith.constant 0 : i32
      %dma_start3A_375 = arith.constant 0 : i32
      %dma_start3A_376 = tpu.memref_slice %arg8[%dma_start3A_374, %dma_start3A_375] : memref<10240x16xf32, #tpu.memory_space<vmem_shared>> -> memref<10240x16xf32, #tpu.memory_space<vmem_shared>>
      tpu.enqueue_indirect_dma source(%dma_start3A_370 : memref<128x16xf32, #tpu.memory_space<vmem>>) target(%dma_start3A_376 : memref<10240x16xf32, #tpu.memory_space<vmem_shared>>) offsets(%dma_start3A_373 : memref<128xi32, #tpu.memory_space<vmem>>) semaphore(%arg10 : memref<!tpu.dma_semaphore, #tpu.memory_space<semaphore_mem>>) {add = true}
      %add3A_377 = arith.constant 7 : i32
      %add3A_378 = arith.addi %mul3A_166, %add3A_377 : i32
      %dma_start3A_379 = arith.constant 7 : i32
      %dma_start3A_380 = arith.constant 0 : i32
      %dma_start3A_381 = arith.constant 0 : i32
      %dma_start3A_382 = tpu.memref_slice %arg7[%rem3A_164, %dma_start3A_379, %dma_start3A_380, %dma_start3A_381] : memref<2x8x128x16xf32, #tpu.memory_space<vmem>> -> memref<1x1x128x16xf32, #tpu.memory_space<vmem>>
      %dma_start3A_383 = tpu.memref_squeeze %dma_start3A_382 : memref<1x1x128x16xf32, #tpu.memory_space<vmem>> -> memref<128x16xf32, #tpu.memory_space<vmem>>
      %dma_start3A_384 = arith.constant 0 : i32
      %dma_start3A_385 = tpu.memref_slice %arg6[%add3A_378, %dma_start3A_384] : memref<80x128xi32, #tpu.memory_space<vmem>> -> memref<1x128xi32, #tpu.memory_space<vmem>>
      %dma_start3A_386 = tpu.memref_squeeze %dma_start3A_385 : memref<1x128xi32, #tpu.memory_space<vmem>> -> memref<128xi32, #tpu.memory_space<vmem>>
      %dma_start3A_387 = arith.constant 0 : i32
      %dma_start3A_388 = arith.constant 0 : i32
      %dma_start3A_389 = tpu.memref_slice %arg8[%dma_start3A_387, %dma_start3A_388] : memref<10240x16xf32, #tpu.memory_space<vmem_shared>> -> memref<10240x16xf32, #tpu.memory_space<vmem_shared>>
      tpu.enqueue_indirect_dma source(%dma_start3A_383 : memref<128x16xf32, #tpu.memory_space<vmem>>) target(%dma_start3A_389 : memref<10240x16xf32, #tpu.memory_space<vmem_shared>>) offsets(%dma_start3A_386 : memref<128xi32, #tpu.memory_space<vmem>>) semaphore(%arg10 : memref<!tpu.dma_semaphore, #tpu.memory_space<semaphore_mem>>) {add = true}
      %add3A_390 = arith.constant 1 : i32
      %add3A_391 = arith.addi %while3A_163, %add3A_390 : i32
      %lt3A = arith.cmpi slt, %add3A_391, %select_n3A_8 : i32
      %convert_element_type3A = arith.extui %lt3A : i1 to i32
      %cond3A = arith.constant 0 : i32
      %cond3A_392 = arith.cmpi ne, %convert_element_type3A, %cond3A : i32
      scf.if %cond3A_392 {
        %add3A_513 = arith.constant 8 : i32
        %add3A_514 = arith.addi %mul3A_166, %add3A_513 : i32
        %add3A_515 = arith.constant 0 : i32
        %add3A_516 = arith.addi %add3A_514, %add3A_515 : i32
        %sub3A = arith.constant 1 : i32
        %sub3A_517 = arith.subi %sub3A, %rem3A_164 : i32
        %dma_start3A_518 = arith.constant 0 : i32
        %dma_start3A_519 = arith.constant 0 : i32
        %dma_start3A_520 = arith.constant 0 : i32
        %dma_start3A_521 = tpu.memref_slice %arg7[%sub3A_517, %dma_start3A_518, %dma_start3A_519, %dma_start3A_520] : memref<2x8x128x16xf32, #tpu.memory_space<vmem>> -> memref<1x1x128x16xf32, #tpu.memory_space<vmem>>
        %dma_start3A_522 = tpu.memref_squeeze %dma_start3A_521 : memref<1x1x128x16xf32, #tpu.memory_space<vmem>> -> memref<128x16xf32, #tpu.memory_space<vmem>>
        %dma_start3A_523 = arith.constant 0 : i32
        %dma_start3A_524 = tpu.memref_slice %arg5[%add3A_516, %dma_start3A_523] : memref<80x128xi32, #tpu.memory_space<vmem>> -> memref<1x128xi32, #tpu.memory_space<vmem>>
        %dma_start3A_525 = tpu.memref_squeeze %dma_start3A_524 : memref<1x128xi32, #tpu.memory_space<vmem>> -> memref<128xi32, #tpu.memory_space<vmem>>
        %dma_start3A_526 = arith.constant 0 : i32
        %dma_start3A_527 = arith.constant 0 : i32
        %dma_start3A_528 = tpu.memref_slice %arg2[%dma_start3A_526, %dma_start3A_527] : memref<10240x16xf32, #tpu.memory_space<hbm>> -> memref<10240x16xf32, #tpu.memory_space<hbm>>
        tpu.enqueue_indirect_dma source(%dma_start3A_528 : memref<10240x16xf32, #tpu.memory_space<hbm>>) target(%dma_start3A_522 : memref<128x16xf32, #tpu.memory_space<vmem>>) offsets(%dma_start3A_525 : memref<128xi32, #tpu.memory_space<vmem>>) semaphore(%arg9 : memref<!tpu.dma_semaphore, #tpu.memory_space<semaphore_mem>>)
        %add3A_529 = arith.constant 8 : i32
        %add3A_530 = arith.addi %mul3A_166, %add3A_529 : i32
        %add3A_531 = arith.constant 1 : i32
        %add3A_532 = arith.addi %add3A_530, %add3A_531 : i32
        %sub3A_533 = arith.constant 1 : i32
        %sub3A_534 = arith.subi %sub3A_533, %rem3A_164 : i32
        %dma_start3A_535 = arith.constant 1 : i32
        %dma_start3A_536 = arith.constant 0 : i32
        %dma_start3A_537 = arith.constant 0 : i32
        %dma_start3A_538 = tpu.memref_slice %arg7[%sub3A_534, %dma_start3A_535, %dma_start3A_536, %dma_start3A_537] : memref<2x8x128x16xf32, #tpu.memory_space<vmem>> -> memref<1x1x128x16xf32, #tpu.memory_space<vmem>>
        %dma_start3A_539 = tpu.memref_squeeze %dma_start3A_538 : memref<1x1x128x16xf32, #tpu.memory_space<vmem>> -> memref<128x16xf32, #tpu.memory_space<vmem>>
        %dma_start3A_540 = arith.constant 0 : i32
        %dma_start3A_541 = tpu.memref_slice %arg5[%add3A_532, %dma_start3A_540] : memref<80x128xi32, #tpu.memory_space<vmem>> -> memref<1x128xi32, #tpu.memory_space<vmem>>
        %dma_start3A_542 = tpu.memref_squeeze %dma_start3A_541 : memref<1x128xi32, #tpu.memory_space<vmem>> -> memref<128xi32, #tpu.memory_space<vmem>>
        %dma_start3A_543 = arith.constant 0 : i32
        %dma_start3A_544 = arith.constant 0 : i32
        %dma_start3A_545 = tpu.memref_slice %arg2[%dma_start3A_543, %dma_start3A_544] : memref<10240x16xf32, #tpu.memory_space<hbm>> -> memref<10240x16xf32, #tpu.memory_space<hbm>>
        tpu.enqueue_indirect_dma source(%dma_start3A_545 : memref<10240x16xf32, #tpu.memory_space<hbm>>) target(%dma_start3A_539 : memref<128x16xf32, #tpu.memory_space<vmem>>) offsets(%dma_start3A_542 : memref<128xi32, #tpu.memory_space<vmem>>) semaphore(%arg9 : memref<!tpu.dma_semaphore, #tpu.memory_space<semaphore_mem>>)
        %add3A_546 = arith.constant 8 : i32
        %add3A_547 = arith.addi %mul3A_166, %add3A_546 : i32
        %add3A_548 = arith.constant 2 : i32
        %add3A_549 = arith.addi %add3A_547, %add3A_548 : i32
        %sub3A_550 = arith.constant 1 : i32
        %sub3A_551 = arith.subi %sub3A_550, %rem3A_164 : i32
        %dma_start3A_552 = arith.constant 2 : i32
        %dma_start3A_553 = arith.constant 0 : i32
        %dma_start3A_554 = arith.constant 0 : i32
        %dma_start3A_555 = tpu.memref_slice %arg7[%sub3A_551, %dma_start3A_552, %dma_start3A_553, %dma_start3A_554] : memref<2x8x128x16xf32, #tpu.memory_space<vmem>> -> memref<1x1x128x16xf32, #tpu.memory_space<vmem>>
        %dma_start3A_556 = tpu.memref_squeeze %dma_start3A_555 : memref<1x1x128x16xf32, #tpu.memory_space<vmem>> -> memref<128x16xf32, #tpu.memory_space<vmem>>
        %dma_start3A_557 = arith.constant 0 : i32
        %dma_start3A_558 = tpu.memref_slice %arg5[%add3A_549, %dma_start3A_557] : memref<80x128xi32, #tpu.memory_space<vmem>> -> memref<1x128xi32, #tpu.memory_space<vmem>>
        %dma_start3A_559 = tpu.memref_squeeze %dma_start3A_558 : memref<1x128xi32, #tpu.memory_space<vmem>> -> memref<128xi32, #tpu.memory_space<vmem>>
        %dma_start3A_560 = arith.constant 0 : i32
        %dma_start3A_561 = arith.constant 0 : i32
        %dma_start3A_562 = tpu.memref_slice %arg2[%dma_start3A_560, %dma_start3A_561] : memref<10240x16xf32, #tpu.memory_space<hbm>> -> memref<10240x16xf32, #tpu.memory_space<hbm>>
        tpu.enqueue_indirect_dma source(%dma_start3A_562 : memref<10240x16xf32, #tpu.memory_space<hbm>>) target(%dma_start3A_556 : memref<128x16xf32, #tpu.memory_space<vmem>>) offsets(%dma_start3A_559 : memref<128xi32, #tpu.memory_space<vmem>>) semaphore(%arg9 : memref<!tpu.dma_semaphore, #tpu.memory_space<semaphore_mem>>)
        %add3A_563 = arith.constant 8 : i32
        %add3A_564 = arith.addi %mul3A_166, %add3A_563 : i32
        %add3A_565 = arith.constant 3 : i32
        %add3A_566 = arith.addi %add3A_564, %add3A_565 : i32
        %sub3A_567 = arith.constant 1 : i32
        %sub3A_568 = arith.subi %sub3A_567, %rem3A_164 : i32
        %dma_start3A_569 = arith.constant 3 : i32
        %dma_start3A_570 = arith.constant 0 : i32
        %dma_start3A_571 = arith.constant 0 : i32
        %dma_start3A_572 = tpu.memref_slice %arg7[%sub3A_568, %dma_start3A_569, %dma_start3A_570, %dma_start3A_571] : memref<2x8x128x16xf32, #tpu.memory_space<vmem>> -> memref<1x1x128x16xf32, #tpu.memory_space<vmem>>
        %dma_start3A_573 = tpu.memref_squeeze %dma_start3A_572 : memref<1x1x128x16xf32, #tpu.memory_space<vmem>> -> memref<128x16xf32, #tpu.memory_space<vmem>>
        %dma_start3A_574 = arith.constant 0 : i32
        %dma_start3A_575 = tpu.memref_slice %arg5[%add3A_566, %dma_start3A_574] : memref<80x128xi32, #tpu.memory_space<vmem>> -> memref<1x128xi32, #tpu.memory_space<vmem>>
        %dma_start3A_576 = tpu.memref_squeeze %dma_start3A_575 : memref<1x128xi32, #tpu.memory_space<vmem>> -> memref<128xi32, #tpu.memory_space<vmem>>
        %dma_start3A_577 = arith.constant 0 : i32
        %dma_start3A_578 = arith.constant 0 : i32
        %dma_start3A_579 = tpu.memref_slice %arg2[%dma_start3A_577, %dma_start3A_578] : memref<10240x16xf32, #tpu.memory_space<hbm>> -> memref<10240x16xf32, #tpu.memory_space<hbm>>
        tpu.enqueue_indirect_dma source(%dma_start3A_579 : memref<10240x16xf32, #tpu.memory_space<hbm>>) target(%dma_start3A_573 : memref<128x16xf32, #tpu.memory_space<vmem>>) offsets(%dma_start3A_576 : memref<128xi32, #tpu.memory_space<vmem>>) semaphore(%arg9 : memref<!tpu.dma_semaphore, #tpu.memory_space<semaphore_mem>>)
        %add3A_580 = arith.constant 8 : i32
        %add3A_581 = arith.addi %mul3A_166, %add3A_580 : i32
        %add3A_582 = arith.constant 4 : i32
        %add3A_583 = arith.addi %add3A_581, %add3A_582 : i32
        %sub3A_584 = arith.constant 1 : i32
        %sub3A_585 = arith.subi %sub3A_584, %rem3A_164 : i32
        %dma_start3A_586 = arith.constant 4 : i32
        %dma_start3A_587 = arith.constant 0 : i32
        %dma_start3A_588 = arith.constant 0 : i32
        %dma_start3A_589 = tpu.memref_slice %arg7[%sub3A_585, %dma_start3A_586, %dma_start3A_587, %dma_start3A_588] : memref<2x8x128x16xf32, #tpu.memory_space<vmem>> -> memref<1x1x128x16xf32, #tpu.memory_space<vmem>>
        %dma_start3A_590 = tpu.memref_squeeze %dma_start3A_589 : memref<1x1x128x16xf32, #tpu.memory_space<vmem>> -> memref<128x16xf32, #tpu.memory_space<vmem>>
        %dma_start3A_591 = arith.constant 0 : i32
        %dma_start3A_592 = tpu.memref_slice %arg5[%add3A_583, %dma_start3A_591] : memref<80x128xi32, #tpu.memory_space<vmem>> -> memref<1x128xi32, #tpu.memory_space<vmem>>
        %dma_start3A_593 = tpu.memref_squeeze %dma_start3A_592 : memref<1x128xi32, #tpu.memory_space<vmem>> -> memref<128xi32, #tpu.memory_space<vmem>>
        %dma_start3A_594 = arith.constant 0 : i32
        %dma_start3A_595 = arith.constant 0 : i32
        %dma_start3A_596 = tpu.memref_slice %arg2[%dma_start3A_594, %dma_start3A_595] : memref<10240x16xf32, #tpu.memory_space<hbm>> -> memref<10240x16xf32, #tpu.memory_space<hbm>>
        tpu.enqueue_indirect_dma source(%dma_start3A_596 : memref<10240x16xf32, #tpu.memory_space<hbm>>) target(%dma_start3A_590 : memref<128x16xf32, #tpu.memory_space<vmem>>) offsets(%dma_start3A_593 : memref<128xi32, #tpu.memory_space<vmem>>) semaphore(%arg9 : memref<!tpu.dma_semaphore, #tpu.memory_space<semaphore_mem>>)
        %add3A_597 = arith.constant 8 : i32
        %add3A_598 = arith.addi %mul3A_166, %add3A_597 : i32
        %add3A_599 = arith.constant 5 : i32
        %add3A_600 = arith.addi %add3A_598, %add3A_599 : i32
        %sub3A_601 = arith.constant 1 : i32
        %sub3A_602 = arith.subi %sub3A_601, %rem3A_164 : i32
        %dma_start3A_603 = arith.constant 5 : i32
        %dma_start3A_604 = arith.constant 0 : i32
        %dma_start3A_605 = arith.constant 0 : i32
        %dma_start3A_606 = tpu.memref_slice %arg7[%sub3A_602, %dma_start3A_603, %dma_start3A_604, %dma_start3A_605] : memref<2x8x128x16xf32, #tpu.memory_space<vmem>> -> memref<1x1x128x16xf32, #tpu.memory_space<vmem>>
        %dma_start3A_607 = tpu.memref_squeeze %dma_start3A_606 : memref<1x1x128x16xf32, #tpu.memory_space<vmem>> -> memref<128x16xf32, #tpu.memory_space<vmem>>
        %dma_start3A_608 = arith.constant 0 : i32
        %dma_start3A_609 = tpu.memref_slice %arg5[%add3A_600, %dma_start3A_608] : memref<80x128xi32, #tpu.memory_space<vmem>> -> memref<1x128xi32, #tpu.memory_space<vmem>>
        %dma_start3A_610 = tpu.memref_squeeze %dma_start3A_609 : memref<1x128xi32, #tpu.memory_space<vmem>> -> memref<128xi32, #tpu.memory_space<vmem>>
        %dma_start3A_611 = arith.constant 0 : i32
        %dma_start3A_612 = arith.constant 0 : i32
        %dma_start3A_613 = tpu.memref_slice %arg2[%dma_start3A_611, %dma_start3A_612] : memref<10240x16xf32, #tpu.memory_space<hbm>> -> memref<10240x16xf32, #tpu.memory_space<hbm>>
        tpu.enqueue_indirect_dma source(%dma_start3A_613 : memref<10240x16xf32, #tpu.memory_space<hbm>>) target(%dma_start3A_607 : memref<128x16xf32, #tpu.memory_space<vmem>>) offsets(%dma_start3A_610 : memref<128xi32, #tpu.memory_space<vmem>>) semaphore(%arg9 : memref<!tpu.dma_semaphore, #tpu.memory_space<semaphore_mem>>)
        %add3A_614 = arith.constant 8 : i32
        %add3A_615 = arith.addi %mul3A_166, %add3A_614 : i32
        %add3A_616 = arith.constant 6 : i32
        %add3A_617 = arith.addi %add3A_615, %add3A_616 : i32
        %sub3A_618 = arith.constant 1 : i32
        %sub3A_619 = arith.subi %sub3A_618, %rem3A_164 : i32
        %dma_start3A_620 = arith.constant 6 : i32
        %dma_start3A_621 = arith.constant 0 : i32
        %dma_start3A_622 = arith.constant 0 : i32
        %dma_start3A_623 = tpu.memref_slice %arg7[%sub3A_619, %dma_start3A_620, %dma_start3A_621, %dma_start3A_622] : memref<2x8x128x16xf32, #tpu.memory_space<vmem>> -> memref<1x1x128x16xf32, #tpu.memory_space<vmem>>
        %dma_start3A_624 = tpu.memref_squeeze %dma_start3A_623 : memref<1x1x128x16xf32, #tpu.memory_space<vmem>> -> memref<128x16xf32, #tpu.memory_space<vmem>>
        %dma_start3A_625 = arith.constant 0 : i32
        %dma_start3A_626 = tpu.memref_slice %arg5[%add3A_617, %dma_start3A_625] : memref<80x128xi32, #tpu.memory_space<vmem>> -> memref<1x128xi32, #tpu.memory_space<vmem>>
        %dma_start3A_627 = tpu.memref_squeeze %dma_start3A_626 : memref<1x128xi32, #tpu.memory_space<vmem>> -> memref<128xi32, #tpu.memory_space<vmem>>
        %dma_start3A_628 = arith.constant 0 : i32
        %dma_start3A_629 = arith.constant 0 : i32
        %dma_start3A_630 = tpu.memref_slice %arg2[%dma_start3A_628, %dma_start3A_629] : memref<10240x16xf32, #tpu.memory_space<hbm>> -> memref<10240x16xf32, #tpu.memory_space<hbm>>
        tpu.enqueue_indirect_dma source(%dma_start3A_630 : memref<10240x16xf32, #tpu.memory_space<hbm>>) target(%dma_start3A_624 : memref<128x16xf32, #tpu.memory_space<vmem>>) offsets(%dma_start3A_627 : memref<128xi32, #tpu.memory_space<vmem>>) semaphore(%arg9 : memref<!tpu.dma_semaphore, #tpu.memory_space<semaphore_mem>>)
        %add3A_631 = arith.constant 8 : i32
        %add3A_632 = arith.addi %mul3A_166, %add3A_631 : i32
        %add3A_633 = arith.constant 7 : i32
        %add3A_634 = arith.addi %add3A_632, %add3A_633 : i32
        %sub3A_635 = arith.constant 1 : i32
        %sub3A_636 = arith.subi %sub3A_635, %rem3A_164 : i32
        %dma_start3A_637 = arith.constant 7 : i32
        %dma_start3A_638 = arith.constant 0 : i32
        %dma_start3A_639 = arith.constant 0 : i32
        %dma_start3A_640 = tpu.memref_slice %arg7[%sub3A_636, %dma_start3A_637, %dma_start3A_638, %dma_start3A_639] : memref<2x8x128x16xf32, #tpu.memory_space<vmem>> -> memref<1x1x128x16xf32, #tpu.memory_space<vmem>>
        %dma_start3A_641 = tpu.memref_squeeze %dma_start3A_640 : memref<1x1x128x16xf32, #tpu.memory_space<vmem>> -> memref<128x16xf32, #tpu.memory_space<vmem>>
        %dma_start3A_642 = arith.constant 0 : i32
        %dma_start3A_643 = tpu.memref_slice %arg5[%add3A_634, %dma_start3A_642] : memref<80x128xi32, #tpu.memory_space<vmem>> -> memref<1x128xi32, #tpu.memory_space<vmem>>
        %dma_start3A_644 = tpu.memref_squeeze %dma_start3A_643 : memref<1x128xi32, #tpu.memory_space<vmem>> -> memref<128xi32, #tpu.memory_space<vmem>>
        %dma_start3A_645 = arith.constant 0 : i32
        %dma_start3A_646 = arith.constant 0 : i32
        %dma_start3A_647 = tpu.memref_slice %arg2[%dma_start3A_645, %dma_start3A_646] : memref<10240x16xf32, #tpu.memory_space<hbm>> -> memref<10240x16xf32, #tpu.memory_space<hbm>>
        tpu.enqueue_indirect_dma source(%dma_start3A_647 : memref<10240x16xf32, #tpu.memory_space<hbm>>) target(%dma_start3A_641 : memref<128x16xf32, #tpu.memory_space<vmem>>) offsets(%dma_start3A_644 : memref<128xi32, #tpu.memory_space<vmem>>) semaphore(%arg9 : memref<!tpu.dma_semaphore, #tpu.memory_space<semaphore_mem>>)
      } else {
      }
      %dma_wait3A_393 = arith.constant 0 : i32
      %dma_wait3A_394 = arith.constant 0 : i32
      %dma_wait3A_395 = arith.constant 0 : i32
      %dma_wait3A_396 = tpu.memref_slice %arg7[%rem3A_164, %dma_wait3A_393, %dma_wait3A_394, %dma_wait3A_395] : memref<2x8x128x16xf32, #tpu.memory_space<vmem>> -> memref<1x1x128x16xf32, #tpu.memory_space<vmem>>
      %dma_wait3A_397 = tpu.memref_squeeze %dma_wait3A_396 : memref<1x1x128x16xf32, #tpu.memory_space<vmem>> -> memref<128x16xf32, #tpu.memory_space<vmem>>
      %dma_wait3A_398 = arith.constant 0 : i32
      %dma_wait3A_399 = arith.constant 0 : i32
      %dma_wait3A_400 = tpu.memref_slice %arg8[%dma_wait3A_398, %dma_wait3A_399] : memref<10240x16xf32, #tpu.memory_space<vmem_shared>> -> memref<128x16xf32, #tpu.memory_space<vmem_shared>>
      %dma_wait3A_401 = arith.constant 0 : i32
      %dma_wait3A_402 = arith.constant 0 : i32
      %dma_wait3A_403 = tpu.memref_slice %arg8[%dma_wait3A_401, %dma_wait3A_402] : memref<10240x16xf32, #tpu.memory_space<vmem_shared>> -> memref<128x16xf32, #tpu.memory_space<vmem_shared>>
      %dma_wait3A_404 = arith.constant 0 : i32
      %dma_wait3A_405 = arith.constant 0 : i32
      %dma_wait3A_406 = tpu.memref_slice %arg7[%rem3A_164, %dma_wait3A_393, %dma_wait3A_404, %dma_wait3A_405] : memref<2x8x128x16xf32, #tpu.memory_space<vmem>> -> memref<1x1x128x16xf32, #tpu.memory_space<vmem>>
      %dma_wait3A_407 = tpu.memref_squeeze %dma_wait3A_406 : memref<1x1x128x16xf32, #tpu.memory_space<vmem>> -> memref<128x16xf32, #tpu.memory_space<vmem>>
      tpu.wait_dma2 semaphore(%arg10 : memref<!tpu.dma_semaphore, #tpu.memory_space<semaphore_mem>>) src(%dma_wait3A_407 : memref<128x16xf32, #tpu.memory_space<vmem>>) dst(%dma_wait3A_403 : memref<128x16xf32, #tpu.memory_space<vmem_shared>>)
      %dma_wait3A_408 = arith.constant 1 : i32
      %dma_wait3A_409 = arith.constant 0 : i32
      %dma_wait3A_410 = arith.constant 0 : i32
      %dma_wait3A_411 = tpu.memref_slice %arg7[%rem3A_164, %dma_wait3A_408, %dma_wait3A_409, %dma_wait3A_410] : memref<2x8x128x16xf32, #tpu.memory_space<vmem>> -> memref<1x1x128x16xf32, #tpu.memory_space<vmem>>
      %dma_wait3A_412 = tpu.memref_squeeze %dma_wait3A_411 : memref<1x1x128x16xf32, #tpu.memory_space<vmem>> -> memref<128x16xf32, #tpu.memory_space<vmem>>
      %dma_wait3A_413 = arith.constant 0 : i32
      %dma_wait3A_414 = arith.constant 0 : i32
      %dma_wait3A_415 = tpu.memref_slice %arg8[%dma_wait3A_413, %dma_wait3A_414] : memref<10240x16xf32, #tpu.memory_space<vmem_shared>> -> memref<128x16xf32, #tpu.memory_space<vmem_shared>>
      %dma_wait3A_416 = arith.constant 0 : i32
      %dma_wait3A_417 = arith.constant 0 : i32
      %dma_wait3A_418 = tpu.memref_slice %arg8[%dma_wait3A_416, %dma_wait3A_417] : memref<10240x16xf32, #tpu.memory_space<vmem_shared>> -> memref<128x16xf32, #tpu.memory_space<vmem_shared>>
      %dma_wait3A_419 = arith.constant 0 : i32
      %dma_wait3A_420 = arith.constant 0 : i32
      %dma_wait3A_421 = tpu.memref_slice %arg7[%rem3A_164, %dma_wait3A_408, %dma_wait3A_419, %dma_wait3A_420] : memref<2x8x128x16xf32, #tpu.memory_space<vmem>> -> memref<1x1x128x16xf32, #tpu.memory_space<vmem>>
      %dma_wait3A_422 = tpu.memref_squeeze %dma_wait3A_421 : memref<1x1x128x16xf32, #tpu.memory_space<vmem>> -> memref<128x16xf32, #tpu.memory_space<vmem>>
      tpu.wait_dma2 semaphore(%arg10 : memref<!tpu.dma_semaphore, #tpu.memory_space<semaphore_mem>>) src(%dma_wait3A_422 : memref<128x16xf32, #tpu.memory_space<vmem>>) dst(%dma_wait3A_418 : memref<128x16xf32, #tpu.memory_space<vmem_shared>>)
      %dma_wait3A_423 = arith.constant 2 : i32
      %dma_wait3A_424 = arith.constant 0 : i32
      %dma_wait3A_425 = arith.constant 0 : i32
      %dma_wait3A_426 = tpu.memref_slice %arg7[%rem3A_164, %dma_wait3A_423, %dma_wait3A_424, %dma_wait3A_425] : memref<2x8x128x16xf32, #tpu.memory_space<vmem>> -> memref<1x1x128x16xf32, #tpu.memory_space<vmem>>
      %dma_wait3A_427 = tpu.memref_squeeze %dma_wait3A_426 : memref<1x1x128x16xf32, #tpu.memory_space<vmem>> -> memref<128x16xf32, #tpu.memory_space<vmem>>
      %dma_wait3A_428 = arith.constant 0 : i32
      %dma_wait3A_429 = arith.constant 0 : i32
      %dma_wait3A_430 = tpu.memref_slice %arg8[%dma_wait3A_428, %dma_wait3A_429] : memref<10240x16xf32, #tpu.memory_space<vmem_shared>> -> memref<128x16xf32, #tpu.memory_space<vmem_shared>>
      %dma_wait3A_431 = arith.constant 0 : i32
      %dma_wait3A_432 = arith.constant 0 : i32
      %dma_wait3A_433 = tpu.memref_slice %arg8[%dma_wait3A_431, %dma_wait3A_432] : memref<10240x16xf32, #tpu.memory_space<vmem_shared>> -> memref<128x16xf32, #tpu.memory_space<vmem_shared>>
      %dma_wait3A_434 = arith.constant 0 : i32
      %dma_wait3A_435 = arith.constant 0 : i32
      %dma_wait3A_436 = tpu.memref_slice %arg7[%rem3A_164, %dma_wait3A_423, %dma_wait3A_434, %dma_wait3A_435] : memref<2x8x128x16xf32, #tpu.memory_space<vmem>> -> memref<1x1x128x16xf32, #tpu.memory_space<vmem>>
      %dma_wait3A_437 = tpu.memref_squeeze %dma_wait3A_436 : memref<1x1x128x16xf32, #tpu.memory_space<vmem>> -> memref<128x16xf32, #tpu.memory_space<vmem>>
      tpu.wait_dma2 semaphore(%arg10 : memref<!tpu.dma_semaphore, #tpu.memory_space<semaphore_mem>>) src(%dma_wait3A_437 : memref<128x16xf32, #tpu.memory_space<vmem>>) dst(%dma_wait3A_433 : memref<128x16xf32, #tpu.memory_space<vmem_shared>>)
      %dma_wait3A_438 = arith.constant 3 : i32
      %dma_wait3A_439 = arith.constant 0 : i32
      %dma_wait3A_440 = arith.constant 0 : i32
      %dma_wait3A_441 = tpu.memref_slice %arg7[%rem3A_164, %dma_wait3A_438, %dma_wait3A_439, %dma_wait3A_440] : memref<2x8x128x16xf32, #tpu.memory_space<vmem>> -> memref<1x1x128x16xf32, #tpu.memory_space<vmem>>
      %dma_wait3A_442 = tpu.memref_squeeze %dma_wait3A_441 : memref<1x1x128x16xf32, #tpu.memory_space<vmem>> -> memref<128x16xf32, #tpu.memory_space<vmem>>
      %dma_wait3A_443 = arith.constant 0 : i32
      %dma_wait3A_444 = arith.constant 0 : i32
      %dma_wait3A_445 = tpu.memref_slice %arg8[%dma_wait3A_443, %dma_wait3A_444] : memref<10240x16xf32, #tpu.memory_space<vmem_shared>> -> memref<128x16xf32, #tpu.memory_space<vmem_shared>>
      %dma_wait3A_446 = arith.constant 0 : i32
      %dma_wait3A_447 = arith.constant 0 : i32
      %dma_wait3A_448 = tpu.memref_slice %arg8[%dma_wait3A_446, %dma_wait3A_447] : memref<10240x16xf32, #tpu.memory_space<vmem_shared>> -> memref<128x16xf32, #tpu.memory_space<vmem_shared>>
      %dma_wait3A_449 = arith.constant 0 : i32
      %dma_wait3A_450 = arith.constant 0 : i32
      %dma_wait3A_451 = tpu.memref_slice %arg7[%rem3A_164, %dma_wait3A_438, %dma_wait3A_449, %dma_wait3A_450] : memref<2x8x128x16xf32, #tpu.memory_space<vmem>> -> memref<1x1x128x16xf32, #tpu.memory_space<vmem>>
      %dma_wait3A_452 = tpu.memref_squeeze %dma_wait3A_451 : memref<1x1x128x16xf32, #tpu.memory_space<vmem>> -> memref<128x16xf32, #tpu.memory_space<vmem>>
      tpu.wait_dma2 semaphore(%arg10 : memref<!tpu.dma_semaphore, #tpu.memory_space<semaphore_mem>>) src(%dma_wait3A_452 : memref<128x16xf32, #tpu.memory_space<vmem>>) dst(%dma_wait3A_448 : memref<128x16xf32, #tpu.memory_space<vmem_shared>>)
      %dma_wait3A_453 = arith.constant 4 : i32
      %dma_wait3A_454 = arith.constant 0 : i32
      %dma_wait3A_455 = arith.constant 0 : i32
      %dma_wait3A_456 = tpu.memref_slice %arg7[%rem3A_164, %dma_wait3A_453, %dma_wait3A_454, %dma_wait3A_455] : memref<2x8x128x16xf32, #tpu.memory_space<vmem>> -> memref<1x1x128x16xf32, #tpu.memory_space<vmem>>
      %dma_wait3A_457 = tpu.memref_squeeze %dma_wait3A_456 : memref<1x1x128x16xf32, #tpu.memory_space<vmem>> -> memref<128x16xf32, #tpu.memory_space<vmem>>
      %dma_wait3A_458 = arith.constant 0 : i32
      %dma_wait3A_459 = arith.constant 0 : i32
      %dma_wait3A_460 = tpu.memref_slice %arg8[%dma_wait3A_458, %dma_wait3A_459] : memref<10240x16xf32, #tpu.memory_space<vmem_shared>> -> memref<128x16xf32, #tpu.memory_space<vmem_shared>>
      %dma_wait3A_461 = arith.constant 0 : i32
      %dma_wait3A_462 = arith.constant 0 : i32
      %dma_wait3A_463 = tpu.memref_slice %arg8[%dma_wait3A_461, %dma_wait3A_462] : memref<10240x16xf32, #tpu.memory_space<vmem_shared>> -> memref<128x16xf32, #tpu.memory_space<vmem_shared>>
      %dma_wait3A_464 = arith.constant 0 : i32
      %dma_wait3A_465 = arith.constant 0 : i32
      %dma_wait3A_466 = tpu.memref_slice %arg7[%rem3A_164, %dma_wait3A_453, %dma_wait3A_464, %dma_wait3A_465] : memref<2x8x128x16xf32, #tpu.memory_space<vmem>> -> memref<1x1x128x16xf32, #tpu.memory_space<vmem>>
      %dma_wait3A_467 = tpu.memref_squeeze %dma_wait3A_466 : memref<1x1x128x16xf32, #tpu.memory_space<vmem>> -> memref<128x16xf32, #tpu.memory_space<vmem>>
      tpu.wait_dma2 semaphore(%arg10 : memref<!tpu.dma_semaphore, #tpu.memory_space<semaphore_mem>>) src(%dma_wait3A_467 : memref<128x16xf32, #tpu.memory_space<vmem>>) dst(%dma_wait3A_463 : memref<128x16xf32, #tpu.memory_space<vmem_shared>>)
      %dma_wait3A_468 = arith.constant 5 : i32
      %dma_wait3A_469 = arith.constant 0 : i32
      %dma_wait3A_470 = arith.constant 0 : i32
      %dma_wait3A_471 = tpu.memref_slice %arg7[%rem3A_164, %dma_wait3A_468, %dma_wait3A_469, %dma_wait3A_470] : memref<2x8x128x16xf32, #tpu.memory_space<vmem>> -> memref<1x1x128x16xf32, #tpu.memory_space<vmem>>
      %dma_wait3A_472 = tpu.memref_squeeze %dma_wait3A_471 : memref<1x1x128x16xf32, #tpu.memory_space<vmem>> -> memref<128x16xf32, #tpu.memory_space<vmem>>
      %dma_wait3A_473 = arith.constant 0 : i32
      %dma_wait3A_474 = arith.constant 0 : i32
      %dma_wait3A_475 = tpu.memref_slice %arg8[%dma_wait3A_473, %dma_wait3A_474] : memref<10240x16xf32, #tpu.memory_space<vmem_shared>> -> memref<128x16xf32, #tpu.memory_space<vmem_shared>>
      %dma_wait3A_476 = arith.constant 0 : i32
      %dma_wait3A_477 = arith.constant 0 : i32
      %dma_wait3A_478 = tpu.memref_slice %arg8[%dma_wait3A_476, %dma_wait3A_477] : memref<10240x16xf32, #tpu.memory_space<vmem_shared>> -> memref<128x16xf32, #tpu.memory_space<vmem_shared>>
      %dma_wait3A_479 = arith.constant 0 : i32
      %dma_wait3A_480 = arith.constant 0 : i32
      %dma_wait3A_481 = tpu.memref_slice %arg7[%rem3A_164, %dma_wait3A_468, %dma_wait3A_479, %dma_wait3A_480] : memref<2x8x128x16xf32, #tpu.memory_space<vmem>> -> memref<1x1x128x16xf32, #tpu.memory_space<vmem>>
      %dma_wait3A_482 = tpu.memref_squeeze %dma_wait3A_481 : memref<1x1x128x16xf32, #tpu.memory_space<vmem>> -> memref<128x16xf32, #tpu.memory_space<vmem>>
      tpu.wait_dma2 semaphore(%arg10 : memref<!tpu.dma_semaphore, #tpu.memory_space<semaphore_mem>>) src(%dma_wait3A_482 : memref<128x16xf32, #tpu.memory_space<vmem>>) dst(%dma_wait3A_478 : memref<128x16xf32, #tpu.memory_space<vmem_shared>>)
      %dma_wait3A_483 = arith.constant 6 : i32
      %dma_wait3A_484 = arith.constant 0 : i32
      %dma_wait3A_485 = arith.constant 0 : i32
      %dma_wait3A_486 = tpu.memref_slice %arg7[%rem3A_164, %dma_wait3A_483, %dma_wait3A_484, %dma_wait3A_485] : memref<2x8x128x16xf32, #tpu.memory_space<vmem>> -> memref<1x1x128x16xf32, #tpu.memory_space<vmem>>
      %dma_wait3A_487 = tpu.memref_squeeze %dma_wait3A_486 : memref<1x1x128x16xf32, #tpu.memory_space<vmem>> -> memref<128x16xf32, #tpu.memory_space<vmem>>
      %dma_wait3A_488 = arith.constant 0 : i32
      %dma_wait3A_489 = arith.constant 0 : i32
      %dma_wait3A_490 = tpu.memref_slice %arg8[%dma_wait3A_488, %dma_wait3A_489] : memref<10240x16xf32, #tpu.memory_space<vmem_shared>> -> memref<128x16xf32, #tpu.memory_space<vmem_shared>>
      %dma_wait3A_491 = arith.constant 0 : i32
      %dma_wait3A_492 = arith.constant 0 : i32
      %dma_wait3A_493 = tpu.memref_slice %arg8[%dma_wait3A_491, %dma_wait3A_492] : memref<10240x16xf32, #tpu.memory_space<vmem_shared>> -> memref<128x16xf32, #tpu.memory_space<vmem_shared>>
      %dma_wait3A_494 = arith.constant 0 : i32
      %dma_wait3A_495 = arith.constant 0 : i32
      %dma_wait3A_496 = tpu.memref_slice %arg7[%rem3A_164, %dma_wait3A_483, %dma_wait3A_494, %dma_wait3A_495] : memref<2x8x128x16xf32, #tpu.memory_space<vmem>> -> memref<1x1x128x16xf32, #tpu.memory_space<vmem>>
      %dma_wait3A_497 = tpu.memref_squeeze %dma_wait3A_496 : memref<1x1x128x16xf32, #tpu.memory_space<vmem>> -> memref<128x16xf32, #tpu.memory_space<vmem>>
      tpu.wait_dma2 semaphore(%arg10 : memref<!tpu.dma_semaphore, #tpu.memory_space<semaphore_mem>>) src(%dma_wait3A_497 : memref<128x16xf32, #tpu.memory_space<vmem>>) dst(%dma_wait3A_493 : memref<128x16xf32, #tpu.memory_space<vmem_shared>>)
      %dma_wait3A_498 = arith.constant 7 : i32
      %dma_wait3A_499 = arith.constant 0 : i32
      %dma_wait3A_500 = arith.constant 0 : i32
      %dma_wait3A_501 = tpu.memref_slice %arg7[%rem3A_164, %dma_wait3A_498, %dma_wait3A_499, %dma_wait3A_500] : memref<2x8x128x16xf32, #tpu.memory_space<vmem>> -> memref<1x1x128x16xf32, #tpu.memory_space<vmem>>
      %dma_wait3A_502 = tpu.memref_squeeze %dma_wait3A_501 : memref<1x1x128x16xf32, #tpu.memory_space<vmem>> -> memref<128x16xf32, #tpu.memory_space<vmem>>
      %dma_wait3A_503 = arith.constant 0 : i32
      %dma_wait3A_504 = arith.constant 0 : i32
      %dma_wait3A_505 = tpu.memref_slice %arg8[%dma_wait3A_503, %dma_wait3A_504] : memref<10240x16xf32, #tpu.memory_space<vmem_shared>> -> memref<128x16xf32, #tpu.memory_space<vmem_shared>>
      %dma_wait3A_506 = arith.constant 0 : i32
      %dma_wait3A_507 = arith.constant 0 : i32
      %dma_wait3A_508 = tpu.memref_slice %arg8[%dma_wait3A_506, %dma_wait3A_507] : memref<10240x16xf32, #tpu.memory_space<vmem_shared>> -> memref<128x16xf32, #tpu.memory_space<vmem_shared>>
      %dma_wait3A_509 = arith.constant 0 : i32
      %dma_wait3A_510 = arith.constant 0 : i32
      %dma_wait3A_511 = tpu.memref_slice %arg7[%rem3A_164, %dma_wait3A_498, %dma_wait3A_509, %dma_wait3A_510] : memref<2x8x128x16xf32, #tpu.memory_space<vmem>> -> memref<1x1x128x16xf32, #tpu.memory_space<vmem>>
      %dma_wait3A_512 = tpu.memref_squeeze %dma_wait3A_511 : memref<1x1x128x16xf32, #tpu.memory_space<vmem>> -> memref<128x16xf32, #tpu.memory_space<vmem>>
      tpu.wait_dma2 semaphore(%arg10 : memref<!tpu.dma_semaphore, #tpu.memory_space<semaphore_mem>>) src(%dma_wait3A_512 : memref<128x16xf32, #tpu.memory_space<vmem>>) dst(%dma_wait3A_508 : memref<128x16xf32, #tpu.memory_space<vmem_shared>>)
    }
    %while3A_154 = arith.constant 1 : i32
    scf.for %while3A_163 = %while3A_152 to %while3A_148 step %while3A_154  : i32 {
      %rem3A = arith.constant 2 : i32
      %rem3A_164 = arith.remsi %while3A_163, %rem3A : i32
      %mul3A_165 = arith.constant 8 : i32
      %mul3A_166 = arith.muli %while3A_163, %mul3A_165 : i32
      %dma_wait3A = arith.constant 0 : i32
      %dma_wait3A_167 = arith.constant 0 : i32
      %dma_wait3A_168 = arith.constant 0 : i32
      %dma_wait3A_169 = tpu.memref_slice %arg7[%rem3A_164, %dma_wait3A, %dma_wait3A_167, %dma_wait3A_168] : memref<2x8x128x16xf32, #tpu.memory_space<vmem>> -> memref<1x1x128x16xf32, #tpu.memory_space<vmem>>
      %dma_wait3A_170 = tpu.memref_squeeze %dma_wait3A_169 : memref<1x1x128x16xf32, #tpu.memory_space<vmem>> -> memref<128x16xf32, #tpu.memory_space<vmem>>
      %dma_wait3A_171 = arith.constant 0 : i32
      %dma_wait3A_172 = arith.constant 0 : i32
      %dma_wait3A_173 = tpu.memref_slice %arg2[%dma_wait3A_171, %dma_wait3A_172] : memref<10240x16xf32, #tpu.memory_space<hbm>> -> memref<128x16xf32, #tpu.memory_space<hbm>>
      %dma_wait3A_174 = arith.constant 0 : i32
      %dma_wait3A_175 = arith.constant 0 : i32
      %dma_wait3A_176 = tpu.memref_slice %arg7[%rem3A_164, %dma_wait3A, %dma_wait3A_174, %dma_wait3A_175] : memref<2x8x128x16xf32, #tpu.memory_space<vmem>> -> memref<1x1x128x16xf32, #tpu.memory_space<vmem>>
      %dma_wait3A_177 = tpu.memref_squeeze %dma_wait3A_176 : memref<1x1x128x16xf32, #tpu.memory_space<vmem>> -> memref<128x16xf32, #tpu.memory_space<vmem>>
      %dma_wait3A_178 = arith.constant 0 : i32
      %dma_wait3A_179 = arith.constant 0 : i32
      %dma_wait3A_180 = tpu.memref_slice %arg2[%dma_wait3A_178, %dma_wait3A_179] : memref<10240x16xf32, #tpu.memory_space<hbm>> -> memref<128x16xf32, #tpu.memory_space<hbm>>
      tpu.wait_dma2 semaphore(%arg9 : memref<!tpu.dma_semaphore, #tpu.memory_space<semaphore_mem>>) src(%dma_wait3A_180 : memref<128x16xf32, #tpu.memory_space<hbm>>) dst(%dma_wait3A_177 : memref<128x16xf32, #tpu.memory_space<vmem>>)
      %dma_wait3A_181 = arith.constant 1 : i32
      %dma_wait3A_182 = arith.constant 0 : i32
      %dma_wait3A_183 = arith.constant 0 : i32
      %dma_wait3A_184 = tpu.memref_slice %arg7[%rem3A_164, %dma_wait3A_181, %dma_wait3A_182, %dma_wait3A_183] : memref<2x8x128x16xf32, #tpu.memory_space<vmem>> -> memref<1x1x128x16xf32, #tpu.memory_space<vmem>>
      %dma_wait3A_185 = tpu.memref_squeeze %dma_wait3A_184 : memref<1x1x128x16xf32, #tpu.memory_space<vmem>> -> memref<128x16xf32, #tpu.memory_space<vmem>>
      %dma_wait3A_186 = arith.constant 0 : i32
      %dma_wait3A_187 = arith.constant 0 : i32
      %dma_wait3A_188 = tpu.memref_slice %arg2[%dma_wait3A_186, %dma_wait3A_187] : memref<10240x16xf32, #tpu.memory_space<hbm>> -> memref<128x16xf32, #tpu.memory_space<hbm>>
      %dma_wait3A_189 = arith.constant 0 : i32
      %dma_wait3A_190 = arith.constant 0 : i32
      %dma_wait3A_191 = tpu.memref_slice %arg7[%rem3A_164, %dma_wait3A_181, %dma_wait3A_189, %dma_wait3A_190] : memref<2x8x128x16xf32, #tpu.memory_space<vmem>> -> memref<1x1x128x16xf32, #tpu.memory_space<vmem>>
      %dma_wait3A_192 = tpu.memref_squeeze %dma_wait3A_191 : memref<1x1x128x16xf32, #tpu.memory_space<vmem>> -> memref<128x16xf32, #tpu.memory_space<vmem>>
      %dma_wait3A_193 = arith.constant 0 : i32
      %dma_wait3A_194 = arith.constant 0 : i32
      %dma_wait3A_195 = tpu.memref_slice %arg2[%dma_wait3A_193, %dma_wait3A_194] : memref<10240x16xf32, #tpu.memory_space<hbm>> -> memref<128x16xf32, #tpu.memory_space<hbm>>
      tpu.wait_dma2 semaphore(%arg9 : memref<!tpu.dma_semaphore, #tpu.memory_space<semaphore_mem>>) src(%dma_wait3A_195 : memref<128x16xf32, #tpu.memory_space<hbm>>) dst(%dma_wait3A_192 : memref<128x16xf32, #tpu.memory_space<vmem>>)
      %dma_wait3A_196 = arith.constant 2 : i32
      %dma_wait3A_197 = arith.constant 0 : i32
      %dma_wait3A_198 = arith.constant 0 : i32
      %dma_wait3A_199 = tpu.memref_slice %arg7[%rem3A_164, %dma_wait3A_196, %dma_wait3A_197, %dma_wait3A_198] : memref<2x8x128x16xf32, #tpu.memory_space<vmem>> -> memref<1x1x128x16xf32, #tpu.memory_space<vmem>>
      %dma_wait3A_200 = tpu.memref_squeeze %dma_wait3A_199 : memref<1x1x128x16xf32, #tpu.memory_space<vmem>> -> memref<128x16xf32, #tpu.memory_space<vmem>>
      %dma_wait3A_201 = arith.constant 0 : i32
      %dma_wait3A_202 = arith.constant 0 : i32
      %dma_wait3A_203 = tpu.memref_slice %arg2[%dma_wait3A_201, %dma_wait3A_202] : memref<10240x16xf32, #tpu.memory_space<hbm>> -> memref<128x16xf32, #tpu.memory_space<hbm>>
      %dma_wait3A_204 = arith.constant 0 : i32
      %dma_wait3A_205 = arith.constant 0 : i32
      %dma_wait3A_206 = tpu.memref_slice %arg7[%rem3A_164, %dma_wait3A_196, %dma_wait3A_204, %dma_wait3A_205] : memref<2x8x128x16xf32, #tpu.memory_space<vmem>> -> memref<1x1x128x16xf32, #tpu.memory_space<vmem>>
      %dma_wait3A_207 = tpu.memref_squeeze %dma_wait3A_206 : memref<1x1x128x16xf32, #tpu.memory_space<vmem>> -> memref<128x16xf32, #tpu.memory_space<vmem>>
      %dma_wait3A_208 = arith.constant 0 : i32
      %dma_wait3A_209 = arith.constant 0 : i32
      %dma_wait3A_210 = tpu.memref_slice %arg2[%dma_wait3A_208, %dma_wait3A_209] : memref<10240x16xf32, #tpu.memory_space<hbm>> -> memref<128x16xf32, #tpu.memory_space<hbm>>
      tpu.wait_dma2 semaphore(%arg9 : memref<!tpu.dma_semaphore, #tpu.memory_space<semaphore_mem>>) src(%dma_wait3A_210 : memref<128x16xf32, #tpu.memory_space<hbm>>) dst(%dma_wait3A_207 : memref<128x16xf32, #tpu.memory_space<vmem>>)
      %dma_wait3A_211 = arith.constant 3 : i32
      %dma_wait3A_212 = arith.constant 0 : i32
      %dma_wait3A_213 = arith.constant 0 : i32
      %dma_wait3A_214 = tpu.memref_slice %arg7[%rem3A_164, %dma_wait3A_211, %dma_wait3A_212, %dma_wait3A_213] : memref<2x8x128x16xf32, #tpu.memory_space<vmem>> -> memref<1x1x128x16xf32, #tpu.memory_space<vmem>>
      %dma_wait3A_215 = tpu.memref_squeeze %dma_wait3A_214 : memref<1x1x128x16xf32, #tpu.memory_space<vmem>> -> memref<128x16xf32, #tpu.memory_space<vmem>>
      %dma_wait3A_216 = arith.constant 0 : i32
      %dma_wait3A_217 = arith.constant 0 : i32
      %dma_wait3A_218 = tpu.memref_slice %arg2[%dma_wait3A_216, %dma_wait3A_217] : memref<10240x16xf32, #tpu.memory_space<hbm>> -> memref<128x16xf32, #tpu.memory_space<hbm>>
      %dma_wait3A_219 = arith.constant 0 : i32
      %dma_wait3A_220 = arith.constant 0 : i32
      %dma_wait3A_221 = tpu.memref_slice %arg7[%rem3A_164, %dma_wait3A_211, %dma_wait3A_219, %dma_wait3A_220] : memref<2x8x128x16xf32, #tpu.memory_space<vmem>> -> memref<1x1x128x16xf32, #tpu.memory_space<vmem>>
      %dma_wait3A_222 = tpu.memref_squeeze %dma_wait3A_221 : memref<1x1x128x16xf32, #tpu.memory_space<vmem>> -> memref<128x16xf32, #tpu.memory_space<vmem>>
      %dma_wait3A_223 = arith.constant 0 : i32
      %dma_wait3A_224 = arith.constant 0 : i32
      %dma_wait3A_225 = tpu.memref_slice %arg2[%dma_wait3A_223, %dma_wait3A_224] : memref<10240x16xf32, #tpu.memory_space<hbm>> -> memref<128x16xf32, #tpu.memory_space<hbm>>
      tpu.wait_dma2 semaphore(%arg9 : memref<!tpu.dma_semaphore, #tpu.memory_space<semaphore_mem>>) src(%dma_wait3A_225 : memref<128x16xf32, #tpu.memory_space<hbm>>) dst(%dma_wait3A_222 : memref<128x16xf32, #tpu.memory_space<vmem>>)
      %dma_wait3A_226 = arith.constant 4 : i32
      %dma_wait3A_227 = arith.constant 0 : i32
      %dma_wait3A_228 = arith.constant 0 : i32
      %dma_wait3A_229 = tpu.memref_slice %arg7[%rem3A_164, %dma_wait3A_226, %dma_wait3A_227, %dma_wait3A_228] : memref<2x8x128x16xf32, #tpu.memory_space<vmem>> -> memref<1x1x128x16xf32, #tpu.memory_space<vmem>>
      %dma_wait3A_230 = tpu.memref_squeeze %dma_wait3A_229 : memref<1x1x128x16xf32, #tpu.memory_space<vmem>> -> memref<128x16xf32, #tpu.memory_space<vmem>>
      %dma_wait3A_231 = arith.constant 0 : i32
      %dma_wait3A_232 = arith.constant 0 : i32
      %dma_wait3A_233 = tpu.memref_slice %arg2[%dma_wait3A_231, %dma_wait3A_232] : memref<10240x16xf32, #tpu.memory_space<hbm>> -> memref<128x16xf32, #tpu.memory_space<hbm>>
      %dma_wait3A_234 = arith.constant 0 : i32
      %dma_wait3A_235 = arith.constant 0 : i32
      %dma_wait3A_236 = tpu.memref_slice %arg7[%rem3A_164, %dma_wait3A_226, %dma_wait3A_234, %dma_wait3A_235] : memref<2x8x128x16xf32, #tpu.memory_space<vmem>> -> memref<1x1x128x16xf32, #tpu.memory_space<vmem>>
      %dma_wait3A_237 = tpu.memref_squeeze %dma_wait3A_236 : memref<1x1x128x16xf32, #tpu.memory_space<vmem>> -> memref<128x16xf32, #tpu.memory_space<vmem>>
      %dma_wait3A_238 = arith.constant 0 : i32
      %dma_wait3A_239 = arith.constant 0 : i32
      %dma_wait3A_240 = tpu.memref_slice %arg2[%dma_wait3A_238, %dma_wait3A_239] : memref<10240x16xf32, #tpu.memory_space<hbm>> -> memref<128x16xf32, #tpu.memory_space<hbm>>
      tpu.wait_dma2 semaphore(%arg9 : memref<!tpu.dma_semaphore, #tpu.memory_space<semaphore_mem>>) src(%dma_wait3A_240 : memref<128x16xf32, #tpu.memory_space<hbm>>) dst(%dma_wait3A_237 : memref<128x16xf32, #tpu.memory_space<vmem>>)
      %dma_wait3A_241 = arith.constant 5 : i32
      %dma_wait3A_242 = arith.constant 0 : i32
      %dma_wait3A_243 = arith.constant 0 : i32
      %dma_wait3A_244 = tpu.memref_slice %arg7[%rem3A_164, %dma_wait3A_241, %dma_wait3A_242, %dma_wait3A_243] : memref<2x8x128x16xf32, #tpu.memory_space<vmem>> -> memref<1x1x128x16xf32, #tpu.memory_space<vmem>>
      %dma_wait3A_245 = tpu.memref_squeeze %dma_wait3A_244 : memref<1x1x128x16xf32, #tpu.memory_space<vmem>> -> memref<128x16xf32, #tpu.memory_space<vmem>>
      %dma_wait3A_246 = arith.constant 0 : i32
      %dma_wait3A_247 = arith.constant 0 : i32
      %dma_wait3A_248 = tpu.memref_slice %arg2[%dma_wait3A_246, %dma_wait3A_247] : memref<10240x16xf32, #tpu.memory_space<hbm>> -> memref<128x16xf32, #tpu.memory_space<hbm>>
      %dma_wait3A_249 = arith.constant 0 : i32
      %dma_wait3A_250 = arith.constant 0 : i32
      %dma_wait3A_251 = tpu.memref_slice %arg7[%rem3A_164, %dma_wait3A_241, %dma_wait3A_249, %dma_wait3A_250] : memref<2x8x128x16xf32, #tpu.memory_space<vmem>> -> memref<1x1x128x16xf32, #tpu.memory_space<vmem>>
      %dma_wait3A_252 = tpu.memref_squeeze %dma_wait3A_251 : memref<1x1x128x16xf32, #tpu.memory_space<vmem>> -> memref<128x16xf32, #tpu.memory_space<vmem>>
      %dma_wait3A_253 = arith.constant 0 : i32
      %dma_wait3A_254 = arith.constant 0 : i32
      %dma_wait3A_255 = tpu.memref_slice %arg2[%dma_wait3A_253, %dma_wait3A_254] : memref<10240x16xf32, #tpu.memory_space<hbm>> -> memref<128x16xf32, #tpu.memory_space<hbm>>
      tpu.wait_dma2 semaphore(%arg9 : memref<!tpu.dma_semaphore, #tpu.memory_space<semaphore_mem>>) src(%dma_wait3A_255 : memref<128x16xf32, #tpu.memory_space<hbm>>) dst(%dma_wait3A_252 : memref<128x16xf32, #tpu.memory_space<vmem>>)
      %dma_wait3A_256 = arith.constant 6 : i32
      %dma_wait3A_257 = arith.constant 0 : i32
      %dma_wait3A_258 = arith.constant 0 : i32
      %dma_wait3A_259 = tpu.memref_slice %arg7[%rem3A_164, %dma_wait3A_256, %dma_wait3A_257, %dma_wait3A_258] : memref<2x8x128x16xf32, #tpu.memory_space<vmem>> -> memref<1x1x128x16xf32, #tpu.memory_space<vmem>>
      %dma_wait3A_260 = tpu.memref_squeeze %dma_wait3A_259 : memref<1x1x128x16xf32, #tpu.memory_space<vmem>> -> memref<128x16xf32, #tpu.memory_space<vmem>>
      %dma_wait3A_261 = arith.constant 0 : i32
      %dma_wait3A_262 = arith.constant 0 : i32
      %dma_wait3A_263 = tpu.memref_slice %arg2[%dma_wait3A_261, %dma_wait3A_262] : memref<10240x16xf32, #tpu.memory_space<hbm>> -> memref<128x16xf32, #tpu.memory_space<hbm>>
      %dma_wait3A_264 = arith.constant 0 : i32
      %dma_wait3A_265 = arith.constant 0 : i32
      %dma_wait3A_266 = tpu.memref_slice %arg7[%rem3A_164, %dma_wait3A_256, %dma_wait3A_264, %dma_wait3A_265] : memref<2x8x128x16xf32, #tpu.memory_space<vmem>> -> memref<1x1x128x16xf32, #tpu.memory_space<vmem>>
      %dma_wait3A_267 = tpu.memref_squeeze %dma_wait3A_266 : memref<1x1x128x16xf32, #tpu.memory_space<vmem>> -> memref<128x16xf32, #tpu.memory_space<vmem>>
      %dma_wait3A_268 = arith.constant 0 : i32
      %dma_wait3A_269 = arith.constant 0 : i32
      %dma_wait3A_270 = tpu.memref_slice %arg2[%dma_wait3A_268, %dma_wait3A_269] : memref<10240x16xf32, #tpu.memory_space<hbm>> -> memref<128x16xf32, #tpu.memory_space<hbm>>
      tpu.wait_dma2 semaphore(%arg9 : memref<!tpu.dma_semaphore, #tpu.memory_space<semaphore_mem>>) src(%dma_wait3A_270 : memref<128x16xf32, #tpu.memory_space<hbm>>) dst(%dma_wait3A_267 : memref<128x16xf32, #tpu.memory_space<vmem>>)
      %dma_wait3A_271 = arith.constant 7 : i32
      %dma_wait3A_272 = arith.constant 0 : i32
      %dma_wait3A_273 = arith.constant 0 : i32
      %dma_wait3A_274 = tpu.memref_slice %arg7[%rem3A_164, %dma_wait3A_271, %dma_wait3A_272, %dma_wait3A_273] : memref<2x8x128x16xf32, #tpu.memory_space<vmem>> -> memref<1x1x128x16xf32, #tpu.memory_space<vmem>>
      %dma_wait3A_275 = tpu.memref_squeeze %dma_wait3A_274 : memref<1x1x128x16xf32, #tpu.memory_space<vmem>> -> memref<128x16xf32, #tpu.memory_space<vmem>>
      %dma_wait3A_276 = arith.constant 0 : i32
      %dma_wait3A_277 = arith.constant 0 : i32
      %dma_wait3A_278 = tpu.memref_slice %arg2[%dma_wait3A_276, %dma_wait3A_277] : memref<10240x16xf32, #tpu.memory_space<hbm>> -> memref<128x16xf32, #tpu.memory_space<hbm>>
      %dma_wait3A_279 = arith.constant 0 : i32
      %dma_wait3A_280 = arith.constant 0 : i32
      %dma_wait3A_281 = tpu.memref_slice %arg7[%rem3A_164, %dma_wait3A_271, %dma_wait3A_279, %dma_wait3A_280] : memref<2x8x128x16xf32, #tpu.memory_space<vmem>> -> memref<1x1x128x16xf32, #tpu.memory_space<vmem>>
      %dma_wait3A_282 = tpu.memref_squeeze %dma_wait3A_281 : memref<1x1x128x16xf32, #tpu.memory_space<vmem>> -> memref<128x16xf32, #tpu.memory_space<vmem>>
      %dma_wait3A_283 = arith.constant 0 : i32
      %dma_wait3A_284 = arith.constant 0 : i32
      %dma_wait3A_285 = tpu.memref_slice %arg2[%dma_wait3A_283, %dma_wait3A_284] : memref<10240x16xf32, #tpu.memory_space<hbm>> -> memref<128x16xf32, #tpu.memory_space<hbm>>
      tpu.wait_dma2 semaphore(%arg9 : memref<!tpu.dma_semaphore, #tpu.memory_space<semaphore_mem>>) src(%dma_wait3A_285 : memref<128x16xf32, #tpu.memory_space<hbm>>) dst(%dma_wait3A_282 : memref<128x16xf32, #tpu.memory_space<vmem>>)
      %add3A_286 = arith.constant 0 : i32
      %add3A_287 = arith.addi %mul3A_166, %add3A_286 : i32
      %dma_start3A_288 = arith.constant 0 : i32
      %dma_start3A_289 = arith.constant 0 : i32
      %dma_start3A_290 = arith.constant 0 : i32
      %dma_start3A_291 = tpu.memref_slice %arg7[%rem3A_164, %dma_start3A_288, %dma_start3A_289, %dma_start3A_290] : memref<2x8x128x16xf32, #tpu.memory_space<vmem>> -> memref<1x1x128x16xf32, #tpu.memory_space<vmem>>
      %dma_start3A_292 = tpu.memref_squeeze %dma_start3A_291 : memref<1x1x128x16xf32, #tpu.memory_space<vmem>> -> memref<128x16xf32, #tpu.memory_space<vmem>>
      %dma_start3A_293 = arith.constant 0 : i32
      %dma_start3A_294 = tpu.memref_slice %arg6[%add3A_287, %dma_start3A_293] : memref<80x128xi32, #tpu.memory_space<vmem>> -> memref<1x128xi32, #tpu.memory_space<vmem>>
      %dma_start3A_295 = tpu.memref_squeeze %dma_start3A_294 : memref<1x128xi32, #tpu.memory_space<vmem>> -> memref<128xi32, #tpu.memory_space<vmem>>
      %dma_start3A_296 = arith.constant 0 : i32
      %dma_start3A_297 = arith.constant 0 : i32
      %dma_start3A_298 = tpu.memref_slice %arg8[%dma_start3A_296, %dma_start3A_297] : memref<10240x16xf32, #tpu.memory_space<vmem_shared>> -> memref<10240x16xf32, #tpu.memory_space<vmem_shared>>
      tpu.enqueue_indirect_dma source(%dma_start3A_292 : memref<128x16xf32, #tpu.memory_space<vmem>>) target(%dma_start3A_298 : memref<10240x16xf32, #tpu.memory_space<vmem_shared>>) offsets(%dma_start3A_295 : memref<128xi32, #tpu.memory_space<vmem>>) semaphore(%arg10 : memref<!tpu.dma_semaphore, #tpu.memory_space<semaphore_mem>>) {add = true}
      %add3A_299 = arith.constant 1 : i32
      %add3A_300 = arith.addi %mul3A_166, %add3A_299 : i32
      %dma_start3A_301 = arith.constant 1 : i32
      %dma_start3A_302 = arith.constant 0 : i32
      %dma_start3A_303 = arith.constant 0 : i32
      %dma_start3A_304 = tpu.memref_slice %arg7[%rem3A_164, %dma_start3A_301, %dma_start3A_302, %dma_start3A_303] : memref<2x8x128x16xf32, #tpu.memory_space<vmem>> -> memref<1x1x128x16xf32, #tpu.memory_space<vmem>>
      %dma_start3A_305 = tpu.memref_squeeze %dma_start3A_304 : memref<1x1x128x16xf32, #tpu.memory_space<vmem>> -> memref<128x16xf32, #tpu.memory_space<vmem>>
      %dma_start3A_306 = arith.constant 0 : i32
      %dma_start3A_307 = tpu.memref_slice %arg6[%add3A_300, %dma_start3A_306] : memref<80x128xi32, #tpu.memory_space<vmem>> -> memref<1x128xi32, #tpu.memory_space<vmem>>
      %dma_start3A_308 = tpu.memref_squeeze %dma_start3A_307 : memref<1x128xi32, #tpu.memory_space<vmem>> -> memref<128xi32, #tpu.memory_space<vmem>>
      %dma_start3A_309 = arith.constant 0 : i32
      %dma_start3A_310 = arith.constant 0 : i32
      %dma_start3A_311 = tpu.memref_slice %arg8[%dma_start3A_309, %dma_start3A_310] : memref<10240x16xf32, #tpu.memory_space<vmem_shared>> -> memref<10240x16xf32, #tpu.memory_space<vmem_shared>>
      tpu.enqueue_indirect_dma source(%dma_start3A_305 : memref<128x16xf32, #tpu.memory_space<vmem>>) target(%dma_start3A_311 : memref<10240x16xf32, #tpu.memory_space<vmem_shared>>) offsets(%dma_start3A_308 : memref<128xi32, #tpu.memory_space<vmem>>) semaphore(%arg10 : memref<!tpu.dma_semaphore, #tpu.memory_space<semaphore_mem>>) {add = true}
      %add3A_312 = arith.constant 2 : i32
      %add3A_313 = arith.addi %mul3A_166, %add3A_312 : i32
      %dma_start3A_314 = arith.constant 2 : i32
      %dma_start3A_315 = arith.constant 0 : i32
      %dma_start3A_316 = arith.constant 0 : i32
      %dma_start3A_317 = tpu.memref_slice %arg7[%rem3A_164, %dma_start3A_314, %dma_start3A_315, %dma_start3A_316] : memref<2x8x128x16xf32, #tpu.memory_space<vmem>> -> memref<1x1x128x16xf32, #tpu.memory_space<vmem>>
      %dma_start3A_318 = tpu.memref_squeeze %dma_start3A_317 : memref<1x1x128x16xf32, #tpu.memory_space<vmem>> -> memref<128x16xf32, #tpu.memory_space<vmem>>
      %dma_start3A_319 = arith.constant 0 : i32
      %dma_start3A_320 = tpu.memref_slice %arg6[%add3A_313, %dma_start3A_319] : memref<80x128xi32, #tpu.memory_space<vmem>> -> memref<1x128xi32, #tpu.memory_space<vmem>>
      %dma_start3A_321 = tpu.memref_squeeze %dma_start3A_320 : memref<1x128xi32, #tpu.memory_space<vmem>> -> memref<128xi32, #tpu.memory_space<vmem>>
      %dma_start3A_322 = arith.constant 0 : i32
      %dma_start3A_323 = arith.constant 0 : i32
      %dma_start3A_324 = tpu.memref_slice %arg8[%dma_start3A_322, %dma_start3A_323] : memref<10240x16xf32, #tpu.memory_space<vmem_shared>> -> memref<10240x16xf32, #tpu.memory_space<vmem_shared>>
      tpu.enqueue_indirect_dma source(%dma_start3A_318 : memref<128x16xf32, #tpu.memory_space<vmem>>) target(%dma_start3A_324 : memref<10240x16xf32, #tpu.memory_space<vmem_shared>>) offsets(%dma_start3A_321 : memref<128xi32, #tpu.memory_space<vmem>>) semaphore(%arg10 : memref<!tpu.dma_semaphore, #tpu.memory_space<semaphore_mem>>) {add = true}
      %add3A_325 = arith.constant 3 : i32
      %add3A_326 = arith.addi %mul3A_166, %add3A_325 : i32
      %dma_start3A_327 = arith.constant 3 : i32
      %dma_start3A_328 = arith.constant 0 : i32
      %dma_start3A_329 = arith.constant 0 : i32
      %dma_start3A_330 = tpu.memref_slice %arg7[%rem3A_164, %dma_start3A_327, %dma_start3A_328, %dma_start3A_329] : memref<2x8x128x16xf32, #tpu.memory_space<vmem>> -> memref<1x1x128x16xf32, #tpu.memory_space<vmem>>
      %dma_start3A_331 = tpu.memref_squeeze %dma_start3A_330 : memref<1x1x128x16xf32, #tpu.memory_space<vmem>> -> memref<128x16xf32, #tpu.memory_space<vmem>>
      %dma_start3A_332 = arith.constant 0 : i32
      %dma_start3A_333 = tpu.memref_slice %arg6[%add3A_326, %dma_start3A_332] : memref<80x128xi32, #tpu.memory_space<vmem>> -> memref<1x128xi32, #tpu.memory_space<vmem>>
      %dma_start3A_334 = tpu.memref_squeeze %dma_start3A_333 : memref<1x128xi32, #tpu.memory_space<vmem>> -> memref<128xi32, #tpu.memory_space<vmem>>
      %dma_start3A_335 = arith.constant 0 : i32
      %dma_start3A_336 = arith.constant 0 : i32
      %dma_start3A_337 = tpu.memref_slice %arg8[%dma_start3A_335, %dma_start3A_336] : memref<10240x16xf32, #tpu.memory_space<vmem_shared>> -> memref<10240x16xf32, #tpu.memory_space<vmem_shared>>
      tpu.enqueue_indirect_dma source(%dma_start3A_331 : memref<128x16xf32, #tpu.memory_space<vmem>>) target(%dma_start3A_337 : memref<10240x16xf32, #tpu.memory_space<vmem_shared>>) offsets(%dma_start3A_334 : memref<128xi32, #tpu.memory_space<vmem>>) semaphore(%arg10 : memref<!tpu.dma_semaphore, #tpu.memory_space<semaphore_mem>>) {add = true}
      %add3A_338 = arith.constant 4 : i32
      %add3A_339 = arith.addi %mul3A_166, %add3A_338 : i32
      %dma_start3A_340 = arith.constant 4 : i32
      %dma_start3A_341 = arith.constant 0 : i32
      %dma_start3A_342 = arith.constant 0 : i32
      %dma_start3A_343 = tpu.memref_slice %arg7[%rem3A_164, %dma_start3A_340, %dma_start3A_341, %dma_start3A_342] : memref<2x8x128x16xf32, #tpu.memory_space<vmem>> -> memref<1x1x128x16xf32, #tpu.memory_space<vmem>>
      %dma_start3A_344 = tpu.memref_squeeze %dma_start3A_343 : memref<1x1x128x16xf32, #tpu.memory_space<vmem>> -> memref<128x16xf32, #tpu.memory_space<vmem>>
      %dma_start3A_345 = arith.constant 0 : i32
      %dma_start3A_346 = tpu.memref_slice %arg6[%add3A_339, %dma_start3A_345] : memref<80x128xi32, #tpu.memory_space<vmem>> -> memref<1x128xi32, #tpu.memory_space<vmem>>
      %dma_start3A_347 = tpu.memref_squeeze %dma_start3A_346 : memref<1x128xi32, #tpu.memory_space<vmem>> -> memref<128xi32, #tpu.memory_space<vmem>>
      %dma_start3A_348 = arith.constant 0 : i32
      %dma_start3A_349 = arith.constant 0 : i32
      %dma_start3A_350 = tpu.memref_slice %arg8[%dma_start3A_348, %dma_start3A_349] : memref<10240x16xf32, #tpu.memory_space<vmem_shared>> -> memref<10240x16xf32, #tpu.memory_space<vmem_shared>>
      tpu.enqueue_indirect_dma source(%dma_start3A_344 : memref<128x16xf32, #tpu.memory_space<vmem>>) target(%dma_start3A_350 : memref<10240x16xf32, #tpu.memory_space<vmem_shared>>) offsets(%dma_start3A_347 : memref<128xi32, #tpu.memory_space<vmem>>) semaphore(%arg10 : memref<!tpu.dma_semaphore, #tpu.memory_space<semaphore_mem>>) {add = true}
      %add3A_351 = arith.constant 5 : i32
      %add3A_352 = arith.addi %mul3A_166, %add3A_351 : i32
      %dma_start3A_353 = arith.constant 5 : i32
      %dma_start3A_354 = arith.constant 0 : i32
      %dma_start3A_355 = arith.constant 0 : i32
      %dma_start3A_356 = tpu.memref_slice %arg7[%rem3A_164, %dma_start3A_353, %dma_start3A_354, %dma_start3A_355] : memref<2x8x128x16xf32, #tpu.memory_space<vmem>> -> memref<1x1x128x16xf32, #tpu.memory_space<vmem>>
      %dma_start3A_357 = tpu.memref_squeeze %dma_start3A_356 : memref<1x1x128x16xf32, #tpu.memory_space<vmem>> -> memref<128x16xf32, #tpu.memory_space<vmem>>
      %dma_start3A_358 = arith.constant 0 : i32
      %dma_start3A_359 = tpu.memref_slice %arg6[%add3A_352, %dma_start3A_358] : memref<80x128xi32, #tpu.memory_space<vmem>> -> memref<1x128xi32, #tpu.memory_space<vmem>>
      %dma_start3A_360 = tpu.memref_squeeze %dma_start3A_359 : memref<1x128xi32, #tpu.memory_space<vmem>> -> memref<128xi32, #tpu.memory_space<vmem>>
      %dma_start3A_361 = arith.constant 0 : i32
      %dma_start3A_362 = arith.constant 0 : i32
      %dma_start3A_363 = tpu.memref_slice %arg8[%dma_start3A_361, %dma_start3A_362] : memref<10240x16xf32, #tpu.memory_space<vmem_shared>> -> memref<10240x16xf32, #tpu.memory_space<vmem_shared>>
      tpu.enqueue_indirect_dma source(%dma_start3A_357 : memref<128x16xf32, #tpu.memory_space<vmem>>) target(%dma_start3A_363 : memref<10240x16xf32, #tpu.memory_space<vmem_shared>>) offsets(%dma_start3A_360 : memref<128xi32, #tpu.memory_space<vmem>>) semaphore(%arg10 : memref<!tpu.dma_semaphore, #tpu.memory_space<semaphore_mem>>) {add = true}
      %add3A_364 = arith.constant 6 : i32
      %add3A_365 = arith.addi %mul3A_166, %add3A_364 : i32
      %dma_start3A_366 = arith.constant 6 : i32
      %dma_start3A_367 = arith.constant 0 : i32
      %dma_start3A_368 = arith.constant 0 : i32
      %dma_start3A_369 = tpu.memref_slice %arg7[%rem3A_164, %dma_start3A_366, %dma_start3A_367, %dma_start3A_368] : memref<2x8x128x16xf32, #tpu.memory_space<vmem>> -> memref<1x1x128x16xf32, #tpu.memory_space<vmem>>
      %dma_start3A_370 = tpu.memref_squeeze %dma_start3A_369 : memref<1x1x128x16xf32, #tpu.memory_space<vmem>> -> memref<128x16xf32, #tpu.memory_space<vmem>>
      %dma_start3A_371 = arith.constant 0 : i32
      %dma_start3A_372 = tpu.memref_slice %arg6[%add3A_365, %dma_start3A_371] : memref<80x128xi32, #tpu.memory_space<vmem>> -> memref<1x128xi32, #tpu.memory_space<vmem>>
      %dma_start3A_373 = tpu.memref_squeeze %dma_start3A_372 : memref<1x128xi32, #tpu.memory_space<vmem>> -> memref<128xi32, #tpu.memory_space<vmem>>
      %dma_start3A_374 = arith.constant 0 : i32
      %dma_start3A_375 = arith.constant 0 : i32
      %dma_start3A_376 = tpu.memref_slice %arg8[%dma_start3A_374, %dma_start3A_375] : memref<10240x16xf32, #tpu.memory_space<vmem_shared>> -> memref<10240x16xf32, #tpu.memory_space<vmem_shared>>
      tpu.enqueue_indirect_dma source(%dma_start3A_370 : memref<128x16xf32, #tpu.memory_space<vmem>>) target(%dma_start3A_376 : memref<10240x16xf32, #tpu.memory_space<vmem_shared>>) offsets(%dma_start3A_373 : memref<128xi32, #tpu.memory_space<vmem>>) semaphore(%arg10 : memref<!tpu.dma_semaphore, #tpu.memory_space<semaphore_mem>>) {add = true}
      %add3A_377 = arith.constant 7 : i32
      %add3A_378 = arith.addi %mul3A_166, %add3A_377 : i32
      %dma_start3A_379 = arith.constant 7 : i32
      %dma_start3A_380 = arith.constant 0 : i32
      %dma_start3A_381 = arith.constant 0 : i32
      %dma_start3A_382 = tpu.memref_slice %arg7[%rem3A_164, %dma_start3A_379, %dma_start3A_380, %dma_start3A_381] : memref<2x8x128x16xf32, #tpu.memory_space<vmem>> -> memref<1x1x128x16xf32, #tpu.memory_space<vmem>>
      %dma_start3A_383 = tpu.memref_squeeze %dma_start3A_382 : memref<1x1x128x16xf32, #tpu.memory_space<vmem>> -> memref<128x16xf32, #tpu.memory_space<vmem>>
      %dma_start3A_384 = arith.constant 0 : i32
      %dma_start3A_385 = tpu.memref_slice %arg6[%add3A_378, %dma_start3A_384] : memref<80x128xi32, #tpu.memory_space<vmem>> -> memref<1x128xi32, #tpu.memory_space<vmem>>
      %dma_start3A_386 = tpu.memref_squeeze %dma_start3A_385 : memref<1x128xi32, #tpu.memory_space<vmem>> -> memref<128xi32, #tpu.memory_space<vmem>>
      %dma_start3A_387 = arith.constant 0 : i32
      %dma_start3A_388 = arith.constant 0 : i32
      %dma_start3A_389 = tpu.memref_slice %arg8[%dma_start3A_387, %dma_start3A_388] : memref<10240x16xf32, #tpu.memory_space<vmem_shared>> -> memref<10240x16xf32, #tpu.memory_space<vmem_shared>>
      tpu.enqueue_indirect_dma source(%dma_start3A_383 : memref<128x16xf32, #tpu.memory_space<vmem>>) target(%dma_start3A_389 : memref<10240x16xf32, #tpu.memory_space<vmem_shared>>) offsets(%dma_start3A_386 : memref<128xi32, #tpu.memory_space<vmem>>) semaphore(%arg10 : memref<!tpu.dma_semaphore, #tpu.memory_space<semaphore_mem>>) {add = true}
      %add3A_390 = arith.constant 1 : i32
      %add3A_391 = arith.addi %while3A_163, %add3A_390 : i32
      %lt3A = arith.cmpi slt, %add3A_391, %select_n3A_8 : i32
      %convert_element_type3A = arith.extui %lt3A : i1 to i32
      %cond3A = arith.constant 0 : i32
      %cond3A_392 = arith.cmpi ne, %convert_element_type3A, %cond3A : i32
      scf.if %cond3A_392 {
        %add3A_513 = arith.constant 8 : i32
        %add3A_514 = arith.addi %mul3A_166, %add3A_513 : i32
        %add3A_515 = arith.constant 0 : i32
        %add3A_516 = arith.addi %add3A_514, %add3A_515 : i32
        %sub3A = arith.constant 1 : i32
        %sub3A_517 = arith.subi %sub3A, %rem3A_164 : i32
        %dma_start3A_518 = arith.constant 0 : i32
        %dma_start3A_519 = arith.constant 0 : i32
        %dma_start3A_520 = arith.constant 0 : i32
        %dma_start3A_521 = tpu.memref_slice %arg7[%sub3A_517, %dma_start3A_518, %dma_start3A_519, %dma_start3A_520] : memref<2x8x128x16xf32, #tpu.memory_space<vmem>> -> memref<1x1x128x16xf32, #tpu.memory_space<vmem>>
        %dma_start3A_522 = tpu.memref_squeeze %dma_start3A_521 : memref<1x1x128x16xf32, #tpu.memory_space<vmem>> -> memref<128x16xf32, #tpu.memory_space<vmem>>
        %dma_start3A_523 = arith.constant 0 : i32
        %dma_start3A_524 = tpu.memref_slice %arg5[%add3A_516, %dma_start3A_523] : memref<80x128xi32, #tpu.memory_space<vmem>> -> memref<1x128xi32, #tpu.memory_space<vmem>>
        %dma_start3A_525 = tpu.memref_squeeze %dma_start3A_524 : memref<1x128xi32, #tpu.memory_space<vmem>> -> memref<128xi32, #tpu.memory_space<vmem>>
        %dma_start3A_526 = arith.constant 0 : i32
        %dma_start3A_527 = arith.constant 0 : i32
        %dma_start3A_528 = tpu.memref_slice %arg2[%dma_start3A_526, %dma_start3A_527] : memref<10240x16xf32, #tpu.memory_space<hbm>> -> memref<10240x16xf32, #tpu.memory_space<hbm>>
        tpu.enqueue_indirect_dma source(%dma_start3A_528 : memref<10240x16xf32, #tpu.memory_space<hbm>>) target(%dma_start3A_522 : memref<128x16xf32, #tpu.memory_space<vmem>>) offsets(%dma_start3A_525 : memref<128xi32, #tpu.memory_space<vmem>>) semaphore(%arg9 : memref<!tpu.dma_semaphore, #tpu.memory_space<semaphore_mem>>)
        %add3A_529 = arith.constant 8 : i32
        %add3A_530 = arith.addi %mul3A_166, %add3A_529 : i32
        %add3A_531 = arith.constant 1 : i32
        %add3A_532 = arith.addi %add3A_530, %add3A_531 : i32
        %sub3A_533 = arith.constant 1 : i32
        %sub3A_534 = arith.subi %sub3A_533, %rem3A_164 : i32
        %dma_start3A_535 = arith.constant 1 : i32
        %dma_start3A_536 = arith.constant 0 : i32
        %dma_start3A_537 = arith.constant 0 : i32
        %dma_start3A_538 = tpu.memref_slice %arg7[%sub3A_534, %dma_start3A_535, %dma_start3A_536, %dma_start3A_537] : memref<2x8x128x16xf32, #tpu.memory_space<vmem>> -> memref<1x1x128x16xf32, #tpu.memory_space<vmem>>
        %dma_start3A_539 = tpu.memref_squeeze %dma_start3A_538 : memref<1x1x128x16xf32, #tpu.memory_space<vmem>> -> memref<128x16xf32, #tpu.memory_space<vmem>>
        %dma_start3A_540 = arith.constant 0 : i32
        %dma_start3A_541 = tpu.memref_slice %arg5[%add3A_532, %dma_start3A_540] : memref<80x128xi32, #tpu.memory_space<vmem>> -> memref<1x128xi32, #tpu.memory_space<vmem>>
        %dma_start3A_542 = tpu.memref_squeeze %dma_start3A_541 : memref<1x128xi32, #tpu.memory_space<vmem>> -> memref<128xi32, #tpu.memory_space<vmem>>
        %dma_start3A_543 = arith.constant 0 : i32
        %dma_start3A_544 = arith.constant 0 : i32
        %dma_start3A_545 = tpu.memref_slice %arg2[%dma_start3A_543, %dma_start3A_544] : memref<10240x16xf32, #tpu.memory_space<hbm>> -> memref<10240x16xf32, #tpu.memory_space<hbm>>
        tpu.enqueue_indirect_dma source(%dma_start3A_545 : memref<10240x16xf32, #tpu.memory_space<hbm>>) target(%dma_start3A_539 : memref<128x16xf32, #tpu.memory_space<vmem>>) offsets(%dma_start3A_542 : memref<128xi32, #tpu.memory_space<vmem>>) semaphore(%arg9 : memref<!tpu.dma_semaphore, #tpu.memory_space<semaphore_mem>>)
        %add3A_546 = arith.constant 8 : i32
        %add3A_547 = arith.addi %mul3A_166, %add3A_546 : i32
        %add3A_548 = arith.constant 2 : i32
        %add3A_549 = arith.addi %add3A_547, %add3A_548 : i32
        %sub3A_550 = arith.constant 1 : i32
        %sub3A_551 = arith.subi %sub3A_550, %rem3A_164 : i32
        %dma_start3A_552 = arith.constant 2 : i32
        %dma_start3A_553 = arith.constant 0 : i32
        %dma_start3A_554 = arith.constant 0 : i32
        %dma_start3A_555 = tpu.memref_slice %arg7[%sub3A_551, %dma_start3A_552, %dma_start3A_553, %dma_start3A_554] : memref<2x8x128x16xf32, #tpu.memory_space<vmem>> -> memref<1x1x128x16xf32, #tpu.memory_space<vmem>>
        %dma_start3A_556 = tpu.memref_squeeze %dma_start3A_555 : memref<1x1x128x16xf32, #tpu.memory_space<vmem>> -> memref<128x16xf32, #tpu.memory_space<vmem>>
        %dma_start3A_557 = arith.constant 0 : i32
        %dma_start3A_558 = tpu.memref_slice %arg5[%add3A_549, %dma_start3A_557] : memref<80x128xi32, #tpu.memory_space<vmem>> -> memref<1x128xi32, #tpu.memory_space<vmem>>
        %dma_start3A_559 = tpu.memref_squeeze %dma_start3A_558 : memref<1x128xi32, #tpu.memory_space<vmem>> -> memref<128xi32, #tpu.memory_space<vmem>>
        %dma_start3A_560 = arith.constant 0 : i32
        %dma_start3A_561 = arith.constant 0 : i32
        %dma_start3A_562 = tpu.memref_slice %arg2[%dma_start3A_560, %dma_start3A_561] : memref<10240x16xf32, #tpu.memory_space<hbm>> -> memref<10240x16xf32, #tpu.memory_space<hbm>>
        tpu.enqueue_indirect_dma source(%dma_start3A_562 : memref<10240x16xf32, #tpu.memory_space<hbm>>) target(%dma_start3A_556 : memref<128x16xf32, #tpu.memory_space<vmem>>) offsets(%dma_start3A_559 : memref<128xi32, #tpu.memory_space<vmem>>) semaphore(%arg9 : memref<!tpu.dma_semaphore, #tpu.memory_space<semaphore_mem>>)
        %add3A_563 = arith.constant 8 : i32
        %add3A_564 = arith.addi %mul3A_166, %add3A_563 : i32
        %add3A_565 = arith.constant 3 : i32
        %add3A_566 = arith.addi %add3A_564, %add3A_565 : i32
        %sub3A_567 = arith.constant 1 : i32
        %sub3A_568 = arith.subi %sub3A_567, %rem3A_164 : i32
        %dma_start3A_569 = arith.constant 3 : i32
        %dma_start3A_570 = arith.constant 0 : i32
        %dma_start3A_571 = arith.constant 0 : i32
        %dma_start3A_572 = tpu.memref_slice %arg7[%sub3A_568, %dma_start3A_569, %dma_start3A_570, %dma_start3A_571] : memref<2x8x128x16xf32, #tpu.memory_space<vmem>> -> memref<1x1x128x16xf32, #tpu.memory_space<vmem>>
        %dma_start3A_573 = tpu.memref_squeeze %dma_start3A_572 : memref<1x1x128x16xf32, #tpu.memory_space<vmem>> -> memref<128x16xf32, #tpu.memory_space<vmem>>
        %dma_start3A_574 = arith.constant 0 : i32
        %dma_start3A_575 = tpu.memref_slice %arg5[%add3A_566, %dma_start3A_574] : memref<80x128xi32, #tpu.memory_space<vmem>> -> memref<1x128xi32, #tpu.memory_space<vmem>>
        %dma_start3A_576 = tpu.memref_squeeze %dma_start3A_575 : memref<1x128xi32, #tpu.memory_space<vmem>> -> memref<128xi32, #tpu.memory_space<vmem>>
        %dma_start3A_577 = arith.constant 0 : i32
        %dma_start3A_578 = arith.constant 0 : i32
        %dma_start3A_579 = tpu.memref_slice %arg2[%dma_start3A_577, %dma_start3A_578] : memref<10240x16xf32, #tpu.memory_space<hbm>> -> memref<10240x16xf32, #tpu.memory_space<hbm>>
        tpu.enqueue_indirect_dma source(%dma_start3A_579 : memref<10240x16xf32, #tpu.memory_space<hbm>>) target(%dma_start3A_573 : memref<128x16xf32, #tpu.memory_space<vmem>>) offsets(%dma_start3A_576 : memref<128xi32, #tpu.memory_space<vmem>>) semaphore(%arg9 : memref<!tpu.dma_semaphore, #tpu.memory_space<semaphore_mem>>)
        %add3A_580 = arith.constant 8 : i32
        %add3A_581 = arith.addi %mul3A_166, %add3A_580 : i32
        %add3A_582 = arith.constant 4 : i32
        %add3A_583 = arith.addi %add3A_581, %add3A_582 : i32
        %sub3A_584 = arith.constant 1 : i32
        %sub3A_585 = arith.subi %sub3A_584, %rem3A_164 : i32
        %dma_start3A_586 = arith.constant 4 : i32
        %dma_start3A_587 = arith.constant 0 : i32
        %dma_start3A_588 = arith.constant 0 : i32
        %dma_start3A_589 = tpu.memref_slice %arg7[%sub3A_585, %dma_start3A_586, %dma_start3A_587, %dma_start3A_588] : memref<2x8x128x16xf32, #tpu.memory_space<vmem>> -> memref<1x1x128x16xf32, #tpu.memory_space<vmem>>
        %dma_start3A_590 = tpu.memref_squeeze %dma_start3A_589 : memref<1x1x128x16xf32, #tpu.memory_space<vmem>> -> memref<128x16xf32, #tpu.memory_space<vmem>>
        %dma_start3A_591 = arith.constant 0 : i32
        %dma_start3A_592 = tpu.memref_slice %arg5[%add3A_583, %dma_start3A_591] : memref<80x128xi32, #tpu.memory_space<vmem>> -> memref<1x128xi32, #tpu.memory_space<vmem>>
        %dma_start3A_593 = tpu.memref_squeeze %dma_start3A_592 : memref<1x128xi32, #tpu.memory_space<vmem>> -> memref<128xi32, #tpu.memory_space<vmem>>
        %dma_start3A_594 = arith.constant 0 : i32
        %dma_start3A_595 = arith.constant 0 : i32
        %dma_start3A_596 = tpu.memref_slice %arg2[%dma_start3A_594, %dma_start3A_595] : memref<10240x16xf32, #tpu.memory_space<hbm>> -> memref<10240x16xf32, #tpu.memory_space<hbm>>
        tpu.enqueue_indirect_dma source(%dma_start3A_596 : memref<10240x16xf32, #tpu.memory_space<hbm>>) target(%dma_start3A_590 : memref<128x16xf32, #tpu.memory_space<vmem>>) offsets(%dma_start3A_593 : memref<128xi32, #tpu.memory_space<vmem>>) semaphore(%arg9 : memref<!tpu.dma_semaphore, #tpu.memory_space<semaphore_mem>>)
        %add3A_597 = arith.constant 8 : i32
        %add3A_598 = arith.addi %mul3A_166, %add3A_597 : i32
        %add3A_599 = arith.constant 5 : i32
        %add3A_600 = arith.addi %add3A_598, %add3A_599 : i32
        %sub3A_601 = arith.constant 1 : i32
        %sub3A_602 = arith.subi %sub3A_601, %rem3A_164 : i32
        %dma_start3A_603 = arith.constant 5 : i32
        %dma_start3A_604 = arith.constant 0 : i32
        %dma_start3A_605 = arith.constant 0 : i32
        %dma_start3A_606 = tpu.memref_slice %arg7[%sub3A_602, %dma_start3A_603, %dma_start3A_604, %dma_start3A_605] : memref<2x8x128x16xf32, #tpu.memory_space<vmem>> -> memref<1x1x128x16xf32, #tpu.memory_space<vmem>>
        %dma_start3A_607 = tpu.memref_squeeze %dma_start3A_606 : memref<1x1x128x16xf32, #tpu.memory_space<vmem>> -> memref<128x16xf32, #tpu.memory_space<vmem>>
        %dma_start3A_608 = arith.constant 0 : i32
        %dma_start3A_609 = tpu.memref_slice %arg5[%add3A_600, %dma_start3A_608] : memref<80x128xi32, #tpu.memory_space<vmem>> -> memref<1x128xi32, #tpu.memory_space<vmem>>
        %dma_start3A_610 = tpu.memref_squeeze %dma_start3A_609 : memref<1x128xi32, #tpu.memory_space<vmem>> -> memref<128xi32, #tpu.memory_space<vmem>>
        %dma_start3A_611 = arith.constant 0 : i32
        %dma_start3A_612 = arith.constant 0 : i32
        %dma_start3A_613 = tpu.memref_slice %arg2[%dma_start3A_611, %dma_start3A_612] : memref<10240x16xf32, #tpu.memory_space<hbm>> -> memref<10240x16xf32, #tpu.memory_space<hbm>>
        tpu.enqueue_indirect_dma source(%dma_start3A_613 : memref<10240x16xf32, #tpu.memory_space<hbm>>) target(%dma_start3A_607 : memref<128x16xf32, #tpu.memory_space<vmem>>) offsets(%dma_start3A_610 : memref<128xi32, #tpu.memory_space<vmem>>) semaphore(%arg9 : memref<!tpu.dma_semaphore, #tpu.memory_space<semaphore_mem>>)
        %add3A_614 = arith.constant 8 : i32
        %add3A_615 = arith.addi %mul3A_166, %add3A_614 : i32
        %add3A_616 = arith.constant 6 : i32
        %add3A_617 = arith.addi %add3A_615, %add3A_616 : i32
        %sub3A_618 = arith.constant 1 : i32
        %sub3A_619 = arith.subi %sub3A_618, %rem3A_164 : i32
        %dma_start3A_620 = arith.constant 6 : i32
        %dma_start3A_621 = arith.constant 0 : i32
        %dma_start3A_622 = arith.constant 0 : i32
        %dma_start3A_623 = tpu.memref_slice %arg7[%sub3A_619, %dma_start3A_620, %dma_start3A_621, %dma_start3A_622] : memref<2x8x128x16xf32, #tpu.memory_space<vmem>> -> memref<1x1x128x16xf32, #tpu.memory_space<vmem>>
        %dma_start3A_624 = tpu.memref_squeeze %dma_start3A_623 : memref<1x1x128x16xf32, #tpu.memory_space<vmem>> -> memref<128x16xf32, #tpu.memory_space<vmem>>
        %dma_start3A_625 = arith.constant 0 : i32
        %dma_start3A_626 = tpu.memref_slice %arg5[%add3A_617, %dma_start3A_625] : memref<80x128xi32, #tpu.memory_space<vmem>> -> memref<1x128xi32, #tpu.memory_space<vmem>>
        %dma_start3A_627 = tpu.memref_squeeze %dma_start3A_626 : memref<1x128xi32, #tpu.memory_space<vmem>> -> memref<128xi32, #tpu.memory_space<vmem>>
        %dma_start3A_628 = arith.constant 0 : i32
        %dma_start3A_629 = arith.constant 0 : i32
        %dma_start3A_630 = tpu.memref_slice %arg2[%dma_start3A_628, %dma_start3A_629] : memref<10240x16xf32, #tpu.memory_space<hbm>> -> memref<10240x16xf32, #tpu.memory_space<hbm>>
        tpu.enqueue_indirect_dma source(%dma_start3A_630 : memref<10240x16xf32, #tpu.memory_space<hbm>>) target(%dma_start3A_624 : memref<128x16xf32, #tpu.memory_space<vmem>>) offsets(%dma_start3A_627 : memref<128xi32, #tpu.memory_space<vmem>>) semaphore(%arg9 : memref<!tpu.dma_semaphore, #tpu.memory_space<semaphore_mem>>)
        %add3A_631 = arith.constant 8 : i32
        %add3A_632 = arith.addi %mul3A_166, %add3A_631 : i32
        %add3A_633 = arith.constant 7 : i32
        %add3A_634 = arith.addi %add3A_632, %add3A_633 : i32
        %sub3A_635 = arith.constant 1 : i32
        %sub3A_636 = arith.subi %sub3A_635, %rem3A_164 : i32
        %dma_start3A_637 = arith.constant 7 : i32
        %dma_start3A_638 = arith.constant 0 : i32
        %dma_start3A_639 = arith.constant 0 : i32
        %dma_start3A_640 = tpu.memref_slice %arg7[%sub3A_636, %dma_start3A_637, %dma_start3A_638, %dma_start3A_639] : memref<2x8x128x16xf32, #tpu.memory_space<vmem>> -> memref<1x1x128x16xf32, #tpu.memory_space<vmem>>
        %dma_start3A_641 = tpu.memref_squeeze %dma_start3A_640 : memref<1x1x128x16xf32, #tpu.memory_space<vmem>> -> memref<128x16xf32, #tpu.memory_space<vmem>>
        %dma_start3A_642 = arith.constant 0 : i32
        %dma_start3A_643 = tpu.memref_slice %arg5[%add3A_634, %dma_start3A_642] : memref<80x128xi32, #tpu.memory_space<vmem>> -> memref<1x128xi32, #tpu.memory_space<vmem>>
        %dma_start3A_644 = tpu.memref_squeeze %dma_start3A_643 : memref<1x128xi32, #tpu.memory_space<vmem>> -> memref<128xi32, #tpu.memory_space<vmem>>
        %dma_start3A_645 = arith.constant 0 : i32
        %dma_start3A_646 = arith.constant 0 : i32
        %dma_start3A_647 = tpu.memref_slice %arg2[%dma_start3A_645, %dma_start3A_646] : memref<10240x16xf32, #tpu.memory_space<hbm>> -> memref<10240x16xf32, #tpu.memory_space<hbm>>
        tpu.enqueue_indirect_dma source(%dma_start3A_647 : memref<10240x16xf32, #tpu.memory_space<hbm>>) target(%dma_start3A_641 : memref<128x16xf32, #tpu.memory_space<vmem>>) offsets(%dma_start3A_644 : memref<128xi32, #tpu.memory_space<vmem>>) semaphore(%arg9 : memref<!tpu.dma_semaphore, #tpu.memory_space<semaphore_mem>>)
      } else {
      }
      %dma_wait3A_393 = arith.constant 0 : i32
      %dma_wait3A_394 = arith.constant 0 : i32
      %dma_wait3A_395 = arith.constant 0 : i32
      %dma_wait3A_396 = tpu.memref_slice %arg7[%rem3A_164, %dma_wait3A_393, %dma_wait3A_394, %dma_wait3A_395] : memref<2x8x128x16xf32, #tpu.memory_space<vmem>> -> memref<1x1x128x16xf32, #tpu.memory_space<vmem>>
      %dma_wait3A_397 = tpu.memref_squeeze %dma_wait3A_396 : memref<1x1x128x16xf32, #tpu.memory_space<vmem>> -> memref<128x16xf32, #tpu.memory_space<vmem>>
      %dma_wait3A_398 = arith.constant 0 : i32
      %dma_wait3A_399 = arith.constant 0 : i32
      %dma_wait3A_400 = tpu.memref_slice %arg8[%dma_wait3A_398, %dma_wait3A_399] : memref<10240x16xf32, #tpu.memory_space<vmem_shared>> -> memref<128x16xf32, #tpu.memory_space<vmem_shared>>
      %dma_wait3A_401 = arith.constant 0 : i32
      %dma_wait3A_402 = arith.constant 0 : i32
      %dma_wait3A_403 = tpu.memref_slice %arg8[%dma_wait3A_401, %dma_wait3A_402] : memref<10240x16xf32, #tpu.memory_space<vmem_shared>> -> memref<128x16xf32, #tpu.memory_space<vmem_shared>>
      %dma_wait3A_404 = arith.constant 0 : i32
      %dma_wait3A_405 = arith.constant 0 : i32
      %dma_wait3A_406 = tpu.memref_slice %arg7[%rem3A_164, %dma_wait3A_393, %dma_wait3A_404, %dma_wait3A_405] : memref<2x8x128x16xf32, #tpu.memory_space<vmem>> -> memref<1x1x128x16xf32, #tpu.memory_space<vmem>>
      %dma_wait3A_407 = tpu.memref_squeeze %dma_wait3A_406 : memref<1x1x128x16xf32, #tpu.memory_space<vmem>> -> memref<128x16xf32, #tpu.memory_space<vmem>>
      tpu.wait_dma2 semaphore(%arg10 : memref<!tpu.dma_semaphore, #tpu.memory_space<semaphore_mem>>) src(%dma_wait3A_407 : memref<128x16xf32, #tpu.memory_space<vmem>>) dst(%dma_wait3A_403 : memref<128x16xf32, #tpu.memory_space<vmem_shared>>)
      %dma_wait3A_408 = arith.constant 1 : i32
      %dma_wait3A_409 = arith.constant 0 : i32
      %dma_wait3A_410 = arith.constant 0 : i32
      %dma_wait3A_411 = tpu.memref_slice %arg7[%rem3A_164, %dma_wait3A_408, %dma_wait3A_409, %dma_wait3A_410] : memref<2x8x128x16xf32, #tpu.memory_space<vmem>> -> memref<1x1x128x16xf32, #tpu.memory_space<vmem>>
      %dma_wait3A_412 = tpu.memref_squeeze %dma_wait3A_411 : memref<1x1x128x16xf32, #tpu.memory_space<vmem>> -> memref<128x16xf32, #tpu.memory_space<vmem>>
      %dma_wait3A_413 = arith.constant 0 : i32
      %dma_wait3A_414 = arith.constant 0 : i32
      %dma_wait3A_415 = tpu.memref_slice %arg8[%dma_wait3A_413, %dma_wait3A_414] : memref<10240x16xf32, #tpu.memory_space<vmem_shared>> -> memref<128x16xf32, #tpu.memory_space<vmem_shared>>
      %dma_wait3A_416 = arith.constant 0 : i32
      %dma_wait3A_417 = arith.constant 0 : i32
      %dma_wait3A_418 = tpu.memref_slice %arg8[%dma_wait3A_416, %dma_wait3A_417] : memref<10240x16xf32, #tpu.memory_space<vmem_shared>> -> memref<128x16xf32, #tpu.memory_space<vmem_shared>>
      %dma_wait3A_419 = arith.constant 0 : i32
      %dma_wait3A_420 = arith.constant 0 : i32
      %dma_wait3A_421 = tpu.memref_slice %arg7[%rem3A_164, %dma_wait3A_408, %dma_wait3A_419, %dma_wait3A_420] : memref<2x8x128x16xf32, #tpu.memory_space<vmem>> -> memref<1x1x128x16xf32, #tpu.memory_space<vmem>>
      %dma_wait3A_422 = tpu.memref_squeeze %dma_wait3A_421 : memref<1x1x128x16xf32, #tpu.memory_space<vmem>> -> memref<128x16xf32, #tpu.memory_space<vmem>>
      tpu.wait_dma2 semaphore(%arg10 : memref<!tpu.dma_semaphore, #tpu.memory_space<semaphore_mem>>) src(%dma_wait3A_422 : memref<128x16xf32, #tpu.memory_space<vmem>>) dst(%dma_wait3A_418 : memref<128x16xf32, #tpu.memory_space<vmem_shared>>)
      %dma_wait3A_423 = arith.constant 2 : i32
      %dma_wait3A_424 = arith.constant 0 : i32
      %dma_wait3A_425 = arith.constant 0 : i32
      %dma_wait3A_426 = tpu.memref_slice %arg7[%rem3A_164, %dma_wait3A_423, %dma_wait3A_424, %dma_wait3A_425] : memref<2x8x128x16xf32, #tpu.memory_space<vmem>> -> memref<1x1x128x16xf32, #tpu.memory_space<vmem>>
      %dma_wait3A_427 = tpu.memref_squeeze %dma_wait3A_426 : memref<1x1x128x16xf32, #tpu.memory_space<vmem>> -> memref<128x16xf32, #tpu.memory_space<vmem>>
      %dma_wait3A_428 = arith.constant 0 : i32
      %dma_wait3A_429 = arith.constant 0 : i32
      %dma_wait3A_430 = tpu.memref_slice %arg8[%dma_wait3A_428, %dma_wait3A_429] : memref<10240x16xf32, #tpu.memory_space<vmem_shared>> -> memref<128x16xf32, #tpu.memory_space<vmem_shared>>
      %dma_wait3A_431 = arith.constant 0 : i32
      %dma_wait3A_432 = arith.constant 0 : i32
      %dma_wait3A_433 = tpu.memref_slice %arg8[%dma_wait3A_431, %dma_wait3A_432] : memref<10240x16xf32, #tpu.memory_space<vmem_shared>> -> memref<128x16xf32, #tpu.memory_space<vmem_shared>>
      %dma_wait3A_434 = arith.constant 0 : i32
      %dma_wait3A_435 = arith.constant 0 : i32
      %dma_wait3A_436 = tpu.memref_slice %arg7[%rem3A_164, %dma_wait3A_423, %dma_wait3A_434, %dma_wait3A_435] : memref<2x8x128x16xf32, #tpu.memory_space<vmem>> -> memref<1x1x128x16xf32, #tpu.memory_space<vmem>>
      %dma_wait3A_437 = tpu.memref_squeeze %dma_wait3A_436 : memref<1x1x128x16xf32, #tpu.memory_space<vmem>> -> memref<128x16xf32, #tpu.memory_space<vmem>>
      tpu.wait_dma2 semaphore(%arg10 : memref<!tpu.dma_semaphore, #tpu.memory_space<semaphore_mem>>) src(%dma_wait3A_437 : memref<128x16xf32, #tpu.memory_space<vmem>>) dst(%dma_wait3A_433 : memref<128x16xf32, #tpu.memory_space<vmem_shared>>)
      %dma_wait3A_438 = arith.constant 3 : i32
      %dma_wait3A_439 = arith.constant 0 : i32
      %dma_wait3A_440 = arith.constant 0 : i32
      %dma_wait3A_441 = tpu.memref_slice %arg7[%rem3A_164, %dma_wait3A_438, %dma_wait3A_439, %dma_wait3A_440] : memref<2x8x128x16xf32, #tpu.memory_space<vmem>> -> memref<1x1x128x16xf32, #tpu.memory_space<vmem>>
      %dma_wait3A_442 = tpu.memref_squeeze %dma_wait3A_441 : memref<1x1x128x16xf32, #tpu.memory_space<vmem>> -> memref<128x16xf32, #tpu.memory_space<vmem>>
      %dma_wait3A_443 = arith.constant 0 : i32
      %dma_wait3A_444 = arith.constant 0 : i32
      %dma_wait3A_445 = tpu.memref_slice %arg8[%dma_wait3A_443, %dma_wait3A_444] : memref<10240x16xf32, #tpu.memory_space<vmem_shared>> -> memref<128x16xf32, #tpu.memory_space<vmem_shared>>
      %dma_wait3A_446 = arith.constant 0 : i32
      %dma_wait3A_447 = arith.constant 0 : i32
      %dma_wait3A_448 = tpu.memref_slice %arg8[%dma_wait3A_446, %dma_wait3A_447] : memref<10240x16xf32, #tpu.memory_space<vmem_shared>> -> memref<128x16xf32, #tpu.memory_space<vmem_shared>>
      %dma_wait3A_449 = arith.constant 0 : i32
      %dma_wait3A_450 = arith.constant 0 : i32
      %dma_wait3A_451 = tpu.memref_slice %arg7[%rem3A_164, %dma_wait3A_438, %dma_wait3A_449, %dma_wait3A_450] : memref<2x8x128x16xf32, #tpu.memory_space<vmem>> -> memref<1x1x128x16xf32, #tpu.memory_space<vmem>>
      %dma_wait3A_452 = tpu.memref_squeeze %dma_wait3A_451 : memref<1x1x128x16xf32, #tpu.memory_space<vmem>> -> memref<128x16xf32, #tpu.memory_space<vmem>>
      tpu.wait_dma2 semaphore(%arg10 : memref<!tpu.dma_semaphore, #tpu.memory_space<semaphore_mem>>) src(%dma_wait3A_452 : memref<128x16xf32, #tpu.memory_space<vmem>>) dst(%dma_wait3A_448 : memref<128x16xf32, #tpu.memory_space<vmem_shared>>)
      %dma_wait3A_453 = arith.constant 4 : i32
      %dma_wait3A_454 = arith.constant 0 : i32
      %dma_wait3A_455 = arith.constant 0 : i32
      %dma_wait3A_456 = tpu.memref_slice %arg7[%rem3A_164, %dma_wait3A_453, %dma_wait3A_454, %dma_wait3A_455] : memref<2x8x128x16xf32, #tpu.memory_space<vmem>> -> memref<1x1x128x16xf32, #tpu.memory_space<vmem>>
      %dma_wait3A_457 = tpu.memref_squeeze %dma_wait3A_456 : memref<1x1x128x16xf32, #tpu.memory_space<vmem>> -> memref<128x16xf32, #tpu.memory_space<vmem>>
      %dma_wait3A_458 = arith.constant 0 : i32
      %dma_wait3A_459 = arith.constant 0 : i32
      %dma_wait3A_460 = tpu.memref_slice %arg8[%dma_wait3A_458, %dma_wait3A_459] : memref<10240x16xf32, #tpu.memory_space<vmem_shared>> -> memref<128x16xf32, #tpu.memory_space<vmem_shared>>
      %dma_wait3A_461 = arith.constant 0 : i32
      %dma_wait3A_462 = arith.constant 0 : i32
      %dma_wait3A_463 = tpu.memref_slice %arg8[%dma_wait3A_461, %dma_wait3A_462] : memref<10240x16xf32, #tpu.memory_space<vmem_shared>> -> memref<128x16xf32, #tpu.memory_space<vmem_shared>>
      %dma_wait3A_464 = arith.constant 0 : i32
      %dma_wait3A_465 = arith.constant 0 : i32
      %dma_wait3A_466 = tpu.memref_slice %arg7[%rem3A_164, %dma_wait3A_453, %dma_wait3A_464, %dma_wait3A_465] : memref<2x8x128x16xf32, #tpu.memory_space<vmem>> -> memref<1x1x128x16xf32, #tpu.memory_space<vmem>>
      %dma_wait3A_467 = tpu.memref_squeeze %dma_wait3A_466 : memref<1x1x128x16xf32, #tpu.memory_space<vmem>> -> memref<128x16xf32, #tpu.memory_space<vmem>>
      tpu.wait_dma2 semaphore(%arg10 : memref<!tpu.dma_semaphore, #tpu.memory_space<semaphore_mem>>) src(%dma_wait3A_467 : memref<128x16xf32, #tpu.memory_space<vmem>>) dst(%dma_wait3A_463 : memref<128x16xf32, #tpu.memory_space<vmem_shared>>)
      %dma_wait3A_468 = arith.constant 5 : i32
      %dma_wait3A_469 = arith.constant 0 : i32
      %dma_wait3A_470 = arith.constant 0 : i32
      %dma_wait3A_471 = tpu.memref_slice %arg7[%rem3A_164, %dma_wait3A_468, %dma_wait3A_469, %dma_wait3A_470] : memref<2x8x128x16xf32, #tpu.memory_space<vmem>> -> memref<1x1x128x16xf32, #tpu.memory_space<vmem>>
      %dma_wait3A_472 = tpu.memref_squeeze %dma_wait3A_471 : memref<1x1x128x16xf32, #tpu.memory_space<vmem>> -> memref<128x16xf32, #tpu.memory_space<vmem>>
      %dma_wait3A_473 = arith.constant 0 : i32
      %dma_wait3A_474 = arith.constant 0 : i32
      %dma_wait3A_475 = tpu.memref_slice %arg8[%dma_wait3A_473, %dma_wait3A_474] : memref<10240x16xf32, #tpu.memory_space<vmem_shared>> -> memref<128x16xf32, #tpu.memory_space<vmem_shared>>
      %dma_wait3A_476 = arith.constant 0 : i32
      %dma_wait3A_477 = arith.constant 0 : i32
      %dma_wait3A_478 = tpu.memref_slice %arg8[%dma_wait3A_476, %dma_wait3A_477] : memref<10240x16xf32, #tpu.memory_space<vmem_shared>> -> memref<128x16xf32, #tpu.memory_space<vmem_shared>>
      %dma_wait3A_479 = arith.constant 0 : i32
      %dma_wait3A_480 = arith.constant 0 : i32
      %dma_wait3A_481 = tpu.memref_slice %arg7[%rem3A_164, %dma_wait3A_468, %dma_wait3A_479, %dma_wait3A_480] : memref<2x8x128x16xf32, #tpu.memory_space<vmem>> -> memref<1x1x128x16xf32, #tpu.memory_space<vmem>>
      %dma_wait3A_482 = tpu.memref_squeeze %dma_wait3A_481 : memref<1x1x128x16xf32, #tpu.memory_space<vmem>> -> memref<128x16xf32, #tpu.memory_space<vmem>>
      tpu.wait_dma2 semaphore(%arg10 : memref<!tpu.dma_semaphore, #tpu.memory_space<semaphore_mem>>) src(%dma_wait3A_482 : memref<128x16xf32, #tpu.memory_space<vmem>>) dst(%dma_wait3A_478 : memref<128x16xf32, #tpu.memory_space<vmem_shared>>)
      %dma_wait3A_483 = arith.constant 6 : i32
      %dma_wait3A_484 = arith.constant 0 : i32
      %dma_wait3A_485 = arith.constant 0 : i32
      %dma_wait3A_486 = tpu.memref_slice %arg7[%rem3A_164, %dma_wait3A_483, %dma_wait3A_484, %dma_wait3A_485] : memref<2x8x128x16xf32, #tpu.memory_space<vmem>> -> memref<1x1x128x16xf32, #tpu.memory_space<vmem>>
      %dma_wait3A_487 = tpu.memref_squeeze %dma_wait3A_486 : memref<1x1x128x16xf32, #tpu.memory_space<vmem>> -> memref<128x16xf32, #tpu.memory_space<vmem>>
      %dma_wait3A_488 = arith.constant 0 : i32
      %dma_wait3A_489 = arith.constant 0 : i32
      %dma_wait3A_490 = tpu.memref_slice %arg8[%dma_wait3A_488, %dma_wait3A_489] : memref<10240x16xf32, #tpu.memory_space<vmem_shared>> -> memref<128x16xf32, #tpu.memory_space<vmem_shared>>
      %dma_wait3A_491 = arith.constant 0 : i32
      %dma_wait3A_492 = arith.constant 0 : i32
      %dma_wait3A_493 = tpu.memref_slice %arg8[%dma_wait3A_491, %dma_wait3A_492] : memref<10240x16xf32, #tpu.memory_space<vmem_shared>> -> memref<128x16xf32, #tpu.memory_space<vmem_shared>>
      %dma_wait3A_494 = arith.constant 0 : i32
      %dma_wait3A_495 = arith.constant 0 : i32
      %dma_wait3A_496 = tpu.memref_slice %arg7[%rem3A_164, %dma_wait3A_483, %dma_wait3A_494, %dma_wait3A_495] : memref<2x8x128x16xf32, #tpu.memory_space<vmem>> -> memref<1x1x128x16xf32, #tpu.memory_space<vmem>>
      %dma_wait3A_497 = tpu.memref_squeeze %dma_wait3A_496 : memref<1x1x128x16xf32, #tpu.memory_space<vmem>> -> memref<128x16xf32, #tpu.memory_space<vmem>>
      tpu.wait_dma2 semaphore(%arg10 : memref<!tpu.dma_semaphore, #tpu.memory_space<semaphore_mem>>) src(%dma_wait3A_497 : memref<128x16xf32, #tpu.memory_space<vmem>>) dst(%dma_wait3A_493 : memref<128x16xf32, #tpu.memory_space<vmem_shared>>)
      %dma_wait3A_498 = arith.constant 7 : i32
      %dma_wait3A_499 = arith.constant 0 : i32
      %dma_wait3A_500 = arith.constant 0 : i32
      %dma_wait3A_501 = tpu.memref_slice %arg7[%rem3A_164, %dma_wait3A_498, %dma_wait3A_499, %dma_wait3A_500] : memref<2x8x128x16xf32, #tpu.memory_space<vmem>> -> memref<1x1x128x16xf32, #tpu.memory_space<vmem>>
      %dma_wait3A_502 = tpu.memref_squeeze %dma_wait3A_501 : memref<1x1x128x16xf32, #tpu.memory_space<vmem>> -> memref<128x16xf32, #tpu.memory_space<vmem>>
      %dma_wait3A_503 = arith.constant 0 : i32
      %dma_wait3A_504 = arith.constant 0 : i32
      %dma_wait3A_505 = tpu.memref_slice %arg8[%dma_wait3A_503, %dma_wait3A_504] : memref<10240x16xf32, #tpu.memory_space<vmem_shared>> -> memref<128x16xf32, #tpu.memory_space<vmem_shared>>
      %dma_wait3A_506 = arith.constant 0 : i32
      %dma_wait3A_507 = arith.constant 0 : i32
      %dma_wait3A_508 = tpu.memref_slice %arg8[%dma_wait3A_506, %dma_wait3A_507] : memref<10240x16xf32, #tpu.memory_space<vmem_shared>> -> memref<128x16xf32, #tpu.memory_space<vmem_shared>>
      %dma_wait3A_509 = arith.constant 0 : i32
      %dma_wait3A_510 = arith.constant 0 : i32
      %dma_wait3A_511 = tpu.memref_slice %arg7[%rem3A_164, %dma_wait3A_498, %dma_wait3A_509, %dma_wait3A_510] : memref<2x8x128x16xf32, #tpu.memory_space<vmem>> -> memref<1x1x128x16xf32, #tpu.memory_space<vmem>>
      %dma_wait3A_512 = tpu.memref_squeeze %dma_wait3A_511 : memref<1x1x128x16xf32, #tpu.memory_space<vmem>> -> memref<128x16xf32, #tpu.memory_space<vmem>>
      tpu.wait_dma2 semaphore(%arg10 : memref<!tpu.dma_semaphore, #tpu.memory_space<semaphore_mem>>) src(%dma_wait3A_512 : memref<128x16xf32, #tpu.memory_space<vmem>>) dst(%dma_wait3A_508 : memref<128x16xf32, #tpu.memory_space<vmem_shared>>)
    }
    %barrier3A_155 = arith.constant 0 : index
    tpu.barrier barrier_id(%barrier3A_155)
    %mul3A_156 = arith.constant 640 : i32
    %mul3A_157 = arith.muli %arg1, %mul3A_156 : i32
    %mul3A_158 = arith.constant 10240 : i32
    %mul3A_159 = arith.muli %arg0, %mul3A_158 : i32
    %mul3A_160 = arith.constant 640 : i32
    %mul3A_161 = arith.muli %arg1, %mul3A_160 : i32
    %add3A_162 = arith.addi %mul3A_159, %mul3A_161 : i32
    "tpu.region"() ({
      %run_scoped3A_163 = tpu.sem_alloc : memref<!tpu.dma_semaphore, #tpu.memory_space<semaphore_mem>>
      %dma_start3A_164 = arith.constant 0 : i32
      %dma_start3A_165 = tpu.memref_slice %arg4[%add3A_162, %dma_start3A_164] : memref<20480x16xf32, #tpu.memory_space<hbm>> -> memref<640x16xf32, #tpu.memory_space<hbm>>
      %dma_start3A_166 = arith.constant 0 : i32
      %dma_start3A_167 = tpu.memref_slice %arg8[%mul3A_157, %dma_start3A_166] : memref<10240x16xf32, #tpu.memory_space<vmem_shared>> -> memref<640x16xf32, #tpu.memory_space<vmem_shared>>
      tpu.enqueue_dma source(%dma_start3A_167 : memref<640x16xf32, #tpu.memory_space<vmem_shared>>) target(%dma_start3A_165 : memref<640x16xf32, #tpu.memory_space<hbm>>) target_semaphore(%run_scoped3A_163 : memref<!tpu.dma_semaphore, #tpu.memory_space<semaphore_mem>>)
      %dma_wait3A = arith.constant 0 : i32
      %dma_wait3A_168 = tpu.memref_slice %arg4[%add3A_162, %dma_wait3A] : memref<20480x16xf32, #tpu.memory_space<hbm>> -> memref<640x16xf32, #tpu.memory_space<hbm>>
      %dma_wait3A_169 = arith.constant 0 : i32
      %dma_wait3A_170 = tpu.memref_slice %arg8[%mul3A_157, %dma_wait3A_169] : memref<10240x16xf32, #tpu.memory_space<vmem_shared>> -> memref<640x16xf32, #tpu.memory_space<vmem_shared>>
      tpu.wait_dma2 semaphore(%run_scoped3A_163 : memref<!tpu.dma_semaphore, #tpu.memory_space<semaphore_mem>>) src(%dma_wait3A_170 : memref<640x16xf32, #tpu.memory_space<vmem_shared>>) dst(%dma_wait3A_168 : memref<640x16xf32, #tpu.memory_space<hbm>>)
      tpu.yield
    }) : () -> ()
    return
  }
}

#map = affine_map<(d0, d1) -> (0, 0)>
module attributes {stable_mosaic.version = 14 : i64} {
  func.func @_deg_kernel(%arg0: i32, %arg1: i32, %arg2: memref<5120x128xi32, #tpu.memory_space<hbm>>, %arg3: memref<2x10240xf32, #tpu.memory_space<hbm>>, %arg4: memref<128xf32, #tpu.memory_space<vmem>>, %arg5: memref<80x128xi32, #tpu.memory_space<vmem>>, %arg6: memref<10240xf32, #tpu.memory_space<vmem_shared>>, %arg7: memref<!tpu.dma_semaphore, #tpu.memory_space<semaphore_mem>>) attributes {dimension_semantics = [#tpu.dimension_semantics<core_parallel>, #tpu.dimension_semantics<subcore_parallel>], iteration_bounds = array<i64: 2, 16>, scalar_prefetch = 0 : i64, scratch_operands = 4 : i64, tpu.core_type = #tpu.core_type<sc_vector_subcore>, window_params = [{transform_indices = #map}, {transform_indices = #map}]} {
    %eq3A = arith.constant 0 : i32
    %eq3A_0 = arith.cmpi eq, %arg0, %eq3A : i32
    %mul3A = arith.constant 80 : i32
    %mul3A_1 = arith.muli %arg1, %mul3A : i32
    %mul3A_2 = arith.constant 80 : i32
    %mul3A_3 = arith.muli %arg1, %mul3A_2 : i32
    %add3A = arith.constant 1280 : i32
    %add3A_4 = arith.addi %add3A, %mul3A_3 : i32
    %select_n3A = arith.select %eq3A_0, %mul3A_1, %add3A_4 : i32
    %eq3A_5 = arith.constant 0 : i32
    %eq3A_6 = arith.cmpi eq, %arg0, %eq3A_5 : i32
    %jit3A = arith.constant 10 : i32
    %jit3A_7 = arith.constant 10 : i32
    %select_n3A_8 = arith.select %eq3A_6, %jit3A, %jit3A_7 : i32
    %add3A_9 = arith.constant 2560 : i32
    %add3A_10 = arith.addi %add3A_9, %select_n3A : i32
    "tpu.region"() ({
      %run_scoped3A = tpu.sem_alloc : memref<!tpu.dma_semaphore, #tpu.memory_space<semaphore_mem>>
      %dma_start3A = arith.constant 0 : i32
      %dma_start3A_55 = tpu.memref_slice %arg2[%add3A_10, %dma_start3A] : memref<5120x128xi32, #tpu.memory_space<hbm>> -> memref<80x128xi32, #tpu.memory_space<hbm>>
      %dma_start3A_56 = arith.constant 0 : i32
      %dma_start3A_57 = tpu.memref_slice %arg2[%add3A_10, %dma_start3A_56] : memref<5120x128xi32, #tpu.memory_space<hbm>> -> memref<80x128xi32, #tpu.memory_space<hbm>>
      tpu.enqueue_dma source(%dma_start3A_57 : memref<80x128xi32, #tpu.memory_space<hbm>>) target(%arg5 : memref<80x128xi32, #tpu.memory_space<vmem>>) target_semaphore(%run_scoped3A : memref<!tpu.dma_semaphore, #tpu.memory_space<semaphore_mem>>)
      %dma_wait3A = arith.constant 0 : i32
      %dma_wait3A_58 = tpu.memref_slice %arg2[%add3A_10, %dma_wait3A] : memref<5120x128xi32, #tpu.memory_space<hbm>> -> memref<80x128xi32, #tpu.memory_space<hbm>>
      %dma_wait3A_59 = arith.constant 0 : i32
      %dma_wait3A_60 = tpu.memref_slice %arg2[%add3A_10, %dma_wait3A_59] : memref<5120x128xi32, #tpu.memory_space<hbm>> -> memref<80x128xi32, #tpu.memory_space<hbm>>
      tpu.wait_dma2 semaphore(%run_scoped3A : memref<!tpu.dma_semaphore, #tpu.memory_space<semaphore_mem>>) src(%dma_wait3A_60 : memref<80x128xi32, #tpu.memory_space<hbm>>) dst(%arg5 : memref<80x128xi32, #tpu.memory_space<vmem>>)
      tpu.yield
    }) : () -> ()
    %scan3A = arith.constant 0 : i32
    %scan3A_11 = arith.constant 8 : i32
    %scan3A_12 = arith.addi %scan3A, %scan3A_11 : i32
    %scan3A_13 = arith.constant 1 : i32
    scf.for %scan3A_55 = %scan3A to %scan3A_12 step %scan3A_13  : i32 {
      %broadcast_in_dim3A = arith.constant 0.000000e+00 : f32
      %broadcast_in_dim3A_56 = vector.broadcast %broadcast_in_dim3A : f32 to vector<16xf32>
      %mul3A_57 = arith.constant 16 : i32
      %mul3A_58 = arith.muli %scan3A_55, %mul3A_57 : i32
      %swap3A = arith.index_cast %mul3A_58 : i32 to index
      %swap3A_59 = tpu.vector_load %arg4[%swap3A] {strides = array<i32>} : memref<128xf32, #tpu.memory_space<vmem>>, vector<16xf32>,
      %swap3A_60 = vector.shape_cast %swap3A_59 : vector<16xf32> to vector<16xf32>
      %swap3A_61 = vector.shape_cast %broadcast_in_dim3A_56 : vector<16xf32> to vector<16xf32>
      tpu.vector_store %arg4[%swap3A], %swap3A_61 {strides = array<i32>} : memref<128xf32, #tpu.memory_space<vmem>>, vector<16xf32>,
    }
    %scan3A_14 = arith.constant 8 : i32
    %mul3A_15 = arith.constant 640 : i32
    %mul3A_16 = arith.muli %arg1, %mul3A_15 : i32
    %add3A_17 = arith.constant 0 : i32
    %add3A_18 = arith.addi %mul3A_16, %add3A_17 : i32
    "tpu.region"() ({
      %run_scoped3A = tpu.sem_alloc : memref<!tpu.dma_semaphore, #tpu.memory_space<semaphore_mem>>
      %dma_start3A = tpu.memref_slice %arg6[%add3A_18] : memref<10240xf32, #tpu.memory_space<vmem_shared>> -> memref<128xf32, #tpu.memory_space<vmem_shared>>
      %dma_start3A_55 = tpu.memref_slice %arg6[%add3A_18] : memref<10240xf32, #tpu.memory_space<vmem_shared>> -> memref<128xf32, #tpu.memory_space<vmem_shared>>
      tpu.enqueue_dma source(%arg4 : memref<128xf32, #tpu.memory_space<vmem>>) target(%dma_start3A_55 : memref<128xf32, #tpu.memory_space<vmem_shared>>) target_semaphore(%run_scoped3A : memref<!tpu.dma_semaphore, #tpu.memory_space<semaphore_mem>>)
      %dma_wait3A = tpu.memref_slice %arg6[%add3A_18] : memref<10240xf32, #tpu.memory_space<vmem_shared>> -> memref<128xf32, #tpu.memory_space<vmem_shared>>
      %dma_wait3A_56 = tpu.memref_slice %arg6[%add3A_18] : memref<10240xf32, #tpu.memory_space<vmem_shared>> -> memref<128xf32, #tpu.memory_space<vmem_shared>>
      tpu.wait_dma2 semaphore(%run_scoped3A : memref<!tpu.dma_semaphore, #tpu.memory_space<semaphore_mem>>) src(%arg4 : memref<128xf32, #tpu.memory_space<vmem>>) dst(%dma_wait3A_56 : memref<128xf32, #tpu.memory_space<vmem_shared>>)
      tpu.yield
    }) : () -> ()
    %mul3A_19 = arith.constant 640 : i32
    %mul3A_20 = arith.muli %arg1, %mul3A_19 : i32
    %add3A_21 = arith.constant 128 : i32
    %add3A_22 = arith.addi %mul3A_20, %add3A_21 : i32
    "tpu.region"() ({
      %run_scoped3A = tpu.sem_alloc : memref<!tpu.dma_semaphore, #tpu.memory_space<semaphore_mem>>
      %dma_start3A = tpu.memref_slice %arg6[%add3A_22] : memref<10240xf32, #tpu.memory_space<vmem_shared>> -> memref<128xf32, #tpu.memory_space<vmem_shared>>
      %dma_start3A_55 = tpu.memref_slice %arg6[%add3A_22] : memref<10240xf32, #tpu.memory_space<vmem_shared>> -> memref<128xf32, #tpu.memory_space<vmem_shared>>
      tpu.enqueue_dma source(%arg4 : memref<128xf32, #tpu.memory_space<vmem>>) target(%dma_start3A_55 : memref<128xf32, #tpu.memory_space<vmem_shared>>) target_semaphore(%run_scoped3A : memref<!tpu.dma_semaphore, #tpu.memory_space<semaphore_mem>>)
      %dma_wait3A = tpu.memref_slice %arg6[%add3A_22] : memref<10240xf32, #tpu.memory_space<vmem_shared>> -> memref<128xf32, #tpu.memory_space<vmem_shared>>
      %dma_wait3A_56 = tpu.memref_slice %arg6[%add3A_22] : memref<10240xf32, #tpu.memory_space<vmem_shared>> -> memref<128xf32, #tpu.memory_space<vmem_shared>>
      tpu.wait_dma2 semaphore(%run_scoped3A : memref<!tpu.dma_semaphore, #tpu.memory_space<semaphore_mem>>) src(%arg4 : memref<128xf32, #tpu.memory_space<vmem>>) dst(%dma_wait3A_56 : memref<128xf32, #tpu.memory_space<vmem_shared>>)
      tpu.yield
    }) : () -> ()
    %mul3A_23 = arith.constant 640 : i32
    %mul3A_24 = arith.muli %arg1, %mul3A_23 : i32
    %add3A_25 = arith.constant 256 : i32
    %add3A_26 = arith.addi %mul3A_24, %add3A_25 : i32
    "tpu.region"() ({
      %run_scoped3A = tpu.sem_alloc : memref<!tpu.dma_semaphore, #tpu.memory_space<semaphore_mem>>
      %dma_start3A = tpu.memref_slice %arg6[%add3A_26] : memref<10240xf32, #tpu.memory_space<vmem_shared>> -> memref<128xf32, #tpu.memory_space<vmem_shared>>
      %dma_start3A_55 = tpu.memref_slice %arg6[%add3A_26] : memref<10240xf32, #tpu.memory_space<vmem_shared>> -> memref<128xf32, #tpu.memory_space<vmem_shared>>
      tpu.enqueue_dma source(%arg4 : memref<128xf32, #tpu.memory_space<vmem>>) target(%dma_start3A_55 : memref<128xf32, #tpu.memory_space<vmem_shared>>) target_semaphore(%run_scoped3A : memref<!tpu.dma_semaphore, #tpu.memory_space<semaphore_mem>>)
      %dma_wait3A = tpu.memref_slice %arg6[%add3A_26] : memref<10240xf32, #tpu.memory_space<vmem_shared>> -> memref<128xf32, #tpu.memory_space<vmem_shared>>
      %dma_wait3A_56 = tpu.memref_slice %arg6[%add3A_26] : memref<10240xf32, #tpu.memory_space<vmem_shared>> -> memref<128xf32, #tpu.memory_space<vmem_shared>>
      tpu.wait_dma2 semaphore(%run_scoped3A : memref<!tpu.dma_semaphore, #tpu.memory_space<semaphore_mem>>) src(%arg4 : memref<128xf32, #tpu.memory_space<vmem>>) dst(%dma_wait3A_56 : memref<128xf32, #tpu.memory_space<vmem_shared>>)
      tpu.yield
    }) : () -> ()
    %mul3A_27 = arith.constant 640 : i32
    %mul3A_28 = arith.muli %arg1, %mul3A_27 : i32
    %add3A_29 = arith.constant 384 : i32
    %add3A_30 = arith.addi %mul3A_28, %add3A_29 : i32
    "tpu.region"() ({
      %run_scoped3A = tpu.sem_alloc : memref<!tpu.dma_semaphore, #tpu.memory_space<semaphore_mem>>
      %dma_start3A = tpu.memref_slice %arg6[%add3A_30] : memref<10240xf32, #tpu.memory_space<vmem_shared>> -> memref<128xf32, #tpu.memory_space<vmem_shared>>
      %dma_start3A_55 = tpu.memref_slice %arg6[%add3A_30] : memref<10240xf32, #tpu.memory_space<vmem_shared>> -> memref<128xf32, #tpu.memory_space<vmem_shared>>
      tpu.enqueue_dma source(%arg4 : memref<128xf32, #tpu.memory_space<vmem>>) target(%dma_start3A_55 : memref<128xf32, #tpu.memory_space<vmem_shared>>) target_semaphore(%run_scoped3A : memref<!tpu.dma_semaphore, #tpu.memory_space<semaphore_mem>>)
      %dma_wait3A = tpu.memref_slice %arg6[%add3A_30] : memref<10240xf32, #tpu.memory_space<vmem_shared>> -> memref<128xf32, #tpu.memory_space<vmem_shared>>
      %dma_wait3A_56 = tpu.memref_slice %arg6[%add3A_30] : memref<10240xf32, #tpu.memory_space<vmem_shared>> -> memref<128xf32, #tpu.memory_space<vmem_shared>>
      tpu.wait_dma2 semaphore(%run_scoped3A : memref<!tpu.dma_semaphore, #tpu.memory_space<semaphore_mem>>) src(%arg4 : memref<128xf32, #tpu.memory_space<vmem>>) dst(%dma_wait3A_56 : memref<128xf32, #tpu.memory_space<vmem_shared>>)
      tpu.yield
    }) : () -> ()
    %mul3A_31 = arith.constant 640 : i32
    %mul3A_32 = arith.muli %arg1, %mul3A_31 : i32
    %add3A_33 = arith.constant 512 : i32
    %add3A_34 = arith.addi %mul3A_32, %add3A_33 : i32
    "tpu.region"() ({
      %run_scoped3A = tpu.sem_alloc : memref<!tpu.dma_semaphore, #tpu.memory_space<semaphore_mem>>
      %dma_start3A = tpu.memref_slice %arg6[%add3A_34] : memref<10240xf32, #tpu.memory_space<vmem_shared>> -> memref<128xf32, #tpu.memory_space<vmem_shared>>
      %dma_start3A_55 = tpu.memref_slice %arg6[%add3A_34] : memref<10240xf32, #tpu.memory_space<vmem_shared>> -> memref<128xf32, #tpu.memory_space<vmem_shared>>
      tpu.enqueue_dma source(%arg4 : memref<128xf32, #tpu.memory_space<vmem>>) target(%dma_start3A_55 : memref<128xf32, #tpu.memory_space<vmem_shared>>) target_semaphore(%run_scoped3A : memref<!tpu.dma_semaphore, #tpu.memory_space<semaphore_mem>>)
      %dma_wait3A = tpu.memref_slice %arg6[%add3A_34] : memref<10240xf32, #tpu.memory_space<vmem_shared>> -> memref<128xf32, #tpu.memory_space<vmem_shared>>
      %dma_wait3A_56 = tpu.memref_slice %arg6[%add3A_34] : memref<10240xf32, #tpu.memory_space<vmem_shared>> -> memref<128xf32, #tpu.memory_space<vmem_shared>>
      tpu.wait_dma2 semaphore(%run_scoped3A : memref<!tpu.dma_semaphore, #tpu.memory_space<semaphore_mem>>) src(%arg4 : memref<128xf32, #tpu.memory_space<vmem>>) dst(%dma_wait3A_56 : memref<128xf32, #tpu.memory_space<vmem_shared>>)
      tpu.yield
    }) : () -> ()
    %scan3A_35 = arith.constant 0 : i32
    %scan3A_36 = arith.constant 8 : i32
    %scan3A_37 = arith.addi %scan3A_35, %scan3A_36 : i32
    %scan3A_38 = arith.constant 1 : i32
    scf.for %scan3A_55 = %scan3A_35 to %scan3A_37 step %scan3A_38  : i32 {
      %broadcast_in_dim3A = arith.constant 1.000000e+00 : f32
      %broadcast_in_dim3A_56 = vector.broadcast %broadcast_in_dim3A : f32 to vector<16xf32>
      %mul3A_57 = arith.constant 16 : i32
      %mul3A_58 = arith.muli %scan3A_55, %mul3A_57 : i32
      %swap3A = arith.index_cast %mul3A_58 : i32 to index
      %swap3A_59 = tpu.vector_load %arg4[%swap3A] {strides = array<i32>} : memref<128xf32, #tpu.memory_space<vmem>>, vector<16xf32>,
      %swap3A_60 = vector.shape_cast %swap3A_59 : vector<16xf32> to vector<16xf32>
      %swap3A_61 = vector.shape_cast %broadcast_in_dim3A_56 : vector<16xf32> to vector<16xf32>
      tpu.vector_store %arg4[%swap3A], %swap3A_61 {strides = array<i32>} : memref<128xf32, #tpu.memory_space<vmem>>, vector<16xf32>,
    }
    %scan3A_39 = arith.constant 8 : i32
    %barrier3A = arith.constant 0 : index
    tpu.barrier barrier_id(%barrier3A)
    %add3A_40 = arith.constant 1 : i32
    %add3A_41 = arith.addi %select_n3A_8, %add3A_40 : i32
    %while3A = arith.constant 0 : i32
    %while3A_42 = arith.subi %add3A_41, %while3A : i32
    %while3A_43 = arith.addi %while3A, %while3A_42 : i32
    %while3A_44 = arith.constant 1 : i32
    %while3A_45 = arith.divsi %while3A_42, %while3A_44 : i32
    %while3A_46 = arith.muli %while3A_45, %while3A_44 : i32
    %while3A_47 = arith.addi %while3A, %while3A_46 : i32
    %while3A_48 = arith.constant 1 : i32
    scf.for %while3A_55 = %while3A to %while3A_47 step %while3A_48  : i32 {
      %lt3A = arith.cmpi slt, %while3A_55, %select_n3A_8 : i32
      %convert_element_type3A = arith.extui %lt3A : i1 to i32
      %cond3A = arith.constant 0 : i32
      %cond3A_56 = arith.cmpi ne, %convert_element_type3A, %cond3A : i32
      scf.if %cond3A_56 {
        %mul3A_61 = arith.constant 8 : i32
        %mul3A_62 = arith.muli %while3A_55, %mul3A_61 : i32
        %add3A_63 = arith.constant 0 : i32
        %add3A_64 = arith.addi %mul3A_62, %add3A_63 : i32
        %dma_start3A = arith.constant 0 : i32
        %dma_start3A_65 = tpu.memref_slice %arg5[%add3A_64, %dma_start3A] : memref<80x128xi32, #tpu.memory_space<vmem>> -> memref<1x128xi32, #tpu.memory_space<vmem>>
        %dma_start3A_66 = tpu.memref_squeeze %dma_start3A_65 : memref<1x128xi32, #tpu.memory_space<vmem>> -> memref<128xi32, #tpu.memory_space<vmem>>
        %dma_start3A_67 = arith.constant 0 : i32
        %dma_start3A_68 = tpu.memref_slice %arg6[%dma_start3A_67] : memref<10240xf32, #tpu.memory_space<vmem_shared>> -> memref<10240xf32, #tpu.memory_space<vmem_shared>>
        tpu.enqueue_indirect_dma source(%arg4 : memref<128xf32, #tpu.memory_space<vmem>>) target(%dma_start3A_68 : memref<10240xf32, #tpu.memory_space<vmem_shared>>) offsets(%dma_start3A_66 : memref<128xi32, #tpu.memory_space<vmem>>) semaphore(%arg7 : memref<!tpu.dma_semaphore, #tpu.memory_space<semaphore_mem>>) {add = true}
        %mul3A_69 = arith.constant 8 : i32
        %mul3A_70 = arith.muli %while3A_55, %mul3A_69 : i32
        %add3A_71 = arith.constant 1 : i32
        %add3A_72 = arith.addi %mul3A_70, %add3A_71 : i32
        %dma_start3A_73 = arith.constant 0 : i32
        %dma_start3A_74 = tpu.memref_slice %arg5[%add3A_72, %dma_start3A_73] : memref<80x128xi32, #tpu.memory_space<vmem>> -> memref<1x128xi32, #tpu.memory_space<vmem>>
        %dma_start3A_75 = tpu.memref_squeeze %dma_start3A_74 : memref<1x128xi32, #tpu.memory_space<vmem>> -> memref<128xi32, #tpu.memory_space<vmem>>
        %dma_start3A_76 = arith.constant 0 : i32
        %dma_start3A_77 = tpu.memref_slice %arg6[%dma_start3A_76] : memref<10240xf32, #tpu.memory_space<vmem_shared>> -> memref<10240xf32, #tpu.memory_space<vmem_shared>>
        tpu.enqueue_indirect_dma source(%arg4 : memref<128xf32, #tpu.memory_space<vmem>>) target(%dma_start3A_77 : memref<10240xf32, #tpu.memory_space<vmem_shared>>) offsets(%dma_start3A_75 : memref<128xi32, #tpu.memory_space<vmem>>) semaphore(%arg7 : memref<!tpu.dma_semaphore, #tpu.memory_space<semaphore_mem>>) {add = true}
        %mul3A_78 = arith.constant 8 : i32
        %mul3A_79 = arith.muli %while3A_55, %mul3A_78 : i32
        %add3A_80 = arith.constant 2 : i32
        %add3A_81 = arith.addi %mul3A_79, %add3A_80 : i32
        %dma_start3A_82 = arith.constant 0 : i32
        %dma_start3A_83 = tpu.memref_slice %arg5[%add3A_81, %dma_start3A_82] : memref<80x128xi32, #tpu.memory_space<vmem>> -> memref<1x128xi32, #tpu.memory_space<vmem>>
        %dma_start3A_84 = tpu.memref_squeeze %dma_start3A_83 : memref<1x128xi32, #tpu.memory_space<vmem>> -> memref<128xi32, #tpu.memory_space<vmem>>
        %dma_start3A_85 = arith.constant 0 : i32
        %dma_start3A_86 = tpu.memref_slice %arg6[%dma_start3A_85] : memref<10240xf32, #tpu.memory_space<vmem_shared>> -> memref<10240xf32, #tpu.memory_space<vmem_shared>>
        tpu.enqueue_indirect_dma source(%arg4 : memref<128xf32, #tpu.memory_space<vmem>>) target(%dma_start3A_86 : memref<10240xf32, #tpu.memory_space<vmem_shared>>) offsets(%dma_start3A_84 : memref<128xi32, #tpu.memory_space<vmem>>) semaphore(%arg7 : memref<!tpu.dma_semaphore, #tpu.memory_space<semaphore_mem>>) {add = true}
        %mul3A_87 = arith.constant 8 : i32
        %mul3A_88 = arith.muli %while3A_55, %mul3A_87 : i32
        %add3A_89 = arith.constant 3 : i32
        %add3A_90 = arith.addi %mul3A_88, %add3A_89 : i32
        %dma_start3A_91 = arith.constant 0 : i32
        %dma_start3A_92 = tpu.memref_slice %arg5[%add3A_90, %dma_start3A_91] : memref<80x128xi32, #tpu.memory_space<vmem>> -> memref<1x128xi32, #tpu.memory_space<vmem>>
        %dma_start3A_93 = tpu.memref_squeeze %dma_start3A_92 : memref<1x128xi32, #tpu.memory_space<vmem>> -> memref<128xi32, #tpu.memory_space<vmem>>
        %dma_start3A_94 = arith.constant 0 : i32
        %dma_start3A_95 = tpu.memref_slice %arg6[%dma_start3A_94] : memref<10240xf32, #tpu.memory_space<vmem_shared>> -> memref<10240xf32, #tpu.memory_space<vmem_shared>>
        tpu.enqueue_indirect_dma source(%arg4 : memref<128xf32, #tpu.memory_space<vmem>>) target(%dma_start3A_95 : memref<10240xf32, #tpu.memory_space<vmem_shared>>) offsets(%dma_start3A_93 : memref<128xi32, #tpu.memory_space<vmem>>) semaphore(%arg7 : memref<!tpu.dma_semaphore, #tpu.memory_space<semaphore_mem>>) {add = true}
        %mul3A_96 = arith.constant 8 : i32
        %mul3A_97 = arith.muli %while3A_55, %mul3A_96 : i32
        %add3A_98 = arith.constant 4 : i32
        %add3A_99 = arith.addi %mul3A_97, %add3A_98 : i32
        %dma_start3A_100 = arith.constant 0 : i32
        %dma_start3A_101 = tpu.memref_slice %arg5[%add3A_99, %dma_start3A_100] : memref<80x128xi32, #tpu.memory_space<vmem>> -> memref<1x128xi32, #tpu.memory_space<vmem>>
        %dma_start3A_102 = tpu.memref_squeeze %dma_start3A_101 : memref<1x128xi32, #tpu.memory_space<vmem>> -> memref<128xi32, #tpu.memory_space<vmem>>
        %dma_start3A_103 = arith.constant 0 : i32
        %dma_start3A_104 = tpu.memref_slice %arg6[%dma_start3A_103] : memref<10240xf32, #tpu.memory_space<vmem_shared>> -> memref<10240xf32, #tpu.memory_space<vmem_shared>>
        tpu.enqueue_indirect_dma source(%arg4 : memref<128xf32, #tpu.memory_space<vmem>>) target(%dma_start3A_104 : memref<10240xf32, #tpu.memory_space<vmem_shared>>) offsets(%dma_start3A_102 : memref<128xi32, #tpu.memory_space<vmem>>) semaphore(%arg7 : memref<!tpu.dma_semaphore, #tpu.memory_space<semaphore_mem>>) {add = true}
        %mul3A_105 = arith.constant 8 : i32
        %mul3A_106 = arith.muli %while3A_55, %mul3A_105 : i32
        %add3A_107 = arith.constant 5 : i32
        %add3A_108 = arith.addi %mul3A_106, %add3A_107 : i32
        %dma_start3A_109 = arith.constant 0 : i32
        %dma_start3A_110 = tpu.memref_slice %arg5[%add3A_108, %dma_start3A_109] : memref<80x128xi32, #tpu.memory_space<vmem>> -> memref<1x128xi32, #tpu.memory_space<vmem>>
        %dma_start3A_111 = tpu.memref_squeeze %dma_start3A_110 : memref<1x128xi32, #tpu.memory_space<vmem>> -> memref<128xi32, #tpu.memory_space<vmem>>
        %dma_start3A_112 = arith.constant 0 : i32
        %dma_start3A_113 = tpu.memref_slice %arg6[%dma_start3A_112] : memref<10240xf32, #tpu.memory_space<vmem_shared>> -> memref<10240xf32, #tpu.memory_space<vmem_shared>>
        tpu.enqueue_indirect_dma source(%arg4 : memref<128xf32, #tpu.memory_space<vmem>>) target(%dma_start3A_113 : memref<10240xf32, #tpu.memory_space<vmem_shared>>) offsets(%dma_start3A_111 : memref<128xi32, #tpu.memory_space<vmem>>) semaphore(%arg7 : memref<!tpu.dma_semaphore, #tpu.memory_space<semaphore_mem>>) {add = true}
        %mul3A_114 = arith.constant 8 : i32
        %mul3A_115 = arith.muli %while3A_55, %mul3A_114 : i32
        %add3A_116 = arith.constant 6 : i32
        %add3A_117 = arith.addi %mul3A_115, %add3A_116 : i32
        %dma_start3A_118 = arith.constant 0 : i32
        %dma_start3A_119 = tpu.memref_slice %arg5[%add3A_117, %dma_start3A_118] : memref<80x128xi32, #tpu.memory_space<vmem>> -> memref<1x128xi32, #tpu.memory_space<vmem>>
        %dma_start3A_120 = tpu.memref_squeeze %dma_start3A_119 : memref<1x128xi32, #tpu.memory_space<vmem>> -> memref<128xi32, #tpu.memory_space<vmem>>
        %dma_start3A_121 = arith.constant 0 : i32
        %dma_start3A_122 = tpu.memref_slice %arg6[%dma_start3A_121] : memref<10240xf32, #tpu.memory_space<vmem_shared>> -> memref<10240xf32, #tpu.memory_space<vmem_shared>>
        tpu.enqueue_indirect_dma source(%arg4 : memref<128xf32, #tpu.memory_space<vmem>>) target(%dma_start3A_122 : memref<10240xf32, #tpu.memory_space<vmem_shared>>) offsets(%dma_start3A_120 : memref<128xi32, #tpu.memory_space<vmem>>) semaphore(%arg7 : memref<!tpu.dma_semaphore, #tpu.memory_space<semaphore_mem>>) {add = true}
        %mul3A_123 = arith.constant 8 : i32
        %mul3A_124 = arith.muli %while3A_55, %mul3A_123 : i32
        %add3A_125 = arith.constant 7 : i32
        %add3A_126 = arith.addi %mul3A_124, %add3A_125 : i32
        %dma_start3A_127 = arith.constant 0 : i32
        %dma_start3A_128 = tpu.memref_slice %arg5[%add3A_126, %dma_start3A_127] : memref<80x128xi32, #tpu.memory_space<vmem>> -> memref<1x128xi32, #tpu.memory_space<vmem>>
        %dma_start3A_129 = tpu.memref_squeeze %dma_start3A_128 : memref<1x128xi32, #tpu.memory_space<vmem>> -> memref<128xi32, #tpu.memory_space<vmem>>
        %dma_start3A_130 = arith.constant 0 : i32
        %dma_start3A_131 = tpu.memref_slice %arg6[%dma_start3A_130] : memref<10240xf32, #tpu.memory_space<vmem_shared>> -> memref<10240xf32, #tpu.memory_space<vmem_shared>>
        tpu.enqueue_indirect_dma source(%arg4 : memref<128xf32, #tpu.memory_space<vmem>>) target(%dma_start3A_131 : memref<10240xf32, #tpu.memory_space<vmem_shared>>) offsets(%dma_start3A_129 : memref<128xi32, #tpu.memory_space<vmem>>) semaphore(%arg7 : memref<!tpu.dma_semaphore, #tpu.memory_space<semaphore_mem>>) {add = true}
      } else {
      }
      %gt3A = arith.constant 0 : i32
      %gt3A_57 = arith.cmpi sgt, %while3A_55, %gt3A : i32
      %convert_element_type3A_58 = arith.extui %gt3A_57 : i1 to i32
      %cond3A_59 = arith.constant 0 : i32
      %cond3A_60 = arith.cmpi ne, %convert_element_type3A_58, %cond3A_59 : i32
      scf.if %cond3A_60 {
        %dma_wait3A = arith.constant 0 : i32
        %dma_wait3A_61 = tpu.memref_slice %arg6[%dma_wait3A] : memref<10240xf32, #tpu.memory_space<vmem_shared>> -> memref<128xf32, #tpu.memory_space<vmem_shared>>
        %dma_wait3A_62 = arith.constant 0 : i32
        %dma_wait3A_63 = tpu.memref_slice %arg6[%dma_wait3A_62] : memref<10240xf32, #tpu.memory_space<vmem_shared>> -> memref<128xf32, #tpu.memory_space<vmem_shared>>
        tpu.wait_dma2 semaphore(%arg7 : memref<!tpu.dma_semaphore, #tpu.memory_space<semaphore_mem>>) src(%arg4 : memref<128xf32, #tpu.memory_space<vmem>>) dst(%dma_wait3A_63 : memref<128xf32, #tpu.memory_space<vmem_shared>>)
        %dma_wait3A_64 = arith.constant 0 : i32
        %dma_wait3A_65 = tpu.memref_slice %arg6[%dma_wait3A_64] : memref<10240xf32, #tpu.memory_space<vmem_shared>> -> memref<128xf32, #tpu.memory_space<vmem_shared>>
        %dma_wait3A_66 = arith.constant 0 : i32
        %dma_wait3A_67 = tpu.memref_slice %arg6[%dma_wait3A_66] : memref<10240xf32, #tpu.memory_space<vmem_shared>> -> memref<128xf32, #tpu.memory_space<vmem_shared>>
        tpu.wait_dma2 semaphore(%arg7 : memref<!tpu.dma_semaphore, #tpu.memory_space<semaphore_mem>>) src(%arg4 : memref<128xf32, #tpu.memory_space<vmem>>) dst(%dma_wait3A_67 : memref<128xf32, #tpu.memory_space<vmem_shared>>)
        %dma_wait3A_68 = arith.constant 0 : i32
        %dma_wait3A_69 = tpu.memref_slice %arg6[%dma_wait3A_68] : memref<10240xf32, #tpu.memory_space<vmem_shared>> -> memref<128xf32, #tpu.memory_space<vmem_shared>>
        %dma_wait3A_70 = arith.constant 0 : i32
        %dma_wait3A_71 = tpu.memref_slice %arg6[%dma_wait3A_70] : memref<10240xf32, #tpu.memory_space<vmem_shared>> -> memref<128xf32, #tpu.memory_space<vmem_shared>>
        tpu.wait_dma2 semaphore(%arg7 : memref<!tpu.dma_semaphore, #tpu.memory_space<semaphore_mem>>) src(%arg4 : memref<128xf32, #tpu.memory_space<vmem>>) dst(%dma_wait3A_71 : memref<128xf32, #tpu.memory_space<vmem_shared>>)
        %dma_wait3A_72 = arith.constant 0 : i32
        %dma_wait3A_73 = tpu.memref_slice %arg6[%dma_wait3A_72] : memref<10240xf32, #tpu.memory_space<vmem_shared>> -> memref<128xf32, #tpu.memory_space<vmem_shared>>
        %dma_wait3A_74 = arith.constant 0 : i32
        %dma_wait3A_75 = tpu.memref_slice %arg6[%dma_wait3A_74] : memref<10240xf32, #tpu.memory_space<vmem_shared>> -> memref<128xf32, #tpu.memory_space<vmem_shared>>
        tpu.wait_dma2 semaphore(%arg7 : memref<!tpu.dma_semaphore, #tpu.memory_space<semaphore_mem>>) src(%arg4 : memref<128xf32, #tpu.memory_space<vmem>>) dst(%dma_wait3A_75 : memref<128xf32, #tpu.memory_space<vmem_shared>>)
        %dma_wait3A_76 = arith.constant 0 : i32
        %dma_wait3A_77 = tpu.memref_slice %arg6[%dma_wait3A_76] : memref<10240xf32, #tpu.memory_space<vmem_shared>> -> memref<128xf32, #tpu.memory_space<vmem_shared>>
        %dma_wait3A_78 = arith.constant 0 : i32
        %dma_wait3A_79 = tpu.memref_slice %arg6[%dma_wait3A_78] : memref<10240xf32, #tpu.memory_space<vmem_shared>> -> memref<128xf32, #tpu.memory_space<vmem_shared>>
        tpu.wait_dma2 semaphore(%arg7 : memref<!tpu.dma_semaphore, #tpu.memory_space<semaphore_mem>>) src(%arg4 : memref<128xf32, #tpu.memory_space<vmem>>) dst(%dma_wait3A_79 : memref<128xf32, #tpu.memory_space<vmem_shared>>)
        %dma_wait3A_80 = arith.constant 0 : i32
        %dma_wait3A_81 = tpu.memref_slice %arg6[%dma_wait3A_80] : memref<10240xf32, #tpu.memory_space<vmem_shared>> -> memref<128xf32, #tpu.memory_space<vmem_shared>>
        %dma_wait3A_82 = arith.constant 0 : i32
        %dma_wait3A_83 = tpu.memref_slice %arg6[%dma_wait3A_82] : memref<10240xf32, #tpu.memory_space<vmem_shared>> -> memref<128xf32, #tpu.memory_space<vmem_shared>>
        tpu.wait_dma2 semaphore(%arg7 : memref<!tpu.dma_semaphore, #tpu.memory_space<semaphore_mem>>) src(%arg4 : memref<128xf32, #tpu.memory_space<vmem>>) dst(%dma_wait3A_83 : memref<128xf32, #tpu.memory_space<vmem_shared>>)
        %dma_wait3A_84 = arith.constant 0 : i32
        %dma_wait3A_85 = tpu.memref_slice %arg6[%dma_wait3A_84] : memref<10240xf32, #tpu.memory_space<vmem_shared>> -> memref<128xf32, #tpu.memory_space<vmem_shared>>
        %dma_wait3A_86 = arith.constant 0 : i32
        %dma_wait3A_87 = tpu.memref_slice %arg6[%dma_wait3A_86] : memref<10240xf32, #tpu.memory_space<vmem_shared>> -> memref<128xf32, #tpu.memory_space<vmem_shared>>
        tpu.wait_dma2 semaphore(%arg7 : memref<!tpu.dma_semaphore, #tpu.memory_space<semaphore_mem>>) src(%arg4 : memref<128xf32, #tpu.memory_space<vmem>>) dst(%dma_wait3A_87 : memref<128xf32, #tpu.memory_space<vmem_shared>>)
        %dma_wait3A_88 = arith.constant 0 : i32
        %dma_wait3A_89 = tpu.memref_slice %arg6[%dma_wait3A_88] : memref<10240xf32, #tpu.memory_space<vmem_shared>> -> memref<128xf32, #tpu.memory_space<vmem_shared>>
        %dma_wait3A_90 = arith.constant 0 : i32
        %dma_wait3A_91 = tpu.memref_slice %arg6[%dma_wait3A_90] : memref<10240xf32, #tpu.memory_space<vmem_shared>> -> memref<128xf32, #tpu.memory_space<vmem_shared>>
        tpu.wait_dma2 semaphore(%arg7 : memref<!tpu.dma_semaphore, #tpu.memory_space<semaphore_mem>>) src(%arg4 : memref<128xf32, #tpu.memory_space<vmem>>) dst(%dma_wait3A_91 : memref<128xf32, #tpu.memory_space<vmem_shared>>)
      } else {
      }
    }
    %while3A_49 = arith.constant 1 : i32
    scf.for %while3A_55 = %while3A_47 to %while3A_43 step %while3A_49  : i32 {
      %lt3A = arith.cmpi slt, %while3A_55, %select_n3A_8 : i32
      %convert_element_type3A = arith.extui %lt3A : i1 to i32
      %cond3A = arith.constant 0 : i32
      %cond3A_56 = arith.cmpi ne, %convert_element_type3A, %cond3A : i32
      scf.if %cond3A_56 {
        %mul3A_61 = arith.constant 8 : i32
        %mul3A_62 = arith.muli %while3A_55, %mul3A_61 : i32
        %add3A_63 = arith.constant 0 : i32
        %add3A_64 = arith.addi %mul3A_62, %add3A_63 : i32
        %dma_start3A = arith.constant 0 : i32
        %dma_start3A_65 = tpu.memref_slice %arg5[%add3A_64, %dma_start3A] : memref<80x128xi32, #tpu.memory_space<vmem>> -> memref<1x128xi32, #tpu.memory_space<vmem>>
        %dma_start3A_66 = tpu.memref_squeeze %dma_start3A_65 : memref<1x128xi32, #tpu.memory_space<vmem>> -> memref<128xi32, #tpu.memory_space<vmem>>
        %dma_start3A_67 = arith.constant 0 : i32
        %dma_start3A_68 = tpu.memref_slice %arg6[%dma_start3A_67] : memref<10240xf32, #tpu.memory_space<vmem_shared>> -> memref<10240xf32, #tpu.memory_space<vmem_shared>>
        tpu.enqueue_indirect_dma source(%arg4 : memref<128xf32, #tpu.memory_space<vmem>>) target(%dma_start3A_68 : memref<10240xf32, #tpu.memory_space<vmem_shared>>) offsets(%dma_start3A_66 : memref<128xi32, #tpu.memory_space<vmem>>) semaphore(%arg7 : memref<!tpu.dma_semaphore, #tpu.memory_space<semaphore_mem>>) {add = true}
        %mul3A_69 = arith.constant 8 : i32
        %mul3A_70 = arith.muli %while3A_55, %mul3A_69 : i32
        %add3A_71 = arith.constant 1 : i32
        %add3A_72 = arith.addi %mul3A_70, %add3A_71 : i32
        %dma_start3A_73 = arith.constant 0 : i32
        %dma_start3A_74 = tpu.memref_slice %arg5[%add3A_72, %dma_start3A_73] : memref<80x128xi32, #tpu.memory_space<vmem>> -> memref<1x128xi32, #tpu.memory_space<vmem>>
        %dma_start3A_75 = tpu.memref_squeeze %dma_start3A_74 : memref<1x128xi32, #tpu.memory_space<vmem>> -> memref<128xi32, #tpu.memory_space<vmem>>
        %dma_start3A_76 = arith.constant 0 : i32
        %dma_start3A_77 = tpu.memref_slice %arg6[%dma_start3A_76] : memref<10240xf32, #tpu.memory_space<vmem_shared>> -> memref<10240xf32, #tpu.memory_space<vmem_shared>>
        tpu.enqueue_indirect_dma source(%arg4 : memref<128xf32, #tpu.memory_space<vmem>>) target(%dma_start3A_77 : memref<10240xf32, #tpu.memory_space<vmem_shared>>) offsets(%dma_start3A_75 : memref<128xi32, #tpu.memory_space<vmem>>) semaphore(%arg7 : memref<!tpu.dma_semaphore, #tpu.memory_space<semaphore_mem>>) {add = true}
        %mul3A_78 = arith.constant 8 : i32
        %mul3A_79 = arith.muli %while3A_55, %mul3A_78 : i32
        %add3A_80 = arith.constant 2 : i32
        %add3A_81 = arith.addi %mul3A_79, %add3A_80 : i32
        %dma_start3A_82 = arith.constant 0 : i32
        %dma_start3A_83 = tpu.memref_slice %arg5[%add3A_81, %dma_start3A_82] : memref<80x128xi32, #tpu.memory_space<vmem>> -> memref<1x128xi32, #tpu.memory_space<vmem>>
        %dma_start3A_84 = tpu.memref_squeeze %dma_start3A_83 : memref<1x128xi32, #tpu.memory_space<vmem>> -> memref<128xi32, #tpu.memory_space<vmem>>
        %dma_start3A_85 = arith.constant 0 : i32
        %dma_start3A_86 = tpu.memref_slice %arg6[%dma_start3A_85] : memref<10240xf32, #tpu.memory_space<vmem_shared>> -> memref<10240xf32, #tpu.memory_space<vmem_shared>>
        tpu.enqueue_indirect_dma source(%arg4 : memref<128xf32, #tpu.memory_space<vmem>>) target(%dma_start3A_86 : memref<10240xf32, #tpu.memory_space<vmem_shared>>) offsets(%dma_start3A_84 : memref<128xi32, #tpu.memory_space<vmem>>) semaphore(%arg7 : memref<!tpu.dma_semaphore, #tpu.memory_space<semaphore_mem>>) {add = true}
        %mul3A_87 = arith.constant 8 : i32
        %mul3A_88 = arith.muli %while3A_55, %mul3A_87 : i32
        %add3A_89 = arith.constant 3 : i32
        %add3A_90 = arith.addi %mul3A_88, %add3A_89 : i32
        %dma_start3A_91 = arith.constant 0 : i32
        %dma_start3A_92 = tpu.memref_slice %arg5[%add3A_90, %dma_start3A_91] : memref<80x128xi32, #tpu.memory_space<vmem>> -> memref<1x128xi32, #tpu.memory_space<vmem>>
        %dma_start3A_93 = tpu.memref_squeeze %dma_start3A_92 : memref<1x128xi32, #tpu.memory_space<vmem>> -> memref<128xi32, #tpu.memory_space<vmem>>
        %dma_start3A_94 = arith.constant 0 : i32
        %dma_start3A_95 = tpu.memref_slice %arg6[%dma_start3A_94] : memref<10240xf32, #tpu.memory_space<vmem_shared>> -> memref<10240xf32, #tpu.memory_space<vmem_shared>>
        tpu.enqueue_indirect_dma source(%arg4 : memref<128xf32, #tpu.memory_space<vmem>>) target(%dma_start3A_95 : memref<10240xf32, #tpu.memory_space<vmem_shared>>) offsets(%dma_start3A_93 : memref<128xi32, #tpu.memory_space<vmem>>) semaphore(%arg7 : memref<!tpu.dma_semaphore, #tpu.memory_space<semaphore_mem>>) {add = true}
        %mul3A_96 = arith.constant 8 : i32
        %mul3A_97 = arith.muli %while3A_55, %mul3A_96 : i32
        %add3A_98 = arith.constant 4 : i32
        %add3A_99 = arith.addi %mul3A_97, %add3A_98 : i32
        %dma_start3A_100 = arith.constant 0 : i32
        %dma_start3A_101 = tpu.memref_slice %arg5[%add3A_99, %dma_start3A_100] : memref<80x128xi32, #tpu.memory_space<vmem>> -> memref<1x128xi32, #tpu.memory_space<vmem>>
        %dma_start3A_102 = tpu.memref_squeeze %dma_start3A_101 : memref<1x128xi32, #tpu.memory_space<vmem>> -> memref<128xi32, #tpu.memory_space<vmem>>
        %dma_start3A_103 = arith.constant 0 : i32
        %dma_start3A_104 = tpu.memref_slice %arg6[%dma_start3A_103] : memref<10240xf32, #tpu.memory_space<vmem_shared>> -> memref<10240xf32, #tpu.memory_space<vmem_shared>>
        tpu.enqueue_indirect_dma source(%arg4 : memref<128xf32, #tpu.memory_space<vmem>>) target(%dma_start3A_104 : memref<10240xf32, #tpu.memory_space<vmem_shared>>) offsets(%dma_start3A_102 : memref<128xi32, #tpu.memory_space<vmem>>) semaphore(%arg7 : memref<!tpu.dma_semaphore, #tpu.memory_space<semaphore_mem>>) {add = true}
        %mul3A_105 = arith.constant 8 : i32
        %mul3A_106 = arith.muli %while3A_55, %mul3A_105 : i32
        %add3A_107 = arith.constant 5 : i32
        %add3A_108 = arith.addi %mul3A_106, %add3A_107 : i32
        %dma_start3A_109 = arith.constant 0 : i32
        %dma_start3A_110 = tpu.memref_slice %arg5[%add3A_108, %dma_start3A_109] : memref<80x128xi32, #tpu.memory_space<vmem>> -> memref<1x128xi32, #tpu.memory_space<vmem>>
        %dma_start3A_111 = tpu.memref_squeeze %dma_start3A_110 : memref<1x128xi32, #tpu.memory_space<vmem>> -> memref<128xi32, #tpu.memory_space<vmem>>
        %dma_start3A_112 = arith.constant 0 : i32
        %dma_start3A_113 = tpu.memref_slice %arg6[%dma_start3A_112] : memref<10240xf32, #tpu.memory_space<vmem_shared>> -> memref<10240xf32, #tpu.memory_space<vmem_shared>>
        tpu.enqueue_indirect_dma source(%arg4 : memref<128xf32, #tpu.memory_space<vmem>>) target(%dma_start3A_113 : memref<10240xf32, #tpu.memory_space<vmem_shared>>) offsets(%dma_start3A_111 : memref<128xi32, #tpu.memory_space<vmem>>) semaphore(%arg7 : memref<!tpu.dma_semaphore, #tpu.memory_space<semaphore_mem>>) {add = true}
        %mul3A_114 = arith.constant 8 : i32
        %mul3A_115 = arith.muli %while3A_55, %mul3A_114 : i32
        %add3A_116 = arith.constant 6 : i32
        %add3A_117 = arith.addi %mul3A_115, %add3A_116 : i32
        %dma_start3A_118 = arith.constant 0 : i32
        %dma_start3A_119 = tpu.memref_slice %arg5[%add3A_117, %dma_start3A_118] : memref<80x128xi32, #tpu.memory_space<vmem>> -> memref<1x128xi32, #tpu.memory_space<vmem>>
        %dma_start3A_120 = tpu.memref_squeeze %dma_start3A_119 : memref<1x128xi32, #tpu.memory_space<vmem>> -> memref<128xi32, #tpu.memory_space<vmem>>
        %dma_start3A_121 = arith.constant 0 : i32
        %dma_start3A_122 = tpu.memref_slice %arg6[%dma_start3A_121] : memref<10240xf32, #tpu.memory_space<vmem_shared>> -> memref<10240xf32, #tpu.memory_space<vmem_shared>>
        tpu.enqueue_indirect_dma source(%arg4 : memref<128xf32, #tpu.memory_space<vmem>>) target(%dma_start3A_122 : memref<10240xf32, #tpu.memory_space<vmem_shared>>) offsets(%dma_start3A_120 : memref<128xi32, #tpu.memory_space<vmem>>) semaphore(%arg7 : memref<!tpu.dma_semaphore, #tpu.memory_space<semaphore_mem>>) {add = true}
        %mul3A_123 = arith.constant 8 : i32
        %mul3A_124 = arith.muli %while3A_55, %mul3A_123 : i32
        %add3A_125 = arith.constant 7 : i32
        %add3A_126 = arith.addi %mul3A_124, %add3A_125 : i32
        %dma_start3A_127 = arith.constant 0 : i32
        %dma_start3A_128 = tpu.memref_slice %arg5[%add3A_126, %dma_start3A_127] : memref<80x128xi32, #tpu.memory_space<vmem>> -> memref<1x128xi32, #tpu.memory_space<vmem>>
        %dma_start3A_129 = tpu.memref_squeeze %dma_start3A_128 : memref<1x128xi32, #tpu.memory_space<vmem>> -> memref<128xi32, #tpu.memory_space<vmem>>
        %dma_start3A_130 = arith.constant 0 : i32
        %dma_start3A_131 = tpu.memref_slice %arg6[%dma_start3A_130] : memref<10240xf32, #tpu.memory_space<vmem_shared>> -> memref<10240xf32, #tpu.memory_space<vmem_shared>>
        tpu.enqueue_indirect_dma source(%arg4 : memref<128xf32, #tpu.memory_space<vmem>>) target(%dma_start3A_131 : memref<10240xf32, #tpu.memory_space<vmem_shared>>) offsets(%dma_start3A_129 : memref<128xi32, #tpu.memory_space<vmem>>) semaphore(%arg7 : memref<!tpu.dma_semaphore, #tpu.memory_space<semaphore_mem>>) {add = true}
      } else {
      }
      %gt3A = arith.constant 0 : i32
      %gt3A_57 = arith.cmpi sgt, %while3A_55, %gt3A : i32
      %convert_element_type3A_58 = arith.extui %gt3A_57 : i1 to i32
      %cond3A_59 = arith.constant 0 : i32
      %cond3A_60 = arith.cmpi ne, %convert_element_type3A_58, %cond3A_59 : i32
      scf.if %cond3A_60 {
        %dma_wait3A = arith.constant 0 : i32
        %dma_wait3A_61 = tpu.memref_slice %arg6[%dma_wait3A] : memref<10240xf32, #tpu.memory_space<vmem_shared>> -> memref<128xf32, #tpu.memory_space<vmem_shared>>
        %dma_wait3A_62 = arith.constant 0 : i32
        %dma_wait3A_63 = tpu.memref_slice %arg6[%dma_wait3A_62] : memref<10240xf32, #tpu.memory_space<vmem_shared>> -> memref<128xf32, #tpu.memory_space<vmem_shared>>
        tpu.wait_dma2 semaphore(%arg7 : memref<!tpu.dma_semaphore, #tpu.memory_space<semaphore_mem>>) src(%arg4 : memref<128xf32, #tpu.memory_space<vmem>>) dst(%dma_wait3A_63 : memref<128xf32, #tpu.memory_space<vmem_shared>>)
        %dma_wait3A_64 = arith.constant 0 : i32
        %dma_wait3A_65 = tpu.memref_slice %arg6[%dma_wait3A_64] : memref<10240xf32, #tpu.memory_space<vmem_shared>> -> memref<128xf32, #tpu.memory_space<vmem_shared>>
        %dma_wait3A_66 = arith.constant 0 : i32
        %dma_wait3A_67 = tpu.memref_slice %arg6[%dma_wait3A_66] : memref<10240xf32, #tpu.memory_space<vmem_shared>> -> memref<128xf32, #tpu.memory_space<vmem_shared>>
        tpu.wait_dma2 semaphore(%arg7 : memref<!tpu.dma_semaphore, #tpu.memory_space<semaphore_mem>>) src(%arg4 : memref<128xf32, #tpu.memory_space<vmem>>) dst(%dma_wait3A_67 : memref<128xf32, #tpu.memory_space<vmem_shared>>)
        %dma_wait3A_68 = arith.constant 0 : i32
        %dma_wait3A_69 = tpu.memref_slice %arg6[%dma_wait3A_68] : memref<10240xf32, #tpu.memory_space<vmem_shared>> -> memref<128xf32, #tpu.memory_space<vmem_shared>>
        %dma_wait3A_70 = arith.constant 0 : i32
        %dma_wait3A_71 = tpu.memref_slice %arg6[%dma_wait3A_70] : memref<10240xf32, #tpu.memory_space<vmem_shared>> -> memref<128xf32, #tpu.memory_space<vmem_shared>>
        tpu.wait_dma2 semaphore(%arg7 : memref<!tpu.dma_semaphore, #tpu.memory_space<semaphore_mem>>) src(%arg4 : memref<128xf32, #tpu.memory_space<vmem>>) dst(%dma_wait3A_71 : memref<128xf32, #tpu.memory_space<vmem_shared>>)
        %dma_wait3A_72 = arith.constant 0 : i32
        %dma_wait3A_73 = tpu.memref_slice %arg6[%dma_wait3A_72] : memref<10240xf32, #tpu.memory_space<vmem_shared>> -> memref<128xf32, #tpu.memory_space<vmem_shared>>
        %dma_wait3A_74 = arith.constant 0 : i32
        %dma_wait3A_75 = tpu.memref_slice %arg6[%dma_wait3A_74] : memref<10240xf32, #tpu.memory_space<vmem_shared>> -> memref<128xf32, #tpu.memory_space<vmem_shared>>
        tpu.wait_dma2 semaphore(%arg7 : memref<!tpu.dma_semaphore, #tpu.memory_space<semaphore_mem>>) src(%arg4 : memref<128xf32, #tpu.memory_space<vmem>>) dst(%dma_wait3A_75 : memref<128xf32, #tpu.memory_space<vmem_shared>>)
        %dma_wait3A_76 = arith.constant 0 : i32
        %dma_wait3A_77 = tpu.memref_slice %arg6[%dma_wait3A_76] : memref<10240xf32, #tpu.memory_space<vmem_shared>> -> memref<128xf32, #tpu.memory_space<vmem_shared>>
        %dma_wait3A_78 = arith.constant 0 : i32
        %dma_wait3A_79 = tpu.memref_slice %arg6[%dma_wait3A_78] : memref<10240xf32, #tpu.memory_space<vmem_shared>> -> memref<128xf32, #tpu.memory_space<vmem_shared>>
        tpu.wait_dma2 semaphore(%arg7 : memref<!tpu.dma_semaphore, #tpu.memory_space<semaphore_mem>>) src(%arg4 : memref<128xf32, #tpu.memory_space<vmem>>) dst(%dma_wait3A_79 : memref<128xf32, #tpu.memory_space<vmem_shared>>)
        %dma_wait3A_80 = arith.constant 0 : i32
        %dma_wait3A_81 = tpu.memref_slice %arg6[%dma_wait3A_80] : memref<10240xf32, #tpu.memory_space<vmem_shared>> -> memref<128xf32, #tpu.memory_space<vmem_shared>>
        %dma_wait3A_82 = arith.constant 0 : i32
        %dma_wait3A_83 = tpu.memref_slice %arg6[%dma_wait3A_82] : memref<10240xf32, #tpu.memory_space<vmem_shared>> -> memref<128xf32, #tpu.memory_space<vmem_shared>>
        tpu.wait_dma2 semaphore(%arg7 : memref<!tpu.dma_semaphore, #tpu.memory_space<semaphore_mem>>) src(%arg4 : memref<128xf32, #tpu.memory_space<vmem>>) dst(%dma_wait3A_83 : memref<128xf32, #tpu.memory_space<vmem_shared>>)
        %dma_wait3A_84 = arith.constant 0 : i32
        %dma_wait3A_85 = tpu.memref_slice %arg6[%dma_wait3A_84] : memref<10240xf32, #tpu.memory_space<vmem_shared>> -> memref<128xf32, #tpu.memory_space<vmem_shared>>
        %dma_wait3A_86 = arith.constant 0 : i32
        %dma_wait3A_87 = tpu.memref_slice %arg6[%dma_wait3A_86] : memref<10240xf32, #tpu.memory_space<vmem_shared>> -> memref<128xf32, #tpu.memory_space<vmem_shared>>
        tpu.wait_dma2 semaphore(%arg7 : memref<!tpu.dma_semaphore, #tpu.memory_space<semaphore_mem>>) src(%arg4 : memref<128xf32, #tpu.memory_space<vmem>>) dst(%dma_wait3A_87 : memref<128xf32, #tpu.memory_space<vmem_shared>>)
        %dma_wait3A_88 = arith.constant 0 : i32
        %dma_wait3A_89 = tpu.memref_slice %arg6[%dma_wait3A_88] : memref<10240xf32, #tpu.memory_space<vmem_shared>> -> memref<128xf32, #tpu.memory_space<vmem_shared>>
        %dma_wait3A_90 = arith.constant 0 : i32
        %dma_wait3A_91 = tpu.memref_slice %arg6[%dma_wait3A_90] : memref<10240xf32, #tpu.memory_space<vmem_shared>> -> memref<128xf32, #tpu.memory_space<vmem_shared>>
        tpu.wait_dma2 semaphore(%arg7 : memref<!tpu.dma_semaphore, #tpu.memory_space<semaphore_mem>>) src(%arg4 : memref<128xf32, #tpu.memory_space<vmem>>) dst(%dma_wait3A_91 : memref<128xf32, #tpu.memory_space<vmem_shared>>)
      } else {
      }
    }
    %barrier3A_50 = arith.constant 0 : index
    tpu.barrier barrier_id(%barrier3A_50)
    %mul3A_51 = arith.constant 640 : i32
    %mul3A_52 = arith.muli %arg1, %mul3A_51 : i32
    %mul3A_53 = arith.constant 640 : i32
    %mul3A_54 = arith.muli %arg1, %mul3A_53 : i32
    "tpu.region"() ({
      %run_scoped3A = tpu.sem_alloc : memref<!tpu.dma_semaphore, #tpu.memory_space<semaphore_mem>>
      %dma_start3A = tpu.memref_slice %arg3[%arg0, %mul3A_54] : memref<2x10240xf32, #tpu.memory_space<hbm>> -> memref<1x640xf32, #tpu.memory_space<hbm>>
      %dma_start3A_55 = tpu.memref_squeeze %dma_start3A : memref<1x640xf32, #tpu.memory_space<hbm>> -> memref<640xf32, #tpu.memory_space<hbm>>
      %dma_start3A_56 = tpu.memref_slice %arg6[%mul3A_52] : memref<10240xf32, #tpu.memory_space<vmem_shared>> -> memref<640xf32, #tpu.memory_space<vmem_shared>>
      tpu.enqueue_dma source(%dma_start3A_56 : memref<640xf32, #tpu.memory_space<vmem_shared>>) target(%dma_start3A_55 : memref<640xf32, #tpu.memory_space<hbm>>) target_semaphore(%run_scoped3A : memref<!tpu.dma_semaphore, #tpu.memory_space<semaphore_mem>>)
      %dma_wait3A = tpu.memref_slice %arg3[%arg0, %mul3A_54] : memref<2x10240xf32, #tpu.memory_space<hbm>> -> memref<1x640xf32, #tpu.memory_space<hbm>>
      %dma_wait3A_57 = tpu.memref_squeeze %dma_wait3A : memref<1x640xf32, #tpu.memory_space<hbm>> -> memref<640xf32, #tpu.memory_space<hbm>>
      %dma_wait3A_58 = tpu.memref_slice %arg6[%mul3A_52] : memref<10240xf32, #tpu.memory_space<vmem_shared>> -> memref<640xf32, #tpu.memory_space<vmem_shared>>
      tpu.wait_dma2 semaphore(%run_scoped3A : memref<!tpu.dma_semaphore, #tpu.memory_space<semaphore_mem>>) src(%dma_wait3A_58 : memref<640xf32, #tpu.memory_space<vmem_shared>>) dst(%dma_wait3A_57 : memref<640xf32, #tpu.memory_space<hbm>>)
      tpu.yield
    }) : () -> ()
    return
  }
}

#map = affine_map<(d0, d1) -> (0, 0)>
module attributes {stable_mosaic.version = 14 : i64} {
  func.func @_agg_kernel(%arg0: i32, %arg1: i32, %arg2: memref<10240x16xf32, #tpu.memory_space<hbm>>, %arg3: memref<5120x128xi32, #tpu.memory_space<hbm>>, %arg4: memref<20480x16xf32, #tpu.memory_space<hbm>>, %arg5: memref<80x128xi32, #tpu.memory_space<vmem>>, %arg6: memref<80x128xi32, #tpu.memory_space<vmem>>, %arg7: memref<2x8x128x16xf32, #tpu.memory_space<vmem>>, %arg8: memref<10240x16xf32, #tpu.memory_space<vmem_shared>>, %arg9: memref<!tpu.dma_semaphore, #tpu.memory_space<semaphore_mem>>, %arg10: memref<!tpu.dma_semaphore, #tpu.memory_space<semaphore_mem>>) attributes {dimension_semantics = [#tpu.dimension_semantics<core_parallel>, #tpu.dimension_semantics<subcore_parallel>], iteration_bounds = array<i64: 2, 16>, scalar_prefetch = 0 : i64, scratch_operands = 6 : i64, tpu.core_type = #tpu.core_type<sc_vector_subcore>, window_params = [{transform_indices = #map}, {transform_indices = #map}, {transform_indices = #map}]} {
    %eq3A = arith.constant 0 : i32
    %eq3A_0 = arith.cmpi eq, %arg0, %eq3A : i32
    %mul3A = arith.constant 80 : i32
    %mul3A_1 = arith.muli %arg1, %mul3A : i32
    %mul3A_2 = arith.constant 80 : i32
    %mul3A_3 = arith.muli %arg1, %mul3A_2 : i32
    %add3A = arith.constant 1280 : i32
    %add3A_4 = arith.addi %add3A, %mul3A_3 : i32
    %select_n3A = arith.select %eq3A_0, %mul3A_1, %add3A_4 : i32
    %eq3A_5 = arith.constant 0 : i32
    %eq3A_6 = arith.cmpi eq, %arg0, %eq3A_5 : i32
    %jit3A = arith.constant 10 : i32
    %jit3A_7 = arith.constant 10 : i32
    %select_n3A_8 = arith.select %eq3A_6, %jit3A, %jit3A_7 : i32
    "tpu.region"() ({
      %run_scoped3A_163 = tpu.sem_alloc : memref<!tpu.dma_semaphore, #tpu.memory_space<semaphore_mem>>
      %dma_start3A_164 = arith.constant 0 : i32
      %dma_start3A_165 = tpu.memref_slice %arg3[%select_n3A, %dma_start3A_164] : memref<5120x128xi32, #tpu.memory_space<hbm>> -> memref<80x128xi32, #tpu.memory_space<hbm>>
      %dma_start3A_166 = arith.constant 0 : i32
      %dma_start3A_167 = tpu.memref_slice %arg3[%select_n3A, %dma_start3A_166] : memref<5120x128xi32, #tpu.memory_space<hbm>> -> memref<80x128xi32, #tpu.memory_space<hbm>>
      tpu.enqueue_dma source(%dma_start3A_167 : memref<80x128xi32, #tpu.memory_space<hbm>>) target(%arg5 : memref<80x128xi32, #tpu.memory_space<vmem>>) target_semaphore(%run_scoped3A_163 : memref<!tpu.dma_semaphore, #tpu.memory_space<semaphore_mem>>)
      %dma_wait3A = arith.constant 0 : i32
      %dma_wait3A_168 = tpu.memref_slice %arg3[%select_n3A, %dma_wait3A] : memref<5120x128xi32, #tpu.memory_space<hbm>> -> memref<80x128xi32, #tpu.memory_space<hbm>>
      %dma_wait3A_169 = arith.constant 0 : i32
      %dma_wait3A_170 = tpu.memref_slice %arg3[%select_n3A, %dma_wait3A_169] : memref<5120x128xi32, #tpu.memory_space<hbm>> -> memref<80x128xi32, #tpu.memory_space<hbm>>
      tpu.wait_dma2 semaphore(%run_scoped3A_163 : memref<!tpu.dma_semaphore, #tpu.memory_space<semaphore_mem>>) src(%dma_wait3A_170 : memref<80x128xi32, #tpu.memory_space<hbm>>) dst(%arg5 : memref<80x128xi32, #tpu.memory_space<vmem>>)
      tpu.yield
    }) : () -> ()
    %add3A_9 = arith.constant 2560 : i32
    %add3A_10 = arith.addi %add3A_9, %select_n3A : i32
    "tpu.region"() ({
      %run_scoped3A_163 = tpu.sem_alloc : memref<!tpu.dma_semaphore, #tpu.memory_space<semaphore_mem>>
      %dma_start3A_164 = arith.constant 0 : i32
      %dma_start3A_165 = tpu.memref_slice %arg3[%add3A_10, %dma_start3A_164] : memref<5120x128xi32, #tpu.memory_space<hbm>> -> memref<80x128xi32, #tpu.memory_space<hbm>>
      %dma_start3A_166 = arith.constant 0 : i32
      %dma_start3A_167 = tpu.memref_slice %arg3[%add3A_10, %dma_start3A_166] : memref<5120x128xi32, #tpu.memory_space<hbm>> -> memref<80x128xi32, #tpu.memory_space<hbm>>
      tpu.enqueue_dma source(%dma_start3A_167 : memref<80x128xi32, #tpu.memory_space<hbm>>) target(%arg6 : memref<80x128xi32, #tpu.memory_space<vmem>>) target_semaphore(%run_scoped3A_163 : memref<!tpu.dma_semaphore, #tpu.memory_space<semaphore_mem>>)
      %dma_wait3A = arith.constant 0 : i32
      %dma_wait3A_168 = tpu.memref_slice %arg3[%add3A_10, %dma_wait3A] : memref<5120x128xi32, #tpu.memory_space<hbm>> -> memref<80x128xi32, #tpu.memory_space<hbm>>
      %dma_wait3A_169 = arith.constant 0 : i32
      %dma_wait3A_170 = tpu.memref_slice %arg3[%add3A_10, %dma_wait3A_169] : memref<5120x128xi32, #tpu.memory_space<hbm>> -> memref<80x128xi32, #tpu.memory_space<hbm>>
      tpu.wait_dma2 semaphore(%run_scoped3A_163 : memref<!tpu.dma_semaphore, #tpu.memory_space<semaphore_mem>>) src(%dma_wait3A_170 : memref<80x128xi32, #tpu.memory_space<hbm>>) dst(%arg6 : memref<80x128xi32, #tpu.memory_space<vmem>>)
      tpu.yield
    }) : () -> ()
    %scan3A = arith.constant 0 : i32
    %scan3A_11 = arith.constant 128 : i32
    %scan3A_12 = arith.addi %scan3A, %scan3A_11 : i32
    %scan3A_13 = arith.constant 1 : i32
    scf.for %scan3A_163 = %scan3A to %scan3A_12 step %scan3A_13  : i32 {
      %broadcast_in_dim3A = arith.constant 0.000000e+00 : f32
      %broadcast_in_dim3A_164 = vector.broadcast %broadcast_in_dim3A : f32 to vector<16xf32>
      %swap3A = arith.constant 0 : i32
      %swap3A_165 = arith.constant 0 : i32
      %swap3A_166 = arith.index_cast %swap3A : i32 to index
      %swap3A_167 = arith.index_cast %swap3A_165 : i32 to index
      %swap3A_168 = arith.index_cast %scan3A_163 : i32 to index
      %swap3A_169 = arith.constant 0 : index
      %swap3A_170 = tpu.vector_load %arg7[%swap3A_166, %swap3A_167, %swap3A_168, %swap3A_169] {strides = array<i32>} : memref<2x8x128x16xf32, #tpu.memory_space<vmem>>, vector<1x1x1x16xf32>,
      %swap3A_171 = vector.shape_cast %swap3A_170 : vector<1x1x1x16xf32> to vector<16xf32>
      %swap3A_172 = vector.shape_cast %broadcast_in_dim3A_164 : vector<16xf32> to vector<1x1x1x16xf32>
      tpu.vector_store %arg7[%swap3A_166, %swap3A_167, %swap3A_168, %swap3A_169], %swap3A_172 {strides = array<i32>} : memref<2x8x128x16xf32, #tpu.memory_space<vmem>>, vector<1x1x1x16xf32>,
    }
    %scan3A_14 = arith.constant 128 : i32
    %mul3A_15 = arith.constant 640 : i32
    %mul3A_16 = arith.muli %arg1, %mul3A_15 : i32
    %add3A_17 = arith.constant 0 : i32
    %add3A_18 = arith.addi %mul3A_16, %add3A_17 : i32
    %run_scoped3A = arith.constant 0 : i32
    %run_scoped3A_19 = arith.constant 0 : i32
    "tpu.region"() ({
      %run_scoped3A_163 = tpu.sem_alloc : memref<!tpu.dma_semaphore, #tpu.memory_space<semaphore_mem>>
      %dma_start3A_164 = arith.constant 0 : i32
      %dma_start3A_165 = arith.constant 0 : i32
      %dma_start3A_166 = tpu.memref_slice %arg7[%run_scoped3A, %run_scoped3A_19, %dma_start3A_164, %dma_start3A_165] : memref<2x8x128x16xf32, #tpu.memory_space<vmem>> -> memref<1x1x128x16xf32, #tpu.memory_space<vmem>>
      %dma_start3A_167 = tpu.memref_squeeze %dma_start3A_166 : memref<1x1x128x16xf32, #tpu.memory_space<vmem>> -> memref<128x16xf32, #tpu.memory_space<vmem>>
      %dma_start3A_168 = arith.constant 0 : i32
      %dma_start3A_169 = tpu.memref_slice %arg8[%add3A_18, %dma_start3A_168] : memref<10240x16xf32, #tpu.memory_space<vmem_shared>> -> memref<128x16xf32, #tpu.memory_space<vmem_shared>>
      %dma_start3A_170 = arith.constant 0 : i32
      %dma_start3A_171 = tpu.memref_slice %arg8[%add3A_18, %dma_start3A_170] : memref<10240x16xf32, #tpu.memory_space<vmem_shared>> -> memref<128x16xf32, #tpu.memory_space<vmem_shared>>
      %dma_start3A_172 = arith.constant 0 : i32
      %dma_start3A_173 = arith.constant 0 : i32
      %dma_start3A_174 = tpu.memref_slice %arg7[%run_scoped3A, %run_scoped3A_19, %dma_start3A_172, %dma_start3A_173] : memref<2x8x128x16xf32, #tpu.memory_space<vmem>> -> memref<1x1x128x16xf32, #tpu.memory_space<vmem>>
      %dma_start3A_175 = tpu.memref_squeeze %dma_start3A_174 : memref<1x1x128x16xf32, #tpu.memory_space<vmem>> -> memref<128x16xf32, #tpu.memory_space<vmem>>
      tpu.enqueue_dma source(%dma_start3A_175 : memref<128x16xf32, #tpu.memory_space<vmem>>) target(%dma_start3A_171 : memref<128x16xf32, #tpu.memory_space<vmem_shared>>) target_semaphore(%run_scoped3A_163 : memref<!tpu.dma_semaphore, #tpu.memory_space<semaphore_mem>>)
      %dma_wait3A = arith.constant 0 : i32
      %dma_wait3A_176 = arith.constant 0 : i32
      %dma_wait3A_177 = tpu.memref_slice %arg7[%run_scoped3A, %run_scoped3A_19, %dma_wait3A, %dma_wait3A_176] : memref<2x8x128x16xf32, #tpu.memory_space<vmem>> -> memref<1x1x128x16xf32, #tpu.memory_space<vmem>>
      %dma_wait3A_178 = tpu.memref_squeeze %dma_wait3A_177 : memref<1x1x128x16xf32, #tpu.memory_space<vmem>> -> memref<128x16xf32, #tpu.memory_space<vmem>>
      %dma_wait3A_179 = arith.constant 0 : i32
      %dma_wait3A_180 = tpu.memref_slice %arg8[%add3A_18, %dma_wait3A_179] : memref<10240x16xf32, #tpu.memory_space<vmem_shared>> -> memref<128x16xf32, #tpu.memory_space<vmem_shared>>
      %dma_wait3A_181 = arith.constant 0 : i32
      %dma_wait3A_182 = tpu.memref_slice %arg8[%add3A_18, %dma_wait3A_181] : memref<10240x16xf32, #tpu.memory_space<vmem_shared>> -> memref<128x16xf32, #tpu.memory_space<vmem_shared>>
      %dma_wait3A_183 = arith.constant 0 : i32
      %dma_wait3A_184 = arith.constant 0 : i32
      %dma_wait3A_185 = tpu.memref_slice %arg7[%run_scoped3A, %run_scoped3A_19, %dma_wait3A_183, %dma_wait3A_184] : memref<2x8x128x16xf32, #tpu.memory_space<vmem>> -> memref<1x1x128x16xf32, #tpu.memory_space<vmem>>
      %dma_wait3A_186 = tpu.memref_squeeze %dma_wait3A_185 : memref<1x1x128x16xf32, #tpu.memory_space<vmem>> -> memref<128x16xf32, #tpu.memory_space<vmem>>
      tpu.wait_dma2 semaphore(%run_scoped3A_163 : memref<!tpu.dma_semaphore, #tpu.memory_space<semaphore_mem>>) src(%dma_wait3A_186 : memref<128x16xf32, #tpu.memory_space<vmem>>) dst(%dma_wait3A_182 : memref<128x16xf32, #tpu.memory_space<vmem_shared>>)
      tpu.yield
    }) : () -> ()
    %mul3A_20 = arith.constant 640 : i32
    %mul3A_21 = arith.muli %arg1, %mul3A_20 : i32
    %add3A_22 = arith.constant 128 : i32
    %add3A_23 = arith.addi %mul3A_21, %add3A_22 : i32
    %run_scoped3A_24 = arith.constant 0 : i32
    %run_scoped3A_25 = arith.constant 0 : i32
    "tpu.region"() ({
      %run_scoped3A_163 = tpu.sem_alloc : memref<!tpu.dma_semaphore, #tpu.memory_space<semaphore_mem>>
      %dma_start3A_164 = arith.constant 0 : i32
      %dma_start3A_165 = arith.constant 0 : i32
      %dma_start3A_166 = tpu.memref_slice %arg7[%run_scoped3A_24, %run_scoped3A_25, %dma_start3A_164, %dma_start3A_165] : memref<2x8x128x16xf32, #tpu.memory_space<vmem>> -> memref<1x1x128x16xf32, #tpu.memory_space<vmem>>
      %dma_start3A_167 = tpu.memref_squeeze %dma_start3A_166 : memref<1x1x128x16xf32, #tpu.memory_space<vmem>> -> memref<128x16xf32, #tpu.memory_space<vmem>>
      %dma_start3A_168 = arith.constant 0 : i32
      %dma_start3A_169 = tpu.memref_slice %arg8[%add3A_23, %dma_start3A_168] : memref<10240x16xf32, #tpu.memory_space<vmem_shared>> -> memref<128x16xf32, #tpu.memory_space<vmem_shared>>
      %dma_start3A_170 = arith.constant 0 : i32
      %dma_start3A_171 = tpu.memref_slice %arg8[%add3A_23, %dma_start3A_170] : memref<10240x16xf32, #tpu.memory_space<vmem_shared>> -> memref<128x16xf32, #tpu.memory_space<vmem_shared>>
      %dma_start3A_172 = arith.constant 0 : i32
      %dma_start3A_173 = arith.constant 0 : i32
      %dma_start3A_174 = tpu.memref_slice %arg7[%run_scoped3A_24, %run_scoped3A_25, %dma_start3A_172, %dma_start3A_173] : memref<2x8x128x16xf32, #tpu.memory_space<vmem>> -> memref<1x1x128x16xf32, #tpu.memory_space<vmem>>
      %dma_start3A_175 = tpu.memref_squeeze %dma_start3A_174 : memref<1x1x128x16xf32, #tpu.memory_space<vmem>> -> memref<128x16xf32, #tpu.memory_space<vmem>>
      tpu.enqueue_dma source(%dma_start3A_175 : memref<128x16xf32, #tpu.memory_space<vmem>>) target(%dma_start3A_171 : memref<128x16xf32, #tpu.memory_space<vmem_shared>>) target_semaphore(%run_scoped3A_163 : memref<!tpu.dma_semaphore, #tpu.memory_space<semaphore_mem>>)
      %dma_wait3A = arith.constant 0 : i32
      %dma_wait3A_176 = arith.constant 0 : i32
      %dma_wait3A_177 = tpu.memref_slice %arg7[%run_scoped3A_24, %run_scoped3A_25, %dma_wait3A, %dma_wait3A_176] : memref<2x8x128x16xf32, #tpu.memory_space<vmem>> -> memref<1x1x128x16xf32, #tpu.memory_space<vmem>>
      %dma_wait3A_178 = tpu.memref_squeeze %dma_wait3A_177 : memref<1x1x128x16xf32, #tpu.memory_space<vmem>> -> memref<128x16xf32, #tpu.memory_space<vmem>>
      %dma_wait3A_179 = arith.constant 0 : i32
      %dma_wait3A_180 = tpu.memref_slice %arg8[%add3A_23, %dma_wait3A_179] : memref<10240x16xf32, #tpu.memory_space<vmem_shared>> -> memref<128x16xf32, #tpu.memory_space<vmem_shared>>
      %dma_wait3A_181 = arith.constant 0 : i32
      %dma_wait3A_182 = tpu.memref_slice %arg8[%add3A_23, %dma_wait3A_181] : memref<10240x16xf32, #tpu.memory_space<vmem_shared>> -> memref<128x16xf32, #tpu.memory_space<vmem_shared>>
      %dma_wait3A_183 = arith.constant 0 : i32
      %dma_wait3A_184 = arith.constant 0 : i32
      %dma_wait3A_185 = tpu.memref_slice %arg7[%run_scoped3A_24, %run_scoped3A_25, %dma_wait3A_183, %dma_wait3A_184] : memref<2x8x128x16xf32, #tpu.memory_space<vmem>> -> memref<1x1x128x16xf32, #tpu.memory_space<vmem>>
      %dma_wait3A_186 = tpu.memref_squeeze %dma_wait3A_185 : memref<1x1x128x16xf32, #tpu.memory_space<vmem>> -> memref<128x16xf32, #tpu.memory_space<vmem>>
      tpu.wait_dma2 semaphore(%run_scoped3A_163 : memref<!tpu.dma_semaphore, #tpu.memory_space<semaphore_mem>>) src(%dma_wait3A_186 : memref<128x16xf32, #tpu.memory_space<vmem>>) dst(%dma_wait3A_182 : memref<128x16xf32, #tpu.memory_space<vmem_shared>>)
      tpu.yield
    }) : () -> ()
    %mul3A_26 = arith.constant 640 : i32
    %mul3A_27 = arith.muli %arg1, %mul3A_26 : i32
    %add3A_28 = arith.constant 256 : i32
    %add3A_29 = arith.addi %mul3A_27, %add3A_28 : i32
    %run_scoped3A_30 = arith.constant 0 : i32
    %run_scoped3A_31 = arith.constant 0 : i32
    "tpu.region"() ({
      %run_scoped3A_163 = tpu.sem_alloc : memref<!tpu.dma_semaphore, #tpu.memory_space<semaphore_mem>>
      %dma_start3A_164 = arith.constant 0 : i32
      %dma_start3A_165 = arith.constant 0 : i32
      %dma_start3A_166 = tpu.memref_slice %arg7[%run_scoped3A_30, %run_scoped3A_31, %dma_start3A_164, %dma_start3A_165] : memref<2x8x128x16xf32, #tpu.memory_space<vmem>> -> memref<1x1x128x16xf32, #tpu.memory_space<vmem>>
      %dma_start3A_167 = tpu.memref_squeeze %dma_start3A_166 : memref<1x1x128x16xf32, #tpu.memory_space<vmem>> -> memref<128x16xf32, #tpu.memory_space<vmem>>
      %dma_start3A_168 = arith.constant 0 : i32
      %dma_start3A_169 = tpu.memref_slice %arg8[%add3A_29, %dma_start3A_168] : memref<10240x16xf32, #tpu.memory_space<vmem_shared>> -> memref<128x16xf32, #tpu.memory_space<vmem_shared>>
      %dma_start3A_170 = arith.constant 0 : i32
      %dma_start3A_171 = tpu.memref_slice %arg8[%add3A_29, %dma_start3A_170] : memref<10240x16xf32, #tpu.memory_space<vmem_shared>> -> memref<128x16xf32, #tpu.memory_space<vmem_shared>>
      %dma_start3A_172 = arith.constant 0 : i32
      %dma_start3A_173 = arith.constant 0 : i32
      %dma_start3A_174 = tpu.memref_slice %arg7[%run_scoped3A_30, %run_scoped3A_31, %dma_start3A_172, %dma_start3A_173] : memref<2x8x128x16xf32, #tpu.memory_space<vmem>> -> memref<1x1x128x16xf32, #tpu.memory_space<vmem>>
      %dma_start3A_175 = tpu.memref_squeeze %dma_start3A_174 : memref<1x1x128x16xf32, #tpu.memory_space<vmem>> -> memref<128x16xf32, #tpu.memory_space<vmem>>
      tpu.enqueue_dma source(%dma_start3A_175 : memref<128x16xf32, #tpu.memory_space<vmem>>) target(%dma_start3A_171 : memref<128x16xf32, #tpu.memory_space<vmem_shared>>) target_semaphore(%run_scoped3A_163 : memref<!tpu.dma_semaphore, #tpu.memory_space<semaphore_mem>>)
      %dma_wait3A = arith.constant 0 : i32
      %dma_wait3A_176 = arith.constant 0 : i32
      %dma_wait3A_177 = tpu.memref_slice %arg7[%run_scoped3A_30, %run_scoped3A_31, %dma_wait3A, %dma_wait3A_176] : memref<2x8x128x16xf32, #tpu.memory_space<vmem>> -> memref<1x1x128x16xf32, #tpu.memory_space<vmem>>
      %dma_wait3A_178 = tpu.memref_squeeze %dma_wait3A_177 : memref<1x1x128x16xf32, #tpu.memory_space<vmem>> -> memref<128x16xf32, #tpu.memory_space<vmem>>
      %dma_wait3A_179 = arith.constant 0 : i32
      %dma_wait3A_180 = tpu.memref_slice %arg8[%add3A_29, %dma_wait3A_179] : memref<10240x16xf32, #tpu.memory_space<vmem_shared>> -> memref<128x16xf32, #tpu.memory_space<vmem_shared>>
      %dma_wait3A_181 = arith.constant 0 : i32
      %dma_wait3A_182 = tpu.memref_slice %arg8[%add3A_29, %dma_wait3A_181] : memref<10240x16xf32, #tpu.memory_space<vmem_shared>> -> memref<128x16xf32, #tpu.memory_space<vmem_shared>>
      %dma_wait3A_183 = arith.constant 0 : i32
      %dma_wait3A_184 = arith.constant 0 : i32
      %dma_wait3A_185 = tpu.memref_slice %arg7[%run_scoped3A_30, %run_scoped3A_31, %dma_wait3A_183, %dma_wait3A_184] : memref<2x8x128x16xf32, #tpu.memory_space<vmem>> -> memref<1x1x128x16xf32, #tpu.memory_space<vmem>>
      %dma_wait3A_186 = tpu.memref_squeeze %dma_wait3A_185 : memref<1x1x128x16xf32, #tpu.memory_space<vmem>> -> memref<128x16xf32, #tpu.memory_space<vmem>>
      tpu.wait_dma2 semaphore(%run_scoped3A_163 : memref<!tpu.dma_semaphore, #tpu.memory_space<semaphore_mem>>) src(%dma_wait3A_186 : memref<128x16xf32, #tpu.memory_space<vmem>>) dst(%dma_wait3A_182 : memref<128x16xf32, #tpu.memory_space<vmem_shared>>)
      tpu.yield
    }) : () -> ()
    %mul3A_32 = arith.constant 640 : i32
    %mul3A_33 = arith.muli %arg1, %mul3A_32 : i32
    %add3A_34 = arith.constant 384 : i32
    %add3A_35 = arith.addi %mul3A_33, %add3A_34 : i32
    %run_scoped3A_36 = arith.constant 0 : i32
    %run_scoped3A_37 = arith.constant 0 : i32
    "tpu.region"() ({
      %run_scoped3A_163 = tpu.sem_alloc : memref<!tpu.dma_semaphore, #tpu.memory_space<semaphore_mem>>
      %dma_start3A_164 = arith.constant 0 : i32
      %dma_start3A_165 = arith.constant 0 : i32
      %dma_start3A_166 = tpu.memref_slice %arg7[%run_scoped3A_36, %run_scoped3A_37, %dma_start3A_164, %dma_start3A_165] : memref<2x8x128x16xf32, #tpu.memory_space<vmem>> -> memref<1x1x128x16xf32, #tpu.memory_space<vmem>>
      %dma_start3A_167 = tpu.memref_squeeze %dma_start3A_166 : memref<1x1x128x16xf32, #tpu.memory_space<vmem>> -> memref<128x16xf32, #tpu.memory_space<vmem>>
      %dma_start3A_168 = arith.constant 0 : i32
      %dma_start3A_169 = tpu.memref_slice %arg8[%add3A_35, %dma_start3A_168] : memref<10240x16xf32, #tpu.memory_space<vmem_shared>> -> memref<128x16xf32, #tpu.memory_space<vmem_shared>>
      %dma_start3A_170 = arith.constant 0 : i32
      %dma_start3A_171 = tpu.memref_slice %arg8[%add3A_35, %dma_start3A_170] : memref<10240x16xf32, #tpu.memory_space<vmem_shared>> -> memref<128x16xf32, #tpu.memory_space<vmem_shared>>
      %dma_start3A_172 = arith.constant 0 : i32
      %dma_start3A_173 = arith.constant 0 : i32
      %dma_start3A_174 = tpu.memref_slice %arg7[%run_scoped3A_36, %run_scoped3A_37, %dma_start3A_172, %dma_start3A_173] : memref<2x8x128x16xf32, #tpu.memory_space<vmem>> -> memref<1x1x128x16xf32, #tpu.memory_space<vmem>>
      %dma_start3A_175 = tpu.memref_squeeze %dma_start3A_174 : memref<1x1x128x16xf32, #tpu.memory_space<vmem>> -> memref<128x16xf32, #tpu.memory_space<vmem>>
      tpu.enqueue_dma source(%dma_start3A_175 : memref<128x16xf32, #tpu.memory_space<vmem>>) target(%dma_start3A_171 : memref<128x16xf32, #tpu.memory_space<vmem_shared>>) target_semaphore(%run_scoped3A_163 : memref<!tpu.dma_semaphore, #tpu.memory_space<semaphore_mem>>)
      %dma_wait3A = arith.constant 0 : i32
      %dma_wait3A_176 = arith.constant 0 : i32
      %dma_wait3A_177 = tpu.memref_slice %arg7[%run_scoped3A_36, %run_scoped3A_37, %dma_wait3A, %dma_wait3A_176] : memref<2x8x128x16xf32, #tpu.memory_space<vmem>> -> memref<1x1x128x16xf32, #tpu.memory_space<vmem>>
      %dma_wait3A_178 = tpu.memref_squeeze %dma_wait3A_177 : memref<1x1x128x16xf32, #tpu.memory_space<vmem>> -> memref<128x16xf32, #tpu.memory_space<vmem>>
      %dma_wait3A_179 = arith.constant 0 : i32
      %dma_wait3A_180 = tpu.memref_slice %arg8[%add3A_35, %dma_wait3A_179] : memref<10240x16xf32, #tpu.memory_space<vmem_shared>> -> memref<128x16xf32, #tpu.memory_space<vmem_shared>>
      %dma_wait3A_181 = arith.constant 0 : i32
      %dma_wait3A_182 = tpu.memref_slice %arg8[%add3A_35, %dma_wait3A_181] : memref<10240x16xf32, #tpu.memory_space<vmem_shared>> -> memref<128x16xf32, #tpu.memory_space<vmem_shared>>
      %dma_wait3A_183 = arith.constant 0 : i32
      %dma_wait3A_184 = arith.constant 0 : i32
      %dma_wait3A_185 = tpu.memref_slice %arg7[%run_scoped3A_36, %run_scoped3A_37, %dma_wait3A_183, %dma_wait3A_184] : memref<2x8x128x16xf32, #tpu.memory_space<vmem>> -> memref<1x1x128x16xf32, #tpu.memory_space<vmem>>
      %dma_wait3A_186 = tpu.memref_squeeze %dma_wait3A_185 : memref<1x1x128x16xf32, #tpu.memory_space<vmem>> -> memref<128x16xf32, #tpu.memory_space<vmem>>
      tpu.wait_dma2 semaphore(%run_scoped3A_163 : memref<!tpu.dma_semaphore, #tpu.memory_space<semaphore_mem>>) src(%dma_wait3A_186 : memref<128x16xf32, #tpu.memory_space<vmem>>) dst(%dma_wait3A_182 : memref<128x16xf32, #tpu.memory_space<vmem_shared>>)
      tpu.yield
    }) : () -> ()
    %mul3A_38 = arith.constant 640 : i32
    %mul3A_39 = arith.muli %arg1, %mul3A_38 : i32
    %add3A_40 = arith.constant 512 : i32
    %add3A_41 = arith.addi %mul3A_39, %add3A_40 : i32
    %run_scoped3A_42 = arith.constant 0 : i32
    %run_scoped3A_43 = arith.constant 0 : i32
    "tpu.region"() ({
      %run_scoped3A_163 = tpu.sem_alloc : memref<!tpu.dma_semaphore, #tpu.memory_space<semaphore_mem>>
      %dma_start3A_164 = arith.constant 0 : i32
      %dma_start3A_165 = arith.constant 0 : i32
      %dma_start3A_166 = tpu.memref_slice %arg7[%run_scoped3A_42, %run_scoped3A_43, %dma_start3A_164, %dma_start3A_165] : memref<2x8x128x16xf32, #tpu.memory_space<vmem>> -> memref<1x1x128x16xf32, #tpu.memory_space<vmem>>
      %dma_start3A_167 = tpu.memref_squeeze %dma_start3A_166 : memref<1x1x128x16xf32, #tpu.memory_space<vmem>> -> memref<128x16xf32, #tpu.memory_space<vmem>>
      %dma_start3A_168 = arith.constant 0 : i32
      %dma_start3A_169 = tpu.memref_slice %arg8[%add3A_41, %dma_start3A_168] : memref<10240x16xf32, #tpu.memory_space<vmem_shared>> -> memref<128x16xf32, #tpu.memory_space<vmem_shared>>
      %dma_start3A_170 = arith.constant 0 : i32
      %dma_start3A_171 = tpu.memref_slice %arg8[%add3A_41, %dma_start3A_170] : memref<10240x16xf32, #tpu.memory_space<vmem_shared>> -> memref<128x16xf32, #tpu.memory_space<vmem_shared>>
      %dma_start3A_172 = arith.constant 0 : i32
      %dma_start3A_173 = arith.constant 0 : i32
      %dma_start3A_174 = tpu.memref_slice %arg7[%run_scoped3A_42, %run_scoped3A_43, %dma_start3A_172, %dma_start3A_173] : memref<2x8x128x16xf32, #tpu.memory_space<vmem>> -> memref<1x1x128x16xf32, #tpu.memory_space<vmem>>
      %dma_start3A_175 = tpu.memref_squeeze %dma_start3A_174 : memref<1x1x128x16xf32, #tpu.memory_space<vmem>> -> memref<128x16xf32, #tpu.memory_space<vmem>>
      tpu.enqueue_dma source(%dma_start3A_175 : memref<128x16xf32, #tpu.memory_space<vmem>>) target(%dma_start3A_171 : memref<128x16xf32, #tpu.memory_space<vmem_shared>>) target_semaphore(%run_scoped3A_163 : memref<!tpu.dma_semaphore, #tpu.memory_space<semaphore_mem>>)
      %dma_wait3A = arith.constant 0 : i32
      %dma_wait3A_176 = arith.constant 0 : i32
      %dma_wait3A_177 = tpu.memref_slice %arg7[%run_scoped3A_42, %run_scoped3A_43, %dma_wait3A, %dma_wait3A_176] : memref<2x8x128x16xf32, #tpu.memory_space<vmem>> -> memref<1x1x128x16xf32, #tpu.memory_space<vmem>>
      %dma_wait3A_178 = tpu.memref_squeeze %dma_wait3A_177 : memref<1x1x128x16xf32, #tpu.memory_space<vmem>> -> memref<128x16xf32, #tpu.memory_space<vmem>>
      %dma_wait3A_179 = arith.constant 0 : i32
      %dma_wait3A_180 = tpu.memref_slice %arg8[%add3A_41, %dma_wait3A_179] : memref<10240x16xf32, #tpu.memory_space<vmem_shared>> -> memref<128x16xf32, #tpu.memory_space<vmem_shared>>
      %dma_wait3A_181 = arith.constant 0 : i32
      %dma_wait3A_182 = tpu.memref_slice %arg8[%add3A_41, %dma_wait3A_181] : memref<10240x16xf32, #tpu.memory_space<vmem_shared>> -> memref<128x16xf32, #tpu.memory_space<vmem_shared>>
      %dma_wait3A_183 = arith.constant 0 : i32
      %dma_wait3A_184 = arith.constant 0 : i32
      %dma_wait3A_185 = tpu.memref_slice %arg7[%run_scoped3A_42, %run_scoped3A_43, %dma_wait3A_183, %dma_wait3A_184] : memref<2x8x128x16xf32, #tpu.memory_space<vmem>> -> memref<1x1x128x16xf32, #tpu.memory_space<vmem>>
      %dma_wait3A_186 = tpu.memref_squeeze %dma_wait3A_185 : memref<1x1x128x16xf32, #tpu.memory_space<vmem>> -> memref<128x16xf32, #tpu.memory_space<vmem>>
      tpu.wait_dma2 semaphore(%run_scoped3A_163 : memref<!tpu.dma_semaphore, #tpu.memory_space<semaphore_mem>>) src(%dma_wait3A_186 : memref<128x16xf32, #tpu.memory_space<vmem>>) dst(%dma_wait3A_182 : memref<128x16xf32, #tpu.memory_space<vmem_shared>>)
      tpu.yield
    }) : () -> ()
    %barrier3A = arith.constant 0 : index
    tpu.barrier barrier_id(%barrier3A)
    %dma_start3A = arith.constant 0 : i32
    %dma_start3A_44 = arith.constant 0 : i32
    %dma_start3A_45 = arith.constant 0 : i32
    %dma_start3A_46 = arith.constant 0 : i32
    %dma_start3A_47 = arith.constant 0 : i32
    %dma_start3A_48 = tpu.memref_slice %arg7[%dma_start3A_44, %dma_start3A_45, %dma_start3A_46, %dma_start3A_47] : memref<2x8x128x16xf32, #tpu.memory_space<vmem>> -> memref<1x1x128x16xf32, #tpu.memory_space<vmem>>
    %dma_start3A_49 = tpu.memref_squeeze %dma_start3A_48 : memref<1x1x128x16xf32, #tpu.memory_space<vmem>> -> memref<128x16xf32, #tpu.memory_space<vmem>>
    %dma_start3A_50 = arith.constant 0 : i32
    %dma_start3A_51 = tpu.memref_slice %arg5[%dma_start3A, %dma_start3A_50] : memref<80x128xi32, #tpu.memory_space<vmem>> -> memref<1x128xi32, #tpu.memory_space<vmem>>
    %dma_start3A_52 = tpu.memref_squeeze %dma_start3A_51 : memref<1x128xi32, #tpu.memory_space<vmem>> -> memref<128xi32, #tpu.memory_space<vmem>>
    %dma_start3A_53 = arith.constant 0 : i32
    %dma_start3A_54 = arith.constant 0 : i32
    %dma_start3A_55 = tpu.memref_slice %arg2[%dma_start3A_53, %dma_start3A_54] : memref<10240x16xf32, #tpu.memory_space<hbm>> -> memref<10240x16xf32, #tpu.memory_space<hbm>>
    tpu.enqueue_indirect_dma source(%dma_start3A_55 : memref<10240x16xf32, #tpu.memory_space<hbm>>) target(%dma_start3A_49 : memref<128x16xf32, #tpu.memory_space<vmem>>) offsets(%dma_start3A_52 : memref<128xi32, #tpu.memory_space<vmem>>) semaphore(%arg9 : memref<!tpu.dma_semaphore, #tpu.memory_space<semaphore_mem>>)
    %dma_start3A_56 = arith.constant 1 : i32
    %dma_start3A_57 = arith.constant 0 : i32
    %dma_start3A_58 = arith.constant 1 : i32
    %dma_start3A_59 = arith.constant 0 : i32
    %dma_start3A_60 = arith.constant 0 : i32
    %dma_start3A_61 = tpu.memref_slice %arg7[%dma_start3A_57, %dma_start3A_58, %dma_start3A_59, %dma_start3A_60] : memref<2x8x128x16xf32, #tpu.memory_space<vmem>> -> memref<1x1x128x16xf32, #tpu.memory_space<vmem>>
    %dma_start3A_62 = tpu.memref_squeeze %dma_start3A_61 : memref<1x1x128x16xf32, #tpu.memory_space<vmem>> -> memref<128x16xf32, #tpu.memory_space<vmem>>
    %dma_start3A_63 = arith.constant 0 : i32
    %dma_start3A_64 = tpu.memref_slice %arg5[%dma_start3A_56, %dma_start3A_63] : memref<80x128xi32, #tpu.memory_space<vmem>> -> memref<1x128xi32, #tpu.memory_space<vmem>>
    %dma_start3A_65 = tpu.memref_squeeze %dma_start3A_64 : memref<1x128xi32, #tpu.memory_space<vmem>> -> memref<128xi32, #tpu.memory_space<vmem>>
    %dma_start3A_66 = arith.constant 0 : i32
    %dma_start3A_67 = arith.constant 0 : i32
    %dma_start3A_68 = tpu.memref_slice %arg2[%dma_start3A_66, %dma_start3A_67] : memref<10240x16xf32, #tpu.memory_space<hbm>> -> memref<10240x16xf32, #tpu.memory_space<hbm>>
    tpu.enqueue_indirect_dma source(%dma_start3A_68 : memref<10240x16xf32, #tpu.memory_space<hbm>>) target(%dma_start3A_62 : memref<128x16xf32, #tpu.memory_space<vmem>>) offsets(%dma_start3A_65 : memref<128xi32, #tpu.memory_space<vmem>>) semaphore(%arg9 : memref<!tpu.dma_semaphore, #tpu.memory_space<semaphore_mem>>)
    %dma_start3A_69 = arith.constant 2 : i32
    %dma_start3A_70 = arith.constant 0 : i32
    %dma_start3A_71 = arith.constant 2 : i32
    %dma_start3A_72 = arith.constant 0 : i32
    %dma_start3A_73 = arith.constant 0 : i32
    %dma_start3A_74 = tpu.memref_slice %arg7[%dma_start3A_70, %dma_start3A_71, %dma_start3A_72, %dma_start3A_73] : memref<2x8x128x16xf32, #tpu.memory_space<vmem>> -> memref<1x1x128x16xf32, #tpu.memory_space<vmem>>
    %dma_start3A_75 = tpu.memref_squeeze %dma_start3A_74 : memref<1x1x128x16xf32, #tpu.memory_space<vmem>> -> memref<128x16xf32, #tpu.memory_space<vmem>>
    %dma_start3A_76 = arith.constant 0 : i32
    %dma_start3A_77 = tpu.memref_slice %arg5[%dma_start3A_69, %dma_start3A_76] : memref<80x128xi32, #tpu.memory_space<vmem>> -> memref<1x128xi32, #tpu.memory_space<vmem>>
    %dma_start3A_78 = tpu.memref_squeeze %dma_start3A_77 : memref<1x128xi32, #tpu.memory_space<vmem>> -> memref<128xi32, #tpu.memory_space<vmem>>
    %dma_start3A_79 = arith.constant 0 : i32
    %dma_start3A_80 = arith.constant 0 : i32
    %dma_start3A_81 = tpu.memref_slice %arg2[%dma_start3A_79, %dma_start3A_80] : memref<10240x16xf32, #tpu.memory_space<hbm>> -> memref<10240x16xf32, #tpu.memory_space<hbm>>
    tpu.enqueue_indirect_dma source(%dma_start3A_81 : memref<10240x16xf32, #tpu.memory_space<hbm>>) target(%dma_start3A_75 : memref<128x16xf32, #tpu.memory_space<vmem>>) offsets(%dma_start3A_78 : memref<128xi32, #tpu.memory_space<vmem>>) semaphore(%arg9 : memref<!tpu.dma_semaphore, #tpu.memory_space<semaphore_mem>>)
    %dma_start3A_82 = arith.constant 3 : i32
    %dma_start3A_83 = arith.constant 0 : i32
    %dma_start3A_84 = arith.constant 3 : i32
    %dma_start3A_85 = arith.constant 0 : i32
    %dma_start3A_86 = arith.constant 0 : i32
    %dma_start3A_87 = tpu.memref_slice %arg7[%dma_start3A_83, %dma_start3A_84, %dma_start3A_85, %dma_start3A_86] : memref<2x8x128x16xf32, #tpu.memory_space<vmem>> -> memref<1x1x128x16xf32, #tpu.memory_space<vmem>>
    %dma_start3A_88 = tpu.memref_squeeze %dma_start3A_87 : memref<1x1x128x16xf32, #tpu.memory_space<vmem>> -> memref<128x16xf32, #tpu.memory_space<vmem>>
    %dma_start3A_89 = arith.constant 0 : i32
    %dma_start3A_90 = tpu.memref_slice %arg5[%dma_start3A_82, %dma_start3A_89] : memref<80x128xi32, #tpu.memory_space<vmem>> -> memref<1x128xi32, #tpu.memory_space<vmem>>
    %dma_start3A_91 = tpu.memref_squeeze %dma_start3A_90 : memref<1x128xi32, #tpu.memory_space<vmem>> -> memref<128xi32, #tpu.memory_space<vmem>>
    %dma_start3A_92 = arith.constant 0 : i32
    %dma_start3A_93 = arith.constant 0 : i32
    %dma_start3A_94 = tpu.memref_slice %arg2[%dma_start3A_92, %dma_start3A_93] : memref<10240x16xf32, #tpu.memory_space<hbm>> -> memref<10240x16xf32, #tpu.memory_space<hbm>>
    tpu.enqueue_indirect_dma source(%dma_start3A_94 : memref<10240x16xf32, #tpu.memory_space<hbm>>) target(%dma_start3A_88 : memref<128x16xf32, #tpu.memory_space<vmem>>) offsets(%dma_start3A_91 : memref<128xi32, #tpu.memory_space<vmem>>) semaphore(%arg9 : memref<!tpu.dma_semaphore, #tpu.memory_space<semaphore_mem>>)
    %dma_start3A_95 = arith.constant 4 : i32
    %dma_start3A_96 = arith.constant 0 : i32
    %dma_start3A_97 = arith.constant 4 : i32
    %dma_start3A_98 = arith.constant 0 : i32
    %dma_start3A_99 = arith.constant 0 : i32
    %dma_start3A_100 = tpu.memref_slice %arg7[%dma_start3A_96, %dma_start3A_97, %dma_start3A_98, %dma_start3A_99] : memref<2x8x128x16xf32, #tpu.memory_space<vmem>> -> memref<1x1x128x16xf32, #tpu.memory_space<vmem>>
    %dma_start3A_101 = tpu.memref_squeeze %dma_start3A_100 : memref<1x1x128x16xf32, #tpu.memory_space<vmem>> -> memref<128x16xf32, #tpu.memory_space<vmem>>
    %dma_start3A_102 = arith.constant 0 : i32
    %dma_start3A_103 = tpu.memref_slice %arg5[%dma_start3A_95, %dma_start3A_102] : memref<80x128xi32, #tpu.memory_space<vmem>> -> memref<1x128xi32, #tpu.memory_space<vmem>>
    %dma_start3A_104 = tpu.memref_squeeze %dma_start3A_103 : memref<1x128xi32, #tpu.memory_space<vmem>> -> memref<128xi32, #tpu.memory_space<vmem>>
    %dma_start3A_105 = arith.constant 0 : i32
    %dma_start3A_106 = arith.constant 0 : i32
    %dma_start3A_107 = tpu.memref_slice %arg2[%dma_start3A_105, %dma_start3A_106] : memref<10240x16xf32, #tpu.memory_space<hbm>> -> memref<10240x16xf32, #tpu.memory_space<hbm>>
    tpu.enqueue_indirect_dma source(%dma_start3A_107 : memref<10240x16xf32, #tpu.memory_space<hbm>>) target(%dma_start3A_101 : memref<128x16xf32, #tpu.memory_space<vmem>>) offsets(%dma_start3A_104 : memref<128xi32, #tpu.memory_space<vmem>>) semaphore(%arg9 : memref<!tpu.dma_semaphore, #tpu.memory_space<semaphore_mem>>)
    %dma_start3A_108 = arith.constant 5 : i32
    %dma_start3A_109 = arith.constant 0 : i32
    %dma_start3A_110 = arith.constant 5 : i32
    %dma_start3A_111 = arith.constant 0 : i32
    %dma_start3A_112 = arith.constant 0 : i32
    %dma_start3A_113 = tpu.memref_slice %arg7[%dma_start3A_109, %dma_start3A_110, %dma_start3A_111, %dma_start3A_112] : memref<2x8x128x16xf32, #tpu.memory_space<vmem>> -> memref<1x1x128x16xf32, #tpu.memory_space<vmem>>
    %dma_start3A_114 = tpu.memref_squeeze %dma_start3A_113 : memref<1x1x128x16xf32, #tpu.memory_space<vmem>> -> memref<128x16xf32, #tpu.memory_space<vmem>>
    %dma_start3A_115 = arith.constant 0 : i32
    %dma_start3A_116 = tpu.memref_slice %arg5[%dma_start3A_108, %dma_start3A_115] : memref<80x128xi32, #tpu.memory_space<vmem>> -> memref<1x128xi32, #tpu.memory_space<vmem>>
    %dma_start3A_117 = tpu.memref_squeeze %dma_start3A_116 : memref<1x128xi32, #tpu.memory_space<vmem>> -> memref<128xi32, #tpu.memory_space<vmem>>
    %dma_start3A_118 = arith.constant 0 : i32
    %dma_start3A_119 = arith.constant 0 : i32
    %dma_start3A_120 = tpu.memref_slice %arg2[%dma_start3A_118, %dma_start3A_119] : memref<10240x16xf32, #tpu.memory_space<hbm>> -> memref<10240x16xf32, #tpu.memory_space<hbm>>
    tpu.enqueue_indirect_dma source(%dma_start3A_120 : memref<10240x16xf32, #tpu.memory_space<hbm>>) target(%dma_start3A_114 : memref<128x16xf32, #tpu.memory_space<vmem>>) offsets(%dma_start3A_117 : memref<128xi32, #tpu.memory_space<vmem>>) semaphore(%arg9 : memref<!tpu.dma_semaphore, #tpu.memory_space<semaphore_mem>>)
    %dma_start3A_121 = arith.constant 6 : i32
    %dma_start3A_122 = arith.constant 0 : i32
    %dma_start3A_123 = arith.constant 6 : i32
    %dma_start3A_124 = arith.constant 0 : i32
    %dma_start3A_125 = arith.constant 0 : i32
    %dma_start3A_126 = tpu.memref_slice %arg7[%dma_start3A_122, %dma_start3A_123, %dma_start3A_124, %dma_start3A_125] : memref<2x8x128x16xf32, #tpu.memory_space<vmem>> -> memref<1x1x128x16xf32, #tpu.memory_space<vmem>>
    %dma_start3A_127 = tpu.memref_squeeze %dma_start3A_126 : memref<1x1x128x16xf32, #tpu.memory_space<vmem>> -> memref<128x16xf32, #tpu.memory_space<vmem>>
    %dma_start3A_128 = arith.constant 0 : i32
    %dma_start3A_129 = tpu.memref_slice %arg5[%dma_start3A_121, %dma_start3A_128] : memref<80x128xi32, #tpu.memory_space<vmem>> -> memref<1x128xi32, #tpu.memory_space<vmem>>
    %dma_start3A_130 = tpu.memref_squeeze %dma_start3A_129 : memref<1x128xi32, #tpu.memory_space<vmem>> -> memref<128xi32, #tpu.memory_space<vmem>>
    %dma_start3A_131 = arith.constant 0 : i32
    %dma_start3A_132 = arith.constant 0 : i32
    %dma_start3A_133 = tpu.memref_slice %arg2[%dma_start3A_131, %dma_start3A_132] : memref<10240x16xf32, #tpu.memory_space<hbm>> -> memref<10240x16xf32, #tpu.memory_space<hbm>>
    tpu.enqueue_indirect_dma source(%dma_start3A_133 : memref<10240x16xf32, #tpu.memory_space<hbm>>) target(%dma_start3A_127 : memref<128x16xf32, #tpu.memory_space<vmem>>) offsets(%dma_start3A_130 : memref<128xi32, #tpu.memory_space<vmem>>) semaphore(%arg9 : memref<!tpu.dma_semaphore, #tpu.memory_space<semaphore_mem>>)
    %dma_start3A_134 = arith.constant 7 : i32
    %dma_start3A_135 = arith.constant 0 : i32
    %dma_start3A_136 = arith.constant 7 : i32
    %dma_start3A_137 = arith.constant 0 : i32
    %dma_start3A_138 = arith.constant 0 : i32
    %dma_start3A_139 = tpu.memref_slice %arg7[%dma_start3A_135, %dma_start3A_136, %dma_start3A_137, %dma_start3A_138] : memref<2x8x128x16xf32, #tpu.memory_space<vmem>> -> memref<1x1x128x16xf32, #tpu.memory_space<vmem>>
    %dma_start3A_140 = tpu.memref_squeeze %dma_start3A_139 : memref<1x1x128x16xf32, #tpu.memory_space<vmem>> -> memref<128x16xf32, #tpu.memory_space<vmem>>
    %dma_start3A_141 = arith.constant 0 : i32
    %dma_start3A_142 = tpu.memref_slice %arg5[%dma_start3A_134, %dma_start3A_141] : memref<80x128xi32, #tpu.memory_space<vmem>> -> memref<1x128xi32, #tpu.memory_space<vmem>>
    %dma_start3A_143 = tpu.memref_squeeze %dma_start3A_142 : memref<1x128xi32, #tpu.memory_space<vmem>> -> memref<128xi32, #tpu.memory_space<vmem>>
    %dma_start3A_144 = arith.constant 0 : i32
    %dma_start3A_145 = arith.constant 0 : i32
    %dma_start3A_146 = tpu.memref_slice %arg2[%dma_start3A_144, %dma_start3A_145] : memref<10240x16xf32, #tpu.memory_space<hbm>> -> memref<10240x16xf32, #tpu.memory_space<hbm>>
    tpu.enqueue_indirect_dma source(%dma_start3A_146 : memref<10240x16xf32, #tpu.memory_space<hbm>>) target(%dma_start3A_140 : memref<128x16xf32, #tpu.memory_space<vmem>>) offsets(%dma_start3A_143 : memref<128xi32, #tpu.memory_space<vmem>>) semaphore(%arg9 : memref<!tpu.dma_semaphore, #tpu.memory_space<semaphore_mem>>)
    %while3A = arith.constant 0 : i32
    %while3A_147 = arith.subi %select_n3A_8, %while3A : i32
    %while3A_148 = arith.addi %while3A, %while3A_147 : i32
    %while3A_149 = arith.constant 1 : i32
    %while3A_150 = arith.divsi %while3A_147, %while3A_149 : i32
    %while3A_151 = arith.muli %while3A_150, %while3A_149 : i32
    %while3A_152 = arith.addi %while3A, %while3A_151 : i32
    %while3A_153 = arith.constant 1 : i32
    scf.for %while3A_163 = %while3A to %while3A_152 step %while3A_153  : i32 {
      %rem3A = arith.constant 2 : i32
      %rem3A_164 = arith.remsi %while3A_163, %rem3A : i32
      %mul3A_165 = arith.constant 8 : i32
      %mul3A_166 = arith.muli %while3A_163, %mul3A_165 : i32
      %dma_wait3A = arith.constant 0 : i32
      %dma_wait3A_167 = arith.constant 0 : i32
      %dma_wait3A_168 = arith.constant 0 : i32
      %dma_wait3A_169 = tpu.memref_slice %arg7[%rem3A_164, %dma_wait3A, %dma_wait3A_167, %dma_wait3A_168] : memref<2x8x128x16xf32, #tpu.memory_space<vmem>> -> memref<1x1x128x16xf32, #tpu.memory_space<vmem>>
      %dma_wait3A_170 = tpu.memref_squeeze %dma_wait3A_169 : memref<1x1x128x16xf32, #tpu.memory_space<vmem>> -> memref<128x16xf32, #tpu.memory_space<vmem>>
      %dma_wait3A_171 = arith.constant 0 : i32
      %dma_wait3A_172 = arith.constant 0 : i32
      %dma_wait3A_173 = tpu.memref_slice %arg2[%dma_wait3A_171, %dma_wait3A_172] : memref<10240x16xf32, #tpu.memory_space<hbm>> -> memref<128x16xf32, #tpu.memory_space<hbm>>
      %dma_wait3A_174 = arith.constant 0 : i32
      %dma_wait3A_175 = arith.constant 0 : i32
      %dma_wait3A_176 = tpu.memref_slice %arg7[%rem3A_164, %dma_wait3A, %dma_wait3A_174, %dma_wait3A_175] : memref<2x8x128x16xf32, #tpu.memory_space<vmem>> -> memref<1x1x128x16xf32, #tpu.memory_space<vmem>>
      %dma_wait3A_177 = tpu.memref_squeeze %dma_wait3A_176 : memref<1x1x128x16xf32, #tpu.memory_space<vmem>> -> memref<128x16xf32, #tpu.memory_space<vmem>>
      %dma_wait3A_178 = arith.constant 0 : i32
      %dma_wait3A_179 = arith.constant 0 : i32
      %dma_wait3A_180 = tpu.memref_slice %arg2[%dma_wait3A_178, %dma_wait3A_179] : memref<10240x16xf32, #tpu.memory_space<hbm>> -> memref<128x16xf32, #tpu.memory_space<hbm>>
      tpu.wait_dma2 semaphore(%arg9 : memref<!tpu.dma_semaphore, #tpu.memory_space<semaphore_mem>>) src(%dma_wait3A_180 : memref<128x16xf32, #tpu.memory_space<hbm>>) dst(%dma_wait3A_177 : memref<128x16xf32, #tpu.memory_space<vmem>>)
      %dma_wait3A_181 = arith.constant 1 : i32
      %dma_wait3A_182 = arith.constant 0 : i32
      %dma_wait3A_183 = arith.constant 0 : i32
      %dma_wait3A_184 = tpu.memref_slice %arg7[%rem3A_164, %dma_wait3A_181, %dma_wait3A_182, %dma_wait3A_183] : memref<2x8x128x16xf32, #tpu.memory_space<vmem>> -> memref<1x1x128x16xf32, #tpu.memory_space<vmem>>
      %dma_wait3A_185 = tpu.memref_squeeze %dma_wait3A_184 : memref<1x1x128x16xf32, #tpu.memory_space<vmem>> -> memref<128x16xf32, #tpu.memory_space<vmem>>
      %dma_wait3A_186 = arith.constant 0 : i32
      %dma_wait3A_187 = arith.constant 0 : i32
      %dma_wait3A_188 = tpu.memref_slice %arg2[%dma_wait3A_186, %dma_wait3A_187] : memref<10240x16xf32, #tpu.memory_space<hbm>> -> memref<128x16xf32, #tpu.memory_space<hbm>>
      %dma_wait3A_189 = arith.constant 0 : i32
      %dma_wait3A_190 = arith.constant 0 : i32
      %dma_wait3A_191 = tpu.memref_slice %arg7[%rem3A_164, %dma_wait3A_181, %dma_wait3A_189, %dma_wait3A_190] : memref<2x8x128x16xf32, #tpu.memory_space<vmem>> -> memref<1x1x128x16xf32, #tpu.memory_space<vmem>>
      %dma_wait3A_192 = tpu.memref_squeeze %dma_wait3A_191 : memref<1x1x128x16xf32, #tpu.memory_space<vmem>> -> memref<128x16xf32, #tpu.memory_space<vmem>>
      %dma_wait3A_193 = arith.constant 0 : i32
      %dma_wait3A_194 = arith.constant 0 : i32
      %dma_wait3A_195 = tpu.memref_slice %arg2[%dma_wait3A_193, %dma_wait3A_194] : memref<10240x16xf32, #tpu.memory_space<hbm>> -> memref<128x16xf32, #tpu.memory_space<hbm>>
      tpu.wait_dma2 semaphore(%arg9 : memref<!tpu.dma_semaphore, #tpu.memory_space<semaphore_mem>>) src(%dma_wait3A_195 : memref<128x16xf32, #tpu.memory_space<hbm>>) dst(%dma_wait3A_192 : memref<128x16xf32, #tpu.memory_space<vmem>>)
      %dma_wait3A_196 = arith.constant 2 : i32
      %dma_wait3A_197 = arith.constant 0 : i32
      %dma_wait3A_198 = arith.constant 0 : i32
      %dma_wait3A_199 = tpu.memref_slice %arg7[%rem3A_164, %dma_wait3A_196, %dma_wait3A_197, %dma_wait3A_198] : memref<2x8x128x16xf32, #tpu.memory_space<vmem>> -> memref<1x1x128x16xf32, #tpu.memory_space<vmem>>
      %dma_wait3A_200 = tpu.memref_squeeze %dma_wait3A_199 : memref<1x1x128x16xf32, #tpu.memory_space<vmem>> -> memref<128x16xf32, #tpu.memory_space<vmem>>
      %dma_wait3A_201 = arith.constant 0 : i32
      %dma_wait3A_202 = arith.constant 0 : i32
      %dma_wait3A_203 = tpu.memref_slice %arg2[%dma_wait3A_201, %dma_wait3A_202] : memref<10240x16xf32, #tpu.memory_space<hbm>> -> memref<128x16xf32, #tpu.memory_space<hbm>>
      %dma_wait3A_204 = arith.constant 0 : i32
      %dma_wait3A_205 = arith.constant 0 : i32
      %dma_wait3A_206 = tpu.memref_slice %arg7[%rem3A_164, %dma_wait3A_196, %dma_wait3A_204, %dma_wait3A_205] : memref<2x8x128x16xf32, #tpu.memory_space<vmem>> -> memref<1x1x128x16xf32, #tpu.memory_space<vmem>>
      %dma_wait3A_207 = tpu.memref_squeeze %dma_wait3A_206 : memref<1x1x128x16xf32, #tpu.memory_space<vmem>> -> memref<128x16xf32, #tpu.memory_space<vmem>>
      %dma_wait3A_208 = arith.constant 0 : i32
      %dma_wait3A_209 = arith.constant 0 : i32
      %dma_wait3A_210 = tpu.memref_slice %arg2[%dma_wait3A_208, %dma_wait3A_209] : memref<10240x16xf32, #tpu.memory_space<hbm>> -> memref<128x16xf32, #tpu.memory_space<hbm>>
      tpu.wait_dma2 semaphore(%arg9 : memref<!tpu.dma_semaphore, #tpu.memory_space<semaphore_mem>>) src(%dma_wait3A_210 : memref<128x16xf32, #tpu.memory_space<hbm>>) dst(%dma_wait3A_207 : memref<128x16xf32, #tpu.memory_space<vmem>>)
      %dma_wait3A_211 = arith.constant 3 : i32
      %dma_wait3A_212 = arith.constant 0 : i32
      %dma_wait3A_213 = arith.constant 0 : i32
      %dma_wait3A_214 = tpu.memref_slice %arg7[%rem3A_164, %dma_wait3A_211, %dma_wait3A_212, %dma_wait3A_213] : memref<2x8x128x16xf32, #tpu.memory_space<vmem>> -> memref<1x1x128x16xf32, #tpu.memory_space<vmem>>
      %dma_wait3A_215 = tpu.memref_squeeze %dma_wait3A_214 : memref<1x1x128x16xf32, #tpu.memory_space<vmem>> -> memref<128x16xf32, #tpu.memory_space<vmem>>
      %dma_wait3A_216 = arith.constant 0 : i32
      %dma_wait3A_217 = arith.constant 0 : i32
      %dma_wait3A_218 = tpu.memref_slice %arg2[%dma_wait3A_216, %dma_wait3A_217] : memref<10240x16xf32, #tpu.memory_space<hbm>> -> memref<128x16xf32, #tpu.memory_space<hbm>>
      %dma_wait3A_219 = arith.constant 0 : i32
      %dma_wait3A_220 = arith.constant 0 : i32
      %dma_wait3A_221 = tpu.memref_slice %arg7[%rem3A_164, %dma_wait3A_211, %dma_wait3A_219, %dma_wait3A_220] : memref<2x8x128x16xf32, #tpu.memory_space<vmem>> -> memref<1x1x128x16xf32, #tpu.memory_space<vmem>>
      %dma_wait3A_222 = tpu.memref_squeeze %dma_wait3A_221 : memref<1x1x128x16xf32, #tpu.memory_space<vmem>> -> memref<128x16xf32, #tpu.memory_space<vmem>>
      %dma_wait3A_223 = arith.constant 0 : i32
      %dma_wait3A_224 = arith.constant 0 : i32
      %dma_wait3A_225 = tpu.memref_slice %arg2[%dma_wait3A_223, %dma_wait3A_224] : memref<10240x16xf32, #tpu.memory_space<hbm>> -> memref<128x16xf32, #tpu.memory_space<hbm>>
      tpu.wait_dma2 semaphore(%arg9 : memref<!tpu.dma_semaphore, #tpu.memory_space<semaphore_mem>>) src(%dma_wait3A_225 : memref<128x16xf32, #tpu.memory_space<hbm>>) dst(%dma_wait3A_222 : memref<128x16xf32, #tpu.memory_space<vmem>>)
      %dma_wait3A_226 = arith.constant 4 : i32
      %dma_wait3A_227 = arith.constant 0 : i32
      %dma_wait3A_228 = arith.constant 0 : i32
      %dma_wait3A_229 = tpu.memref_slice %arg7[%rem3A_164, %dma_wait3A_226, %dma_wait3A_227, %dma_wait3A_228] : memref<2x8x128x16xf32, #tpu.memory_space<vmem>> -> memref<1x1x128x16xf32, #tpu.memory_space<vmem>>
      %dma_wait3A_230 = tpu.memref_squeeze %dma_wait3A_229 : memref<1x1x128x16xf32, #tpu.memory_space<vmem>> -> memref<128x16xf32, #tpu.memory_space<vmem>>
      %dma_wait3A_231 = arith.constant 0 : i32
      %dma_wait3A_232 = arith.constant 0 : i32
      %dma_wait3A_233 = tpu.memref_slice %arg2[%dma_wait3A_231, %dma_wait3A_232] : memref<10240x16xf32, #tpu.memory_space<hbm>> -> memref<128x16xf32, #tpu.memory_space<hbm>>
      %dma_wait3A_234 = arith.constant 0 : i32
      %dma_wait3A_235 = arith.constant 0 : i32
      %dma_wait3A_236 = tpu.memref_slice %arg7[%rem3A_164, %dma_wait3A_226, %dma_wait3A_234, %dma_wait3A_235] : memref<2x8x128x16xf32, #tpu.memory_space<vmem>> -> memref<1x1x128x16xf32, #tpu.memory_space<vmem>>
      %dma_wait3A_237 = tpu.memref_squeeze %dma_wait3A_236 : memref<1x1x128x16xf32, #tpu.memory_space<vmem>> -> memref<128x16xf32, #tpu.memory_space<vmem>>
      %dma_wait3A_238 = arith.constant 0 : i32
      %dma_wait3A_239 = arith.constant 0 : i32
      %dma_wait3A_240 = tpu.memref_slice %arg2[%dma_wait3A_238, %dma_wait3A_239] : memref<10240x16xf32, #tpu.memory_space<hbm>> -> memref<128x16xf32, #tpu.memory_space<hbm>>
      tpu.wait_dma2 semaphore(%arg9 : memref<!tpu.dma_semaphore, #tpu.memory_space<semaphore_mem>>) src(%dma_wait3A_240 : memref<128x16xf32, #tpu.memory_space<hbm>>) dst(%dma_wait3A_237 : memref<128x16xf32, #tpu.memory_space<vmem>>)
      %dma_wait3A_241 = arith.constant 5 : i32
      %dma_wait3A_242 = arith.constant 0 : i32
      %dma_wait3A_243 = arith.constant 0 : i32
      %dma_wait3A_244 = tpu.memref_slice %arg7[%rem3A_164, %dma_wait3A_241, %dma_wait3A_242, %dma_wait3A_243] : memref<2x8x128x16xf32, #tpu.memory_space<vmem>> -> memref<1x1x128x16xf32, #tpu.memory_space<vmem>>
      %dma_wait3A_245 = tpu.memref_squeeze %dma_wait3A_244 : memref<1x1x128x16xf32, #tpu.memory_space<vmem>> -> memref<128x16xf32, #tpu.memory_space<vmem>>
      %dma_wait3A_246 = arith.constant 0 : i32
      %dma_wait3A_247 = arith.constant 0 : i32
      %dma_wait3A_248 = tpu.memref_slice %arg2[%dma_wait3A_246, %dma_wait3A_247] : memref<10240x16xf32, #tpu.memory_space<hbm>> -> memref<128x16xf32, #tpu.memory_space<hbm>>
      %dma_wait3A_249 = arith.constant 0 : i32
      %dma_wait3A_250 = arith.constant 0 : i32
      %dma_wait3A_251 = tpu.memref_slice %arg7[%rem3A_164, %dma_wait3A_241, %dma_wait3A_249, %dma_wait3A_250] : memref<2x8x128x16xf32, #tpu.memory_space<vmem>> -> memref<1x1x128x16xf32, #tpu.memory_space<vmem>>
      %dma_wait3A_252 = tpu.memref_squeeze %dma_wait3A_251 : memref<1x1x128x16xf32, #tpu.memory_space<vmem>> -> memref<128x16xf32, #tpu.memory_space<vmem>>
      %dma_wait3A_253 = arith.constant 0 : i32
      %dma_wait3A_254 = arith.constant 0 : i32
      %dma_wait3A_255 = tpu.memref_slice %arg2[%dma_wait3A_253, %dma_wait3A_254] : memref<10240x16xf32, #tpu.memory_space<hbm>> -> memref<128x16xf32, #tpu.memory_space<hbm>>
      tpu.wait_dma2 semaphore(%arg9 : memref<!tpu.dma_semaphore, #tpu.memory_space<semaphore_mem>>) src(%dma_wait3A_255 : memref<128x16xf32, #tpu.memory_space<hbm>>) dst(%dma_wait3A_252 : memref<128x16xf32, #tpu.memory_space<vmem>>)
      %dma_wait3A_256 = arith.constant 6 : i32
      %dma_wait3A_257 = arith.constant 0 : i32
      %dma_wait3A_258 = arith.constant 0 : i32
      %dma_wait3A_259 = tpu.memref_slice %arg7[%rem3A_164, %dma_wait3A_256, %dma_wait3A_257, %dma_wait3A_258] : memref<2x8x128x16xf32, #tpu.memory_space<vmem>> -> memref<1x1x128x16xf32, #tpu.memory_space<vmem>>
      %dma_wait3A_260 = tpu.memref_squeeze %dma_wait3A_259 : memref<1x1x128x16xf32, #tpu.memory_space<vmem>> -> memref<128x16xf32, #tpu.memory_space<vmem>>
      %dma_wait3A_261 = arith.constant 0 : i32
      %dma_wait3A_262 = arith.constant 0 : i32
      %dma_wait3A_263 = tpu.memref_slice %arg2[%dma_wait3A_261, %dma_wait3A_262] : memref<10240x16xf32, #tpu.memory_space<hbm>> -> memref<128x16xf32, #tpu.memory_space<hbm>>
      %dma_wait3A_264 = arith.constant 0 : i32
      %dma_wait3A_265 = arith.constant 0 : i32
      %dma_wait3A_266 = tpu.memref_slice %arg7[%rem3A_164, %dma_wait3A_256, %dma_wait3A_264, %dma_wait3A_265] : memref<2x8x128x16xf32, #tpu.memory_space<vmem>> -> memref<1x1x128x16xf32, #tpu.memory_space<vmem>>
      %dma_wait3A_267 = tpu.memref_squeeze %dma_wait3A_266 : memref<1x1x128x16xf32, #tpu.memory_space<vmem>> -> memref<128x16xf32, #tpu.memory_space<vmem>>
      %dma_wait3A_268 = arith.constant 0 : i32
      %dma_wait3A_269 = arith.constant 0 : i32
      %dma_wait3A_270 = tpu.memref_slice %arg2[%dma_wait3A_268, %dma_wait3A_269] : memref<10240x16xf32, #tpu.memory_space<hbm>> -> memref<128x16xf32, #tpu.memory_space<hbm>>
      tpu.wait_dma2 semaphore(%arg9 : memref<!tpu.dma_semaphore, #tpu.memory_space<semaphore_mem>>) src(%dma_wait3A_270 : memref<128x16xf32, #tpu.memory_space<hbm>>) dst(%dma_wait3A_267 : memref<128x16xf32, #tpu.memory_space<vmem>>)
      %dma_wait3A_271 = arith.constant 7 : i32
      %dma_wait3A_272 = arith.constant 0 : i32
      %dma_wait3A_273 = arith.constant 0 : i32
      %dma_wait3A_274 = tpu.memref_slice %arg7[%rem3A_164, %dma_wait3A_271, %dma_wait3A_272, %dma_wait3A_273] : memref<2x8x128x16xf32, #tpu.memory_space<vmem>> -> memref<1x1x128x16xf32, #tpu.memory_space<vmem>>
      %dma_wait3A_275 = tpu.memref_squeeze %dma_wait3A_274 : memref<1x1x128x16xf32, #tpu.memory_space<vmem>> -> memref<128x16xf32, #tpu.memory_space<vmem>>
      %dma_wait3A_276 = arith.constant 0 : i32
      %dma_wait3A_277 = arith.constant 0 : i32
      %dma_wait3A_278 = tpu.memref_slice %arg2[%dma_wait3A_276, %dma_wait3A_277] : memref<10240x16xf32, #tpu.memory_space<hbm>> -> memref<128x16xf32, #tpu.memory_space<hbm>>
      %dma_wait3A_279 = arith.constant 0 : i32
      %dma_wait3A_280 = arith.constant 0 : i32
      %dma_wait3A_281 = tpu.memref_slice %arg7[%rem3A_164, %dma_wait3A_271, %dma_wait3A_279, %dma_wait3A_280] : memref<2x8x128x16xf32, #tpu.memory_space<vmem>> -> memref<1x1x128x16xf32, #tpu.memory_space<vmem>>
      %dma_wait3A_282 = tpu.memref_squeeze %dma_wait3A_281 : memref<1x1x128x16xf32, #tpu.memory_space<vmem>> -> memref<128x16xf32, #tpu.memory_space<vmem>>
      %dma_wait3A_283 = arith.constant 0 : i32
      %dma_wait3A_284 = arith.constant 0 : i32
      %dma_wait3A_285 = tpu.memref_slice %arg2[%dma_wait3A_283, %dma_wait3A_284] : memref<10240x16xf32, #tpu.memory_space<hbm>> -> memref<128x16xf32, #tpu.memory_space<hbm>>
      tpu.wait_dma2 semaphore(%arg9 : memref<!tpu.dma_semaphore, #tpu.memory_space<semaphore_mem>>) src(%dma_wait3A_285 : memref<128x16xf32, #tpu.memory_space<hbm>>) dst(%dma_wait3A_282 : memref<128x16xf32, #tpu.memory_space<vmem>>)
      %add3A_286 = arith.constant 0 : i32
      %add3A_287 = arith.addi %mul3A_166, %add3A_286 : i32
      %dma_start3A_288 = arith.constant 0 : i32
      %dma_start3A_289 = arith.constant 0 : i32
      %dma_start3A_290 = arith.constant 0 : i32
      %dma_start3A_291 = tpu.memref_slice %arg7[%rem3A_164, %dma_start3A_288, %dma_start3A_289, %dma_start3A_290] : memref<2x8x128x16xf32, #tpu.memory_space<vmem>> -> memref<1x1x128x16xf32, #tpu.memory_space<vmem>>
      %dma_start3A_292 = tpu.memref_squeeze %dma_start3A_291 : memref<1x1x128x16xf32, #tpu.memory_space<vmem>> -> memref<128x16xf32, #tpu.memory_space<vmem>>
      %dma_start3A_293 = arith.constant 0 : i32
      %dma_start3A_294 = tpu.memref_slice %arg6[%add3A_287, %dma_start3A_293] : memref<80x128xi32, #tpu.memory_space<vmem>> -> memref<1x128xi32, #tpu.memory_space<vmem>>
      %dma_start3A_295 = tpu.memref_squeeze %dma_start3A_294 : memref<1x128xi32, #tpu.memory_space<vmem>> -> memref<128xi32, #tpu.memory_space<vmem>>
      %dma_start3A_296 = arith.constant 0 : i32
      %dma_start3A_297 = arith.constant 0 : i32
      %dma_start3A_298 = tpu.memref_slice %arg8[%dma_start3A_296, %dma_start3A_297] : memref<10240x16xf32, #tpu.memory_space<vmem_shared>> -> memref<10240x16xf32, #tpu.memory_space<vmem_shared>>
      tpu.enqueue_indirect_dma source(%dma_start3A_292 : memref<128x16xf32, #tpu.memory_space<vmem>>) target(%dma_start3A_298 : memref<10240x16xf32, #tpu.memory_space<vmem_shared>>) offsets(%dma_start3A_295 : memref<128xi32, #tpu.memory_space<vmem>>) semaphore(%arg10 : memref<!tpu.dma_semaphore, #tpu.memory_space<semaphore_mem>>) {add = true}
      %add3A_299 = arith.constant 1 : i32
      %add3A_300 = arith.addi %mul3A_166, %add3A_299 : i32
      %dma_start3A_301 = arith.constant 1 : i32
      %dma_start3A_302 = arith.constant 0 : i32
      %dma_start3A_303 = arith.constant 0 : i32
      %dma_start3A_304 = tpu.memref_slice %arg7[%rem3A_164, %dma_start3A_301, %dma_start3A_302, %dma_start3A_303] : memref<2x8x128x16xf32, #tpu.memory_space<vmem>> -> memref<1x1x128x16xf32, #tpu.memory_space<vmem>>
      %dma_start3A_305 = tpu.memref_squeeze %dma_start3A_304 : memref<1x1x128x16xf32, #tpu.memory_space<vmem>> -> memref<128x16xf32, #tpu.memory_space<vmem>>
      %dma_start3A_306 = arith.constant 0 : i32
      %dma_start3A_307 = tpu.memref_slice %arg6[%add3A_300, %dma_start3A_306] : memref<80x128xi32, #tpu.memory_space<vmem>> -> memref<1x128xi32, #tpu.memory_space<vmem>>
      %dma_start3A_308 = tpu.memref_squeeze %dma_start3A_307 : memref<1x128xi32, #tpu.memory_space<vmem>> -> memref<128xi32, #tpu.memory_space<vmem>>
      %dma_start3A_309 = arith.constant 0 : i32
      %dma_start3A_310 = arith.constant 0 : i32
      %dma_start3A_311 = tpu.memref_slice %arg8[%dma_start3A_309, %dma_start3A_310] : memref<10240x16xf32, #tpu.memory_space<vmem_shared>> -> memref<10240x16xf32, #tpu.memory_space<vmem_shared>>
      tpu.enqueue_indirect_dma source(%dma_start3A_305 : memref<128x16xf32, #tpu.memory_space<vmem>>) target(%dma_start3A_311 : memref<10240x16xf32, #tpu.memory_space<vmem_shared>>) offsets(%dma_start3A_308 : memref<128xi32, #tpu.memory_space<vmem>>) semaphore(%arg10 : memref<!tpu.dma_semaphore, #tpu.memory_space<semaphore_mem>>) {add = true}
      %add3A_312 = arith.constant 2 : i32
      %add3A_313 = arith.addi %mul3A_166, %add3A_312 : i32
      %dma_start3A_314 = arith.constant 2 : i32
      %dma_start3A_315 = arith.constant 0 : i32
      %dma_start3A_316 = arith.constant 0 : i32
      %dma_start3A_317 = tpu.memref_slice %arg7[%rem3A_164, %dma_start3A_314, %dma_start3A_315, %dma_start3A_316] : memref<2x8x128x16xf32, #tpu.memory_space<vmem>> -> memref<1x1x128x16xf32, #tpu.memory_space<vmem>>
      %dma_start3A_318 = tpu.memref_squeeze %dma_start3A_317 : memref<1x1x128x16xf32, #tpu.memory_space<vmem>> -> memref<128x16xf32, #tpu.memory_space<vmem>>
      %dma_start3A_319 = arith.constant 0 : i32
      %dma_start3A_320 = tpu.memref_slice %arg6[%add3A_313, %dma_start3A_319] : memref<80x128xi32, #tpu.memory_space<vmem>> -> memref<1x128xi32, #tpu.memory_space<vmem>>
      %dma_start3A_321 = tpu.memref_squeeze %dma_start3A_320 : memref<1x128xi32, #tpu.memory_space<vmem>> -> memref<128xi32, #tpu.memory_space<vmem>>
      %dma_start3A_322 = arith.constant 0 : i32
      %dma_start3A_323 = arith.constant 0 : i32
      %dma_start3A_324 = tpu.memref_slice %arg8[%dma_start3A_322, %dma_start3A_323] : memref<10240x16xf32, #tpu.memory_space<vmem_shared>> -> memref<10240x16xf32, #tpu.memory_space<vmem_shared>>
      tpu.enqueue_indirect_dma source(%dma_start3A_318 : memref<128x16xf32, #tpu.memory_space<vmem>>) target(%dma_start3A_324 : memref<10240x16xf32, #tpu.memory_space<vmem_shared>>) offsets(%dma_start3A_321 : memref<128xi32, #tpu.memory_space<vmem>>) semaphore(%arg10 : memref<!tpu.dma_semaphore, #tpu.memory_space<semaphore_mem>>) {add = true}
      %add3A_325 = arith.constant 3 : i32
      %add3A_326 = arith.addi %mul3A_166, %add3A_325 : i32
      %dma_start3A_327 = arith.constant 3 : i32
      %dma_start3A_328 = arith.constant 0 : i32
      %dma_start3A_329 = arith.constant 0 : i32
      %dma_start3A_330 = tpu.memref_slice %arg7[%rem3A_164, %dma_start3A_327, %dma_start3A_328, %dma_start3A_329] : memref<2x8x128x16xf32, #tpu.memory_space<vmem>> -> memref<1x1x128x16xf32, #tpu.memory_space<vmem>>
      %dma_start3A_331 = tpu.memref_squeeze %dma_start3A_330 : memref<1x1x128x16xf32, #tpu.memory_space<vmem>> -> memref<128x16xf32, #tpu.memory_space<vmem>>
      %dma_start3A_332 = arith.constant 0 : i32
      %dma_start3A_333 = tpu.memref_slice %arg6[%add3A_326, %dma_start3A_332] : memref<80x128xi32, #tpu.memory_space<vmem>> -> memref<1x128xi32, #tpu.memory_space<vmem>>
      %dma_start3A_334 = tpu.memref_squeeze %dma_start3A_333 : memref<1x128xi32, #tpu.memory_space<vmem>> -> memref<128xi32, #tpu.memory_space<vmem>>
      %dma_start3A_335 = arith.constant 0 : i32
      %dma_start3A_336 = arith.constant 0 : i32
      %dma_start3A_337 = tpu.memref_slice %arg8[%dma_start3A_335, %dma_start3A_336] : memref<10240x16xf32, #tpu.memory_space<vmem_shared>> -> memref<10240x16xf32, #tpu.memory_space<vmem_shared>>
      tpu.enqueue_indirect_dma source(%dma_start3A_331 : memref<128x16xf32, #tpu.memory_space<vmem>>) target(%dma_start3A_337 : memref<10240x16xf32, #tpu.memory_space<vmem_shared>>) offsets(%dma_start3A_334 : memref<128xi32, #tpu.memory_space<vmem>>) semaphore(%arg10 : memref<!tpu.dma_semaphore, #tpu.memory_space<semaphore_mem>>) {add = true}
      %add3A_338 = arith.constant 4 : i32
      %add3A_339 = arith.addi %mul3A_166, %add3A_338 : i32
      %dma_start3A_340 = arith.constant 4 : i32
      %dma_start3A_341 = arith.constant 0 : i32
      %dma_start3A_342 = arith.constant 0 : i32
      %dma_start3A_343 = tpu.memref_slice %arg7[%rem3A_164, %dma_start3A_340, %dma_start3A_341, %dma_start3A_342] : memref<2x8x128x16xf32, #tpu.memory_space<vmem>> -> memref<1x1x128x16xf32, #tpu.memory_space<vmem>>
      %dma_start3A_344 = tpu.memref_squeeze %dma_start3A_343 : memref<1x1x128x16xf32, #tpu.memory_space<vmem>> -> memref<128x16xf32, #tpu.memory_space<vmem>>
      %dma_start3A_345 = arith.constant 0 : i32
      %dma_start3A_346 = tpu.memref_slice %arg6[%add3A_339, %dma_start3A_345] : memref<80x128xi32, #tpu.memory_space<vmem>> -> memref<1x128xi32, #tpu.memory_space<vmem>>
      %dma_start3A_347 = tpu.memref_squeeze %dma_start3A_346 : memref<1x128xi32, #tpu.memory_space<vmem>> -> memref<128xi32, #tpu.memory_space<vmem>>
      %dma_start3A_348 = arith.constant 0 : i32
      %dma_start3A_349 = arith.constant 0 : i32
      %dma_start3A_350 = tpu.memref_slice %arg8[%dma_start3A_348, %dma_start3A_349] : memref<10240x16xf32, #tpu.memory_space<vmem_shared>> -> memref<10240x16xf32, #tpu.memory_space<vmem_shared>>
      tpu.enqueue_indirect_dma source(%dma_start3A_344 : memref<128x16xf32, #tpu.memory_space<vmem>>) target(%dma_start3A_350 : memref<10240x16xf32, #tpu.memory_space<vmem_shared>>) offsets(%dma_start3A_347 : memref<128xi32, #tpu.memory_space<vmem>>) semaphore(%arg10 : memref<!tpu.dma_semaphore, #tpu.memory_space<semaphore_mem>>) {add = true}
      %add3A_351 = arith.constant 5 : i32
      %add3A_352 = arith.addi %mul3A_166, %add3A_351 : i32
      %dma_start3A_353 = arith.constant 5 : i32
      %dma_start3A_354 = arith.constant 0 : i32
      %dma_start3A_355 = arith.constant 0 : i32
      %dma_start3A_356 = tpu.memref_slice %arg7[%rem3A_164, %dma_start3A_353, %dma_start3A_354, %dma_start3A_355] : memref<2x8x128x16xf32, #tpu.memory_space<vmem>> -> memref<1x1x128x16xf32, #tpu.memory_space<vmem>>
      %dma_start3A_357 = tpu.memref_squeeze %dma_start3A_356 : memref<1x1x128x16xf32, #tpu.memory_space<vmem>> -> memref<128x16xf32, #tpu.memory_space<vmem>>
      %dma_start3A_358 = arith.constant 0 : i32
      %dma_start3A_359 = tpu.memref_slice %arg6[%add3A_352, %dma_start3A_358] : memref<80x128xi32, #tpu.memory_space<vmem>> -> memref<1x128xi32, #tpu.memory_space<vmem>>
      %dma_start3A_360 = tpu.memref_squeeze %dma_start3A_359 : memref<1x128xi32, #tpu.memory_space<vmem>> -> memref<128xi32, #tpu.memory_space<vmem>>
      %dma_start3A_361 = arith.constant 0 : i32
      %dma_start3A_362 = arith.constant 0 : i32
      %dma_start3A_363 = tpu.memref_slice %arg8[%dma_start3A_361, %dma_start3A_362] : memref<10240x16xf32, #tpu.memory_space<vmem_shared>> -> memref<10240x16xf32, #tpu.memory_space<vmem_shared>>
      tpu.enqueue_indirect_dma source(%dma_start3A_357 : memref<128x16xf32, #tpu.memory_space<vmem>>) target(%dma_start3A_363 : memref<10240x16xf32, #tpu.memory_space<vmem_shared>>) offsets(%dma_start3A_360 : memref<128xi32, #tpu.memory_space<vmem>>) semaphore(%arg10 : memref<!tpu.dma_semaphore, #tpu.memory_space<semaphore_mem>>) {add = true}
      %add3A_364 = arith.constant 6 : i32
      %add3A_365 = arith.addi %mul3A_166, %add3A_364 : i32
      %dma_start3A_366 = arith.constant 6 : i32
      %dma_start3A_367 = arith.constant 0 : i32
      %dma_start3A_368 = arith.constant 0 : i32
      %dma_start3A_369 = tpu.memref_slice %arg7[%rem3A_164, %dma_start3A_366, %dma_start3A_367, %dma_start3A_368] : memref<2x8x128x16xf32, #tpu.memory_space<vmem>> -> memref<1x1x128x16xf32, #tpu.memory_space<vmem>>
      %dma_start3A_370 = tpu.memref_squeeze %dma_start3A_369 : memref<1x1x128x16xf32, #tpu.memory_space<vmem>> -> memref<128x16xf32, #tpu.memory_space<vmem>>
      %dma_start3A_371 = arith.constant 0 : i32
      %dma_start3A_372 = tpu.memref_slice %arg6[%add3A_365, %dma_start3A_371] : memref<80x128xi32, #tpu.memory_space<vmem>> -> memref<1x128xi32, #tpu.memory_space<vmem>>
      %dma_start3A_373 = tpu.memref_squeeze %dma_start3A_372 : memref<1x128xi32, #tpu.memory_space<vmem>> -> memref<128xi32, #tpu.memory_space<vmem>>
      %dma_start3A_374 = arith.constant 0 : i32
      %dma_start3A_375 = arith.constant 0 : i32
      %dma_start3A_376 = tpu.memref_slice %arg8[%dma_start3A_374, %dma_start3A_375] : memref<10240x16xf32, #tpu.memory_space<vmem_shared>> -> memref<10240x16xf32, #tpu.memory_space<vmem_shared>>
      tpu.enqueue_indirect_dma source(%dma_start3A_370 : memref<128x16xf32, #tpu.memory_space<vmem>>) target(%dma_start3A_376 : memref<10240x16xf32, #tpu.memory_space<vmem_shared>>) offsets(%dma_start3A_373 : memref<128xi32, #tpu.memory_space<vmem>>) semaphore(%arg10 : memref<!tpu.dma_semaphore, #tpu.memory_space<semaphore_mem>>) {add = true}
      %add3A_377 = arith.constant 7 : i32
      %add3A_378 = arith.addi %mul3A_166, %add3A_377 : i32
      %dma_start3A_379 = arith.constant 7 : i32
      %dma_start3A_380 = arith.constant 0 : i32
      %dma_start3A_381 = arith.constant 0 : i32
      %dma_start3A_382 = tpu.memref_slice %arg7[%rem3A_164, %dma_start3A_379, %dma_start3A_380, %dma_start3A_381] : memref<2x8x128x16xf32, #tpu.memory_space<vmem>> -> memref<1x1x128x16xf32, #tpu.memory_space<vmem>>
      %dma_start3A_383 = tpu.memref_squeeze %dma_start3A_382 : memref<1x1x128x16xf32, #tpu.memory_space<vmem>> -> memref<128x16xf32, #tpu.memory_space<vmem>>
      %dma_start3A_384 = arith.constant 0 : i32
      %dma_start3A_385 = tpu.memref_slice %arg6[%add3A_378, %dma_start3A_384] : memref<80x128xi32, #tpu.memory_space<vmem>> -> memref<1x128xi32, #tpu.memory_space<vmem>>
      %dma_start3A_386 = tpu.memref_squeeze %dma_start3A_385 : memref<1x128xi32, #tpu.memory_space<vmem>> -> memref<128xi32, #tpu.memory_space<vmem>>
      %dma_start3A_387 = arith.constant 0 : i32
      %dma_start3A_388 = arith.constant 0 : i32
      %dma_start3A_389 = tpu.memref_slice %arg8[%dma_start3A_387, %dma_start3A_388] : memref<10240x16xf32, #tpu.memory_space<vmem_shared>> -> memref<10240x16xf32, #tpu.memory_space<vmem_shared>>
      tpu.enqueue_indirect_dma source(%dma_start3A_383 : memref<128x16xf32, #tpu.memory_space<vmem>>) target(%dma_start3A_389 : memref<10240x16xf32, #tpu.memory_space<vmem_shared>>) offsets(%dma_start3A_386 : memref<128xi32, #tpu.memory_space<vmem>>) semaphore(%arg10 : memref<!tpu.dma_semaphore, #tpu.memory_space<semaphore_mem>>) {add = true}
      %add3A_390 = arith.constant 1 : i32
      %add3A_391 = arith.addi %while3A_163, %add3A_390 : i32
      %lt3A = arith.cmpi slt, %add3A_391, %select_n3A_8 : i32
      %convert_element_type3A = arith.extui %lt3A : i1 to i32
      %cond3A = arith.constant 0 : i32
      %cond3A_392 = arith.cmpi ne, %convert_element_type3A, %cond3A : i32
      scf.if %cond3A_392 {
        %add3A_513 = arith.constant 8 : i32
        %add3A_514 = arith.addi %mul3A_166, %add3A_513 : i32
        %add3A_515 = arith.constant 0 : i32
        %add3A_516 = arith.addi %add3A_514, %add3A_515 : i32
        %sub3A = arith.constant 1 : i32
        %sub3A_517 = arith.subi %sub3A, %rem3A_164 : i32
        %dma_start3A_518 = arith.constant 0 : i32
        %dma_start3A_519 = arith.constant 0 : i32
        %dma_start3A_520 = arith.constant 0 : i32
        %dma_start3A_521 = tpu.memref_slice %arg7[%sub3A_517, %dma_start3A_518, %dma_start3A_519, %dma_start3A_520] : memref<2x8x128x16xf32, #tpu.memory_space<vmem>> -> memref<1x1x128x16xf32, #tpu.memory_space<vmem>>
        %dma_start3A_522 = tpu.memref_squeeze %dma_start3A_521 : memref<1x1x128x16xf32, #tpu.memory_space<vmem>> -> memref<128x16xf32, #tpu.memory_space<vmem>>
        %dma_start3A_523 = arith.constant 0 : i32
        %dma_start3A_524 = tpu.memref_slice %arg5[%add3A_516, %dma_start3A_523] : memref<80x128xi32, #tpu.memory_space<vmem>> -> memref<1x128xi32, #tpu.memory_space<vmem>>
        %dma_start3A_525 = tpu.memref_squeeze %dma_start3A_524 : memref<1x128xi32, #tpu.memory_space<vmem>> -> memref<128xi32, #tpu.memory_space<vmem>>
        %dma_start3A_526 = arith.constant 0 : i32
        %dma_start3A_527 = arith.constant 0 : i32
        %dma_start3A_528 = tpu.memref_slice %arg2[%dma_start3A_526, %dma_start3A_527] : memref<10240x16xf32, #tpu.memory_space<hbm>> -> memref<10240x16xf32, #tpu.memory_space<hbm>>
        tpu.enqueue_indirect_dma source(%dma_start3A_528 : memref<10240x16xf32, #tpu.memory_space<hbm>>) target(%dma_start3A_522 : memref<128x16xf32, #tpu.memory_space<vmem>>) offsets(%dma_start3A_525 : memref<128xi32, #tpu.memory_space<vmem>>) semaphore(%arg9 : memref<!tpu.dma_semaphore, #tpu.memory_space<semaphore_mem>>)
        %add3A_529 = arith.constant 8 : i32
        %add3A_530 = arith.addi %mul3A_166, %add3A_529 : i32
        %add3A_531 = arith.constant 1 : i32
        %add3A_532 = arith.addi %add3A_530, %add3A_531 : i32
        %sub3A_533 = arith.constant 1 : i32
        %sub3A_534 = arith.subi %sub3A_533, %rem3A_164 : i32
        %dma_start3A_535 = arith.constant 1 : i32
        %dma_start3A_536 = arith.constant 0 : i32
        %dma_start3A_537 = arith.constant 0 : i32
        %dma_start3A_538 = tpu.memref_slice %arg7[%sub3A_534, %dma_start3A_535, %dma_start3A_536, %dma_start3A_537] : memref<2x8x128x16xf32, #tpu.memory_space<vmem>> -> memref<1x1x128x16xf32, #tpu.memory_space<vmem>>
        %dma_start3A_539 = tpu.memref_squeeze %dma_start3A_538 : memref<1x1x128x16xf32, #tpu.memory_space<vmem>> -> memref<128x16xf32, #tpu.memory_space<vmem>>
        %dma_start3A_540 = arith.constant 0 : i32
        %dma_start3A_541 = tpu.memref_slice %arg5[%add3A_532, %dma_start3A_540] : memref<80x128xi32, #tpu.memory_space<vmem>> -> memref<1x128xi32, #tpu.memory_space<vmem>>
        %dma_start3A_542 = tpu.memref_squeeze %dma_start3A_541 : memref<1x128xi32, #tpu.memory_space<vmem>> -> memref<128xi32, #tpu.memory_space<vmem>>
        %dma_start3A_543 = arith.constant 0 : i32
        %dma_start3A_544 = arith.constant 0 : i32
        %dma_start3A_545 = tpu.memref_slice %arg2[%dma_start3A_543, %dma_start3A_544] : memref<10240x16xf32, #tpu.memory_space<hbm>> -> memref<10240x16xf32, #tpu.memory_space<hbm>>
        tpu.enqueue_indirect_dma source(%dma_start3A_545 : memref<10240x16xf32, #tpu.memory_space<hbm>>) target(%dma_start3A_539 : memref<128x16xf32, #tpu.memory_space<vmem>>) offsets(%dma_start3A_542 : memref<128xi32, #tpu.memory_space<vmem>>) semaphore(%arg9 : memref<!tpu.dma_semaphore, #tpu.memory_space<semaphore_mem>>)
        %add3A_546 = arith.constant 8 : i32
        %add3A_547 = arith.addi %mul3A_166, %add3A_546 : i32
        %add3A_548 = arith.constant 2 : i32
        %add3A_549 = arith.addi %add3A_547, %add3A_548 : i32
        %sub3A_550 = arith.constant 1 : i32
        %sub3A_551 = arith.subi %sub3A_550, %rem3A_164 : i32
        %dma_start3A_552 = arith.constant 2 : i32
        %dma_start3A_553 = arith.constant 0 : i32
        %dma_start3A_554 = arith.constant 0 : i32
        %dma_start3A_555 = tpu.memref_slice %arg7[%sub3A_551, %dma_start3A_552, %dma_start3A_553, %dma_start3A_554] : memref<2x8x128x16xf32, #tpu.memory_space<vmem>> -> memref<1x1x128x16xf32, #tpu.memory_space<vmem>>
        %dma_start3A_556 = tpu.memref_squeeze %dma_start3A_555 : memref<1x1x128x16xf32, #tpu.memory_space<vmem>> -> memref<128x16xf32, #tpu.memory_space<vmem>>
        %dma_start3A_557 = arith.constant 0 : i32
        %dma_start3A_558 = tpu.memref_slice %arg5[%add3A_549, %dma_start3A_557] : memref<80x128xi32, #tpu.memory_space<vmem>> -> memref<1x128xi32, #tpu.memory_space<vmem>>
        %dma_start3A_559 = tpu.memref_squeeze %dma_start3A_558 : memref<1x128xi32, #tpu.memory_space<vmem>> -> memref<128xi32, #tpu.memory_space<vmem>>
        %dma_start3A_560 = arith.constant 0 : i32
        %dma_start3A_561 = arith.constant 0 : i32
        %dma_start3A_562 = tpu.memref_slice %arg2[%dma_start3A_560, %dma_start3A_561] : memref<10240x16xf32, #tpu.memory_space<hbm>> -> memref<10240x16xf32, #tpu.memory_space<hbm>>
        tpu.enqueue_indirect_dma source(%dma_start3A_562 : memref<10240x16xf32, #tpu.memory_space<hbm>>) target(%dma_start3A_556 : memref<128x16xf32, #tpu.memory_space<vmem>>) offsets(%dma_start3A_559 : memref<128xi32, #tpu.memory_space<vmem>>) semaphore(%arg9 : memref<!tpu.dma_semaphore, #tpu.memory_space<semaphore_mem>>)
        %add3A_563 = arith.constant 8 : i32
        %add3A_564 = arith.addi %mul3A_166, %add3A_563 : i32
        %add3A_565 = arith.constant 3 : i32
        %add3A_566 = arith.addi %add3A_564, %add3A_565 : i32
        %sub3A_567 = arith.constant 1 : i32
        %sub3A_568 = arith.subi %sub3A_567, %rem3A_164 : i32
        %dma_start3A_569 = arith.constant 3 : i32
        %dma_start3A_570 = arith.constant 0 : i32
        %dma_start3A_571 = arith.constant 0 : i32
        %dma_start3A_572 = tpu.memref_slice %arg7[%sub3A_568, %dma_start3A_569, %dma_start3A_570, %dma_start3A_571] : memref<2x8x128x16xf32, #tpu.memory_space<vmem>> -> memref<1x1x128x16xf32, #tpu.memory_space<vmem>>
        %dma_start3A_573 = tpu.memref_squeeze %dma_start3A_572 : memref<1x1x128x16xf32, #tpu.memory_space<vmem>> -> memref<128x16xf32, #tpu.memory_space<vmem>>
        %dma_start3A_574 = arith.constant 0 : i32
        %dma_start3A_575 = tpu.memref_slice %arg5[%add3A_566, %dma_start3A_574] : memref<80x128xi32, #tpu.memory_space<vmem>> -> memref<1x128xi32, #tpu.memory_space<vmem>>
        %dma_start3A_576 = tpu.memref_squeeze %dma_start3A_575 : memref<1x128xi32, #tpu.memory_space<vmem>> -> memref<128xi32, #tpu.memory_space<vmem>>
        %dma_start3A_577 = arith.constant 0 : i32
        %dma_start3A_578 = arith.constant 0 : i32
        %dma_start3A_579 = tpu.memref_slice %arg2[%dma_start3A_577, %dma_start3A_578] : memref<10240x16xf32, #tpu.memory_space<hbm>> -> memref<10240x16xf32, #tpu.memory_space<hbm>>
        tpu.enqueue_indirect_dma source(%dma_start3A_579 : memref<10240x16xf32, #tpu.memory_space<hbm>>) target(%dma_start3A_573 : memref<128x16xf32, #tpu.memory_space<vmem>>) offsets(%dma_start3A_576 : memref<128xi32, #tpu.memory_space<vmem>>) semaphore(%arg9 : memref<!tpu.dma_semaphore, #tpu.memory_space<semaphore_mem>>)
        %add3A_580 = arith.constant 8 : i32
        %add3A_581 = arith.addi %mul3A_166, %add3A_580 : i32
        %add3A_582 = arith.constant 4 : i32
        %add3A_583 = arith.addi %add3A_581, %add3A_582 : i32
        %sub3A_584 = arith.constant 1 : i32
        %sub3A_585 = arith.subi %sub3A_584, %rem3A_164 : i32
        %dma_start3A_586 = arith.constant 4 : i32
        %dma_start3A_587 = arith.constant 0 : i32
        %dma_start3A_588 = arith.constant 0 : i32
        %dma_start3A_589 = tpu.memref_slice %arg7[%sub3A_585, %dma_start3A_586, %dma_start3A_587, %dma_start3A_588] : memref<2x8x128x16xf32, #tpu.memory_space<vmem>> -> memref<1x1x128x16xf32, #tpu.memory_space<vmem>>
        %dma_start3A_590 = tpu.memref_squeeze %dma_start3A_589 : memref<1x1x128x16xf32, #tpu.memory_space<vmem>> -> memref<128x16xf32, #tpu.memory_space<vmem>>
        %dma_start3A_591 = arith.constant 0 : i32
        %dma_start3A_592 = tpu.memref_slice %arg5[%add3A_583, %dma_start3A_591] : memref<80x128xi32, #tpu.memory_space<vmem>> -> memref<1x128xi32, #tpu.memory_space<vmem>>
        %dma_start3A_593 = tpu.memref_squeeze %dma_start3A_592 : memref<1x128xi32, #tpu.memory_space<vmem>> -> memref<128xi32, #tpu.memory_space<vmem>>
        %dma_start3A_594 = arith.constant 0 : i32
        %dma_start3A_595 = arith.constant 0 : i32
        %dma_start3A_596 = tpu.memref_slice %arg2[%dma_start3A_594, %dma_start3A_595] : memref<10240x16xf32, #tpu.memory_space<hbm>> -> memref<10240x16xf32, #tpu.memory_space<hbm>>
        tpu.enqueue_indirect_dma source(%dma_start3A_596 : memref<10240x16xf32, #tpu.memory_space<hbm>>) target(%dma_start3A_590 : memref<128x16xf32, #tpu.memory_space<vmem>>) offsets(%dma_start3A_593 : memref<128xi32, #tpu.memory_space<vmem>>) semaphore(%arg9 : memref<!tpu.dma_semaphore, #tpu.memory_space<semaphore_mem>>)
        %add3A_597 = arith.constant 8 : i32
        %add3A_598 = arith.addi %mul3A_166, %add3A_597 : i32
        %add3A_599 = arith.constant 5 : i32
        %add3A_600 = arith.addi %add3A_598, %add3A_599 : i32
        %sub3A_601 = arith.constant 1 : i32
        %sub3A_602 = arith.subi %sub3A_601, %rem3A_164 : i32
        %dma_start3A_603 = arith.constant 5 : i32
        %dma_start3A_604 = arith.constant 0 : i32
        %dma_start3A_605 = arith.constant 0 : i32
        %dma_start3A_606 = tpu.memref_slice %arg7[%sub3A_602, %dma_start3A_603, %dma_start3A_604, %dma_start3A_605] : memref<2x8x128x16xf32, #tpu.memory_space<vmem>> -> memref<1x1x128x16xf32, #tpu.memory_space<vmem>>
        %dma_start3A_607 = tpu.memref_squeeze %dma_start3A_606 : memref<1x1x128x16xf32, #tpu.memory_space<vmem>> -> memref<128x16xf32, #tpu.memory_space<vmem>>
        %dma_start3A_608 = arith.constant 0 : i32
        %dma_start3A_609 = tpu.memref_slice %arg5[%add3A_600, %dma_start3A_608] : memref<80x128xi32, #tpu.memory_space<vmem>> -> memref<1x128xi32, #tpu.memory_space<vmem>>
        %dma_start3A_610 = tpu.memref_squeeze %dma_start3A_609 : memref<1x128xi32, #tpu.memory_space<vmem>> -> memref<128xi32, #tpu.memory_space<vmem>>
        %dma_start3A_611 = arith.constant 0 : i32
        %dma_start3A_612 = arith.constant 0 : i32
        %dma_start3A_613 = tpu.memref_slice %arg2[%dma_start3A_611, %dma_start3A_612] : memref<10240x16xf32, #tpu.memory_space<hbm>> -> memref<10240x16xf32, #tpu.memory_space<hbm>>
        tpu.enqueue_indirect_dma source(%dma_start3A_613 : memref<10240x16xf32, #tpu.memory_space<hbm>>) target(%dma_start3A_607 : memref<128x16xf32, #tpu.memory_space<vmem>>) offsets(%dma_start3A_610 : memref<128xi32, #tpu.memory_space<vmem>>) semaphore(%arg9 : memref<!tpu.dma_semaphore, #tpu.memory_space<semaphore_mem>>)
        %add3A_614 = arith.constant 8 : i32
        %add3A_615 = arith.addi %mul3A_166, %add3A_614 : i32
        %add3A_616 = arith.constant 6 : i32
        %add3A_617 = arith.addi %add3A_615, %add3A_616 : i32
        %sub3A_618 = arith.constant 1 : i32
        %sub3A_619 = arith.subi %sub3A_618, %rem3A_164 : i32
        %dma_start3A_620 = arith.constant 6 : i32
        %dma_start3A_621 = arith.constant 0 : i32
        %dma_start3A_622 = arith.constant 0 : i32
        %dma_start3A_623 = tpu.memref_slice %arg7[%sub3A_619, %dma_start3A_620, %dma_start3A_621, %dma_start3A_622] : memref<2x8x128x16xf32, #tpu.memory_space<vmem>> -> memref<1x1x128x16xf32, #tpu.memory_space<vmem>>
        %dma_start3A_624 = tpu.memref_squeeze %dma_start3A_623 : memref<1x1x128x16xf32, #tpu.memory_space<vmem>> -> memref<128x16xf32, #tpu.memory_space<vmem>>
        %dma_start3A_625 = arith.constant 0 : i32
        %dma_start3A_626 = tpu.memref_slice %arg5[%add3A_617, %dma_start3A_625] : memref<80x128xi32, #tpu.memory_space<vmem>> -> memref<1x128xi32, #tpu.memory_space<vmem>>
        %dma_start3A_627 = tpu.memref_squeeze %dma_start3A_626 : memref<1x128xi32, #tpu.memory_space<vmem>> -> memref<128xi32, #tpu.memory_space<vmem>>
        %dma_start3A_628 = arith.constant 0 : i32
        %dma_start3A_629 = arith.constant 0 : i32
        %dma_start3A_630 = tpu.memref_slice %arg2[%dma_start3A_628, %dma_start3A_629] : memref<10240x16xf32, #tpu.memory_space<hbm>> -> memref<10240x16xf32, #tpu.memory_space<hbm>>
        tpu.enqueue_indirect_dma source(%dma_start3A_630 : memref<10240x16xf32, #tpu.memory_space<hbm>>) target(%dma_start3A_624 : memref<128x16xf32, #tpu.memory_space<vmem>>) offsets(%dma_start3A_627 : memref<128xi32, #tpu.memory_space<vmem>>) semaphore(%arg9 : memref<!tpu.dma_semaphore, #tpu.memory_space<semaphore_mem>>)
        %add3A_631 = arith.constant 8 : i32
        %add3A_632 = arith.addi %mul3A_166, %add3A_631 : i32
        %add3A_633 = arith.constant 7 : i32
        %add3A_634 = arith.addi %add3A_632, %add3A_633 : i32
        %sub3A_635 = arith.constant 1 : i32
        %sub3A_636 = arith.subi %sub3A_635, %rem3A_164 : i32
        %dma_start3A_637 = arith.constant 7 : i32
        %dma_start3A_638 = arith.constant 0 : i32
        %dma_start3A_639 = arith.constant 0 : i32
        %dma_start3A_640 = tpu.memref_slice %arg7[%sub3A_636, %dma_start3A_637, %dma_start3A_638, %dma_start3A_639] : memref<2x8x128x16xf32, #tpu.memory_space<vmem>> -> memref<1x1x128x16xf32, #tpu.memory_space<vmem>>
        %dma_start3A_641 = tpu.memref_squeeze %dma_start3A_640 : memref<1x1x128x16xf32, #tpu.memory_space<vmem>> -> memref<128x16xf32, #tpu.memory_space<vmem>>
        %dma_start3A_642 = arith.constant 0 : i32
        %dma_start3A_643 = tpu.memref_slice %arg5[%add3A_634, %dma_start3A_642] : memref<80x128xi32, #tpu.memory_space<vmem>> -> memref<1x128xi32, #tpu.memory_space<vmem>>
        %dma_start3A_644 = tpu.memref_squeeze %dma_start3A_643 : memref<1x128xi32, #tpu.memory_space<vmem>> -> memref<128xi32, #tpu.memory_space<vmem>>
        %dma_start3A_645 = arith.constant 0 : i32
        %dma_start3A_646 = arith.constant 0 : i32
        %dma_start3A_647 = tpu.memref_slice %arg2[%dma_start3A_645, %dma_start3A_646] : memref<10240x16xf32, #tpu.memory_space<hbm>> -> memref<10240x16xf32, #tpu.memory_space<hbm>>
        tpu.enqueue_indirect_dma source(%dma_start3A_647 : memref<10240x16xf32, #tpu.memory_space<hbm>>) target(%dma_start3A_641 : memref<128x16xf32, #tpu.memory_space<vmem>>) offsets(%dma_start3A_644 : memref<128xi32, #tpu.memory_space<vmem>>) semaphore(%arg9 : memref<!tpu.dma_semaphore, #tpu.memory_space<semaphore_mem>>)
      } else {
      }
      %dma_wait3A_393 = arith.constant 0 : i32
      %dma_wait3A_394 = arith.constant 0 : i32
      %dma_wait3A_395 = arith.constant 0 : i32
      %dma_wait3A_396 = tpu.memref_slice %arg7[%rem3A_164, %dma_wait3A_393, %dma_wait3A_394, %dma_wait3A_395] : memref<2x8x128x16xf32, #tpu.memory_space<vmem>> -> memref<1x1x128x16xf32, #tpu.memory_space<vmem>>
      %dma_wait3A_397 = tpu.memref_squeeze %dma_wait3A_396 : memref<1x1x128x16xf32, #tpu.memory_space<vmem>> -> memref<128x16xf32, #tpu.memory_space<vmem>>
      %dma_wait3A_398 = arith.constant 0 : i32
      %dma_wait3A_399 = arith.constant 0 : i32
      %dma_wait3A_400 = tpu.memref_slice %arg8[%dma_wait3A_398, %dma_wait3A_399] : memref<10240x16xf32, #tpu.memory_space<vmem_shared>> -> memref<128x16xf32, #tpu.memory_space<vmem_shared>>
      %dma_wait3A_401 = arith.constant 0 : i32
      %dma_wait3A_402 = arith.constant 0 : i32
      %dma_wait3A_403 = tpu.memref_slice %arg8[%dma_wait3A_401, %dma_wait3A_402] : memref<10240x16xf32, #tpu.memory_space<vmem_shared>> -> memref<128x16xf32, #tpu.memory_space<vmem_shared>>
      %dma_wait3A_404 = arith.constant 0 : i32
      %dma_wait3A_405 = arith.constant 0 : i32
      %dma_wait3A_406 = tpu.memref_slice %arg7[%rem3A_164, %dma_wait3A_393, %dma_wait3A_404, %dma_wait3A_405] : memref<2x8x128x16xf32, #tpu.memory_space<vmem>> -> memref<1x1x128x16xf32, #tpu.memory_space<vmem>>
      %dma_wait3A_407 = tpu.memref_squeeze %dma_wait3A_406 : memref<1x1x128x16xf32, #tpu.memory_space<vmem>> -> memref<128x16xf32, #tpu.memory_space<vmem>>
      tpu.wait_dma2 semaphore(%arg10 : memref<!tpu.dma_semaphore, #tpu.memory_space<semaphore_mem>>) src(%dma_wait3A_407 : memref<128x16xf32, #tpu.memory_space<vmem>>) dst(%dma_wait3A_403 : memref<128x16xf32, #tpu.memory_space<vmem_shared>>)
      %dma_wait3A_408 = arith.constant 1 : i32
      %dma_wait3A_409 = arith.constant 0 : i32
      %dma_wait3A_410 = arith.constant 0 : i32
      %dma_wait3A_411 = tpu.memref_slice %arg7[%rem3A_164, %dma_wait3A_408, %dma_wait3A_409, %dma_wait3A_410] : memref<2x8x128x16xf32, #tpu.memory_space<vmem>> -> memref<1x1x128x16xf32, #tpu.memory_space<vmem>>
      %dma_wait3A_412 = tpu.memref_squeeze %dma_wait3A_411 : memref<1x1x128x16xf32, #tpu.memory_space<vmem>> -> memref<128x16xf32, #tpu.memory_space<vmem>>
      %dma_wait3A_413 = arith.constant 0 : i32
      %dma_wait3A_414 = arith.constant 0 : i32
      %dma_wait3A_415 = tpu.memref_slice %arg8[%dma_wait3A_413, %dma_wait3A_414] : memref<10240x16xf32, #tpu.memory_space<vmem_shared>> -> memref<128x16xf32, #tpu.memory_space<vmem_shared>>
      %dma_wait3A_416 = arith.constant 0 : i32
      %dma_wait3A_417 = arith.constant 0 : i32
      %dma_wait3A_418 = tpu.memref_slice %arg8[%dma_wait3A_416, %dma_wait3A_417] : memref<10240x16xf32, #tpu.memory_space<vmem_shared>> -> memref<128x16xf32, #tpu.memory_space<vmem_shared>>
      %dma_wait3A_419 = arith.constant 0 : i32
      %dma_wait3A_420 = arith.constant 0 : i32
      %dma_wait3A_421 = tpu.memref_slice %arg7[%rem3A_164, %dma_wait3A_408, %dma_wait3A_419, %dma_wait3A_420] : memref<2x8x128x16xf32, #tpu.memory_space<vmem>> -> memref<1x1x128x16xf32, #tpu.memory_space<vmem>>
      %dma_wait3A_422 = tpu.memref_squeeze %dma_wait3A_421 : memref<1x1x128x16xf32, #tpu.memory_space<vmem>> -> memref<128x16xf32, #tpu.memory_space<vmem>>
      tpu.wait_dma2 semaphore(%arg10 : memref<!tpu.dma_semaphore, #tpu.memory_space<semaphore_mem>>) src(%dma_wait3A_422 : memref<128x16xf32, #tpu.memory_space<vmem>>) dst(%dma_wait3A_418 : memref<128x16xf32, #tpu.memory_space<vmem_shared>>)
      %dma_wait3A_423 = arith.constant 2 : i32
      %dma_wait3A_424 = arith.constant 0 : i32
      %dma_wait3A_425 = arith.constant 0 : i32
      %dma_wait3A_426 = tpu.memref_slice %arg7[%rem3A_164, %dma_wait3A_423, %dma_wait3A_424, %dma_wait3A_425] : memref<2x8x128x16xf32, #tpu.memory_space<vmem>> -> memref<1x1x128x16xf32, #tpu.memory_space<vmem>>
      %dma_wait3A_427 = tpu.memref_squeeze %dma_wait3A_426 : memref<1x1x128x16xf32, #tpu.memory_space<vmem>> -> memref<128x16xf32, #tpu.memory_space<vmem>>
      %dma_wait3A_428 = arith.constant 0 : i32
      %dma_wait3A_429 = arith.constant 0 : i32
      %dma_wait3A_430 = tpu.memref_slice %arg8[%dma_wait3A_428, %dma_wait3A_429] : memref<10240x16xf32, #tpu.memory_space<vmem_shared>> -> memref<128x16xf32, #tpu.memory_space<vmem_shared>>
      %dma_wait3A_431 = arith.constant 0 : i32
      %dma_wait3A_432 = arith.constant 0 : i32
      %dma_wait3A_433 = tpu.memref_slice %arg8[%dma_wait3A_431, %dma_wait3A_432] : memref<10240x16xf32, #tpu.memory_space<vmem_shared>> -> memref<128x16xf32, #tpu.memory_space<vmem_shared>>
      %dma_wait3A_434 = arith.constant 0 : i32
      %dma_wait3A_435 = arith.constant 0 : i32
      %dma_wait3A_436 = tpu.memref_slice %arg7[%rem3A_164, %dma_wait3A_423, %dma_wait3A_434, %dma_wait3A_435] : memref<2x8x128x16xf32, #tpu.memory_space<vmem>> -> memref<1x1x128x16xf32, #tpu.memory_space<vmem>>
      %dma_wait3A_437 = tpu.memref_squeeze %dma_wait3A_436 : memref<1x1x128x16xf32, #tpu.memory_space<vmem>> -> memref<128x16xf32, #tpu.memory_space<vmem>>
      tpu.wait_dma2 semaphore(%arg10 : memref<!tpu.dma_semaphore, #tpu.memory_space<semaphore_mem>>) src(%dma_wait3A_437 : memref<128x16xf32, #tpu.memory_space<vmem>>) dst(%dma_wait3A_433 : memref<128x16xf32, #tpu.memory_space<vmem_shared>>)
      %dma_wait3A_438 = arith.constant 3 : i32
      %dma_wait3A_439 = arith.constant 0 : i32
      %dma_wait3A_440 = arith.constant 0 : i32
      %dma_wait3A_441 = tpu.memref_slice %arg7[%rem3A_164, %dma_wait3A_438, %dma_wait3A_439, %dma_wait3A_440] : memref<2x8x128x16xf32, #tpu.memory_space<vmem>> -> memref<1x1x128x16xf32, #tpu.memory_space<vmem>>
      %dma_wait3A_442 = tpu.memref_squeeze %dma_wait3A_441 : memref<1x1x128x16xf32, #tpu.memory_space<vmem>> -> memref<128x16xf32, #tpu.memory_space<vmem>>
      %dma_wait3A_443 = arith.constant 0 : i32
      %dma_wait3A_444 = arith.constant 0 : i32
      %dma_wait3A_445 = tpu.memref_slice %arg8[%dma_wait3A_443, %dma_wait3A_444] : memref<10240x16xf32, #tpu.memory_space<vmem_shared>> -> memref<128x16xf32, #tpu.memory_space<vmem_shared>>
      %dma_wait3A_446 = arith.constant 0 : i32
      %dma_wait3A_447 = arith.constant 0 : i32
      %dma_wait3A_448 = tpu.memref_slice %arg8[%dma_wait3A_446, %dma_wait3A_447] : memref<10240x16xf32, #tpu.memory_space<vmem_shared>> -> memref<128x16xf32, #tpu.memory_space<vmem_shared>>
      %dma_wait3A_449 = arith.constant 0 : i32
      %dma_wait3A_450 = arith.constant 0 : i32
      %dma_wait3A_451 = tpu.memref_slice %arg7[%rem3A_164, %dma_wait3A_438, %dma_wait3A_449, %dma_wait3A_450] : memref<2x8x128x16xf32, #tpu.memory_space<vmem>> -> memref<1x1x128x16xf32, #tpu.memory_space<vmem>>
      %dma_wait3A_452 = tpu.memref_squeeze %dma_wait3A_451 : memref<1x1x128x16xf32, #tpu.memory_space<vmem>> -> memref<128x16xf32, #tpu.memory_space<vmem>>
      tpu.wait_dma2 semaphore(%arg10 : memref<!tpu.dma_semaphore, #tpu.memory_space<semaphore_mem>>) src(%dma_wait3A_452 : memref<128x16xf32, #tpu.memory_space<vmem>>) dst(%dma_wait3A_448 : memref<128x16xf32, #tpu.memory_space<vmem_shared>>)
      %dma_wait3A_453 = arith.constant 4 : i32
      %dma_wait3A_454 = arith.constant 0 : i32
      %dma_wait3A_455 = arith.constant 0 : i32
      %dma_wait3A_456 = tpu.memref_slice %arg7[%rem3A_164, %dma_wait3A_453, %dma_wait3A_454, %dma_wait3A_455] : memref<2x8x128x16xf32, #tpu.memory_space<vmem>> -> memref<1x1x128x16xf32, #tpu.memory_space<vmem>>
      %dma_wait3A_457 = tpu.memref_squeeze %dma_wait3A_456 : memref<1x1x128x16xf32, #tpu.memory_space<vmem>> -> memref<128x16xf32, #tpu.memory_space<vmem>>
      %dma_wait3A_458 = arith.constant 0 : i32
      %dma_wait3A_459 = arith.constant 0 : i32
      %dma_wait3A_460 = tpu.memref_slice %arg8[%dma_wait3A_458, %dma_wait3A_459] : memref<10240x16xf32, #tpu.memory_space<vmem_shared>> -> memref<128x16xf32, #tpu.memory_space<vmem_shared>>
      %dma_wait3A_461 = arith.constant 0 : i32
      %dma_wait3A_462 = arith.constant 0 : i32
      %dma_wait3A_463 = tpu.memref_slice %arg8[%dma_wait3A_461, %dma_wait3A_462] : memref<10240x16xf32, #tpu.memory_space<vmem_shared>> -> memref<128x16xf32, #tpu.memory_space<vmem_shared>>
      %dma_wait3A_464 = arith.constant 0 : i32
      %dma_wait3A_465 = arith.constant 0 : i32
      %dma_wait3A_466 = tpu.memref_slice %arg7[%rem3A_164, %dma_wait3A_453, %dma_wait3A_464, %dma_wait3A_465] : memref<2x8x128x16xf32, #tpu.memory_space<vmem>> -> memref<1x1x128x16xf32, #tpu.memory_space<vmem>>
      %dma_wait3A_467 = tpu.memref_squeeze %dma_wait3A_466 : memref<1x1x128x16xf32, #tpu.memory_space<vmem>> -> memref<128x16xf32, #tpu.memory_space<vmem>>
      tpu.wait_dma2 semaphore(%arg10 : memref<!tpu.dma_semaphore, #tpu.memory_space<semaphore_mem>>) src(%dma_wait3A_467 : memref<128x16xf32, #tpu.memory_space<vmem>>) dst(%dma_wait3A_463 : memref<128x16xf32, #tpu.memory_space<vmem_shared>>)
      %dma_wait3A_468 = arith.constant 5 : i32
      %dma_wait3A_469 = arith.constant 0 : i32
      %dma_wait3A_470 = arith.constant 0 : i32
      %dma_wait3A_471 = tpu.memref_slice %arg7[%rem3A_164, %dma_wait3A_468, %dma_wait3A_469, %dma_wait3A_470] : memref<2x8x128x16xf32, #tpu.memory_space<vmem>> -> memref<1x1x128x16xf32, #tpu.memory_space<vmem>>
      %dma_wait3A_472 = tpu.memref_squeeze %dma_wait3A_471 : memref<1x1x128x16xf32, #tpu.memory_space<vmem>> -> memref<128x16xf32, #tpu.memory_space<vmem>>
      %dma_wait3A_473 = arith.constant 0 : i32
      %dma_wait3A_474 = arith.constant 0 : i32
      %dma_wait3A_475 = tpu.memref_slice %arg8[%dma_wait3A_473, %dma_wait3A_474] : memref<10240x16xf32, #tpu.memory_space<vmem_shared>> -> memref<128x16xf32, #tpu.memory_space<vmem_shared>>
      %dma_wait3A_476 = arith.constant 0 : i32
      %dma_wait3A_477 = arith.constant 0 : i32
      %dma_wait3A_478 = tpu.memref_slice %arg8[%dma_wait3A_476, %dma_wait3A_477] : memref<10240x16xf32, #tpu.memory_space<vmem_shared>> -> memref<128x16xf32, #tpu.memory_space<vmem_shared>>
      %dma_wait3A_479 = arith.constant 0 : i32
      %dma_wait3A_480 = arith.constant 0 : i32
      %dma_wait3A_481 = tpu.memref_slice %arg7[%rem3A_164, %dma_wait3A_468, %dma_wait3A_479, %dma_wait3A_480] : memref<2x8x128x16xf32, #tpu.memory_space<vmem>> -> memref<1x1x128x16xf32, #tpu.memory_space<vmem>>
      %dma_wait3A_482 = tpu.memref_squeeze %dma_wait3A_481 : memref<1x1x128x16xf32, #tpu.memory_space<vmem>> -> memref<128x16xf32, #tpu.memory_space<vmem>>
      tpu.wait_dma2 semaphore(%arg10 : memref<!tpu.dma_semaphore, #tpu.memory_space<semaphore_mem>>) src(%dma_wait3A_482 : memref<128x16xf32, #tpu.memory_space<vmem>>) dst(%dma_wait3A_478 : memref<128x16xf32, #tpu.memory_space<vmem_shared>>)
      %dma_wait3A_483 = arith.constant 6 : i32
      %dma_wait3A_484 = arith.constant 0 : i32
      %dma_wait3A_485 = arith.constant 0 : i32
      %dma_wait3A_486 = tpu.memref_slice %arg7[%rem3A_164, %dma_wait3A_483, %dma_wait3A_484, %dma_wait3A_485] : memref<2x8x128x16xf32, #tpu.memory_space<vmem>> -> memref<1x1x128x16xf32, #tpu.memory_space<vmem>>
      %dma_wait3A_487 = tpu.memref_squeeze %dma_wait3A_486 : memref<1x1x128x16xf32, #tpu.memory_space<vmem>> -> memref<128x16xf32, #tpu.memory_space<vmem>>
      %dma_wait3A_488 = arith.constant 0 : i32
      %dma_wait3A_489 = arith.constant 0 : i32
      %dma_wait3A_490 = tpu.memref_slice %arg8[%dma_wait3A_488, %dma_wait3A_489] : memref<10240x16xf32, #tpu.memory_space<vmem_shared>> -> memref<128x16xf32, #tpu.memory_space<vmem_shared>>
      %dma_wait3A_491 = arith.constant 0 : i32
      %dma_wait3A_492 = arith.constant 0 : i32
      %dma_wait3A_493 = tpu.memref_slice %arg8[%dma_wait3A_491, %dma_wait3A_492] : memref<10240x16xf32, #tpu.memory_space<vmem_shared>> -> memref<128x16xf32, #tpu.memory_space<vmem_shared>>
      %dma_wait3A_494 = arith.constant 0 : i32
      %dma_wait3A_495 = arith.constant 0 : i32
      %dma_wait3A_496 = tpu.memref_slice %arg7[%rem3A_164, %dma_wait3A_483, %dma_wait3A_494, %dma_wait3A_495] : memref<2x8x128x16xf32, #tpu.memory_space<vmem>> -> memref<1x1x128x16xf32, #tpu.memory_space<vmem>>
      %dma_wait3A_497 = tpu.memref_squeeze %dma_wait3A_496 : memref<1x1x128x16xf32, #tpu.memory_space<vmem>> -> memref<128x16xf32, #tpu.memory_space<vmem>>
      tpu.wait_dma2 semaphore(%arg10 : memref<!tpu.dma_semaphore, #tpu.memory_space<semaphore_mem>>) src(%dma_wait3A_497 : memref<128x16xf32, #tpu.memory_space<vmem>>) dst(%dma_wait3A_493 : memref<128x16xf32, #tpu.memory_space<vmem_shared>>)
      %dma_wait3A_498 = arith.constant 7 : i32
      %dma_wait3A_499 = arith.constant 0 : i32
      %dma_wait3A_500 = arith.constant 0 : i32
      %dma_wait3A_501 = tpu.memref_slice %arg7[%rem3A_164, %dma_wait3A_498, %dma_wait3A_499, %dma_wait3A_500] : memref<2x8x128x16xf32, #tpu.memory_space<vmem>> -> memref<1x1x128x16xf32, #tpu.memory_space<vmem>>
      %dma_wait3A_502 = tpu.memref_squeeze %dma_wait3A_501 : memref<1x1x128x16xf32, #tpu.memory_space<vmem>> -> memref<128x16xf32, #tpu.memory_space<vmem>>
      %dma_wait3A_503 = arith.constant 0 : i32
      %dma_wait3A_504 = arith.constant 0 : i32
      %dma_wait3A_505 = tpu.memref_slice %arg8[%dma_wait3A_503, %dma_wait3A_504] : memref<10240x16xf32, #tpu.memory_space<vmem_shared>> -> memref<128x16xf32, #tpu.memory_space<vmem_shared>>
      %dma_wait3A_506 = arith.constant 0 : i32
      %dma_wait3A_507 = arith.constant 0 : i32
      %dma_wait3A_508 = tpu.memref_slice %arg8[%dma_wait3A_506, %dma_wait3A_507] : memref<10240x16xf32, #tpu.memory_space<vmem_shared>> -> memref<128x16xf32, #tpu.memory_space<vmem_shared>>
      %dma_wait3A_509 = arith.constant 0 : i32
      %dma_wait3A_510 = arith.constant 0 : i32
      %dma_wait3A_511 = tpu.memref_slice %arg7[%rem3A_164, %dma_wait3A_498, %dma_wait3A_509, %dma_wait3A_510] : memref<2x8x128x16xf32, #tpu.memory_space<vmem>> -> memref<1x1x128x16xf32, #tpu.memory_space<vmem>>
      %dma_wait3A_512 = tpu.memref_squeeze %dma_wait3A_511 : memref<1x1x128x16xf32, #tpu.memory_space<vmem>> -> memref<128x16xf32, #tpu.memory_space<vmem>>
      tpu.wait_dma2 semaphore(%arg10 : memref<!tpu.dma_semaphore, #tpu.memory_space<semaphore_mem>>) src(%dma_wait3A_512 : memref<128x16xf32, #tpu.memory_space<vmem>>) dst(%dma_wait3A_508 : memref<128x16xf32, #tpu.memory_space<vmem_shared>>)
    }
    %while3A_154 = arith.constant 1 : i32
    scf.for %while3A_163 = %while3A_152 to %while3A_148 step %while3A_154  : i32 {
      %rem3A = arith.constant 2 : i32
      %rem3A_164 = arith.remsi %while3A_163, %rem3A : i32
      %mul3A_165 = arith.constant 8 : i32
      %mul3A_166 = arith.muli %while3A_163, %mul3A_165 : i32
      %dma_wait3A = arith.constant 0 : i32
      %dma_wait3A_167 = arith.constant 0 : i32
      %dma_wait3A_168 = arith.constant 0 : i32
      %dma_wait3A_169 = tpu.memref_slice %arg7[%rem3A_164, %dma_wait3A, %dma_wait3A_167, %dma_wait3A_168] : memref<2x8x128x16xf32, #tpu.memory_space<vmem>> -> memref<1x1x128x16xf32, #tpu.memory_space<vmem>>
      %dma_wait3A_170 = tpu.memref_squeeze %dma_wait3A_169 : memref<1x1x128x16xf32, #tpu.memory_space<vmem>> -> memref<128x16xf32, #tpu.memory_space<vmem>>
      %dma_wait3A_171 = arith.constant 0 : i32
      %dma_wait3A_172 = arith.constant 0 : i32
      %dma_wait3A_173 = tpu.memref_slice %arg2[%dma_wait3A_171, %dma_wait3A_172] : memref<10240x16xf32, #tpu.memory_space<hbm>> -> memref<128x16xf32, #tpu.memory_space<hbm>>
      %dma_wait3A_174 = arith.constant 0 : i32
      %dma_wait3A_175 = arith.constant 0 : i32
      %dma_wait3A_176 = tpu.memref_slice %arg7[%rem3A_164, %dma_wait3A, %dma_wait3A_174, %dma_wait3A_175] : memref<2x8x128x16xf32, #tpu.memory_space<vmem>> -> memref<1x1x128x16xf32, #tpu.memory_space<vmem>>
      %dma_wait3A_177 = tpu.memref_squeeze %dma_wait3A_176 : memref<1x1x128x16xf32, #tpu.memory_space<vmem>> -> memref<128x16xf32, #tpu.memory_space<vmem>>
      %dma_wait3A_178 = arith.constant 0 : i32
      %dma_wait3A_179 = arith.constant 0 : i32
      %dma_wait3A_180 = tpu.memref_slice %arg2[%dma_wait3A_178, %dma_wait3A_179] : memref<10240x16xf32, #tpu.memory_space<hbm>> -> memref<128x16xf32, #tpu.memory_space<hbm>>
      tpu.wait_dma2 semaphore(%arg9 : memref<!tpu.dma_semaphore, #tpu.memory_space<semaphore_mem>>) src(%dma_wait3A_180 : memref<128x16xf32, #tpu.memory_space<hbm>>) dst(%dma_wait3A_177 : memref<128x16xf32, #tpu.memory_space<vmem>>)
      %dma_wait3A_181 = arith.constant 1 : i32
      %dma_wait3A_182 = arith.constant 0 : i32
      %dma_wait3A_183 = arith.constant 0 : i32
      %dma_wait3A_184 = tpu.memref_slice %arg7[%rem3A_164, %dma_wait3A_181, %dma_wait3A_182, %dma_wait3A_183] : memref<2x8x128x16xf32, #tpu.memory_space<vmem>> -> memref<1x1x128x16xf32, #tpu.memory_space<vmem>>
      %dma_wait3A_185 = tpu.memref_squeeze %dma_wait3A_184 : memref<1x1x128x16xf32, #tpu.memory_space<vmem>> -> memref<128x16xf32, #tpu.memory_space<vmem>>
      %dma_wait3A_186 = arith.constant 0 : i32
      %dma_wait3A_187 = arith.constant 0 : i32
      %dma_wait3A_188 = tpu.memref_slice %arg2[%dma_wait3A_186, %dma_wait3A_187] : memref<10240x16xf32, #tpu.memory_space<hbm>> -> memref<128x16xf32, #tpu.memory_space<hbm>>
      %dma_wait3A_189 = arith.constant 0 : i32
      %dma_wait3A_190 = arith.constant 0 : i32
      %dma_wait3A_191 = tpu.memref_slice %arg7[%rem3A_164, %dma_wait3A_181, %dma_wait3A_189, %dma_wait3A_190] : memref<2x8x128x16xf32, #tpu.memory_space<vmem>> -> memref<1x1x128x16xf32, #tpu.memory_space<vmem>>
      %dma_wait3A_192 = tpu.memref_squeeze %dma_wait3A_191 : memref<1x1x128x16xf32, #tpu.memory_space<vmem>> -> memref<128x16xf32, #tpu.memory_space<vmem>>
      %dma_wait3A_193 = arith.constant 0 : i32
      %dma_wait3A_194 = arith.constant 0 : i32
      %dma_wait3A_195 = tpu.memref_slice %arg2[%dma_wait3A_193, %dma_wait3A_194] : memref<10240x16xf32, #tpu.memory_space<hbm>> -> memref<128x16xf32, #tpu.memory_space<hbm>>
      tpu.wait_dma2 semaphore(%arg9 : memref<!tpu.dma_semaphore, #tpu.memory_space<semaphore_mem>>) src(%dma_wait3A_195 : memref<128x16xf32, #tpu.memory_space<hbm>>) dst(%dma_wait3A_192 : memref<128x16xf32, #tpu.memory_space<vmem>>)
      %dma_wait3A_196 = arith.constant 2 : i32
      %dma_wait3A_197 = arith.constant 0 : i32
      %dma_wait3A_198 = arith.constant 0 : i32
      %dma_wait3A_199 = tpu.memref_slice %arg7[%rem3A_164, %dma_wait3A_196, %dma_wait3A_197, %dma_wait3A_198] : memref<2x8x128x16xf32, #tpu.memory_space<vmem>> -> memref<1x1x128x16xf32, #tpu.memory_space<vmem>>
      %dma_wait3A_200 = tpu.memref_squeeze %dma_wait3A_199 : memref<1x1x128x16xf32, #tpu.memory_space<vmem>> -> memref<128x16xf32, #tpu.memory_space<vmem>>
      %dma_wait3A_201 = arith.constant 0 : i32
      %dma_wait3A_202 = arith.constant 0 : i32
      %dma_wait3A_203 = tpu.memref_slice %arg2[%dma_wait3A_201, %dma_wait3A_202] : memref<10240x16xf32, #tpu.memory_space<hbm>> -> memref<128x16xf32, #tpu.memory_space<hbm>>
      %dma_wait3A_204 = arith.constant 0 : i32
      %dma_wait3A_205 = arith.constant 0 : i32
      %dma_wait3A_206 = tpu.memref_slice %arg7[%rem3A_164, %dma_wait3A_196, %dma_wait3A_204, %dma_wait3A_205] : memref<2x8x128x16xf32, #tpu.memory_space<vmem>> -> memref<1x1x128x16xf32, #tpu.memory_space<vmem>>
      %dma_wait3A_207 = tpu.memref_squeeze %dma_wait3A_206 : memref<1x1x128x16xf32, #tpu.memory_space<vmem>> -> memref<128x16xf32, #tpu.memory_space<vmem>>
      %dma_wait3A_208 = arith.constant 0 : i32
      %dma_wait3A_209 = arith.constant 0 : i32
      %dma_wait3A_210 = tpu.memref_slice %arg2[%dma_wait3A_208, %dma_wait3A_209] : memref<10240x16xf32, #tpu.memory_space<hbm>> -> memref<128x16xf32, #tpu.memory_space<hbm>>
      tpu.wait_dma2 semaphore(%arg9 : memref<!tpu.dma_semaphore, #tpu.memory_space<semaphore_mem>>) src(%dma_wait3A_210 : memref<128x16xf32, #tpu.memory_space<hbm>>) dst(%dma_wait3A_207 : memref<128x16xf32, #tpu.memory_space<vmem>>)
      %dma_wait3A_211 = arith.constant 3 : i32
      %dma_wait3A_212 = arith.constant 0 : i32
      %dma_wait3A_213 = arith.constant 0 : i32
      %dma_wait3A_214 = tpu.memref_slice %arg7[%rem3A_164, %dma_wait3A_211, %dma_wait3A_212, %dma_wait3A_213] : memref<2x8x128x16xf32, #tpu.memory_space<vmem>> -> memref<1x1x128x16xf32, #tpu.memory_space<vmem>>
      %dma_wait3A_215 = tpu.memref_squeeze %dma_wait3A_214 : memref<1x1x128x16xf32, #tpu.memory_space<vmem>> -> memref<128x16xf32, #tpu.memory_space<vmem>>
      %dma_wait3A_216 = arith.constant 0 : i32
      %dma_wait3A_217 = arith.constant 0 : i32
      %dma_wait3A_218 = tpu.memref_slice %arg2[%dma_wait3A_216, %dma_wait3A_217] : memref<10240x16xf32, #tpu.memory_space<hbm>> -> memref<128x16xf32, #tpu.memory_space<hbm>>
      %dma_wait3A_219 = arith.constant 0 : i32
      %dma_wait3A_220 = arith.constant 0 : i32
      %dma_wait3A_221 = tpu.memref_slice %arg7[%rem3A_164, %dma_wait3A_211, %dma_wait3A_219, %dma_wait3A_220] : memref<2x8x128x16xf32, #tpu.memory_space<vmem>> -> memref<1x1x128x16xf32, #tpu.memory_space<vmem>>
      %dma_wait3A_222 = tpu.memref_squeeze %dma_wait3A_221 : memref<1x1x128x16xf32, #tpu.memory_space<vmem>> -> memref<128x16xf32, #tpu.memory_space<vmem>>
      %dma_wait3A_223 = arith.constant 0 : i32
      %dma_wait3A_224 = arith.constant 0 : i32
      %dma_wait3A_225 = tpu.memref_slice %arg2[%dma_wait3A_223, %dma_wait3A_224] : memref<10240x16xf32, #tpu.memory_space<hbm>> -> memref<128x16xf32, #tpu.memory_space<hbm>>
      tpu.wait_dma2 semaphore(%arg9 : memref<!tpu.dma_semaphore, #tpu.memory_space<semaphore_mem>>) src(%dma_wait3A_225 : memref<128x16xf32, #tpu.memory_space<hbm>>) dst(%dma_wait3A_222 : memref<128x16xf32, #tpu.memory_space<vmem>>)
      %dma_wait3A_226 = arith.constant 4 : i32
      %dma_wait3A_227 = arith.constant 0 : i32
      %dma_wait3A_228 = arith.constant 0 : i32
      %dma_wait3A_229 = tpu.memref_slice %arg7[%rem3A_164, %dma_wait3A_226, %dma_wait3A_227, %dma_wait3A_228] : memref<2x8x128x16xf32, #tpu.memory_space<vmem>> -> memref<1x1x128x16xf32, #tpu.memory_space<vmem>>
      %dma_wait3A_230 = tpu.memref_squeeze %dma_wait3A_229 : memref<1x1x128x16xf32, #tpu.memory_space<vmem>> -> memref<128x16xf32, #tpu.memory_space<vmem>>
      %dma_wait3A_231 = arith.constant 0 : i32
      %dma_wait3A_232 = arith.constant 0 : i32
      %dma_wait3A_233 = tpu.memref_slice %arg2[%dma_wait3A_231, %dma_wait3A_232] : memref<10240x16xf32, #tpu.memory_space<hbm>> -> memref<128x16xf32, #tpu.memory_space<hbm>>
      %dma_wait3A_234 = arith.constant 0 : i32
      %dma_wait3A_235 = arith.constant 0 : i32
      %dma_wait3A_236 = tpu.memref_slice %arg7[%rem3A_164, %dma_wait3A_226, %dma_wait3A_234, %dma_wait3A_235] : memref<2x8x128x16xf32, #tpu.memory_space<vmem>> -> memref<1x1x128x16xf32, #tpu.memory_space<vmem>>
      %dma_wait3A_237 = tpu.memref_squeeze %dma_wait3A_236 : memref<1x1x128x16xf32, #tpu.memory_space<vmem>> -> memref<128x16xf32, #tpu.memory_space<vmem>>
      %dma_wait3A_238 = arith.constant 0 : i32
      %dma_wait3A_239 = arith.constant 0 : i32
      %dma_wait3A_240 = tpu.memref_slice %arg2[%dma_wait3A_238, %dma_wait3A_239] : memref<10240x16xf32, #tpu.memory_space<hbm>> -> memref<128x16xf32, #tpu.memory_space<hbm>>
      tpu.wait_dma2 semaphore(%arg9 : memref<!tpu.dma_semaphore, #tpu.memory_space<semaphore_mem>>) src(%dma_wait3A_240 : memref<128x16xf32, #tpu.memory_space<hbm>>) dst(%dma_wait3A_237 : memref<128x16xf32, #tpu.memory_space<vmem>>)
      %dma_wait3A_241 = arith.constant 5 : i32
      %dma_wait3A_242 = arith.constant 0 : i32
      %dma_wait3A_243 = arith.constant 0 : i32
      %dma_wait3A_244 = tpu.memref_slice %arg7[%rem3A_164, %dma_wait3A_241, %dma_wait3A_242, %dma_wait3A_243] : memref<2x8x128x16xf32, #tpu.memory_space<vmem>> -> memref<1x1x128x16xf32, #tpu.memory_space<vmem>>
      %dma_wait3A_245 = tpu.memref_squeeze %dma_wait3A_244 : memref<1x1x128x16xf32, #tpu.memory_space<vmem>> -> memref<128x16xf32, #tpu.memory_space<vmem>>
      %dma_wait3A_246 = arith.constant 0 : i32
      %dma_wait3A_247 = arith.constant 0 : i32
      %dma_wait3A_248 = tpu.memref_slice %arg2[%dma_wait3A_246, %dma_wait3A_247] : memref<10240x16xf32, #tpu.memory_space<hbm>> -> memref<128x16xf32, #tpu.memory_space<hbm>>
      %dma_wait3A_249 = arith.constant 0 : i32
      %dma_wait3A_250 = arith.constant 0 : i32
      %dma_wait3A_251 = tpu.memref_slice %arg7[%rem3A_164, %dma_wait3A_241, %dma_wait3A_249, %dma_wait3A_250] : memref<2x8x128x16xf32, #tpu.memory_space<vmem>> -> memref<1x1x128x16xf32, #tpu.memory_space<vmem>>
      %dma_wait3A_252 = tpu.memref_squeeze %dma_wait3A_251 : memref<1x1x128x16xf32, #tpu.memory_space<vmem>> -> memref<128x16xf32, #tpu.memory_space<vmem>>
      %dma_wait3A_253 = arith.constant 0 : i32
      %dma_wait3A_254 = arith.constant 0 : i32
      %dma_wait3A_255 = tpu.memref_slice %arg2[%dma_wait3A_253, %dma_wait3A_254] : memref<10240x16xf32, #tpu.memory_space<hbm>> -> memref<128x16xf32, #tpu.memory_space<hbm>>
      tpu.wait_dma2 semaphore(%arg9 : memref<!tpu.dma_semaphore, #tpu.memory_space<semaphore_mem>>) src(%dma_wait3A_255 : memref<128x16xf32, #tpu.memory_space<hbm>>) dst(%dma_wait3A_252 : memref<128x16xf32, #tpu.memory_space<vmem>>)
      %dma_wait3A_256 = arith.constant 6 : i32
      %dma_wait3A_257 = arith.constant 0 : i32
      %dma_wait3A_258 = arith.constant 0 : i32
      %dma_wait3A_259 = tpu.memref_slice %arg7[%rem3A_164, %dma_wait3A_256, %dma_wait3A_257, %dma_wait3A_258] : memref<2x8x128x16xf32, #tpu.memory_space<vmem>> -> memref<1x1x128x16xf32, #tpu.memory_space<vmem>>
      %dma_wait3A_260 = tpu.memref_squeeze %dma_wait3A_259 : memref<1x1x128x16xf32, #tpu.memory_space<vmem>> -> memref<128x16xf32, #tpu.memory_space<vmem>>
      %dma_wait3A_261 = arith.constant 0 : i32
      %dma_wait3A_262 = arith.constant 0 : i32
      %dma_wait3A_263 = tpu.memref_slice %arg2[%dma_wait3A_261, %dma_wait3A_262] : memref<10240x16xf32, #tpu.memory_space<hbm>> -> memref<128x16xf32, #tpu.memory_space<hbm>>
      %dma_wait3A_264 = arith.constant 0 : i32
      %dma_wait3A_265 = arith.constant 0 : i32
      %dma_wait3A_266 = tpu.memref_slice %arg7[%rem3A_164, %dma_wait3A_256, %dma_wait3A_264, %dma_wait3A_265] : memref<2x8x128x16xf32, #tpu.memory_space<vmem>> -> memref<1x1x128x16xf32, #tpu.memory_space<vmem>>
      %dma_wait3A_267 = tpu.memref_squeeze %dma_wait3A_266 : memref<1x1x128x16xf32, #tpu.memory_space<vmem>> -> memref<128x16xf32, #tpu.memory_space<vmem>>
      %dma_wait3A_268 = arith.constant 0 : i32
      %dma_wait3A_269 = arith.constant 0 : i32
      %dma_wait3A_270 = tpu.memref_slice %arg2[%dma_wait3A_268, %dma_wait3A_269] : memref<10240x16xf32, #tpu.memory_space<hbm>> -> memref<128x16xf32, #tpu.memory_space<hbm>>
      tpu.wait_dma2 semaphore(%arg9 : memref<!tpu.dma_semaphore, #tpu.memory_space<semaphore_mem>>) src(%dma_wait3A_270 : memref<128x16xf32, #tpu.memory_space<hbm>>) dst(%dma_wait3A_267 : memref<128x16xf32, #tpu.memory_space<vmem>>)
      %dma_wait3A_271 = arith.constant 7 : i32
      %dma_wait3A_272 = arith.constant 0 : i32
      %dma_wait3A_273 = arith.constant 0 : i32
      %dma_wait3A_274 = tpu.memref_slice %arg7[%rem3A_164, %dma_wait3A_271, %dma_wait3A_272, %dma_wait3A_273] : memref<2x8x128x16xf32, #tpu.memory_space<vmem>> -> memref<1x1x128x16xf32, #tpu.memory_space<vmem>>
      %dma_wait3A_275 = tpu.memref_squeeze %dma_wait3A_274 : memref<1x1x128x16xf32, #tpu.memory_space<vmem>> -> memref<128x16xf32, #tpu.memory_space<vmem>>
      %dma_wait3A_276 = arith.constant 0 : i32
      %dma_wait3A_277 = arith.constant 0 : i32
      %dma_wait3A_278 = tpu.memref_slice %arg2[%dma_wait3A_276, %dma_wait3A_277] : memref<10240x16xf32, #tpu.memory_space<hbm>> -> memref<128x16xf32, #tpu.memory_space<hbm>>
      %dma_wait3A_279 = arith.constant 0 : i32
      %dma_wait3A_280 = arith.constant 0 : i32
      %dma_wait3A_281 = tpu.memref_slice %arg7[%rem3A_164, %dma_wait3A_271, %dma_wait3A_279, %dma_wait3A_280] : memref<2x8x128x16xf32, #tpu.memory_space<vmem>> -> memref<1x1x128x16xf32, #tpu.memory_space<vmem>>
      %dma_wait3A_282 = tpu.memref_squeeze %dma_wait3A_281 : memref<1x1x128x16xf32, #tpu.memory_space<vmem>> -> memref<128x16xf32, #tpu.memory_space<vmem>>
      %dma_wait3A_283 = arith.constant 0 : i32
      %dma_wait3A_284 = arith.constant 0 : i32
      %dma_wait3A_285 = tpu.memref_slice %arg2[%dma_wait3A_283, %dma_wait3A_284] : memref<10240x16xf32, #tpu.memory_space<hbm>> -> memref<128x16xf32, #tpu.memory_space<hbm>>
      tpu.wait_dma2 semaphore(%arg9 : memref<!tpu.dma_semaphore, #tpu.memory_space<semaphore_mem>>) src(%dma_wait3A_285 : memref<128x16xf32, #tpu.memory_space<hbm>>) dst(%dma_wait3A_282 : memref<128x16xf32, #tpu.memory_space<vmem>>)
      %add3A_286 = arith.constant 0 : i32
      %add3A_287 = arith.addi %mul3A_166, %add3A_286 : i32
      %dma_start3A_288 = arith.constant 0 : i32
      %dma_start3A_289 = arith.constant 0 : i32
      %dma_start3A_290 = arith.constant 0 : i32
      %dma_start3A_291 = tpu.memref_slice %arg7[%rem3A_164, %dma_start3A_288, %dma_start3A_289, %dma_start3A_290] : memref<2x8x128x16xf32, #tpu.memory_space<vmem>> -> memref<1x1x128x16xf32, #tpu.memory_space<vmem>>
      %dma_start3A_292 = tpu.memref_squeeze %dma_start3A_291 : memref<1x1x128x16xf32, #tpu.memory_space<vmem>> -> memref<128x16xf32, #tpu.memory_space<vmem>>
      %dma_start3A_293 = arith.constant 0 : i32
      %dma_start3A_294 = tpu.memref_slice %arg6[%add3A_287, %dma_start3A_293] : memref<80x128xi32, #tpu.memory_space<vmem>> -> memref<1x128xi32, #tpu.memory_space<vmem>>
      %dma_start3A_295 = tpu.memref_squeeze %dma_start3A_294 : memref<1x128xi32, #tpu.memory_space<vmem>> -> memref<128xi32, #tpu.memory_space<vmem>>
      %dma_start3A_296 = arith.constant 0 : i32
      %dma_start3A_297 = arith.constant 0 : i32
      %dma_start3A_298 = tpu.memref_slice %arg8[%dma_start3A_296, %dma_start3A_297] : memref<10240x16xf32, #tpu.memory_space<vmem_shared>> -> memref<10240x16xf32, #tpu.memory_space<vmem_shared>>
      tpu.enqueue_indirect_dma source(%dma_start3A_292 : memref<128x16xf32, #tpu.memory_space<vmem>>) target(%dma_start3A_298 : memref<10240x16xf32, #tpu.memory_space<vmem_shared>>) offsets(%dma_start3A_295 : memref<128xi32, #tpu.memory_space<vmem>>) semaphore(%arg10 : memref<!tpu.dma_semaphore, #tpu.memory_space<semaphore_mem>>) {add = true}
      %add3A_299 = arith.constant 1 : i32
      %add3A_300 = arith.addi %mul3A_166, %add3A_299 : i32
      %dma_start3A_301 = arith.constant 1 : i32
      %dma_start3A_302 = arith.constant 0 : i32
      %dma_start3A_303 = arith.constant 0 : i32
      %dma_start3A_304 = tpu.memref_slice %arg7[%rem3A_164, %dma_start3A_301, %dma_start3A_302, %dma_start3A_303] : memref<2x8x128x16xf32, #tpu.memory_space<vmem>> -> memref<1x1x128x16xf32, #tpu.memory_space<vmem>>
      %dma_start3A_305 = tpu.memref_squeeze %dma_start3A_304 : memref<1x1x128x16xf32, #tpu.memory_space<vmem>> -> memref<128x16xf32, #tpu.memory_space<vmem>>
      %dma_start3A_306 = arith.constant 0 : i32
      %dma_start3A_307 = tpu.memref_slice %arg6[%add3A_300, %dma_start3A_306] : memref<80x128xi32, #tpu.memory_space<vmem>> -> memref<1x128xi32, #tpu.memory_space<vmem>>
      %dma_start3A_308 = tpu.memref_squeeze %dma_start3A_307 : memref<1x128xi32, #tpu.memory_space<vmem>> -> memref<128xi32, #tpu.memory_space<vmem>>
      %dma_start3A_309 = arith.constant 0 : i32
      %dma_start3A_310 = arith.constant 0 : i32
      %dma_start3A_311 = tpu.memref_slice %arg8[%dma_start3A_309, %dma_start3A_310] : memref<10240x16xf32, #tpu.memory_space<vmem_shared>> -> memref<10240x16xf32, #tpu.memory_space<vmem_shared>>
      tpu.enqueue_indirect_dma source(%dma_start3A_305 : memref<128x16xf32, #tpu.memory_space<vmem>>) target(%dma_start3A_311 : memref<10240x16xf32, #tpu.memory_space<vmem_shared>>) offsets(%dma_start3A_308 : memref<128xi32, #tpu.memory_space<vmem>>) semaphore(%arg10 : memref<!tpu.dma_semaphore, #tpu.memory_space<semaphore_mem>>) {add = true}
      %add3A_312 = arith.constant 2 : i32
      %add3A_313 = arith.addi %mul3A_166, %add3A_312 : i32
      %dma_start3A_314 = arith.constant 2 : i32
      %dma_start3A_315 = arith.constant 0 : i32
      %dma_start3A_316 = arith.constant 0 : i32
      %dma_start3A_317 = tpu.memref_slice %arg7[%rem3A_164, %dma_start3A_314, %dma_start3A_315, %dma_start3A_316] : memref<2x8x128x16xf32, #tpu.memory_space<vmem>> -> memref<1x1x128x16xf32, #tpu.memory_space<vmem>>
      %dma_start3A_318 = tpu.memref_squeeze %dma_start3A_317 : memref<1x1x128x16xf32, #tpu.memory_space<vmem>> -> memref<128x16xf32, #tpu.memory_space<vmem>>
      %dma_start3A_319 = arith.constant 0 : i32
      %dma_start3A_320 = tpu.memref_slice %arg6[%add3A_313, %dma_start3A_319] : memref<80x128xi32, #tpu.memory_space<vmem>> -> memref<1x128xi32, #tpu.memory_space<vmem>>
      %dma_start3A_321 = tpu.memref_squeeze %dma_start3A_320 : memref<1x128xi32, #tpu.memory_space<vmem>> -> memref<128xi32, #tpu.memory_space<vmem>>
      %dma_start3A_322 = arith.constant 0 : i32
      %dma_start3A_323 = arith.constant 0 : i32
      %dma_start3A_324 = tpu.memref_slice %arg8[%dma_start3A_322, %dma_start3A_323] : memref<10240x16xf32, #tpu.memory_space<vmem_shared>> -> memref<10240x16xf32, #tpu.memory_space<vmem_shared>>
      tpu.enqueue_indirect_dma source(%dma_start3A_318 : memref<128x16xf32, #tpu.memory_space<vmem>>) target(%dma_start3A_324 : memref<10240x16xf32, #tpu.memory_space<vmem_shared>>) offsets(%dma_start3A_321 : memref<128xi32, #tpu.memory_space<vmem>>) semaphore(%arg10 : memref<!tpu.dma_semaphore, #tpu.memory_space<semaphore_mem>>) {add = true}
      %add3A_325 = arith.constant 3 : i32
      %add3A_326 = arith.addi %mul3A_166, %add3A_325 : i32
      %dma_start3A_327 = arith.constant 3 : i32
      %dma_start3A_328 = arith.constant 0 : i32
      %dma_start3A_329 = arith.constant 0 : i32
      %dma_start3A_330 = tpu.memref_slice %arg7[%rem3A_164, %dma_start3A_327, %dma_start3A_328, %dma_start3A_329] : memref<2x8x128x16xf32, #tpu.memory_space<vmem>> -> memref<1x1x128x16xf32, #tpu.memory_space<vmem>>
      %dma_start3A_331 = tpu.memref_squeeze %dma_start3A_330 : memref<1x1x128x16xf32, #tpu.memory_space<vmem>> -> memref<128x16xf32, #tpu.memory_space<vmem>>
      %dma_start3A_332 = arith.constant 0 : i32
      %dma_start3A_333 = tpu.memref_slice %arg6[%add3A_326, %dma_start3A_332] : memref<80x128xi32, #tpu.memory_space<vmem>> -> memref<1x128xi32, #tpu.memory_space<vmem>>
      %dma_start3A_334 = tpu.memref_squeeze %dma_start3A_333 : memref<1x128xi32, #tpu.memory_space<vmem>> -> memref<128xi32, #tpu.memory_space<vmem>>
      %dma_start3A_335 = arith.constant 0 : i32
      %dma_start3A_336 = arith.constant 0 : i32
      %dma_start3A_337 = tpu.memref_slice %arg8[%dma_start3A_335, %dma_start3A_336] : memref<10240x16xf32, #tpu.memory_space<vmem_shared>> -> memref<10240x16xf32, #tpu.memory_space<vmem_shared>>
      tpu.enqueue_indirect_dma source(%dma_start3A_331 : memref<128x16xf32, #tpu.memory_space<vmem>>) target(%dma_start3A_337 : memref<10240x16xf32, #tpu.memory_space<vmem_shared>>) offsets(%dma_start3A_334 : memref<128xi32, #tpu.memory_space<vmem>>) semaphore(%arg10 : memref<!tpu.dma_semaphore, #tpu.memory_space<semaphore_mem>>) {add = true}
      %add3A_338 = arith.constant 4 : i32
      %add3A_339 = arith.addi %mul3A_166, %add3A_338 : i32
      %dma_start3A_340 = arith.constant 4 : i32
      %dma_start3A_341 = arith.constant 0 : i32
      %dma_start3A_342 = arith.constant 0 : i32
      %dma_start3A_343 = tpu.memref_slice %arg7[%rem3A_164, %dma_start3A_340, %dma_start3A_341, %dma_start3A_342] : memref<2x8x128x16xf32, #tpu.memory_space<vmem>> -> memref<1x1x128x16xf32, #tpu.memory_space<vmem>>
      %dma_start3A_344 = tpu.memref_squeeze %dma_start3A_343 : memref<1x1x128x16xf32, #tpu.memory_space<vmem>> -> memref<128x16xf32, #tpu.memory_space<vmem>>
      %dma_start3A_345 = arith.constant 0 : i32
      %dma_start3A_346 = tpu.memref_slice %arg6[%add3A_339, %dma_start3A_345] : memref<80x128xi32, #tpu.memory_space<vmem>> -> memref<1x128xi32, #tpu.memory_space<vmem>>
      %dma_start3A_347 = tpu.memref_squeeze %dma_start3A_346 : memref<1x128xi32, #tpu.memory_space<vmem>> -> memref<128xi32, #tpu.memory_space<vmem>>
      %dma_start3A_348 = arith.constant 0 : i32
      %dma_start3A_349 = arith.constant 0 : i32
      %dma_start3A_350 = tpu.memref_slice %arg8[%dma_start3A_348, %dma_start3A_349] : memref<10240x16xf32, #tpu.memory_space<vmem_shared>> -> memref<10240x16xf32, #tpu.memory_space<vmem_shared>>
      tpu.enqueue_indirect_dma source(%dma_start3A_344 : memref<128x16xf32, #tpu.memory_space<vmem>>) target(%dma_start3A_350 : memref<10240x16xf32, #tpu.memory_space<vmem_shared>>) offsets(%dma_start3A_347 : memref<128xi32, #tpu.memory_space<vmem>>) semaphore(%arg10 : memref<!tpu.dma_semaphore, #tpu.memory_space<semaphore_mem>>) {add = true}
      %add3A_351 = arith.constant 5 : i32
      %add3A_352 = arith.addi %mul3A_166, %add3A_351 : i32
      %dma_start3A_353 = arith.constant 5 : i32
      %dma_start3A_354 = arith.constant 0 : i32
      %dma_start3A_355 = arith.constant 0 : i32
      %dma_start3A_356 = tpu.memref_slice %arg7[%rem3A_164, %dma_start3A_353, %dma_start3A_354, %dma_start3A_355] : memref<2x8x128x16xf32, #tpu.memory_space<vmem>> -> memref<1x1x128x16xf32, #tpu.memory_space<vmem>>
      %dma_start3A_357 = tpu.memref_squeeze %dma_start3A_356 : memref<1x1x128x16xf32, #tpu.memory_space<vmem>> -> memref<128x16xf32, #tpu.memory_space<vmem>>
      %dma_start3A_358 = arith.constant 0 : i32
      %dma_start3A_359 = tpu.memref_slice %arg6[%add3A_352, %dma_start3A_358] : memref<80x128xi32, #tpu.memory_space<vmem>> -> memref<1x128xi32, #tpu.memory_space<vmem>>
      %dma_start3A_360 = tpu.memref_squeeze %dma_start3A_359 : memref<1x128xi32, #tpu.memory_space<vmem>> -> memref<128xi32, #tpu.memory_space<vmem>>
      %dma_start3A_361 = arith.constant 0 : i32
      %dma_start3A_362 = arith.constant 0 : i32
      %dma_start3A_363 = tpu.memref_slice %arg8[%dma_start3A_361, %dma_start3A_362] : memref<10240x16xf32, #tpu.memory_space<vmem_shared>> -> memref<10240x16xf32, #tpu.memory_space<vmem_shared>>
      tpu.enqueue_indirect_dma source(%dma_start3A_357 : memref<128x16xf32, #tpu.memory_space<vmem>>) target(%dma_start3A_363 : memref<10240x16xf32, #tpu.memory_space<vmem_shared>>) offsets(%dma_start3A_360 : memref<128xi32, #tpu.memory_space<vmem>>) semaphore(%arg10 : memref<!tpu.dma_semaphore, #tpu.memory_space<semaphore_mem>>) {add = true}
      %add3A_364 = arith.constant 6 : i32
      %add3A_365 = arith.addi %mul3A_166, %add3A_364 : i32
      %dma_start3A_366 = arith.constant 6 : i32
      %dma_start3A_367 = arith.constant 0 : i32
      %dma_start3A_368 = arith.constant 0 : i32
      %dma_start3A_369 = tpu.memref_slice %arg7[%rem3A_164, %dma_start3A_366, %dma_start3A_367, %dma_start3A_368] : memref<2x8x128x16xf32, #tpu.memory_space<vmem>> -> memref<1x1x128x16xf32, #tpu.memory_space<vmem>>
      %dma_start3A_370 = tpu.memref_squeeze %dma_start3A_369 : memref<1x1x128x16xf32, #tpu.memory_space<vmem>> -> memref<128x16xf32, #tpu.memory_space<vmem>>
      %dma_start3A_371 = arith.constant 0 : i32
      %dma_start3A_372 = tpu.memref_slice %arg6[%add3A_365, %dma_start3A_371] : memref<80x128xi32, #tpu.memory_space<vmem>> -> memref<1x128xi32, #tpu.memory_space<vmem>>
      %dma_start3A_373 = tpu.memref_squeeze %dma_start3A_372 : memref<1x128xi32, #tpu.memory_space<vmem>> -> memref<128xi32, #tpu.memory_space<vmem>>
      %dma_start3A_374 = arith.constant 0 : i32
      %dma_start3A_375 = arith.constant 0 : i32
      %dma_start3A_376 = tpu.memref_slice %arg8[%dma_start3A_374, %dma_start3A_375] : memref<10240x16xf32, #tpu.memory_space<vmem_shared>> -> memref<10240x16xf32, #tpu.memory_space<vmem_shared>>
      tpu.enqueue_indirect_dma source(%dma_start3A_370 : memref<128x16xf32, #tpu.memory_space<vmem>>) target(%dma_start3A_376 : memref<10240x16xf32, #tpu.memory_space<vmem_shared>>) offsets(%dma_start3A_373 : memref<128xi32, #tpu.memory_space<vmem>>) semaphore(%arg10 : memref<!tpu.dma_semaphore, #tpu.memory_space<semaphore_mem>>) {add = true}
      %add3A_377 = arith.constant 7 : i32
      %add3A_378 = arith.addi %mul3A_166, %add3A_377 : i32
      %dma_start3A_379 = arith.constant 7 : i32
      %dma_start3A_380 = arith.constant 0 : i32
      %dma_start3A_381 = arith.constant 0 : i32
      %dma_start3A_382 = tpu.memref_slice %arg7[%rem3A_164, %dma_start3A_379, %dma_start3A_380, %dma_start3A_381] : memref<2x8x128x16xf32, #tpu.memory_space<vmem>> -> memref<1x1x128x16xf32, #tpu.memory_space<vmem>>
      %dma_start3A_383 = tpu.memref_squeeze %dma_start3A_382 : memref<1x1x128x16xf32, #tpu.memory_space<vmem>> -> memref<128x16xf32, #tpu.memory_space<vmem>>
      %dma_start3A_384 = arith.constant 0 : i32
      %dma_start3A_385 = tpu.memref_slice %arg6[%add3A_378, %dma_start3A_384] : memref<80x128xi32, #tpu.memory_space<vmem>> -> memref<1x128xi32, #tpu.memory_space<vmem>>
      %dma_start3A_386 = tpu.memref_squeeze %dma_start3A_385 : memref<1x128xi32, #tpu.memory_space<vmem>> -> memref<128xi32, #tpu.memory_space<vmem>>
      %dma_start3A_387 = arith.constant 0 : i32
      %dma_start3A_388 = arith.constant 0 : i32
      %dma_start3A_389 = tpu.memref_slice %arg8[%dma_start3A_387, %dma_start3A_388] : memref<10240x16xf32, #tpu.memory_space<vmem_shared>> -> memref<10240x16xf32, #tpu.memory_space<vmem_shared>>
      tpu.enqueue_indirect_dma source(%dma_start3A_383 : memref<128x16xf32, #tpu.memory_space<vmem>>) target(%dma_start3A_389 : memref<10240x16xf32, #tpu.memory_space<vmem_shared>>) offsets(%dma_start3A_386 : memref<128xi32, #tpu.memory_space<vmem>>) semaphore(%arg10 : memref<!tpu.dma_semaphore, #tpu.memory_space<semaphore_mem>>) {add = true}
      %add3A_390 = arith.constant 1 : i32
      %add3A_391 = arith.addi %while3A_163, %add3A_390 : i32
      %lt3A = arith.cmpi slt, %add3A_391, %select_n3A_8 : i32
      %convert_element_type3A = arith.extui %lt3A : i1 to i32
      %cond3A = arith.constant 0 : i32
      %cond3A_392 = arith.cmpi ne, %convert_element_type3A, %cond3A : i32
      scf.if %cond3A_392 {
        %add3A_513 = arith.constant 8 : i32
        %add3A_514 = arith.addi %mul3A_166, %add3A_513 : i32
        %add3A_515 = arith.constant 0 : i32
        %add3A_516 = arith.addi %add3A_514, %add3A_515 : i32
        %sub3A = arith.constant 1 : i32
        %sub3A_517 = arith.subi %sub3A, %rem3A_164 : i32
        %dma_start3A_518 = arith.constant 0 : i32
        %dma_start3A_519 = arith.constant 0 : i32
        %dma_start3A_520 = arith.constant 0 : i32
        %dma_start3A_521 = tpu.memref_slice %arg7[%sub3A_517, %dma_start3A_518, %dma_start3A_519, %dma_start3A_520] : memref<2x8x128x16xf32, #tpu.memory_space<vmem>> -> memref<1x1x128x16xf32, #tpu.memory_space<vmem>>
        %dma_start3A_522 = tpu.memref_squeeze %dma_start3A_521 : memref<1x1x128x16xf32, #tpu.memory_space<vmem>> -> memref<128x16xf32, #tpu.memory_space<vmem>>
        %dma_start3A_523 = arith.constant 0 : i32
        %dma_start3A_524 = tpu.memref_slice %arg5[%add3A_516, %dma_start3A_523] : memref<80x128xi32, #tpu.memory_space<vmem>> -> memref<1x128xi32, #tpu.memory_space<vmem>>
        %dma_start3A_525 = tpu.memref_squeeze %dma_start3A_524 : memref<1x128xi32, #tpu.memory_space<vmem>> -> memref<128xi32, #tpu.memory_space<vmem>>
        %dma_start3A_526 = arith.constant 0 : i32
        %dma_start3A_527 = arith.constant 0 : i32
        %dma_start3A_528 = tpu.memref_slice %arg2[%dma_start3A_526, %dma_start3A_527] : memref<10240x16xf32, #tpu.memory_space<hbm>> -> memref<10240x16xf32, #tpu.memory_space<hbm>>
        tpu.enqueue_indirect_dma source(%dma_start3A_528 : memref<10240x16xf32, #tpu.memory_space<hbm>>) target(%dma_start3A_522 : memref<128x16xf32, #tpu.memory_space<vmem>>) offsets(%dma_start3A_525 : memref<128xi32, #tpu.memory_space<vmem>>) semaphore(%arg9 : memref<!tpu.dma_semaphore, #tpu.memory_space<semaphore_mem>>)
        %add3A_529 = arith.constant 8 : i32
        %add3A_530 = arith.addi %mul3A_166, %add3A_529 : i32
        %add3A_531 = arith.constant 1 : i32
        %add3A_532 = arith.addi %add3A_530, %add3A_531 : i32
        %sub3A_533 = arith.constant 1 : i32
        %sub3A_534 = arith.subi %sub3A_533, %rem3A_164 : i32
        %dma_start3A_535 = arith.constant 1 : i32
        %dma_start3A_536 = arith.constant 0 : i32
        %dma_start3A_537 = arith.constant 0 : i32
        %dma_start3A_538 = tpu.memref_slice %arg7[%sub3A_534, %dma_start3A_535, %dma_start3A_536, %dma_start3A_537] : memref<2x8x128x16xf32, #tpu.memory_space<vmem>> -> memref<1x1x128x16xf32, #tpu.memory_space<vmem>>
        %dma_start3A_539 = tpu.memref_squeeze %dma_start3A_538 : memref<1x1x128x16xf32, #tpu.memory_space<vmem>> -> memref<128x16xf32, #tpu.memory_space<vmem>>
        %dma_start3A_540 = arith.constant 0 : i32
        %dma_start3A_541 = tpu.memref_slice %arg5[%add3A_532, %dma_start3A_540] : memref<80x128xi32, #tpu.memory_space<vmem>> -> memref<1x128xi32, #tpu.memory_space<vmem>>
        %dma_start3A_542 = tpu.memref_squeeze %dma_start3A_541 : memref<1x128xi32, #tpu.memory_space<vmem>> -> memref<128xi32, #tpu.memory_space<vmem>>
        %dma_start3A_543 = arith.constant 0 : i32
        %dma_start3A_544 = arith.constant 0 : i32
        %dma_start3A_545 = tpu.memref_slice %arg2[%dma_start3A_543, %dma_start3A_544] : memref<10240x16xf32, #tpu.memory_space<hbm>> -> memref<10240x16xf32, #tpu.memory_space<hbm>>
        tpu.enqueue_indirect_dma source(%dma_start3A_545 : memref<10240x16xf32, #tpu.memory_space<hbm>>) target(%dma_start3A_539 : memref<128x16xf32, #tpu.memory_space<vmem>>) offsets(%dma_start3A_542 : memref<128xi32, #tpu.memory_space<vmem>>) semaphore(%arg9 : memref<!tpu.dma_semaphore, #tpu.memory_space<semaphore_mem>>)
        %add3A_546 = arith.constant 8 : i32
        %add3A_547 = arith.addi %mul3A_166, %add3A_546 : i32
        %add3A_548 = arith.constant 2 : i32
        %add3A_549 = arith.addi %add3A_547, %add3A_548 : i32
        %sub3A_550 = arith.constant 1 : i32
        %sub3A_551 = arith.subi %sub3A_550, %rem3A_164 : i32
        %dma_start3A_552 = arith.constant 2 : i32
        %dma_start3A_553 = arith.constant 0 : i32
        %dma_start3A_554 = arith.constant 0 : i32
        %dma_start3A_555 = tpu.memref_slice %arg7[%sub3A_551, %dma_start3A_552, %dma_start3A_553, %dma_start3A_554] : memref<2x8x128x16xf32, #tpu.memory_space<vmem>> -> memref<1x1x128x16xf32, #tpu.memory_space<vmem>>
        %dma_start3A_556 = tpu.memref_squeeze %dma_start3A_555 : memref<1x1x128x16xf32, #tpu.memory_space<vmem>> -> memref<128x16xf32, #tpu.memory_space<vmem>>
        %dma_start3A_557 = arith.constant 0 : i32
        %dma_start3A_558 = tpu.memref_slice %arg5[%add3A_549, %dma_start3A_557] : memref<80x128xi32, #tpu.memory_space<vmem>> -> memref<1x128xi32, #tpu.memory_space<vmem>>
        %dma_start3A_559 = tpu.memref_squeeze %dma_start3A_558 : memref<1x128xi32, #tpu.memory_space<vmem>> -> memref<128xi32, #tpu.memory_space<vmem>>
        %dma_start3A_560 = arith.constant 0 : i32
        %dma_start3A_561 = arith.constant 0 : i32
        %dma_start3A_562 = tpu.memref_slice %arg2[%dma_start3A_560, %dma_start3A_561] : memref<10240x16xf32, #tpu.memory_space<hbm>> -> memref<10240x16xf32, #tpu.memory_space<hbm>>
        tpu.enqueue_indirect_dma source(%dma_start3A_562 : memref<10240x16xf32, #tpu.memory_space<hbm>>) target(%dma_start3A_556 : memref<128x16xf32, #tpu.memory_space<vmem>>) offsets(%dma_start3A_559 : memref<128xi32, #tpu.memory_space<vmem>>) semaphore(%arg9 : memref<!tpu.dma_semaphore, #tpu.memory_space<semaphore_mem>>)
        %add3A_563 = arith.constant 8 : i32
        %add3A_564 = arith.addi %mul3A_166, %add3A_563 : i32
        %add3A_565 = arith.constant 3 : i32
        %add3A_566 = arith.addi %add3A_564, %add3A_565 : i32
        %sub3A_567 = arith.constant 1 : i32
        %sub3A_568 = arith.subi %sub3A_567, %rem3A_164 : i32
        %dma_start3A_569 = arith.constant 3 : i32
        %dma_start3A_570 = arith.constant 0 : i32
        %dma_start3A_571 = arith.constant 0 : i32
        %dma_start3A_572 = tpu.memref_slice %arg7[%sub3A_568, %dma_start3A_569, %dma_start3A_570, %dma_start3A_571] : memref<2x8x128x16xf32, #tpu.memory_space<vmem>> -> memref<1x1x128x16xf32, #tpu.memory_space<vmem>>
        %dma_start3A_573 = tpu.memref_squeeze %dma_start3A_572 : memref<1x1x128x16xf32, #tpu.memory_space<vmem>> -> memref<128x16xf32, #tpu.memory_space<vmem>>
        %dma_start3A_574 = arith.constant 0 : i32
        %dma_start3A_575 = tpu.memref_slice %arg5[%add3A_566, %dma_start3A_574] : memref<80x128xi32, #tpu.memory_space<vmem>> -> memref<1x128xi32, #tpu.memory_space<vmem>>
        %dma_start3A_576 = tpu.memref_squeeze %dma_start3A_575 : memref<1x128xi32, #tpu.memory_space<vmem>> -> memref<128xi32, #tpu.memory_space<vmem>>
        %dma_start3A_577 = arith.constant 0 : i32
        %dma_start3A_578 = arith.constant 0 : i32
        %dma_start3A_579 = tpu.memref_slice %arg2[%dma_start3A_577, %dma_start3A_578] : memref<10240x16xf32, #tpu.memory_space<hbm>> -> memref<10240x16xf32, #tpu.memory_space<hbm>>
        tpu.enqueue_indirect_dma source(%dma_start3A_579 : memref<10240x16xf32, #tpu.memory_space<hbm>>) target(%dma_start3A_573 : memref<128x16xf32, #tpu.memory_space<vmem>>) offsets(%dma_start3A_576 : memref<128xi32, #tpu.memory_space<vmem>>) semaphore(%arg9 : memref<!tpu.dma_semaphore, #tpu.memory_space<semaphore_mem>>)
        %add3A_580 = arith.constant 8 : i32
        %add3A_581 = arith.addi %mul3A_166, %add3A_580 : i32
        %add3A_582 = arith.constant 4 : i32
        %add3A_583 = arith.addi %add3A_581, %add3A_582 : i32
        %sub3A_584 = arith.constant 1 : i32
        %sub3A_585 = arith.subi %sub3A_584, %rem3A_164 : i32
        %dma_start3A_586 = arith.constant 4 : i32
        %dma_start3A_587 = arith.constant 0 : i32
        %dma_start3A_588 = arith.constant 0 : i32
        %dma_start3A_589 = tpu.memref_slice %arg7[%sub3A_585, %dma_start3A_586, %dma_start3A_587, %dma_start3A_588] : memref<2x8x128x16xf32, #tpu.memory_space<vmem>> -> memref<1x1x128x16xf32, #tpu.memory_space<vmem>>
        %dma_start3A_590 = tpu.memref_squeeze %dma_start3A_589 : memref<1x1x128x16xf32, #tpu.memory_space<vmem>> -> memref<128x16xf32, #tpu.memory_space<vmem>>
        %dma_start3A_591 = arith.constant 0 : i32
        %dma_start3A_592 = tpu.memref_slice %arg5[%add3A_583, %dma_start3A_591] : memref<80x128xi32, #tpu.memory_space<vmem>> -> memref<1x128xi32, #tpu.memory_space<vmem>>
        %dma_start3A_593 = tpu.memref_squeeze %dma_start3A_592 : memref<1x128xi32, #tpu.memory_space<vmem>> -> memref<128xi32, #tpu.memory_space<vmem>>
        %dma_start3A_594 = arith.constant 0 : i32
        %dma_start3A_595 = arith.constant 0 : i32
        %dma_start3A_596 = tpu.memref_slice %arg2[%dma_start3A_594, %dma_start3A_595] : memref<10240x16xf32, #tpu.memory_space<hbm>> -> memref<10240x16xf32, #tpu.memory_space<hbm>>
        tpu.enqueue_indirect_dma source(%dma_start3A_596 : memref<10240x16xf32, #tpu.memory_space<hbm>>) target(%dma_start3A_590 : memref<128x16xf32, #tpu.memory_space<vmem>>) offsets(%dma_start3A_593 : memref<128xi32, #tpu.memory_space<vmem>>) semaphore(%arg9 : memref<!tpu.dma_semaphore, #tpu.memory_space<semaphore_mem>>)
        %add3A_597 = arith.constant 8 : i32
        %add3A_598 = arith.addi %mul3A_166, %add3A_597 : i32
        %add3A_599 = arith.constant 5 : i32
        %add3A_600 = arith.addi %add3A_598, %add3A_599 : i32
        %sub3A_601 = arith.constant 1 : i32
        %sub3A_602 = arith.subi %sub3A_601, %rem3A_164 : i32
        %dma_start3A_603 = arith.constant 5 : i32
        %dma_start3A_604 = arith.constant 0 : i32
        %dma_start3A_605 = arith.constant 0 : i32
        %dma_start3A_606 = tpu.memref_slice %arg7[%sub3A_602, %dma_start3A_603, %dma_start3A_604, %dma_start3A_605] : memref<2x8x128x16xf32, #tpu.memory_space<vmem>> -> memref<1x1x128x16xf32, #tpu.memory_space<vmem>>
        %dma_start3A_607 = tpu.memref_squeeze %dma_start3A_606 : memref<1x1x128x16xf32, #tpu.memory_space<vmem>> -> memref<128x16xf32, #tpu.memory_space<vmem>>
        %dma_start3A_608 = arith.constant 0 : i32
        %dma_start3A_609 = tpu.memref_slice %arg5[%add3A_600, %dma_start3A_608] : memref<80x128xi32, #tpu.memory_space<vmem>> -> memref<1x128xi32, #tpu.memory_space<vmem>>
        %dma_start3A_610 = tpu.memref_squeeze %dma_start3A_609 : memref<1x128xi32, #tpu.memory_space<vmem>> -> memref<128xi32, #tpu.memory_space<vmem>>
        %dma_start3A_611 = arith.constant 0 : i32
        %dma_start3A_612 = arith.constant 0 : i32
        %dma_start3A_613 = tpu.memref_slice %arg2[%dma_start3A_611, %dma_start3A_612] : memref<10240x16xf32, #tpu.memory_space<hbm>> -> memref<10240x16xf32, #tpu.memory_space<hbm>>
        tpu.enqueue_indirect_dma source(%dma_start3A_613 : memref<10240x16xf32, #tpu.memory_space<hbm>>) target(%dma_start3A_607 : memref<128x16xf32, #tpu.memory_space<vmem>>) offsets(%dma_start3A_610 : memref<128xi32, #tpu.memory_space<vmem>>) semaphore(%arg9 : memref<!tpu.dma_semaphore, #tpu.memory_space<semaphore_mem>>)
        %add3A_614 = arith.constant 8 : i32
        %add3A_615 = arith.addi %mul3A_166, %add3A_614 : i32
        %add3A_616 = arith.constant 6 : i32
        %add3A_617 = arith.addi %add3A_615, %add3A_616 : i32
        %sub3A_618 = arith.constant 1 : i32
        %sub3A_619 = arith.subi %sub3A_618, %rem3A_164 : i32
        %dma_start3A_620 = arith.constant 6 : i32
        %dma_start3A_621 = arith.constant 0 : i32
        %dma_start3A_622 = arith.constant 0 : i32
        %dma_start3A_623 = tpu.memref_slice %arg7[%sub3A_619, %dma_start3A_620, %dma_start3A_621, %dma_start3A_622] : memref<2x8x128x16xf32, #tpu.memory_space<vmem>> -> memref<1x1x128x16xf32, #tpu.memory_space<vmem>>
        %dma_start3A_624 = tpu.memref_squeeze %dma_start3A_623 : memref<1x1x128x16xf32, #tpu.memory_space<vmem>> -> memref<128x16xf32, #tpu.memory_space<vmem>>
        %dma_start3A_625 = arith.constant 0 : i32
        %dma_start3A_626 = tpu.memref_slice %arg5[%add3A_617, %dma_start3A_625] : memref<80x128xi32, #tpu.memory_space<vmem>> -> memref<1x128xi32, #tpu.memory_space<vmem>>
        %dma_start3A_627 = tpu.memref_squeeze %dma_start3A_626 : memref<1x128xi32, #tpu.memory_space<vmem>> -> memref<128xi32, #tpu.memory_space<vmem>>
        %dma_start3A_628 = arith.constant 0 : i32
        %dma_start3A_629 = arith.constant 0 : i32
        %dma_start3A_630 = tpu.memref_slice %arg2[%dma_start3A_628, %dma_start3A_629] : memref<10240x16xf32, #tpu.memory_space<hbm>> -> memref<10240x16xf32, #tpu.memory_space<hbm>>
        tpu.enqueue_indirect_dma source(%dma_start3A_630 : memref<10240x16xf32, #tpu.memory_space<hbm>>) target(%dma_start3A_624 : memref<128x16xf32, #tpu.memory_space<vmem>>) offsets(%dma_start3A_627 : memref<128xi32, #tpu.memory_space<vmem>>) semaphore(%arg9 : memref<!tpu.dma_semaphore, #tpu.memory_space<semaphore_mem>>)
        %add3A_631 = arith.constant 8 : i32
        %add3A_632 = arith.addi %mul3A_166, %add3A_631 : i32
        %add3A_633 = arith.constant 7 : i32
        %add3A_634 = arith.addi %add3A_632, %add3A_633 : i32
        %sub3A_635 = arith.constant 1 : i32
        %sub3A_636 = arith.subi %sub3A_635, %rem3A_164 : i32
        %dma_start3A_637 = arith.constant 7 : i32
        %dma_start3A_638 = arith.constant 0 : i32
        %dma_start3A_639 = arith.constant 0 : i32
        %dma_start3A_640 = tpu.memref_slice %arg7[%sub3A_636, %dma_start3A_637, %dma_start3A_638, %dma_start3A_639] : memref<2x8x128x16xf32, #tpu.memory_space<vmem>> -> memref<1x1x128x16xf32, #tpu.memory_space<vmem>>
        %dma_start3A_641 = tpu.memref_squeeze %dma_start3A_640 : memref<1x1x128x16xf32, #tpu.memory_space<vmem>> -> memref<128x16xf32, #tpu.memory_space<vmem>>
        %dma_start3A_642 = arith.constant 0 : i32
        %dma_start3A_643 = tpu.memref_slice %arg5[%add3A_634, %dma_start3A_642] : memref<80x128xi32, #tpu.memory_space<vmem>> -> memref<1x128xi32, #tpu.memory_space<vmem>>
        %dma_start3A_644 = tpu.memref_squeeze %dma_start3A_643 : memref<1x128xi32, #tpu.memory_space<vmem>> -> memref<128xi32, #tpu.memory_space<vmem>>
        %dma_start3A_645 = arith.constant 0 : i32
        %dma_start3A_646 = arith.constant 0 : i32
        %dma_start3A_647 = tpu.memref_slice %arg2[%dma_start3A_645, %dma_start3A_646] : memref<10240x16xf32, #tpu.memory_space<hbm>> -> memref<10240x16xf32, #tpu.memory_space<hbm>>
        tpu.enqueue_indirect_dma source(%dma_start3A_647 : memref<10240x16xf32, #tpu.memory_space<hbm>>) target(%dma_start3A_641 : memref<128x16xf32, #tpu.memory_space<vmem>>) offsets(%dma_start3A_644 : memref<128xi32, #tpu.memory_space<vmem>>) semaphore(%arg9 : memref<!tpu.dma_semaphore, #tpu.memory_space<semaphore_mem>>)
      } else {
      }
      %dma_wait3A_393 = arith.constant 0 : i32
      %dma_wait3A_394 = arith.constant 0 : i32
      %dma_wait3A_395 = arith.constant 0 : i32
      %dma_wait3A_396 = tpu.memref_slice %arg7[%rem3A_164, %dma_wait3A_393, %dma_wait3A_394, %dma_wait3A_395] : memref<2x8x128x16xf32, #tpu.memory_space<vmem>> -> memref<1x1x128x16xf32, #tpu.memory_space<vmem>>
      %dma_wait3A_397 = tpu.memref_squeeze %dma_wait3A_396 : memref<1x1x128x16xf32, #tpu.memory_space<vmem>> -> memref<128x16xf32, #tpu.memory_space<vmem>>
      %dma_wait3A_398 = arith.constant 0 : i32
      %dma_wait3A_399 = arith.constant 0 : i32
      %dma_wait3A_400 = tpu.memref_slice %arg8[%dma_wait3A_398, %dma_wait3A_399] : memref<10240x16xf32, #tpu.memory_space<vmem_shared>> -> memref<128x16xf32, #tpu.memory_space<vmem_shared>>
      %dma_wait3A_401 = arith.constant 0 : i32
      %dma_wait3A_402 = arith.constant 0 : i32
      %dma_wait3A_403 = tpu.memref_slice %arg8[%dma_wait3A_401, %dma_wait3A_402] : memref<10240x16xf32, #tpu.memory_space<vmem_shared>> -> memref<128x16xf32, #tpu.memory_space<vmem_shared>>
      %dma_wait3A_404 = arith.constant 0 : i32
      %dma_wait3A_405 = arith.constant 0 : i32
      %dma_wait3A_406 = tpu.memref_slice %arg7[%rem3A_164, %dma_wait3A_393, %dma_wait3A_404, %dma_wait3A_405] : memref<2x8x128x16xf32, #tpu.memory_space<vmem>> -> memref<1x1x128x16xf32, #tpu.memory_space<vmem>>
      %dma_wait3A_407 = tpu.memref_squeeze %dma_wait3A_406 : memref<1x1x128x16xf32, #tpu.memory_space<vmem>> -> memref<128x16xf32, #tpu.memory_space<vmem>>
      tpu.wait_dma2 semaphore(%arg10 : memref<!tpu.dma_semaphore, #tpu.memory_space<semaphore_mem>>) src(%dma_wait3A_407 : memref<128x16xf32, #tpu.memory_space<vmem>>) dst(%dma_wait3A_403 : memref<128x16xf32, #tpu.memory_space<vmem_shared>>)
      %dma_wait3A_408 = arith.constant 1 : i32
      %dma_wait3A_409 = arith.constant 0 : i32
      %dma_wait3A_410 = arith.constant 0 : i32
      %dma_wait3A_411 = tpu.memref_slice %arg7[%rem3A_164, %dma_wait3A_408, %dma_wait3A_409, %dma_wait3A_410] : memref<2x8x128x16xf32, #tpu.memory_space<vmem>> -> memref<1x1x128x16xf32, #tpu.memory_space<vmem>>
      %dma_wait3A_412 = tpu.memref_squeeze %dma_wait3A_411 : memref<1x1x128x16xf32, #tpu.memory_space<vmem>> -> memref<128x16xf32, #tpu.memory_space<vmem>>
      %dma_wait3A_413 = arith.constant 0 : i32
      %dma_wait3A_414 = arith.constant 0 : i32
      %dma_wait3A_415 = tpu.memref_slice %arg8[%dma_wait3A_413, %dma_wait3A_414] : memref<10240x16xf32, #tpu.memory_space<vmem_shared>> -> memref<128x16xf32, #tpu.memory_space<vmem_shared>>
      %dma_wait3A_416 = arith.constant 0 : i32
      %dma_wait3A_417 = arith.constant 0 : i32
      %dma_wait3A_418 = tpu.memref_slice %arg8[%dma_wait3A_416, %dma_wait3A_417] : memref<10240x16xf32, #tpu.memory_space<vmem_shared>> -> memref<128x16xf32, #tpu.memory_space<vmem_shared>>
      %dma_wait3A_419 = arith.constant 0 : i32
      %dma_wait3A_420 = arith.constant 0 : i32
      %dma_wait3A_421 = tpu.memref_slice %arg7[%rem3A_164, %dma_wait3A_408, %dma_wait3A_419, %dma_wait3A_420] : memref<2x8x128x16xf32, #tpu.memory_space<vmem>> -> memref<1x1x128x16xf32, #tpu.memory_space<vmem>>
      %dma_wait3A_422 = tpu.memref_squeeze %dma_wait3A_421 : memref<1x1x128x16xf32, #tpu.memory_space<vmem>> -> memref<128x16xf32, #tpu.memory_space<vmem>>
      tpu.wait_dma2 semaphore(%arg10 : memref<!tpu.dma_semaphore, #tpu.memory_space<semaphore_mem>>) src(%dma_wait3A_422 : memref<128x16xf32, #tpu.memory_space<vmem>>) dst(%dma_wait3A_418 : memref<128x16xf32, #tpu.memory_space<vmem_shared>>)
      %dma_wait3A_423 = arith.constant 2 : i32
      %dma_wait3A_424 = arith.constant 0 : i32
      %dma_wait3A_425 = arith.constant 0 : i32
      %dma_wait3A_426 = tpu.memref_slice %arg7[%rem3A_164, %dma_wait3A_423, %dma_wait3A_424, %dma_wait3A_425] : memref<2x8x128x16xf32, #tpu.memory_space<vmem>> -> memref<1x1x128x16xf32, #tpu.memory_space<vmem>>
      %dma_wait3A_427 = tpu.memref_squeeze %dma_wait3A_426 : memref<1x1x128x16xf32, #tpu.memory_space<vmem>> -> memref<128x16xf32, #tpu.memory_space<vmem>>
      %dma_wait3A_428 = arith.constant 0 : i32
      %dma_wait3A_429 = arith.constant 0 : i32
      %dma_wait3A_430 = tpu.memref_slice %arg8[%dma_wait3A_428, %dma_wait3A_429] : memref<10240x16xf32, #tpu.memory_space<vmem_shared>> -> memref<128x16xf32, #tpu.memory_space<vmem_shared>>
      %dma_wait3A_431 = arith.constant 0 : i32
      %dma_wait3A_432 = arith.constant 0 : i32
      %dma_wait3A_433 = tpu.memref_slice %arg8[%dma_wait3A_431, %dma_wait3A_432] : memref<10240x16xf32, #tpu.memory_space<vmem_shared>> -> memref<128x16xf32, #tpu.memory_space<vmem_shared>>
      %dma_wait3A_434 = arith.constant 0 : i32
      %dma_wait3A_435 = arith.constant 0 : i32
      %dma_wait3A_436 = tpu.memref_slice %arg7[%rem3A_164, %dma_wait3A_423, %dma_wait3A_434, %dma_wait3A_435] : memref<2x8x128x16xf32, #tpu.memory_space<vmem>> -> memref<1x1x128x16xf32, #tpu.memory_space<vmem>>
      %dma_wait3A_437 = tpu.memref_squeeze %dma_wait3A_436 : memref<1x1x128x16xf32, #tpu.memory_space<vmem>> -> memref<128x16xf32, #tpu.memory_space<vmem>>
      tpu.wait_dma2 semaphore(%arg10 : memref<!tpu.dma_semaphore, #tpu.memory_space<semaphore_mem>>) src(%dma_wait3A_437 : memref<128x16xf32, #tpu.memory_space<vmem>>) dst(%dma_wait3A_433 : memref<128x16xf32, #tpu.memory_space<vmem_shared>>)
      %dma_wait3A_438 = arith.constant 3 : i32
      %dma_wait3A_439 = arith.constant 0 : i32
      %dma_wait3A_440 = arith.constant 0 : i32
      %dma_wait3A_441 = tpu.memref_slice %arg7[%rem3A_164, %dma_wait3A_438, %dma_wait3A_439, %dma_wait3A_440] : memref<2x8x128x16xf32, #tpu.memory_space<vmem>> -> memref<1x1x128x16xf32, #tpu.memory_space<vmem>>
      %dma_wait3A_442 = tpu.memref_squeeze %dma_wait3A_441 : memref<1x1x128x16xf32, #tpu.memory_space<vmem>> -> memref<128x16xf32, #tpu.memory_space<vmem>>
      %dma_wait3A_443 = arith.constant 0 : i32
      %dma_wait3A_444 = arith.constant 0 : i32
      %dma_wait3A_445 = tpu.memref_slice %arg8[%dma_wait3A_443, %dma_wait3A_444] : memref<10240x16xf32, #tpu.memory_space<vmem_shared>> -> memref<128x16xf32, #tpu.memory_space<vmem_shared>>
      %dma_wait3A_446 = arith.constant 0 : i32
      %dma_wait3A_447 = arith.constant 0 : i32
      %dma_wait3A_448 = tpu.memref_slice %arg8[%dma_wait3A_446, %dma_wait3A_447] : memref<10240x16xf32, #tpu.memory_space<vmem_shared>> -> memref<128x16xf32, #tpu.memory_space<vmem_shared>>
      %dma_wait3A_449 = arith.constant 0 : i32
      %dma_wait3A_450 = arith.constant 0 : i32
      %dma_wait3A_451 = tpu.memref_slice %arg7[%rem3A_164, %dma_wait3A_438, %dma_wait3A_449, %dma_wait3A_450] : memref<2x8x128x16xf32, #tpu.memory_space<vmem>> -> memref<1x1x128x16xf32, #tpu.memory_space<vmem>>
      %dma_wait3A_452 = tpu.memref_squeeze %dma_wait3A_451 : memref<1x1x128x16xf32, #tpu.memory_space<vmem>> -> memref<128x16xf32, #tpu.memory_space<vmem>>
      tpu.wait_dma2 semaphore(%arg10 : memref<!tpu.dma_semaphore, #tpu.memory_space<semaphore_mem>>) src(%dma_wait3A_452 : memref<128x16xf32, #tpu.memory_space<vmem>>) dst(%dma_wait3A_448 : memref<128x16xf32, #tpu.memory_space<vmem_shared>>)
      %dma_wait3A_453 = arith.constant 4 : i32
      %dma_wait3A_454 = arith.constant 0 : i32
      %dma_wait3A_455 = arith.constant 0 : i32
      %dma_wait3A_456 = tpu.memref_slice %arg7[%rem3A_164, %dma_wait3A_453, %dma_wait3A_454, %dma_wait3A_455] : memref<2x8x128x16xf32, #tpu.memory_space<vmem>> -> memref<1x1x128x16xf32, #tpu.memory_space<vmem>>
      %dma_wait3A_457 = tpu.memref_squeeze %dma_wait3A_456 : memref<1x1x128x16xf32, #tpu.memory_space<vmem>> -> memref<128x16xf32, #tpu.memory_space<vmem>>
      %dma_wait3A_458 = arith.constant 0 : i32
      %dma_wait3A_459 = arith.constant 0 : i32
      %dma_wait3A_460 = tpu.memref_slice %arg8[%dma_wait3A_458, %dma_wait3A_459] : memref<10240x16xf32, #tpu.memory_space<vmem_shared>> -> memref<128x16xf32, #tpu.memory_space<vmem_shared>>
      %dma_wait3A_461 = arith.constant 0 : i32
      %dma_wait3A_462 = arith.constant 0 : i32
      %dma_wait3A_463 = tpu.memref_slice %arg8[%dma_wait3A_461, %dma_wait3A_462] : memref<10240x16xf32, #tpu.memory_space<vmem_shared>> -> memref<128x16xf32, #tpu.memory_space<vmem_shared>>
      %dma_wait3A_464 = arith.constant 0 : i32
      %dma_wait3A_465 = arith.constant 0 : i32
      %dma_wait3A_466 = tpu.memref_slice %arg7[%rem3A_164, %dma_wait3A_453, %dma_wait3A_464, %dma_wait3A_465] : memref<2x8x128x16xf32, #tpu.memory_space<vmem>> -> memref<1x1x128x16xf32, #tpu.memory_space<vmem>>
      %dma_wait3A_467 = tpu.memref_squeeze %dma_wait3A_466 : memref<1x1x128x16xf32, #tpu.memory_space<vmem>> -> memref<128x16xf32, #tpu.memory_space<vmem>>
      tpu.wait_dma2 semaphore(%arg10 : memref<!tpu.dma_semaphore, #tpu.memory_space<semaphore_mem>>) src(%dma_wait3A_467 : memref<128x16xf32, #tpu.memory_space<vmem>>) dst(%dma_wait3A_463 : memref<128x16xf32, #tpu.memory_space<vmem_shared>>)
      %dma_wait3A_468 = arith.constant 5 : i32
      %dma_wait3A_469 = arith.constant 0 : i32
      %dma_wait3A_470 = arith.constant 0 : i32
      %dma_wait3A_471 = tpu.memref_slice %arg7[%rem3A_164, %dma_wait3A_468, %dma_wait3A_469, %dma_wait3A_470] : memref<2x8x128x16xf32, #tpu.memory_space<vmem>> -> memref<1x1x128x16xf32, #tpu.memory_space<vmem>>
      %dma_wait3A_472 = tpu.memref_squeeze %dma_wait3A_471 : memref<1x1x128x16xf32, #tpu.memory_space<vmem>> -> memref<128x16xf32, #tpu.memory_space<vmem>>
      %dma_wait3A_473 = arith.constant 0 : i32
      %dma_wait3A_474 = arith.constant 0 : i32
      %dma_wait3A_475 = tpu.memref_slice %arg8[%dma_wait3A_473, %dma_wait3A_474] : memref<10240x16xf32, #tpu.memory_space<vmem_shared>> -> memref<128x16xf32, #tpu.memory_space<vmem_shared>>
      %dma_wait3A_476 = arith.constant 0 : i32
      %dma_wait3A_477 = arith.constant 0 : i32
      %dma_wait3A_478 = tpu.memref_slice %arg8[%dma_wait3A_476, %dma_wait3A_477] : memref<10240x16xf32, #tpu.memory_space<vmem_shared>> -> memref<128x16xf32, #tpu.memory_space<vmem_shared>>
      %dma_wait3A_479 = arith.constant 0 : i32
      %dma_wait3A_480 = arith.constant 0 : i32
      %dma_wait3A_481 = tpu.memref_slice %arg7[%rem3A_164, %dma_wait3A_468, %dma_wait3A_479, %dma_wait3A_480] : memref<2x8x128x16xf32, #tpu.memory_space<vmem>> -> memref<1x1x128x16xf32, #tpu.memory_space<vmem>>
      %dma_wait3A_482 = tpu.memref_squeeze %dma_wait3A_481 : memref<1x1x128x16xf32, #tpu.memory_space<vmem>> -> memref<128x16xf32, #tpu.memory_space<vmem>>
      tpu.wait_dma2 semaphore(%arg10 : memref<!tpu.dma_semaphore, #tpu.memory_space<semaphore_mem>>) src(%dma_wait3A_482 : memref<128x16xf32, #tpu.memory_space<vmem>>) dst(%dma_wait3A_478 : memref<128x16xf32, #tpu.memory_space<vmem_shared>>)
      %dma_wait3A_483 = arith.constant 6 : i32
      %dma_wait3A_484 = arith.constant 0 : i32
      %dma_wait3A_485 = arith.constant 0 : i32
      %dma_wait3A_486 = tpu.memref_slice %arg7[%rem3A_164, %dma_wait3A_483, %dma_wait3A_484, %dma_wait3A_485] : memref<2x8x128x16xf32, #tpu.memory_space<vmem>> -> memref<1x1x128x16xf32, #tpu.memory_space<vmem>>
      %dma_wait3A_487 = tpu.memref_squeeze %dma_wait3A_486 : memref<1x1x128x16xf32, #tpu.memory_space<vmem>> -> memref<128x16xf32, #tpu.memory_space<vmem>>
      %dma_wait3A_488 = arith.constant 0 : i32
      %dma_wait3A_489 = arith.constant 0 : i32
      %dma_wait3A_490 = tpu.memref_slice %arg8[%dma_wait3A_488, %dma_wait3A_489] : memref<10240x16xf32, #tpu.memory_space<vmem_shared>> -> memref<128x16xf32, #tpu.memory_space<vmem_shared>>
      %dma_wait3A_491 = arith.constant 0 : i32
      %dma_wait3A_492 = arith.constant 0 : i32
      %dma_wait3A_493 = tpu.memref_slice %arg8[%dma_wait3A_491, %dma_wait3A_492] : memref<10240x16xf32, #tpu.memory_space<vmem_shared>> -> memref<128x16xf32, #tpu.memory_space<vmem_shared>>
      %dma_wait3A_494 = arith.constant 0 : i32
      %dma_wait3A_495 = arith.constant 0 : i32
      %dma_wait3A_496 = tpu.memref_slice %arg7[%rem3A_164, %dma_wait3A_483, %dma_wait3A_494, %dma_wait3A_495] : memref<2x8x128x16xf32, #tpu.memory_space<vmem>> -> memref<1x1x128x16xf32, #tpu.memory_space<vmem>>
      %dma_wait3A_497 = tpu.memref_squeeze %dma_wait3A_496 : memref<1x1x128x16xf32, #tpu.memory_space<vmem>> -> memref<128x16xf32, #tpu.memory_space<vmem>>
      tpu.wait_dma2 semaphore(%arg10 : memref<!tpu.dma_semaphore, #tpu.memory_space<semaphore_mem>>) src(%dma_wait3A_497 : memref<128x16xf32, #tpu.memory_space<vmem>>) dst(%dma_wait3A_493 : memref<128x16xf32, #tpu.memory_space<vmem_shared>>)
      %dma_wait3A_498 = arith.constant 7 : i32
      %dma_wait3A_499 = arith.constant 0 : i32
      %dma_wait3A_500 = arith.constant 0 : i32
      %dma_wait3A_501 = tpu.memref_slice %arg7[%rem3A_164, %dma_wait3A_498, %dma_wait3A_499, %dma_wait3A_500] : memref<2x8x128x16xf32, #tpu.memory_space<vmem>> -> memref<1x1x128x16xf32, #tpu.memory_space<vmem>>
      %dma_wait3A_502 = tpu.memref_squeeze %dma_wait3A_501 : memref<1x1x128x16xf32, #tpu.memory_space<vmem>> -> memref<128x16xf32, #tpu.memory_space<vmem>>
      %dma_wait3A_503 = arith.constant 0 : i32
      %dma_wait3A_504 = arith.constant 0 : i32
      %dma_wait3A_505 = tpu.memref_slice %arg8[%dma_wait3A_503, %dma_wait3A_504] : memref<10240x16xf32, #tpu.memory_space<vmem_shared>> -> memref<128x16xf32, #tpu.memory_space<vmem_shared>>
      %dma_wait3A_506 = arith.constant 0 : i32
      %dma_wait3A_507 = arith.constant 0 : i32
      %dma_wait3A_508 = tpu.memref_slice %arg8[%dma_wait3A_506, %dma_wait3A_507] : memref<10240x16xf32, #tpu.memory_space<vmem_shared>> -> memref<128x16xf32, #tpu.memory_space<vmem_shared>>
      %dma_wait3A_509 = arith.constant 0 : i32
      %dma_wait3A_510 = arith.constant 0 : i32
      %dma_wait3A_511 = tpu.memref_slice %arg7[%rem3A_164, %dma_wait3A_498, %dma_wait3A_509, %dma_wait3A_510] : memref<2x8x128x16xf32, #tpu.memory_space<vmem>> -> memref<1x1x128x16xf32, #tpu.memory_space<vmem>>
      %dma_wait3A_512 = tpu.memref_squeeze %dma_wait3A_511 : memref<1x1x128x16xf32, #tpu.memory_space<vmem>> -> memref<128x16xf32, #tpu.memory_space<vmem>>
      tpu.wait_dma2 semaphore(%arg10 : memref<!tpu.dma_semaphore, #tpu.memory_space<semaphore_mem>>) src(%dma_wait3A_512 : memref<128x16xf32, #tpu.memory_space<vmem>>) dst(%dma_wait3A_508 : memref<128x16xf32, #tpu.memory_space<vmem_shared>>)
    }
    %barrier3A_155 = arith.constant 0 : index
    tpu.barrier barrier_id(%barrier3A_155)
    %mul3A_156 = arith.constant 640 : i32
    %mul3A_157 = arith.muli %arg1, %mul3A_156 : i32
    %mul3A_158 = arith.constant 10240 : i32
    %mul3A_159 = arith.muli %arg0, %mul3A_158 : i32
    %mul3A_160 = arith.constant 640 : i32
    %mul3A_161 = arith.muli %arg1, %mul3A_160 : i32
    %add3A_162 = arith.addi %mul3A_159, %mul3A_161 : i32
    "tpu.region"() ({
      %run_scoped3A_163 = tpu.sem_alloc : memref<!tpu.dma_semaphore, #tpu.memory_space<semaphore_mem>>
      %dma_start3A_164 = arith.constant 0 : i32
      %dma_start3A_165 = tpu.memref_slice %arg4[%add3A_162, %dma_start3A_164] : memref<20480x16xf32, #tpu.memory_space<hbm>> -> memref<640x16xf32, #tpu.memory_space<hbm>>
      %dma_start3A_166 = arith.constant 0 : i32
      %dma_start3A_167 = tpu.memref_slice %arg8[%mul3A_157, %dma_start3A_166] : memref<10240x16xf32, #tpu.memory_space<vmem_shared>> -> memref<640x16xf32, #tpu.memory_space<vmem_shared>>
      tpu.enqueue_dma source(%dma_start3A_167 : memref<640x16xf32, #tpu.memory_space<vmem_shared>>) target(%dma_start3A_165 : memref<640x16xf32, #tpu.memory_space<hbm>>) target_semaphore(%run_scoped3A_163 : memref<!tpu.dma_semaphore, #tpu.memory_space<semaphore_mem>>)
      %dma_wait3A = arith.constant 0 : i32
      %dma_wait3A_168 = tpu.memref_slice %arg4[%add3A_162, %dma_wait3A] : memref<20480x16xf32, #tpu.memory_space<hbm>> -> memref<640x16xf32, #tpu.memory_space<hbm>>
      %dma_wait3A_169 = arith.constant 0 : i32
      %dma_wait3A_170 = tpu.memref_slice %arg8[%mul3A_157, %dma_wait3A_169] : memref<10240x16xf32, #tpu.memory_space<vmem_shared>> -> memref<640x16xf32, #tpu.memory_space<vmem_shared>>
      tpu.wait_dma2 semaphore(%run_scoped3A_163 : memref<!tpu.dma_semaphore, #tpu.memory_space<semaphore_mem>>) src(%dma_wait3A_170 : memref<640x16xf32, #tpu.memory_space<vmem_shared>>) dst(%dma_wait3A_168 : memref<640x16xf32, #tpu.memory_space<hbm>>)
      tpu.yield
    }) : () -> ()
    return
  }
}

module attributes {stable_mosaic.version = 14 : i64} {
  func.func @_tc1_body(%arg0: i32, %arg1: memref<1024x128xf32, #tpu.memory_space<vmem>>, %arg2: memref<1x128xf32, #tpu.memory_space<vmem>>, %arg3: memref<1x128xf32, #tpu.memory_space<vmem>>, %arg4: memref<128x16xf32, #tpu.memory_space<vmem>>, %arg5: memref<128x128xf32, #tpu.memory_space<vmem>>) attributes {dimension_semantics = [#tpu.dimension_semantics<arbitrary>], iteration_bounds = array<i64: 10>, scalar_prefetch = 0 : i64, scratch_operands = 0 : i64, tpu.core_type = #tpu.core_type<tc>, window_params = [{transform_indices = @transform_0, window_bounds = array<i64: 1024, 128>}, {pipeline_mode = #tpu.pipeline_mode<synchronous>, transform_indices = @transform_1, window_bounds = array<i64: 1, 128>}, {pipeline_mode = #tpu.pipeline_mode<synchronous>, transform_indices = @transform_2, window_bounds = array<i64: 1, 128>}, {pipeline_mode = #tpu.pipeline_mode<synchronous>, transform_indices = @transform_3, window_bounds = array<i64: 128, 16>}, {transform_indices = @transform_4, window_bounds = array<i64: 128, 128>}]} {
    %get3A = arith.constant 0 : index
    %get3A_0 = arith.constant 0 : index
    %get3A_1 = vector.load %arg1[%get3A, %get3A_0] : memref<1024x128xf32, #tpu.memory_space<vmem>>, vector<1024x128xf32>
    %reduce_sum3A = arith.constant dense<0.000000e+00> : vector<1024xf32>
    %reduce_sum3A_2 = vector.multi_reduction <add>, %get3A_1, %reduce_sum3A [1] : vector<1024x128xf32> to vector<1024xf32>
    %broadcast_in_dim3A = vector.shape_cast %reduce_sum3A_2 : vector<1024xf32> to vector<1024x1xf32>
    %div3A = arith.constant 1.280000e+02 : f32
    %div3A_3 = vector.broadcast %div3A : f32 to vector<1024x1xf32>
    %div3A_4 = arith.divf %broadcast_in_dim3A, %div3A_3 : vector<1024x1xf32>
    %sub3A = vector.broadcast %div3A_4 : vector<1024x1xf32> to vector<1024x128xf32>
    %sub3A_5 = arith.subf %get3A_1, %sub3A : vector<1024x128xf32>
    %mul3A = arith.mulf %sub3A_5, %sub3A_5 : vector<1024x128xf32>
    %reduce_sum3A_6 = arith.constant dense<0.000000e+00> : vector<1024xf32>
    %reduce_sum3A_7 = vector.multi_reduction <add>, %mul3A, %reduce_sum3A_6 [1] : vector<1024x128xf32> to vector<1024xf32>
    %broadcast_in_dim3A_8 = vector.shape_cast %reduce_sum3A_7 : vector<1024xf32> to vector<1024x1xf32>
    %div3A_9 = arith.constant 1.280000e+02 : f32
    %div3A_10 = vector.broadcast %div3A_9 : f32 to vector<1024x1xf32>
    %div3A_11 = arith.divf %broadcast_in_dim3A_8, %div3A_10 : vector<1024x1xf32>
    %add3A = arith.constant 9.99999974E-6 : f32
    %add3A_12 = vector.broadcast %add3A : f32 to vector<1024x1xf32>
    %add3A_13 = arith.addf %div3A_11, %add3A_12 : vector<1024x1xf32>
    %rsqrt3A = math.rsqrt %add3A_13 : vector<1024x1xf32>
    %mul3A_14 = vector.broadcast %rsqrt3A : vector<1024x1xf32> to vector<1024x128xf32>
    %mul3A_15 = arith.mulf %sub3A_5, %mul3A_14 : vector<1024x128xf32>
    %get3A_16 = arith.constant 0 : index
    %get3A_17 = arith.constant 0 : index
    %get3A_18 = vector.load %arg2[%get3A_16, %get3A_17] : memref<1x128xf32, #tpu.memory_space<vmem>>, vector<1x128xf32>
    %mul3A_19 = vector.broadcast %get3A_18 : vector<1x128xf32> to vector<1024x128xf32>
    %mul3A_20 = arith.mulf %mul3A_15, %mul3A_19 : vector<1024x128xf32>
    %get3A_21 = arith.constant 0 : index
    %get3A_22 = arith.constant 0 : index
    %get3A_23 = vector.load %arg3[%get3A_21, %get3A_22] : memref<1x128xf32, #tpu.memory_space<vmem>>, vector<1x128xf32>
    %add3A_24 = vector.broadcast %get3A_23 : vector<1x128xf32> to vector<1024x128xf32>
    %add3A_25 = arith.addf %mul3A_20, %add3A_24 : vector<1024x128xf32>
    %get3A_26 = arith.constant 0 : index
    %get3A_27 = arith.constant 0 : index
    %get3A_28 = vector.load %arg4[%get3A_26, %get3A_27] : memref<128x16xf32, #tpu.memory_space<vmem>>, vector<128x16xf32>
    %dot_general3A = arith.constant dense<0.000000e+00> : vector<1024x16xf32>
    %dot_general3A_29 = tpu.matmul %add3A_25, %get3A_28, %dot_general3A {dimension_numbers = #tpu.dot_dimension_numbers<[1], [0], [0], [1], [0, 0, 1, 1], [], []>, transpose_lhs_hint = false} : vector<1024x128xf32>, vector<128x16xf32>, vector<1024x16xf32> -> vector<1024x16xf32>
    %reshape3A = vector.shape_cast %dot_general3A_29 : vector<1024x16xf32> to vector<128x8x16xf32>
    %slice3A = vector.extract_strided_slice %reshape3A {offsets = [0, 0, 0], sizes = [128, 1, 16], strides = [1, 1, 1]} : vector<128x8x16xf32> to vector<128x1x16xf32>
    %squeeze3A = vector.shape_cast %slice3A : vector<128x1x16xf32> to vector<128x16xf32>
    %slice3A_30 = vector.extract_strided_slice %reshape3A {offsets = [0, 1, 0], sizes = [128, 1, 16], strides = [1, 1, 1]} : vector<128x8x16xf32> to vector<128x1x16xf32>
    %squeeze3A_31 = vector.shape_cast %slice3A_30 : vector<128x1x16xf32> to vector<128x16xf32>
    %slice3A_32 = vector.extract_strided_slice %reshape3A {offsets = [0, 2, 0], sizes = [128, 1, 16], strides = [1, 1, 1]} : vector<128x8x16xf32> to vector<128x1x16xf32>
    %squeeze3A_33 = vector.shape_cast %slice3A_32 : vector<128x1x16xf32> to vector<128x16xf32>
    %slice3A_34 = vector.extract_strided_slice %reshape3A {offsets = [0, 3, 0], sizes = [128, 1, 16], strides = [1, 1, 1]} : vector<128x8x16xf32> to vector<128x1x16xf32>
    %squeeze3A_35 = vector.shape_cast %slice3A_34 : vector<128x1x16xf32> to vector<128x16xf32>
    %slice3A_36 = vector.extract_strided_slice %reshape3A {offsets = [0, 4, 0], sizes = [128, 1, 16], strides = [1, 1, 1]} : vector<128x8x16xf32> to vector<128x1x16xf32>
    %squeeze3A_37 = vector.shape_cast %slice3A_36 : vector<128x1x16xf32> to vector<128x16xf32>
    %slice3A_38 = vector.extract_strided_slice %reshape3A {offsets = [0, 5, 0], sizes = [128, 1, 16], strides = [1, 1, 1]} : vector<128x8x16xf32> to vector<128x1x16xf32>
    %squeeze3A_39 = vector.shape_cast %slice3A_38 : vector<128x1x16xf32> to vector<128x16xf32>
    %slice3A_40 = vector.extract_strided_slice %reshape3A {offsets = [0, 6, 0], sizes = [128, 1, 16], strides = [1, 1, 1]} : vector<128x8x16xf32> to vector<128x1x16xf32>
    %squeeze3A_41 = vector.shape_cast %slice3A_40 : vector<128x1x16xf32> to vector<128x16xf32>
    %slice3A_42 = vector.extract_strided_slice %reshape3A {offsets = [0, 7, 0], sizes = [128, 1, 16], strides = [1, 1, 1]} : vector<128x8x16xf32> to vector<128x1x16xf32>
    %squeeze3A_43 = vector.shape_cast %slice3A_42 : vector<128x1x16xf32> to vector<128x16xf32>
    %concatenate3A = tpu.concatenate %squeeze3A, %squeeze3A_31, %squeeze3A_33, %squeeze3A_35, %squeeze3A_37, %squeeze3A_39, %squeeze3A_41, %squeeze3A_43 in 1 : vector<128x16xf32>, vector<128x16xf32>, vector<128x16xf32>, vector<128x16xf32>, vector<128x16xf32>, vector<128x16xf32>, vector<128x16xf32>, vector<128x16xf32> -> vector<128x128xf32>
    %swap3A = arith.constant 0 : index
    %swap3A_44 = arith.constant 0 : index
    %swap3A_45 = vector.load %arg5[%swap3A, %swap3A_44] : memref<128x128xf32, #tpu.memory_space<vmem>>, vector<128x128xf32>
    tpu.vector_store %arg5[%swap3A, %swap3A_44], %concatenate3A {strides = array<i32>} : memref<128x128xf32, #tpu.memory_space<vmem>>, vector<128x128xf32>,
    return
  }
  func.func @transform_0(%arg0: i32) -> (i32, i32) {
    %c0_i32 = arith.constant 0 : i32
    %c0_i32_0 = arith.constant 0 : i32
    return %arg0, %c0_i32 : i32, i32
  }
  func.func @transform_1(%arg0: i32) -> (i32, i32) {
    %c0_i32 = arith.constant 0 : i32
    %c0_i32_0 = arith.constant 0 : i32
    %c0_i32_1 = arith.constant 0 : i32
    return %c0_i32, %c0_i32_0 : i32, i32
  }
  func.func @transform_2(%arg0: i32) -> (i32, i32) {
    %c0_i32 = arith.constant 0 : i32
    %c0_i32_0 = arith.constant 0 : i32
    %c0_i32_1 = arith.constant 0 : i32
    return %c0_i32, %c0_i32_0 : i32, i32
  }
  func.func @transform_3(%arg0: i32) -> (i32, i32) {
    %c0_i32 = arith.constant 0 : i32
    %c0_i32_0 = arith.constant 0 : i32
    %c0_i32_1 = arith.constant 0 : i32
    return %c0_i32, %c0_i32_0 : i32, i32
  }
  func.func @transform_4(%arg0: i32) -> (i32, i32) {
    %c0_i32 = arith.constant 0 : i32
    %c0_i32_0 = arith.constant 0 : i32
    return %arg0, %c0_i32 : i32, i32
  }
}

module attributes {stable_mosaic.version = 14 : i64} {
  func.func @_scale_body(%arg0: i32, %arg1: memref<128x128xf32, #tpu.memory_space<vmem>>, %arg2: memref<128x128xf32, #tpu.memory_space<vmem>>, %arg3: memref<128x128xf32, #tpu.memory_space<vmem>>) attributes {dimension_semantics = [#tpu.dimension_semantics<arbitrary>], iteration_bounds = array<i64: 10>, scalar_prefetch = 0 : i64, scratch_operands = 0 : i64, tpu.core_type = #tpu.core_type<tc>, window_params = [{transform_indices = @transform_0, window_bounds = array<i64: 128, 128>}, {transform_indices = @transform_1, window_bounds = array<i64: 128, 128>}, {transform_indices = @transform_2, window_bounds = array<i64: 128, 128>}]} {
    %get3A = arith.constant 0 : index
    %get3A_0 = arith.constant 0 : index
    %get3A_1 = vector.load %arg1[%get3A, %get3A_0] : memref<128x128xf32, #tpu.memory_space<vmem>>, vector<128x128xf32>
    %get3A_2 = arith.constant 0 : index
    %get3A_3 = arith.constant 0 : index
    %get3A_4 = vector.load %arg2[%get3A_2, %get3A_3] : memref<128x128xf32, #tpu.memory_space<vmem>>, vector<128x128xf32>
    %mul3A = arith.mulf %get3A_1, %get3A_4 : vector<128x128xf32>
    %swap3A = arith.constant 0 : index
    %swap3A_5 = arith.constant 0 : index
    %swap3A_6 = vector.load %arg3[%swap3A, %swap3A_5] : memref<128x128xf32, #tpu.memory_space<vmem>>, vector<128x128xf32>
    tpu.vector_store %arg3[%swap3A, %swap3A_5], %mul3A {strides = array<i32>} : memref<128x128xf32, #tpu.memory_space<vmem>>, vector<128x128xf32>,
    return
  }
  func.func @transform_0(%arg0: i32) -> (i32, i32) {
    %c0_i32 = arith.constant 0 : i32
    %c0_i32_0 = arith.constant 0 : i32
    return %arg0, %c0_i32 : i32, i32
  }
  func.func @transform_1(%arg0: i32) -> (i32, i32) {
    %c0_i32 = arith.constant 0 : i32
    %c0_i32_0 = arith.constant 0 : i32
    return %arg0, %c0_i32 : i32, i32
  }
  func.func @transform_2(%arg0: i32) -> (i32, i32) {
    %c0_i32 = arith.constant 0 : i32
    %c0_i32_0 = arith.constant 0 : i32
    return %arg0, %c0_i32 : i32, i32
  }
}

module attributes {stable_mosaic.version = 14 : i64} {
  func.func @_tc2_body(%arg0: i32, %arg1: memref<128x128xf32, #tpu.memory_space<vmem>>, %arg2: memref<128x128xf32, #tpu.memory_space<vmem>>, %arg3: memref<128x128xf32, #tpu.memory_space<vmem>>, %arg4: memref<128x128xf32, #tpu.memory_space<vmem>>, %arg5: memref<1x128xf32, #tpu.memory_space<vmem>>, %arg6: memref<128x128xf32, #tpu.memory_space<vmem>>, %arg7: memref<128x128xf32, #tpu.memory_space<vmem>>) attributes {dimension_semantics = [#tpu.dimension_semantics<arbitrary>], iteration_bounds = array<i64: 10>, scalar_prefetch = 0 : i64, scratch_operands = 0 : i64, tpu.core_type = #tpu.core_type<tc>, window_params = [{transform_indices = @transform_0, window_bounds = array<i64: 128, 128>}, {transform_indices = @transform_1, window_bounds = array<i64: 128, 128>}, {transform_indices = @transform_2, window_bounds = array<i64: 128, 128>}, {transform_indices = @transform_3, window_bounds = array<i64: 128, 128>}, {pipeline_mode = #tpu.pipeline_mode<synchronous>, transform_indices = @transform_4, window_bounds = array<i64: 1, 128>}, {pipeline_mode = #tpu.pipeline_mode<synchronous>, transform_indices = @transform_5, window_bounds = array<i64: 128, 128>}, {transform_indices = @transform_6, window_bounds = array<i64: 128, 128>}]} {
    %get3A = arith.constant 0 : index
    %get3A_0 = arith.constant 0 : index
    %get3A_1 = vector.load %arg4[%get3A, %get3A_0] : memref<128x128xf32, #tpu.memory_space<vmem>>, vector<128x128xf32>
    %get3A_2 = arith.constant 0 : index
    %get3A_3 = arith.constant 0 : index
    %get3A_4 = vector.load %arg1[%get3A_2, %get3A_3] : memref<128x128xf32, #tpu.memory_space<vmem>>, vector<128x128xf32>
    %get3A_5 = arith.constant 0 : index
    %get3A_6 = arith.constant 0 : index
    %get3A_7 = vector.load %arg2[%get3A_5, %get3A_6] : memref<128x128xf32, #tpu.memory_space<vmem>>, vector<128x128xf32>
    %add3A = arith.addf %get3A_4, %get3A_7 : vector<128x128xf32>
    %get3A_8 = arith.constant 0 : index
    %get3A_9 = arith.constant 0 : index
    %get3A_10 = vector.load %arg3[%get3A_8, %get3A_9] : memref<128x128xf32, #tpu.memory_space<vmem>>, vector<128x128xf32>
    %add3A_11 = arith.addf %add3A, %get3A_10 : vector<128x128xf32>
    %mul3A = arith.mulf %add3A_11, %get3A_1 : vector<128x128xf32>
    %get3A_12 = arith.constant 0 : index
    %get3A_13 = arith.constant 0 : index
    %get3A_14 = vector.load %arg5[%get3A_12, %get3A_13] : memref<1x128xf32, #tpu.memory_space<vmem>>, vector<1x128xf32>
    %add3A_15 = vector.broadcast %get3A_14 : vector<1x128xf32> to vector<128x128xf32>
    %add3A_16 = arith.addf %mul3A, %add3A_15 : vector<128x128xf32>
    %max3A = arith.constant 0.000000e+00 : f32
    %max3A_17 = vector.broadcast %max3A : f32 to vector<128x128xf32>
    %max3A_18 = arith.maximumf %add3A_16, %max3A_17 : vector<128x128xf32>
    %get3A_19 = arith.constant 0 : index
    %get3A_20 = arith.constant 0 : index
    %get3A_21 = vector.load %arg6[%get3A_19, %get3A_20] : memref<128x128xf32, #tpu.memory_space<vmem>>, vector<128x128xf32>
    %dot_general3A = arith.constant dense<0.000000e+00> : vector<128x128xf32>
    %dot_general3A_22 = tpu.matmul %max3A_18, %get3A_21, %dot_general3A {dimension_numbers = #tpu.dot_dimension_numbers<[1], [0], [0], [1], [0, 0, 1, 1], [], []>, transpose_lhs_hint = false} : vector<128x128xf32>, vector<128x128xf32>, vector<128x128xf32> -> vector<128x128xf32>
    %mul3A_23 = arith.mulf %dot_general3A_22, %get3A_1 : vector<128x128xf32>
    %swap3A = arith.constant 0 : index
    %swap3A_24 = arith.constant 0 : index
    %swap3A_25 = vector.load %arg7[%swap3A, %swap3A_24] : memref<128x128xf32, #tpu.memory_space<vmem>>, vector<128x128xf32>
    tpu.vector_store %arg7[%swap3A, %swap3A_24], %mul3A_23 {strides = array<i32>} : memref<128x128xf32, #tpu.memory_space<vmem>>, vector<128x128xf32>,
    return
  }
  func.func @transform_0(%arg0: i32) -> (i32, i32) {
    %c0_i32 = arith.constant 0 : i32
    %c0_i32_0 = arith.constant 0 : i32
    return %arg0, %c0_i32 : i32, i32
  }
  func.func @transform_1(%arg0: i32) -> (i32, i32) {
    %add3A = arith.constant 10 : i32
    %add3A_0 = arith.addi %arg0, %add3A : i32
    %c0_i32 = arith.constant 0 : i32
    %c0_i32_1 = arith.constant 0 : i32
    return %add3A_0, %c0_i32 : i32, i32
  }
  func.func @transform_2(%arg0: i32) -> (i32, i32) {
    %c0_i32 = arith.constant 0 : i32
    %c0_i32_0 = arith.constant 0 : i32
    return %arg0, %c0_i32 : i32, i32
  }
  func.func @transform_3(%arg0: i32) -> (i32, i32) {
    %c0_i32 = arith.constant 0 : i32
    %c0_i32_0 = arith.constant 0 : i32
    return %arg0, %c0_i32 : i32, i32
  }
  func.func @transform_4(%arg0: i32) -> (i32, i32) {
    %c0_i32 = arith.constant 0 : i32
    %c0_i32_0 = arith.constant 0 : i32
    %c0_i32_1 = arith.constant 0 : i32
    return %c0_i32, %c0_i32_0 : i32, i32
  }
  func.func @transform_5(%arg0: i32) -> (i32, i32) {
    %c0_i32 = arith.constant 0 : i32
    %c0_i32_0 = arith.constant 0 : i32
    %c0_i32_1 = arith.constant 0 : i32
    return %c0_i32, %c0_i32_0 : i32, i32
  }
  func.func @transform_6(%arg0: i32) -> (i32, i32) {
    %c0_i32 = arith.constant 0 : i32
    %c0_i32_0 = arith.constant 0 : i32
    return %arg0, %c0_i32 : i32, i32
  }
}

module attributes {stable_mosaic.version = 14 : i64} {
  func.func @_tc3_body(%arg0: i32, %arg1: memref<128x128xf32, #tpu.memory_space<vmem>>, %arg2: memref<128x128xf32, #tpu.memory_space<vmem>>, %arg3: memref<128x128xf32, #tpu.memory_space<vmem>>, %arg4: memref<128x128xf32, #tpu.memory_space<vmem>>, %arg5: memref<1x128xf32, #tpu.memory_space<vmem>>, %arg6: memref<128x128xf32, #tpu.memory_space<vmem>>) attributes {dimension_semantics = [#tpu.dimension_semantics<arbitrary>], iteration_bounds = array<i64: 10>, scalar_prefetch = 0 : i64, scratch_operands = 0 : i64, tpu.core_type = #tpu.core_type<tc>, window_params = [{transform_indices = @transform_0, window_bounds = array<i64: 128, 128>}, {transform_indices = @transform_1, window_bounds = array<i64: 128, 128>}, {transform_indices = @transform_2, window_bounds = array<i64: 128, 128>}, {transform_indices = @transform_3, window_bounds = array<i64: 128, 128>}, {pipeline_mode = #tpu.pipeline_mode<synchronous>, transform_indices = @transform_4, window_bounds = array<i64: 1, 128>}, {transform_indices = @transform_5, window_bounds = array<i64: 128, 128>}]} {
    %get3A = arith.constant 0 : index
    %get3A_0 = arith.constant 0 : index
    %get3A_1 = vector.load %arg1[%get3A, %get3A_0] : memref<128x128xf32, #tpu.memory_space<vmem>>, vector<128x128xf32>
    %get3A_2 = arith.constant 0 : index
    %get3A_3 = arith.constant 0 : index
    %get3A_4 = vector.load %arg2[%get3A_2, %get3A_3] : memref<128x128xf32, #tpu.memory_space<vmem>>, vector<128x128xf32>
    %add3A = arith.addf %get3A_1, %get3A_4 : vector<128x128xf32>
    %get3A_5 = arith.constant 0 : index
    %get3A_6 = arith.constant 0 : index
    %get3A_7 = vector.load %arg3[%get3A_5, %get3A_6] : memref<128x128xf32, #tpu.memory_space<vmem>>, vector<128x128xf32>
    %add3A_8 = arith.addf %add3A, %get3A_7 : vector<128x128xf32>
    %get3A_9 = arith.constant 0 : index
    %get3A_10 = arith.constant 0 : index
    %get3A_11 = vector.load %arg4[%get3A_9, %get3A_10] : memref<128x128xf32, #tpu.memory_space<vmem>>, vector<128x128xf32>
    %mul3A = arith.mulf %add3A_8, %get3A_11 : vector<128x128xf32>
    %get3A_12 = arith.constant 0 : index
    %get3A_13 = arith.constant 0 : index
    %get3A_14 = vector.load %arg5[%get3A_12, %get3A_13] : memref<1x128xf32, #tpu.memory_space<vmem>>, vector<1x128xf32>
    %add3A_15 = vector.broadcast %get3A_14 : vector<1x128xf32> to vector<128x128xf32>
    %add3A_16 = arith.addf %mul3A, %add3A_15 : vector<128x128xf32>
    %max3A = arith.constant 0.000000e+00 : f32
    %max3A_17 = vector.broadcast %max3A : f32 to vector<128x128xf32>
    %max3A_18 = arith.maximumf %add3A_16, %max3A_17 : vector<128x128xf32>
    %swap3A = arith.constant 0 : index
    %swap3A_19 = arith.constant 0 : index
    %swap3A_20 = vector.load %arg6[%swap3A, %swap3A_19] : memref<128x128xf32, #tpu.memory_space<vmem>>, vector<128x128xf32>
    tpu.vector_store %arg6[%swap3A, %swap3A_19], %max3A_18 {strides = array<i32>} : memref<128x128xf32, #tpu.memory_space<vmem>>, vector<128x128xf32>,
    return
  }
  func.func @transform_0(%arg0: i32) -> (i32, i32) {
    %c0_i32 = arith.constant 0 : i32
    %c0_i32_0 = arith.constant 0 : i32
    return %arg0, %c0_i32 : i32, i32
  }
  func.func @transform_1(%arg0: i32) -> (i32, i32) {
    %add3A = arith.constant 10 : i32
    %add3A_0 = arith.addi %arg0, %add3A : i32
    %c0_i32 = arith.constant 0 : i32
    %c0_i32_1 = arith.constant 0 : i32
    return %add3A_0, %c0_i32 : i32, i32
  }
  func.func @transform_2(%arg0: i32) -> (i32, i32) {
    %c0_i32 = arith.constant 0 : i32
    %c0_i32_0 = arith.constant 0 : i32
    return %arg0, %c0_i32 : i32, i32
  }
  func.func @transform_3(%arg0: i32) -> (i32, i32) {
    %c0_i32 = arith.constant 0 : i32
    %c0_i32_0 = arith.constant 0 : i32
    return %arg0, %c0_i32 : i32, i32
  }
  func.func @transform_4(%arg0: i32) -> (i32, i32) {
    %c0_i32 = arith.constant 0 : i32
    %c0_i32_0 = arith.constant 0 : i32
    %c0_i32_1 = arith.constant 0 : i32
    return %c0_i32, %c0_i32_0 : i32, i32
  }
  func.func @transform_5(%arg0: i32) -> (i32, i32) {
    %c0_i32 = arith.constant 0 : i32
    %c0_i32_0 = arith.constant 0 : i32
    return %arg0, %c0_i32 : i32, i32
  }
}

</mosaic_0001>

<sc_bundles>
// kernel: kernel.12.cloned.1.call-start
scs
__scs_entry_jumppad:
0x0: {  	(pc) =	sbr.rel $0x88, $3  }
0x1: {  	(tag) =	ssettag $0x0;
	lr =	simm.s32 $0x1  }
0x2: {  	[smem:$0x3F99] =	sst lr;
	_ =	strace $0xD0000000  }
0x3: {  	_ = 	snop  }
0x4: {  	_ = 	snop  }
0x5: {  	_ = 	snop  }
0x6: {  	_ = 	snop  }
0x7: {  	_ = 	snop  }
__scs_overlays_trampoline_lowered:
0x8: {  	[smem:$0x3FA8] =	sst s0  }
0x9: {  	[smem:$0x3FA9] =	sst s1  }
0xa: {  	[smem:$0x3FAA] =	sst s2  }
0xb: {  	[smem:$0x3FAB] =	sst s3  }
0xc: {  	[smem:$0x3FAC] =	sst s4  }
0xd: {  	[smem:$0x3FAD] =	sst s5  }
0xe: {  	[smem:$0x3FAE] =	sst s6  }
0xf: {  	[smem:$0x3FAF] =	sst s7  }
0x10: {  	[smem:$0x3FB0] =	sst s8  }
0x11: {  	[smem:$0x3FB1] =	sst s9;
	s0 =	simm.s32 @!p0 $0x0  }
0x12: {  	s1 =	sld [smem:$0x3F97];
	s0 =	simm.s32 @p0 $0x1  }
0x13: {  	[smem:$0x3FB2] =	sst s0;
	s0 =	simm.s32 @!p1 $0x0  }
0x14: {  	s2 =	sld [smem:$0x3F96];
	s0 =	simm.s32 @p1 $0x1  }
0x15: {  	[smem:$0x3FB3] =	sst s0;
	s0 =	simm.s32 @!p2 $0x0  }
0x16: {  	s3 =	sld [smem:$0x3FDB];
	s0 =	simm.s32 @p2 $0x1  }
0x17: {  	s4 =	simm.s32 $0x1BF5;
	[smem:$0x3FB5] =	sst s0  }
0x18: {  	s0 =	sld [smem:$0x3F98];
	_ =	swait.ge [sflag:s4], $0x0  }
0x19: {  	s7 =	sld [smem:$0x3F99]  }
0x1a: {  	s8 =	sadd.s32 $0xFFFFE003, lr  }
0x1b: {  	s9 =	sadd.s32 $0xFFFFFEF7, lr;
	s5 =	simm.s32 $0xFFFFFFFF;
	p2 =	slt.u32 s8, $0xFFFFF086  }
0x1c: {  	p1 =	slt.u32 s9, $0xF7A;
	s5 =	simm.s32 @!p2 $0x0  }
0x1d: {  	s5 =	simm.s32 @p1 $0x1;
	p0 =	seq.s32 s7, s2  }
0x1e: {  	s7 =	smul.u32 @!p0 $0xF7A, s2;
	p2 =	seq.s32 @!p0 s5, $0x0  }
0x1f: {  	s9 =	smul.u32 $0xF7A, s1;
	s8 =	simm.s32 @!p0 $0x1BF5;
	p2 =	por !p2, p0  }
0x20: {  	[sflag:s8] =	ssyncset.s32 @!p0 $0xFFFFF086;
	s6 =	sadd.s32 @!p0 s3, s7;
	s7 =	simm.s32 @!p0 $0x108  }
0x21: {  	s3 =	sadd.s32 s3, s9;
	s6 =	sadd.s32 @!p0 $0x88, s6;
	s7 =	simm.s32 @p2 $0x1082  }
0x22: {  	[simem:s7], [sflag:s8] =	dma.local @!p0 [hbm:s6], $0xF7A  }
0x23: {  	s9 =	sor.u32 $0xD0000000, s2;
	s6 =	simm.s32 $0x108;
	_ =	swait.ge @!p0 [sflag:s8], $0x0  }
0x24: {  	s3 =	sadd.s32 $0x88, s3;
	s6 =	simm.s32 @!p1 $0x1082;
	[sflag:s4] =	ssyncset.s32 $0xFFFFF086  }
0x25: {  	[simem:s6], [sflag:s4] =	dma.local [hbm:s3], $0xF7A  }
0x26: {  	[smem:$0x3F99] =	sst s1;
	(tag) =	ssettag s2;
	_ =	strace s9  }
0x27: {  	s1 =	sld [smem:$0x3FA9]  }
0x28: {  	s2 =	sld [smem:$0x3FAA]  }
0x29: {  	s4 =	sld [smem:$0x3FAC]  }
0x2a: {  	p0 =	seq.s32 s5, $0x0;
	s5 =	sld [smem:$0x3FAD]  }
0x2b: {  	s6 =	sld [smem:$0x3FAE]  }
0x2c: {  	s7 =	sld [smem:$0x3FAF]  }
0x2d: {  	s3 =	simm.s32 $0x108;
	s8 =	sld [smem:$0x3FB0]  }
0x2e: {  	s3 =	simm.s32 @!p0 $0x1082;
	s9 =	sld [smem:$0x3FB1]  }
0x2f: {  	lr =	sadd.s32 s0, s3;
	s0 =	sld [smem:$0x3FA8]  }
0x30: {  	s3 =	sld [smem:$0x3FAB]  }
0x31: {  	[smem:$0x3FB4] =	sst s10  }
0x32: {  	s10 =	sld [smem:$0x3FB2];
	_ =	sdelay $0x3  }
0x33: {  	p0 =	seq.s32 s10, $0x1;
	s10 =	sld [smem:$0x3FB4];
	_ =	sdelay $0x3  }
0x34: {  	[smem:$0x3FB4] =	sst s10  }
0x35: {  	s10 =	sld [smem:$0x3FB3];
	_ =	sdelay $0x3  }
0x36: {  	p1 =	seq.s32 s10, $0x1;
	s10 =	sld [smem:$0x3FB4];
	_ =	sdelay $0x3  }
0x37: {  	[smem:$0x3FB4] =	sst s10  }
0x38: {  	s10 =	sld [smem:$0x3FB5]  }
0x39: {  	_ = 	snop;
	(pc) =	sbr.ind lr, $3  }
0x3a: {  	_ = 	snop  }
0x3b: {  	_ = 	snop  }
0x3c: {  	p2 =	seq.s32 s10, $0x1;
	s10 =	sld [smem:$0x3FB4]  }
0x3d: {  	_ =	shalt  }
0x3e: {  	_ =	shalt  }
0x3f: {  	_ =	shalt  }
0x40: {  	_ =	shalt  }
0x41: {  	_ =	shalt  }
0x42: {  	_ =	shalt  }
0x43: {  	_ =	shalt  }
0x44: {  	_ =	shalt  }
0x45: {  	_ =	shalt  }
0x46: {  	_ =	shalt  }
0x47: {  	_ =	shalt  }
0x48: {  	_ =	shalt  }
0x49: {  	_ =	shalt  }
0x4a: {  	_ =	shalt  }
0x4b: {  	_ =	shalt  }
0x4c: {  	_ =	shalt  }
0x4d: {  	_ =	shalt  }
0x4e: {  	_ =	shalt  }
0x4f: {  	_ =	shalt  }
0x50: {  	_ =	shalt  }
0x51: {  	_ =	shalt  }
0x52: {  	_ =	shalt  }
0x53: {  	_ =	shalt  }
0x54: {  	_ =	shalt  }
0x55: {  	_ =	shalt  }
0x56: {  	_ =	shalt  }
0x57: {  	_ =	shalt  }
0x58: {  	_ =	shalt  }
0x59: {  	_ =	shalt  }
0x5a: {  	_ =	shalt  }
0x5b: {  	_ =	shalt  }
0x5c: {  	_ =	shalt  }
0x5d: {  	_ =	shalt  }
0x5e: {  	_ =	shalt  }
0x5f: {  	_ =	shalt  }
0x60: {  	_ =	shalt  }
0x61: {  	_ =	shalt  }
0x62: {  	_ =	shalt  }
0x63: {  	_ =	shalt  }
0x64: {  	_ =	shalt  }
0x65: {  	_ =	shalt  }
0x66: {  	_ =	shalt  }
0x67: {  	_ =	shalt  }
0x68: {  	_ =	shalt  }
0x69: {  	_ =	shalt  }
0x6a: {  	_ =	shalt  }
0x6b: {  	_ =	shalt  }
0x6c: {  	_ =	shalt  }
0x6d: {  	_ =	shalt  }
0x6e: {  	_ =	shalt  }
0x6f: {  	_ =	shalt  }
0x70: {  	_ =	shalt  }
0x71: {  	_ =	shalt  }
0x72: {  	_ =	shalt  }
0x73: {  	_ =	shalt  }
0x74: {  	_ =	shalt  }
0x75: {  	_ =	shalt  }
0x76: {  	_ =	shalt  }
0x77: {  	_ =	shalt  }
0x78: {  	_ =	shalt  }
0x79: {  	_ =	shalt  }
0x7a: {  	_ =	shalt  }
0x7b: {  	_ =	shalt  }
0x7c: {  	_ =	shalt  }
0x7d: {  	_ =	shalt  }
0x7e: {  	_ =	shalt  }
0x7f: {  	_ =	shalt  }
0x80: {  	_ =	shalt  }
0x81: {  	_ =	shalt  }
0x82: {  	_ =	shalt  }
0x83: {  	_ =	shalt  }
0x84: {  	_ =	shalt  }
0x85: {  	_ =	shalt  }
0x86: {  	_ =	shalt  }
0x87: {  	_ =	shalt  }
.Lfunc_end0:
.L_simem_size_0:
called_computation.1_lowered:
.L_overlay_start_0:
0x88: {  	s2 =	sld [smem:$0x3FD9]  }
0x89: {  	s3 =	sld [smem:$0x3FFE];
	_ =	sdelay $0x1  }
0x8a: {  	s1 =	srdreg.scid  }
0x8b: {  	s0 =	sand.u32 $0x1, s1  }
0x8c: {  	s16 =	sshll.u32 s0, $0xA;
	s2 =	sadd.s32 s3, s2  }
0x8d: {  	s2 =	sadd.s32 s2, s16  }
0x8e: {  	[smem:$0x3FC0] =	sst s2  }
0x8f: {  	_ = 	snop  }
0x90: {  	(tm) =	ssettm $0x1  }
0x91: {  	s17 =	sld [smem:$0x3FFB];
	_ =	sdelay $0x3  }
0x92: {  	_ =	strace s17  }
0x93: {  	s2 =	sld [smem:$0x3FFC];
	_ =	sdelay $0x3  }
0x94: {  	_ =	strace s2  }
0x95: {  	s2 =	sld [smem:$0x3FFD];
	_ =	sdelay $0x3  }
0x96: {  	_ =	strace s2  }
0x97: {  	_ =	strace $0x8FFFFFFF  }
0x98: {  	s18 =	sld [smem:$0x3FDB];
	_ =	sdelay $0x1  }
0x99: {  	s19 =	simm.s32 $_scs_section_size  }
0x9a: {  	s4 =	simm.s32 $_size__tile_overlayer_lowered;
	s5 =	simm.s32 $_tile_overlayer_lowered  }
0x9b: {  	s22 =	simm.s32 $0x1BFF;
	s21 =	sshll.u32 s5, $0x1;
	s2 =	sadd.s32 s19, s18  }
0x9c: {  	s6 =	simm.s32 $0x0;
	s20 =	sshll.u32 s4, $0x1;
	s4 =	sadd.s32 s21, s2  }
0x9d: {  	[timem:s6], [sflag:s22] =	dma.local [hbm:s4], s20  }
0x9e: {  	_ =	swait.ge [sflag:s22], s20  }
0x9f: {  	s3 =	ssub.s32 $0x0, s20;
	[sflag:s22] =	ssyncset.done $0x0  }
0xa0: {  	[sflag:s22] =	ssyncadd.s32 s3;
	_ =	sdelay $0x1  }
0xa1: {  	s23 =	simm.s32 $0x1B8B  }
0xa2: {  	_ =	swait.ge [sflag:s23], $0x1  }
0xa3: {  	[sflag:s23] =	ssyncset.done $0x0  }
0xa4: {  	s25 =	simm.s32 $0x1B8E;
	s24 =	sld [smem:$0x3FFE];
	[sflag:s23] =	ssyncadd.s32 $0xFFFFFFFF  }
0xa5: {  	s26 =	simm.s32 $execute0_lowered;
	[smem:$0x3FD2] =	sst s25  }
0xa6: {  	s4 =	sshll.u32 s26, $0x1;
	_ =	strace $0x80000049;
	[dreg:$0x1] =	wrdreg $0xFFFFFFFF  }
0xa7: {  	s28 =	simm.s32 $_size_execute0_lowered;
	s2 =	sadd.s32 s2, s4;
	[dreg:$0x0] =	wrdreg $0x0  }
0xa8: {  	s4 =	sshll.u32 s28, $0x1;
	[dreg:$0x2] =	wrdreg s2  }
0xa9: {  	[dreg:$0x3] =	wrdreg s4  }
0xaa: {  	[dreg:$0x4] =	wrdreg $0xC0  }
0xab: {  	_ =	task [dreg:s6], $0x5FFFF  }
0xac: {  	[dreg:$0x1] =	wrdreg $0xFFFFFFFF  }
0xad: {  	[dreg:$0x0] =	wrdreg $0x60  }
0xae: {  	[dreg:$0x2] =	wrdreg s24  }
0xaf: {  	[dreg:$0x3] =	wrdreg $0xD0000  }
0xb0: {  	[dreg:$0x4] =	wrdreg $0x9  }
0xb1: {  	_ =	task.clear_ibuf [dreg:s6], $0x5FFFF;
	_ =	strace $0x90000049  }
0xb2: {  	s29 =	simm.s32 $0x9;
	_ =	strace $0x8000004B  }
0xb3: {  	_ =	swait.ge [sflag:s29], $0x1  }
0xb4: {  	[sflag:s29] =	ssyncadd.s32 $0xFFFFFFFF  }
0xb5: {  	_ =	strace $0x9000004B  }
0xb6: {  	_ =	sfence  }
0xb7: {  	s30 =	sld [smem:$0x0];
	_ =	sdelay $0x2  }
0xb8: {  	s31 =	sshll.u32 s1, $0xD;
	s1 =	sshrl.u32 s1, $0x2  }
0xb9: {  	s3 =	sand.u32 $0x4000, s31;
	s1 =	sadd.s32 s1, s30  }
0xba: {  	s0 =	sor.u32 s3, s0;
	s1 =	sshll.u32 s1, $0x11  }
0xbb: {  	s0 =	sor.u32 s1, s0  }
0xbc: {  	s0 =	sadd.s32 $0x8F2B, s0  }
0xbd: {  	[sflag:s0] =	ssyncadd.remote.s32 $0x1  }
0xbe: {  	_ =	sfence.sel $0xFFFF  }
0xbf: {  	[dreg:$0x0] =	wrdreg $0xFFFFFFFF;
	(pc) =	sbr.abs _section_cstart, $3  }
0xc0: {  	[dreg:$0x1] =	wrdreg $0xFFFFFFFF  }
0xc1: {  	_ =	task.clear_ibuf [dreg:s6], $0x2FFFF;
	_ =	strace $0x9FFFFFFF  }
0xc2: {  	(tm) =	ssettm $0x7FFFFFFF  }
0xc3: {  	_ =	shalt  }
tec
execute0_lowered:
.L_overlay_start_1:
0x0: {  	(tag) =	ssettag $0x1  }
0x1: {  	s0 =	rddreg [dreg:$0x0]  }
0x2: {  	s2 =	rddreg [dreg:$0x1]  }
0x3: {  	s3 =	simm.s32 $0x0;
	s8 =	stileid.u32;
	s1 =	srdreg.scid  }
0x4: {  	s14 =	simm.s32 $0x3;
	s16 =	simm.s32 $0x5000;
	s17 =	simm.s32 $0x80  }
0x5: {  	s31 =	simm.s32 $0x8800;
	s15 =	simm.s32 $0x2;
	s18 =	simm.s32 $0x0  }
0x6: {  	[smem:$0x7FF] =	sst s3;
	s5 =	smul.u32 $0x500, s8;
	s1 =	sand.u32 $0x1, s1  }
0x7: {  	s4 =	sadd.s32 $0x16A00, s0;
	s8 =	smul.u32 $0xA000, s8;
	_ =	strace $0x8000004A  }
0x8: {  	p0 =	seq.s32 s1, $0x0;
	s7 =	smul.u32 $0x5000, s1;
	s1 =	ssub.s32 $0x2, s1  }
0x9: {  	s6 =	sadd.s32 $0x5000, s5;
	s29 =	sshrl.u32 s1, $0x1;
	s30 =	sshrl.u32 s8, $0x2  }
0xa: {  	s6 =	smov.u32 @p0 s5;
	s5 =	sadd.s32 s5, s7;
	s1 =	ssub.s32 s1, s29  }
0xb: {  	s9 =	sadd.s32 s6, s0;
	s0 =	sadd.s32 s5, s0;
	s6 =	sadd.s32 s30, s2  }
0xc: {  	s13 =	smax.u32 s1, $0x1;
	s5 =	sadd.s32 $0x2A00, s9;
	s7 =	sadd.s32 $0xCA00, s9  }
0xd: {  	s8 =	sadd.s32 $0x800, s6;
	s9 =	sadd.s32 $0x1000, s6;
	s10 =	sadd.s32 $0x1800, s6  }
0xe: {  	v0 =	vimm.f32 $0.0e+00;
	s11 =	sadd.s32 $0x2000, s6;
	s12 =	sadd.s32 $0x1BA00, s0;
	s0 =	simm.s32 $0x1  }
.LBB2_1:
0xf: {  	[tilespmem:s3], [sflag:$0x3] =	stream.linear.gather [hbm4b:s5+s3], $0x2800, $0x38;
	[tilespmem:$0xF800] =	vst v63  }
0x10: {  	_ =	swait.ge [sflag:s14], $0x2800  }
0x11: {  	[sflag:s14] =	ssyncset.done $0x0  }
0x12: {  	s1 =	simm.s32 $0x2800;
	[sflag:s14] =	ssyncadd.s32 $0xFFFFD800  }
0x13: {  	[tilespmem:s1], [sflag:$0x3] =	stream.linear.gather [hbm4b:s7+s3], $0x2800, $0x38;
	[tilespmem:$0xF800] =	vst v63  }
0x14: {  	_ =	swait.ge [sflag:s14], $0x2800  }
0x15: {  	[sflag:s14] =	ssyncset.done $0x0  }
0x16: {  	s19 =	simm.s32 $0x0;
	s1 =	simm.s32 $0x40;
	[sflag:s14] =	ssyncadd.s32 $0xFFFFD800  }
.LBB2_2:
0x17: {  	p0 =	sne.s32 s1, $0x1FC0;
	[tilespmem:s19+$0x5000] =	vst v0;
	s19 =	smov.u32 s1;
	s1 =	sadd.s32 $0x40, s1  }
.Ltmp0:
0x18: {  	(pc) =	sbr.rel @p0 .LBB2_2-.Ltmp0, $2  }
0x19: {  	_ =	sdelay $0x2  }
0x1a: {  	s19 =	sshra.s32 s19, $0x2  }
0x1b: {  	[tilespmem:s19+$0x5000] =	vst v0  }
0x1c: {  	[spmem:s6] =	stream.linear.scatter [tilespmem:s16], [sflag:$0x3], $0x800, $0x38;
	[tilespmem:$0xF800] =	vst v63  }
0x1d: {  	_ =	swait.ge [sflag:s14], $0x800  }
0x1e: {  	[sflag:s14] =	ssyncset.done $0x0  }
0x1f: {  	[sflag:s14] =	ssyncadd.s32 $0xFFFFF800  }
0x20: {  	[spmem:s8] =	stream.linear.scatter [tilespmem:s16], [sflag:$0x3], $0x800, $0x38;
	[tilespmem:$0xF800] =	vst v63  }
0x21: {  	_ =	swait.ge [sflag:s14], $0x800  }
0x22: {  	[sflag:s14] =	ssyncset.done $0x0  }
0x23: {  	[sflag:s14] =	ssyncadd.s32 $0xFFFFF800  }
0x24: {  	[spmem:s9] =	stream.linear.scatter [tilespmem:s16], [sflag:$0x3], $0x800, $0x38;
	[tilespmem:$0xF800] =	vst v63  }
0x25: {  	_ =	swait.ge [sflag:s14], $0x800  }
0x26: {  	[sflag:s14] =	ssyncset.done $0x0  }
0x27: {  	[sflag:s14] =	ssyncadd.s32 $0xFFFFF800  }
0x28: {  	[spmem:s10] =	stream.linear.scatter [tilespmem:s16], [sflag:$0x3], $0x800, $0x38;
	[tilespmem:$0xF800] =	vst v63  }
0x29: {  	_ =	swait.ge [sflag:s14], $0x800  }
0x2a: {  	[sflag:s14] =	ssyncset.done $0x0  }
0x2b: {  	[sflag:s14] =	ssyncadd.s32 $0xFFFFF800  }
0x2c: {  	[spmem:s11] =	stream.linear.scatter [tilespmem:s16], [sflag:$0x3], $0x800, $0x38;
	[tilespmem:$0xF800] =	vst v63  }
0x2d: {  	_ =	swait.ge [sflag:s14], $0x800  }
0x2e: {  	[sflag:s14] =	ssyncset.done $0x0  }
0x2f: {  	[sflag:s14] =	ssyncadd.s32 $0xFFFFF800  }
0x30: {  	s19 =	simm.s32 $0x0;
	[bflag:$0x0] =	sbarrier.arrive $0xFFFF  }
0x31: {  	[tilespmem:s16], [sflag:$0x1] =	stream.indirect.gather [hbm4b:s4+s17], $0x10, s19, s17, $0xb8;
	[tilespmem:$0xF800] =	vst v63  }
0x32: {  	s1 =	simm.s32 $0x5800  }
0x33: {  	[tilespmem:s1], [sflag:$0x1] =	stream.indirect.gather [hbm4b:s4+s17], $0x10, s17, s17, $0xb8;
	[tilespmem:$0xF800] =	vst v63  }
0x34: {  	s23 =	simm.s32 $0x100;
	s20 =	simm.s32 $0x6000  }
0x35: {  	[tilespmem:s20], [sflag:$0x1] =	stream.indirect.gather [hbm4b:s4+s17], $0x10, s23, s17, $0xb8;
	[tilespmem:$0xF800] =	vst v63  }
0x36: {  	s24 =	simm.s32 $0x180;
	s25 =	simm.s32 $0x6800  }
0x37: {  	[tilespmem:s25], [sflag:$0x1] =	stream.indirect.gather [hbm4b:s4+s17], $0x10, s24, s17, $0xb8;
	[tilespmem:$0xF800] =	vst v63  }
0x38: {  	s26 =	simm.s32 $0x200;
	s28 =	simm.s32 $0x7000  }
0x39: {  	[tilespmem:s28], [sflag:$0x1] =	stream.indirect.gather [hbm4b:s4+s17], $0x10, s26, s17, $0xb8;
	[tilespmem:$0xF800] =	vst v63  }
0x3a: {  	s29 =	simm.s32 $0x280;
	s30 =	simm.s32 $0x7800  }
0x3b: {  	[tilespmem:s30], [sflag:$0x1] =	stream.indirect.gather [hbm4b:s4+s17], $0x10, s29, s17, $0xb8;
	[tilespmem:$0xF800] =	vst v63  }
0x3c: {  	s21 =	simm.s32 $0x8000;
	s20 =	simm.s32 $0x300  }
0x3d: {  	[tilespmem:s21], [sflag:$0x1] =	stream.indirect.gather [hbm4b:s4+s17], $0x10, s20, s17, $0xb8;
	[tilespmem:$0xF800] =	vst v63  }
0x3e: {  	s22 =	simm.s32 $0x380  }
0x3f: {  	[tilespmem:s31], [sflag:$0x1] =	stream.indirect.gather [hbm4b:s4+s17], $0x10, s22, s17, $0xb8;
	[tilespmem:$0xF800] =	vst v63  }
0x40: {  	_ =	swait.ge [sflag:s0], $0x800  }
0x41: {  	[sflag:s0] =	ssyncset.done $0x0  }
0x42: {  	[sflag:s0] =	ssyncadd.s32 $0xFFFFF800  }
0x43: {  	_ =	swait.ge [sflag:s0], $0x800  }
0x44: {  	[sflag:s0] =	ssyncset.done $0x0  }
0x45: {  	[sflag:s0] =	ssyncadd.s32 $0xFFFFF800  }
0x46: {  	_ =	swait.ge [sflag:s0], $0x800  }
0x47: {  	[sflag:s0] =	ssyncset.done $0x0  }
0x48: {  	[sflag:s0] =	ssyncadd.s32 $0xFFFFF800  }
0x49: {  	_ =	swait.ge [sflag:s0], $0x800  }
0x4a: {  	[sflag:s0] =	ssyncset.done $0x0  }
0x4b: {  	[sflag:s0] =	ssyncadd.s32 $0xFFFFF800  }
0x4c: {  	_ =	swait.ge [sflag:s0], $0x800  }
0x4d: {  	[sflag:s0] =	ssyncset.done $0x0  }
0x4e: {  	[sflag:s0] =	ssyncadd.s32 $0xFFFFF800  }
0x4f: {  	_ =	swait.ge [sflag:s0], $0x800  }
0x50: {  	[sflag:s0] =	ssyncset.done $0x0  }
0x51: {  	[sflag:s0] =	ssyncadd.s32 $0xFFFFF800  }
0x52: {  	_ =	swait.ge [sflag:s0], $0x800  }
0x53: {  	[sflag:s0] =	ssyncset.done $0x0  }
0x54: {  	[sflag:s0] =	ssyncadd.s32 $0xFFFFF800  }
0x55: {  	_ =	swait.ge [sflag:s0], $0x800  }
0x56: {  	s1 =	sand.u32 $0x4000, s19;
	[sflag:s0] =	ssyncset.done $0x0  }
0x57: {  	s23 =	sadd.s32 $0x5000, s1;
	s21 =	simm.s32 $0x2800;
	[sflag:s0] =	ssyncadd.s32 $0xFFFFF800  }
0x58: {  	[spmem:s2] =	stream.indirect.scatter.add.f32 [tilespmem:s23], [sflag:$0x2], $0x10, s21, s17, $0xb8;
	[tilespmem:$0xF800] =	vst v63  }
0x59: {  	s24 =	sadd.s32 $0x5800, s1;
	s25 =	simm.s32 $0x2880  }
0x5a: {  	[spmem:s2] =	stream.indirect.scatter.add.f32 [tilespmem:s24], [sflag:$0x2], $0x10, s25, s17, $0xb8;
	[tilespmem:$0xF800] =	vst v63  }
0x5b: {  	s26 =	sadd.s32 $0x6000, s1;
	s28 =	simm.s32 $0x2900  }
0x5c: {  	[spmem:s2] =	stream.indirect.scatter.add.f32 [tilespmem:s26], [sflag:$0x2], $0x10, s28, s17, $0xb8;
	[tilespmem:$0xF800] =	vst v63  }
0x5d: {  	s29 =	sadd.s32 $0x6800, s1;
	s30 =	simm.s32 $0x2980  }
0x5e: {  	[spmem:s2] =	stream.indirect.scatter.add.f32 [tilespmem:s29], [sflag:$0x2], $0x10, s30, s17, $0xb8;
	[tilespmem:$0xF800] =	vst v63  }
0x5f: {  	s22 =	sadd.s32 $0x7000, s1;
	s23 =	simm.s32 $0x2A00  }
0x60: {  	[spmem:s2] =	stream.indirect.scatter.add.f32 [tilespmem:s22], [sflag:$0x2], $0x10, s23, s17, $0xb8;
	[tilespmem:$0xF800] =	vst v63  }
0x61: {  	s24 =	sadd.s32 $0x7800, s1;
	s25 =	simm.s32 $0x2A80  }
0x62: {  	[spmem:s2] =	stream.indirect.scatter.add.f32 [tilespmem:s24], [sflag:$0x2], $0x10, s25, s17, $0xb8;
	[tilespmem:$0xF800] =	vst v63  }
0x63: {  	s26 =	sor.u32 $0x8000, s1;
	s28 =	simm.s32 $0x2B00  }
0x64: {  	[spmem:s2] =	stream.indirect.scatter.add.f32 [tilespmem:s26], [sflag:$0x2], $0x10, s28, s17, $0xb8;
	[tilespmem:$0xF800] =	vst v63  }
0x65: {  	p0 =	por $0x0, $0x0;
	s29 =	sor.u32 $0x8800, s1;
	s30 =	simm.s32 $0x2B80  }
0x66: {  	[spmem:s2] =	stream.indirect.scatter.add.f32 [tilespmem:s29], [sflag:$0x2], $0x10, s30, s17, $0xb8;
	[tilespmem:$0xF800] =	vst v63  }
0x67: {  	s20 =	ssub.s32 @!p0 $0x9000, s1;
	s21 =	simm.s32 @!p0 $0x80;
	s22 =	simm.s32 @!p0 $0x400  }
0x68: {  	[tilespmem:s20], [sflag:$0x1] =	stream.indirect.gather @!p0 [hbm4b:s4+s21], $0x10, s22, s21, $0xb8;
	[tilespmem:$0xF800] =	vst v63  }
0x69: {  	s20 =	simm.s32 @!p0 $0x480;
	s22 =	ssub.s32 @!p0 $0x9800, s1  }
0x6a: {  	[tilespmem:s22], [sflag:$0x1] =	stream.indirect.gather @!p0 [hbm4b:s4+s21], $0x10, s20, s21, $0xb8;
	[tilespmem:$0xF800] =	vst v63  }
0x6b: {  	s20 =	simm.s32 @!p0 $0x500;
	s22 =	ssub.s32 @!p0 $0xA000, s1  }
0x6c: {  	[tilespmem:s22], [sflag:$0x1] =	stream.indirect.gather @!p0 [hbm4b:s4+s21], $0x10, s20, s21, $0xb8;
	[tilespmem:$0xF800] =	vst v63  }
0x6d: {  	s20 =	simm.s32 @!p0 $0x580;
	s22 =	ssub.s32 @!p0 $0xA800, s1  }
0x6e: {  	[tilespmem:s22], [sflag:$0x1] =	stream.indirect.gather @!p0 [hbm4b:s4+s21], $0x10, s20, s21, $0xb8;
	[tilespmem:$0xF800] =	vst v63  }
0x6f: {  	s20 =	simm.s32 @!p0 $0x600;
	s22 =	ssub.s32 @!p0 $0xB000, s1  }
0x70: {  	[tilespmem:s22], [sflag:$0x1] =	stream.indirect.gather @!p0 [hbm4b:s4+s21], $0x10, s20, s21, $0xb8;
	[tilespmem:$0xF800] =	vst v63  }
0x71: {  	s20 =	simm.s32 @!p0 $0x680;
	s22 =	ssub.s32 @!p0 $0xB800, s1  }
0x72: {  	[tilespmem:s22], [sflag:$0x1] =	stream.indirect.gather @!p0 [hbm4b:s4+s21], $0x10, s20, s21, $0xb8;
	[tilespmem:$0xF800] =	vst v63  }
0x73: {  	s20 =	simm.s32 @!p0 $0x700;
	s22 =	ssub.s32 @!p0 $0xC000, s1  }
0x74: {  	[tilespmem:s22], [sflag:$0x1] =	stream.indirect.gather @!p0 [hbm4b:s4+s21], $0x10, s20, s21, $0xb8;
	[tilespmem:$0xF800] =	vst v63  }
0x75: {  	s1 =	ssub.s32 @!p0 $0xC800, s1;
	s20 =	simm.s32 @!p0 $0x780  }
0x76: {  	[tilespmem:s1], [sflag:$0x1] =	stream.indirect.gather @!p0 [hbm4b:s4+s21], $0x10, s20, s21, $0xb8;
	[tilespmem:$0xF800] =	vst v63  }
0x77: {  	_ =	swait.ge [sflag:s15], $0x800  }
0x78: {  	[sflag:s15] =	ssyncset.done $0x0  }
0x79: {  	[sflag:s15] =	ssyncadd.s32 $0xFFFFF800  }
0x7a: {  	_ =	swait.ge [sflag:s15], $0x800  }
0x7b: {  	[sflag:s15] =	ssyncset.done $0x0  }
0x7c: {  	[sflag:s15] =	ssyncadd.s32 $0xFFFFF800  }
0x7d: {  	_ =	swait.ge [sflag:s15], $0x800  }
0x7e: {  	[sflag:s15] =	ssyncset.done $0x0  }
0x7f: {  	[sflag:s15] =	ssyncadd.s32 $0xFFFFF800  }
0x80: {  	_ =	swait.ge [sflag:s15], $0x800  }
0x81: {  	[sflag:s15] =	ssyncset.done $0x0  }
0x82: {  	[sflag:s15] =	ssyncadd.s32 $0xFFFFF800  }
0x83: {  	_ =	swait.ge [sflag:s15], $0x800  }
0x84: {  	[sflag:s15] =	ssyncset.done $0x0  }
0x85: {  	[sflag:s15] =	ssyncadd.s32 $0xFFFFF800  }
0x86: {  	_ =	swait.ge [sflag:s15], $0x800  }
0x87: {  	[sflag:s15] =	ssyncset.done $0x0  }
0x88: {  	[sflag:s15] =	ssyncadd.s32 $0xFFFFF800  }
0x89: {  	_ =	swait.ge [sflag:s15], $0x800  }
0x8a: {  	[sflag:s15] =	ssyncset.done $0x0  }
0x8b: {  	[sflag:s15] =	ssyncadd.s32 $0xFFFFF800  }
0x8c: {  	s1 =	simm.s32 $0x1000;
	_ =	swait.ge [sflag:s15], $0x800  }
.LBB2_4:
0x8d: {  	[sflag:s15] =	ssyncset.done $0x0  }
0x8e: {  	s19 =	sadd.s32 $0x4000, s19;
	s20 =	smov.u32 s1;
	s1 =	sadd.s32 $0x1000, s1  }
0x8f: {  	p0 =	sne.s32 s1, $0xA000;
	[sflag:s15] =	ssyncadd.s32 $0xFFFFF800  }
0x90: {  	_ =	swait.ge [sflag:s0], $0x800  }
0x91: {  	[sflag:s0] =	ssyncset.done $0x0  }
0x92: {  	[sflag:s0] =	ssyncadd.s32 $0xFFFFF800  }
0x93: {  	_ =	swait.ge [sflag:s0], $0x800  }
0x94: {  	[sflag:s0] =	ssyncset.done $0x0  }
0x95: {  	[sflag:s0] =	ssyncadd.s32 $0xFFFFF800  }
0x96: {  	_ =	swait.ge [sflag:s0], $0x800  }
0x97: {  	[sflag:s0] =	ssyncset.done $0x0  }
0x98: {  	[sflag:s0] =	ssyncadd.s32 $0xFFFFF800  }
0x99: {  	_ =	swait.ge [sflag:s0], $0x800  }
0x9a: {  	[sflag:s0] =	ssyncset.done $0x0  }
0x9b: {  	[sflag:s0] =	ssyncadd.s32 $0xFFFFF800  }
0x9c: {  	_ =	swait.ge [sflag:s0], $0x800  }
0x9d: {  	[sflag:s0] =	ssyncset.done $0x0  }
0x9e: {  	[sflag:s0] =	ssyncadd.s32 $0xFFFFF800  }
0x9f: {  	_ =	swait.ge [sflag:s0], $0x800  }
0xa0: {  	[sflag:s0] =	ssyncset.done $0x0  }
0xa1: {  	[sflag:s0] =	ssyncadd.s32 $0xFFFFF800  }
0xa2: {  	_ =	swait.ge [sflag:s0], $0x800  }
0xa3: {  	[sflag:s0] =	ssyncset.done $0x0  }
0xa4: {  	[sflag:s0] =	ssyncadd.s32 $0xFFFFF800  }
0xa5: {  	_ =	swait.ge [sflag:s0], $0x800  }
0xa6: {  	s21 =	sand.u32 $0x4000, s19;
	s22 =	sshra.s32 s20, $0x2;
	[sflag:s0] =	ssyncset.done $0x0  }
0xa7: {  	s23 =	sadd.s32 $0x5000, s21;
	s24 =	sadd.s32 $0x2800, s22;
	[sflag:s0] =	ssyncadd.s32 $0xFFFFF800  }
0xa8: {  	[spmem:s2] =	stream.indirect.scatter.add.f32 [tilespmem:s23], [sflag:$0x2], $0x10, s24, s17, $0xb8;
	[tilespmem:$0xF800] =	vst v63  }
0xa9: {  	s23 =	sadd.s32 $0x5800, s21;
	s24 =	sadd.s32 $0x2880, s22  }
0xaa: {  	[spmem:s2] =	stream.indirect.scatter.add.f32 [tilespmem:s23], [sflag:$0x2], $0x10, s24, s17, $0xb8;
	[tilespmem:$0xF800] =	vst v63  }
0xab: {  	s23 =	sadd.s32 $0x6000, s21;
	s24 =	sadd.s32 $0x2900, s22  }
0xac: {  	[spmem:s2] =	stream.indirect.scatter.add.f32 [tilespmem:s23], [sflag:$0x2], $0x10, s24, s17, $0xb8;
	[tilespmem:$0xF800] =	vst v63  }
0xad: {  	s23 =	sadd.s32 $0x6800, s21;
	s24 =	sadd.s32 $0x2980, s22  }
0xae: {  	[spmem:s2] =	stream.indirect.scatter.add.f32 [tilespmem:s23], [sflag:$0x2], $0x10, s24, s17, $0xb8;
	[tilespmem:$0xF800] =	vst v63  }
0xaf: {  	s23 =	sadd.s32 $0x7000, s21;
	s24 =	sadd.s32 $0x2A00, s22  }
0xb0: {  	[spmem:s2] =	stream.indirect.scatter.add.f32 [tilespmem:s23], [sflag:$0x2], $0x10, s24, s17, $0xb8;
	[tilespmem:$0xF800] =	vst v63  }
0xb1: {  	s23 =	sadd.s32 $0x7800, s21;
	s24 =	sadd.s32 $0x2A80, s22  }
0xb2: {  	[spmem:s2] =	stream.indirect.scatter.add.f32 [tilespmem:s23], [sflag:$0x2], $0x10, s24, s17, $0xb8;
	[tilespmem:$0xF800] =	vst v63  }
0xb3: {  	s23 =	sor.u32 $0x8000, s21;
	s24 =	sadd.s32 $0x2B00, s22  }
0xb4: {  	[spmem:s2] =	stream.indirect.scatter.add.f32 [tilespmem:s23], [sflag:$0x2], $0x10, s24, s17, $0xb8;
	[tilespmem:$0xF800] =	vst v63  }
0xb5: {  	p1 =	seq.s32 s20, $0x9000;
	s22 =	sadd.s32 $0x2B80, s22;
	s23 =	sor.u32 $0x8800, s21  }
0xb6: {  	[spmem:s2] =	stream.indirect.scatter.add.f32 [tilespmem:s23], [sflag:$0x2], $0x10, s22, s17, $0xb8;
	[tilespmem:$0xF800] =	vst v63  }
0xb7: {  	s20 =	sshra.s32 @!p1 s20, $0x2;
	s22 =	ssub.s32 @!p1 $0x9000, s21;
	s23 =	simm.s32 @!p1 $0x80  }
0xb8: {  	s25 =	sadd.s32 @!p1 $0x480, s20;
	s26 =	sadd.s32 @!p1 $0x500, s20;
	s24 =	sadd.s32 @!p1 $0x400, s20  }
0xb9: {  	[tilespmem:s22], [sflag:$0x1] =	stream.indirect.gather @!p1 [hbm4b:s4+s23], $0x10, s24, s23, $0xb8;
	[tilespmem:$0xF800] =	vst v63  }
0xba: {  	s28 =	sadd.s32 @!p1 $0x580, s20;
	s22 =	ssub.s32 @!p1 $0x9800, s21;
	s24 =	ssub.s32 @!p1 $0xA000, s21  }
0xbb: {  	[tilespmem:s22], [sflag:$0x1] =	stream.indirect.gather @!p1 [hbm4b:s4+s23], $0x10, s25, s23, $0xb8;
	[tilespmem:$0xF800] =	vst v63  }
0xbc: {  	s29 =	sadd.s32 @!p1 $0x680, s20;
	s22 =	ssub.s32 @!p1 $0xA800, s21;
	s25 =	sadd.s32 @!p1 $0x600, s20  }
0xbd: {  	[tilespmem:s24], [sflag:$0x1] =	stream.indirect.gather @!p1 [hbm4b:s4+s23], $0x10, s26, s23, $0xb8;
	[tilespmem:$0xF800] =	vst v63  }
0xbe: {  	s30 =	sadd.s32 @!p1 $0x700, s20;
	s24 =	ssub.s32 @!p1 $0xB000, s21;
	s26 =	ssub.s32 @!p1 $0xB800, s21  }
0xbf: {  	[tilespmem:s22], [sflag:$0x1] =	stream.indirect.gather @!p1 [hbm4b:s4+s23], $0x10, s28, s23, $0xb8;
	[tilespmem:$0xF800] =	vst v63  }
0xc0: {  	s20 =	sadd.s32 @!p1 $0x780, s20;
	s22 =	ssub.s32 @!p1 $0xC000, s21;
	s21 =	ssub.s32 @!p1 $0xC800, s21  }
0xc1: {  	[tilespmem:s24], [sflag:$0x1] =	stream.indirect.gather @!p1 [hbm4b:s4+s23], $0x10, s25, s23, $0xb8;
	[tilespmem:$0xF800] =	vst v63  }
0xc2: {  	_ = 	snop  }
0xc3: {  	[tilespmem:s26], [sflag:$0x1] =	stream.indirect.gather @!p1 [hbm4b:s4+s23], $0x10, s29, s23, $0xb8;
	[tilespmem:$0xF800] =	vst v63  }
0xc4: {  	_ = 	snop  }
0xc5: {  	[tilespmem:s22], [sflag:$0x1] =	stream.indirect.gather @!p1 [hbm4b:s4+s23], $0x10, s30, s23, $0xb8;
	[tilespmem:$0xF800] =	vst v63  }
0xc6: {  	_ = 	snop  }
0xc7: {  	[tilespmem:s21], [sflag:$0x1] =	stream.indirect.gather @!p1 [hbm4b:s4+s23], $0x10, s20, s23, $0xb8;
	[tilespmem:$0xF800] =	vst v63  }
0xc8: {  	_ =	swait.ge [sflag:s15], $0x800  }
0xc9: {  	[sflag:s15] =	ssyncset.done $0x0  }
0xca: {  	[sflag:s15] =	ssyncadd.s32 $0xFFFFF800  }
0xcb: {  	_ =	swait.ge [sflag:s15], $0x800  }
0xcc: {  	[sflag:s15] =	ssyncset.done $0x0  }
0xcd: {  	[sflag:s15] =	ssyncadd.s32 $0xFFFFF800  }
0xce: {  	_ =	swait.ge [sflag:s15], $0x800  }
0xcf: {  	[sflag:s15] =	ssyncset.done $0x0  }
0xd0: {  	[sflag:s15] =	ssyncadd.s32 $0xFFFFF800  }
0xd1: {  	_ =	swait.ge [sflag:s15], $0x800  }
0xd2: {  	[sflag:s15] =	ssyncset.done $0x0  }
0xd3: {  	[sflag:s15] =	ssyncadd.s32 $0xFFFFF800  }
0xd4: {  	_ =	swait.ge [sflag:s15], $0x800  }
0xd5: {  	[sflag:s15] =	ssyncset.done $0x0  }
0xd6: {  	[sflag:s15] =	ssyncadd.s32 $0xFFFFF800  }
0xd7: {  	_ =	swait.ge [sflag:s15], $0x800  }
0xd8: {  	[sflag:s15] =	ssyncset.done $0x0  }
.Ltmp1:
0xd9: {  	[sflag:s15] =	ssyncadd.s32 $0xFFFFF800;
	(pc) =	sbr.rel @p0 .LBB2_4-.Ltmp1, $4  }
0xda: {  	_ =	swait.ge [sflag:s15], $0x800  }
0xdb: {  	[sflag:s15] =	ssyncset.done $0x0  }
0xdc: {  	[sflag:s15] =	ssyncadd.s32 $0xFFFFF800  }
0xdd: {  	_ =	swait.ge [sflag:s15], $0x800  }
0xde: {  	[sflag:s15] =	ssyncset.done $0x0  }
0xdf: {  	s1 =	stileid.u32;
	s19 =	sshrl.u32 s6, $0x3;
	s18 =	sadd.s32 $0x1, s18  }
0xe0: {  	[sflag:s15] =	ssyncadd.s32 $0xFFFFF800;
	s1 =	sshll.u32 s1, $0x6;
	p0 =	sne.s32 s18, s13  }
.Ltmp2:
0xe1: {  	[bflag:$0x0] =	sbarrier.arrive $0xFFFF;
	s1 =	sor.u32 $0x1C03, s1;
	(pc) =	sbr.rel @p0 .LBB2_1-.Ltmp2, $4  }
0xe2: {  	[hbm:s12], [sflag:s1] =	dma.local [spmem:s19], $0x500  }
0xe3: {  	_ =	swait.ge [sflag:s14], $0x500  }
0xe4: {  	[sflag:s14] =	ssyncset.done $0x0  }
0xe5: {  	[sflag:s14] =	ssyncadd.s32 $0xFFFFFB00  }
0xe6: {  	_ =	sfence.sel $0x180000  }
0xe7: {  	[bflag:$0x0] =	sbarrier.arrive $0xFFFF  }
0xe8: {  	_ =	strace $0x9000004A  }
0xe9: {  	s0 =	stileid.u32;
	[bflag:$0x2] =	sbarrier.arrive $0xFFFF  }
0xea: {  	p0 =	sne.s32 s0, $0x0;
	s0 =	rddreg [dreg:$0x2]  }
0xeb: {  	s0 =	sadd.s32 @!p0 $0x100000, s0  }
0xec: {  	[sflag:s0] =	ssyncadd.tile.s32 @!p0 $0x1;
	_ =	shalt  }
.Lfunc_end2:
_tile_overlayer_lowered:
.L_overlay_start_2:
0xed: {  	(tag) =	ssettag $0x2  }
0xee: {  	s0 =	rddreg [dreg:$0x0];
	s2 =	stileid.u32  }
0xef: {  	s1 =	rddreg [dreg:$0x1];
	p0 =	sne.s32 s2, $0x0  }
0xf0: {  	s3 =	rddreg [dreg:$0x2];
	[bflag:$0x3] =	sbarrier.arrive $0xFFFF;
	s2 =	simm.s32 @!p0 $0x1C03  }
0xf1: {  	[timem:s3], [sflag:s2] =	dma.local @!p0 [hbm:s0], s1  }
0xf2: {  	s0 =	simm.s32 @!p0 $0x3  }
0xf3: {  	_ =	swait.ge @!p0 [sflag:s0], s1  }
0xf4: {  	s1 =	ssub.s32 @!p0 $0x0, s1;
	[sflag:s0] =	ssyncset.done @!p0 $0x0  }
0xf5: {  	[sflag:s0] =	ssyncadd.s32 @!p0 s1  }
0xf6: {  	[bflag:$0x3] =	sbarrier.arrive $0xFFFF  }
0xf7: {  	_ =	shalt  }

// kernel: kernel.15.cloned.1.call-start
scs
__scs_entry_jumppad:
0x0: {  	(pc) =	sbr.rel $0x88, $3  }
0x1: {  	(tag) =	ssettag $0x0;
	lr =	simm.s32 $0x1  }
0x2: {  	[smem:$0x3F99] =	sst lr;
	_ =	strace $0xD0000000  }
0x3: {  	_ = 	snop  }
0x4: {  	_ = 	snop  }
0x5: {  	_ = 	snop  }
0x6: {  	_ = 	snop  }
0x7: {  	_ = 	snop  }
__scs_overlays_trampoline_lowered:
0x8: {  	[smem:$0x3FA8] =	sst s0  }
0x9: {  	[smem:$0x3FA9] =	sst s1  }
0xa: {  	[smem:$0x3FAA] =	sst s2  }
0xb: {  	[smem:$0x3FAB] =	sst s3  }
0xc: {  	[smem:$0x3FAC] =	sst s4  }
0xd: {  	[smem:$0x3FAD] =	sst s5  }
0xe: {  	[smem:$0x3FAE] =	sst s6  }
0xf: {  	[smem:$0x3FAF] =	sst s7  }
0x10: {  	[smem:$0x3FB0] =	sst s8  }
0x11: {  	[smem:$0x3FB1] =	sst s9;
	s0 =	simm.s32 @!p0 $0x0  }
0x12: {  	s1 =	sld [smem:$0x3F97];
	s0 =	simm.s32 @p0 $0x1  }
0x13: {  	[smem:$0x3FB2] =	sst s0;
	s0 =	simm.s32 @!p1 $0x0  }
0x14: {  	s2 =	sld [smem:$0x3F96];
	s0 =	simm.s32 @p1 $0x1  }
0x15: {  	[smem:$0x3FB3] =	sst s0;
	s0 =	simm.s32 @!p2 $0x0  }
0x16: {  	s3 =	sld [smem:$0x3FDB];
	s0 =	simm.s32 @p2 $0x1  }
0x17: {  	s4 =	simm.s32 $0x1BF5;
	[smem:$0x3FB5] =	sst s0  }
0x18: {  	s0 =	sld [smem:$0x3F98];
	_ =	swait.ge [sflag:s4], $0x0  }
0x19: {  	s7 =	sld [smem:$0x3F99]  }
0x1a: {  	s8 =	sadd.s32 $0xFFFFE003, lr  }
0x1b: {  	s9 =	sadd.s32 $0xFFFFFEF7, lr;
	s5 =	simm.s32 $0xFFFFFFFF;
	p2 =	slt.u32 s8, $0xFFFFF086  }
0x1c: {  	p1 =	slt.u32 s9, $0xF7A;
	s5 =	simm.s32 @!p2 $0x0  }
0x1d: {  	s5 =	simm.s32 @p1 $0x1;
	p0 =	seq.s32 s7, s2  }
0x1e: {  	s7 =	smul.u32 @!p0 $0xF7A, s2;
	p2 =	seq.s32 @!p0 s5, $0x0  }
0x1f: {  	s9 =	smul.u32 $0xF7A, s1;
	s8 =	simm.s32 @!p0 $0x1BF5;
	p2 =	por !p2, p0  }
0x20: {  	[sflag:s8] =	ssyncset.s32 @!p0 $0xFFFFF086;
	s6 =	sadd.s32 @!p0 s3, s7;
	s7 =	simm.s32 @!p0 $0x108  }
0x21: {  	s3 =	sadd.s32 s3, s9;
	s6 =	sadd.s32 @!p0 $0x88, s6;
	s7 =	simm.s32 @p2 $0x1082  }
0x22: {  	[simem:s7], [sflag:s8] =	dma.local @!p0 [hbm:s6], $0xF7A  }
0x23: {  	s9 =	sor.u32 $0xD0000000, s2;
	s6 =	simm.s32 $0x108;
	_ =	swait.ge @!p0 [sflag:s8], $0x0  }
0x24: {  	s3 =	sadd.s32 $0x88, s3;
	s6 =	simm.s32 @!p1 $0x1082;
	[sflag:s4] =	ssyncset.s32 $0xFFFFF086  }
0x25: {  	[simem:s6], [sflag:s4] =	dma.local [hbm:s3], $0xF7A  }
0x26: {  	[smem:$0x3F99] =	sst s1;
	(tag) =	ssettag s2;
	_ =	strace s9  }
0x27: {  	s1 =	sld [smem:$0x3FA9]  }
0x28: {  	s2 =	sld [smem:$0x3FAA]  }
0x29: {  	s4 =	sld [smem:$0x3FAC]  }
0x2a: {  	p0 =	seq.s32 s5, $0x0;
	s5 =	sld [smem:$0x3FAD]  }
0x2b: {  	s6 =	sld [smem:$0x3FAE]  }
0x2c: {  	s7 =	sld [smem:$0x3FAF]  }
0x2d: {  	s3 =	simm.s32 $0x108;
	s8 =	sld [smem:$0x3FB0]  }
0x2e: {  	s3 =	simm.s32 @!p0 $0x1082;
	s9 =	sld [smem:$0x3FB1]  }
0x2f: {  	lr =	sadd.s32 s0, s3;
	s0 =	sld [smem:$0x3FA8]  }
0x30: {  	s3 =	sld [smem:$0x3FAB]  }
0x31: {  	[smem:$0x3FB4] =	sst s10  }
0x32: {  	s10 =	sld [smem:$0x3FB2];
	_ =	sdelay $0x3  }
0x33: {  	p0 =	seq.s32 s10, $0x1;
	s10 =	sld [smem:$0x3FB4];
	_ =	sdelay $0x3  }
0x34: {  	[smem:$0x3FB4] =	sst s10  }
0x35: {  	s10 =	sld [smem:$0x3FB3];
	_ =	sdelay $0x3  }
0x36: {  	p1 =	seq.s32 s10, $0x1;
	s10 =	sld [smem:$0x3FB4];
	_ =	sdelay $0x3  }
0x37: {  	[smem:$0x3FB4] =	sst s10  }
0x38: {  	s10 =	sld [smem:$0x3FB5]  }
0x39: {  	_ = 	snop;
	(pc) =	sbr.ind lr, $3  }
0x3a: {  	_ = 	snop  }
0x3b: {  	_ = 	snop  }
0x3c: {  	p2 =	seq.s32 s10, $0x1;
	s10 =	sld [smem:$0x3FB4]  }
0x3d: {  	_ =	shalt  }
0x3e: {  	_ =	shalt  }
0x3f: {  	_ =	shalt  }
0x40: {  	_ =	shalt  }
0x41: {  	_ =	shalt  }
0x42: {  	_ =	shalt  }
0x43: {  	_ =	shalt  }
0x44: {  	_ =	shalt  }
0x45: {  	_ =	shalt  }
0x46: {  	_ =	shalt  }
0x47: {  	_ =	shalt  }
0x48: {  	_ =	shalt  }
0x49: {  	_ =	shalt  }
0x4a: {  	_ =	shalt  }
0x4b: {  	_ =	shalt  }
0x4c: {  	_ =	shalt  }
0x4d: {  	_ =	shalt  }
0x4e: {  	_ =	shalt  }
0x4f: {  	_ =	shalt  }
0x50: {  	_ =	shalt  }
0x51: {  	_ =	shalt  }
0x52: {  	_ =	shalt  }
0x53: {  	_ =	shalt  }
0x54: {  	_ =	shalt  }
0x55: {  	_ =	shalt  }
0x56: {  	_ =	shalt  }
0x57: {  	_ =	shalt  }
0x58: {  	_ =	shalt  }
0x59: {  	_ =	shalt  }
0x5a: {  	_ =	shalt  }
0x5b: {  	_ =	shalt  }
0x5c: {  	_ =	shalt  }
0x5d: {  	_ =	shalt  }
0x5e: {  	_ =	shalt  }
0x5f: {  	_ =	shalt  }
0x60: {  	_ =	shalt  }
0x61: {  	_ =	shalt  }
0x62: {  	_ =	shalt  }
0x63: {  	_ =	shalt  }
0x64: {  	_ =	shalt  }
0x65: {  	_ =	shalt  }
0x66: {  	_ =	shalt  }
0x67: {  	_ =	shalt  }
0x68: {  	_ =	shalt  }
0x69: {  	_ =	shalt  }
0x6a: {  	_ =	shalt  }
0x6b: {  	_ =	shalt  }
0x6c: {  	_ =	shalt  }
0x6d: {  	_ =	shalt  }
0x6e: {  	_ =	shalt  }
0x6f: {  	_ =	shalt  }
0x70: {  	_ =	shalt  }
0x71: {  	_ =	shalt  }
0x72: {  	_ =	shalt  }
0x73: {  	_ =	shalt  }
0x74: {  	_ =	shalt  }
0x75: {  	_ =	shalt  }
0x76: {  	_ =	shalt  }
0x77: {  	_ =	shalt  }
0x78: {  	_ =	shalt  }
0x79: {  	_ =	shalt  }
0x7a: {  	_ =	shalt  }
0x7b: {  	_ =	shalt  }
0x7c: {  	_ =	shalt  }
0x7d: {  	_ =	shalt  }
0x7e: {  	_ =	shalt  }
0x7f: {  	_ =	shalt  }
0x80: {  	_ =	shalt  }
0x81: {  	_ =	shalt  }
0x82: {  	_ =	shalt  }
0x83: {  	_ =	shalt  }
0x84: {  	_ =	shalt  }
0x85: {  	_ =	shalt  }
0x86: {  	_ =	shalt  }
0x87: {  	_ =	shalt  }
.Lfunc_end0:
.L_simem_size_0:
called_computation.2_lowered:
.L_overlay_start_0:
0x88: {  	s2 =	sld [smem:$0x3FD9]  }
0x89: {  	s3 =	sld [smem:$0x3FFE];
	_ =	sdelay $0x1  }
0x8a: {  	s1 =	srdreg.scid  }
0x8b: {  	s0 =	sand.u32 $0x1, s1  }
0x8c: {  	s16 =	sshll.u32 s0, $0xA;
	s2 =	sadd.s32 s3, s2  }
0x8d: {  	s2 =	sadd.s32 s2, s16  }
0x8e: {  	[smem:$0x3FC0] =	sst s2  }
0x8f: {  	_ = 	snop  }
0x90: {  	(tm) =	ssettm $0x1  }
0x91: {  	s17 =	sld [smem:$0x3FFB];
	_ =	sdelay $0x3  }
0x92: {  	_ =	strace s17  }
0x93: {  	s2 =	sld [smem:$0x3FFC];
	_ =	sdelay $0x3  }
0x94: {  	_ =	strace s2  }
0x95: {  	s2 =	sld [smem:$0x3FFD];
	_ =	sdelay $0x3  }
0x96: {  	_ =	strace s2  }
0x97: {  	_ =	strace $0x8FFFFFFF  }
0x98: {  	s18 =	sld [smem:$0x3FDB];
	_ =	sdelay $0x1  }
0x99: {  	s19 =	simm.s32 $_scs_section_size  }
0x9a: {  	s4 =	simm.s32 $_size__tile_overlayer_lowered;
	s5 =	simm.s32 $_tile_overlayer_lowered  }
0x9b: {  	s22 =	simm.s32 $0x1BFF;
	s21 =	sshll.u32 s5, $0x1;
	s2 =	sadd.s32 s19, s18  }
0x9c: {  	s6 =	simm.s32 $0x0;
	s20 =	sshll.u32 s4, $0x1;
	s4 =	sadd.s32 s21, s2  }
0x9d: {  	[timem:s6], [sflag:s22] =	dma.local [hbm:s4], s20  }
0x9e: {  	_ =	swait.ge [sflag:s22], s20  }
0x9f: {  	s3 =	ssub.s32 $0x0, s20;
	[sflag:s22] =	ssyncset.done $0x0  }
0xa0: {  	[sflag:s22] =	ssyncadd.s32 s3;
	_ =	sdelay $0x1  }
0xa1: {  	s23 =	simm.s32 $0x1B8B  }
0xa2: {  	_ =	swait.ge [sflag:s23], $0x1  }
0xa3: {  	[sflag:s23] =	ssyncset.done $0x0  }
0xa4: {  	s25 =	simm.s32 $0x1B8E;
	s24 =	sld [smem:$0x3FFE];
	[sflag:s23] =	ssyncadd.s32 $0xFFFFFFFF  }
0xa5: {  	s26 =	simm.s32 $execute0_lowered;
	[smem:$0x3FD2] =	sst s25  }
0xa6: {  	s4 =	sshll.u32 s26, $0x1;
	_ =	strace $0x8000004C;
	[dreg:$0x1] =	wrdreg $0xFFFFFFFF  }
0xa7: {  	s28 =	simm.s32 $_size_execute0_lowered;
	s2 =	sadd.s32 s2, s4;
	[dreg:$0x0] =	wrdreg $0x0  }
0xa8: {  	s4 =	sshll.u32 s28, $0x1;
	[dreg:$0x2] =	wrdreg s2  }
0xa9: {  	[dreg:$0x3] =	wrdreg s4  }
0xaa: {  	[dreg:$0x4] =	wrdreg $0xC0  }
0xab: {  	_ =	task [dreg:s6], $0x5FFFF  }
0xac: {  	[dreg:$0x1] =	wrdreg $0xFFFFFFFF  }
0xad: {  	[dreg:$0x0] =	wrdreg $0x60  }
0xae: {  	[dreg:$0x2] =	wrdreg s24  }
0xaf: {  	[dreg:$0x3] =	wrdreg $0xD0000  }
0xb0: {  	[dreg:$0x4] =	wrdreg $0x9  }
0xb1: {  	_ =	task.clear_ibuf [dreg:s6], $0x5FFFF;
	_ =	strace $0x9000004C  }
0xb2: {  	s29 =	simm.s32 $0x9;
	_ =	strace $0x8000004E  }
0xb3: {  	_ =	swait.ge [sflag:s29], $0x1  }
0xb4: {  	[sflag:s29] =	ssyncadd.s32 $0xFFFFFFFF  }
0xb5: {  	_ =	strace $0x9000004E  }
0xb6: {  	_ =	sfence  }
0xb7: {  	s30 =	sld [smem:$0x0];
	_ =	sdelay $0x2  }
0xb8: {  	s31 =	sshll.u32 s1, $0xD;
	s1 =	sshrl.u32 s1, $0x2  }
0xb9: {  	s3 =	sand.u32 $0x4000, s31;
	s1 =	sadd.s32 s1, s30  }
0xba: {  	s0 =	sor.u32 s3, s0;
	s1 =	sshll.u32 s1, $0x11  }
0xbb: {  	s0 =	sor.u32 s1, s0  }
0xbc: {  	s0 =	sadd.s32 $0x8F2B, s0  }
0xbd: {  	[sflag:s0] =	ssyncadd.remote.s32 $0x1  }
0xbe: {  	_ =	sfence.sel $0xFFFF  }
0xbf: {  	[dreg:$0x0] =	wrdreg $0xFFFFFFFF;
	(pc) =	sbr.abs _section_cstart, $3  }
0xc0: {  	[dreg:$0x1] =	wrdreg $0xFFFFFFFF  }
0xc1: {  	_ =	task.clear_ibuf [dreg:s6], $0x2FFFF;
	_ =	strace $0x9FFFFFFF  }
0xc2: {  	(tm) =	ssettm $0x7FFFFFFF  }
0xc3: {  	_ =	shalt  }
tec
execute0_lowered:
.L_overlay_start_1:
0x0: {  	(tag) =	ssettag $0x1  }
0x1: {  	s0 =	rddreg [dreg:$0x0]  }
0x2: {  	s2 =	rddreg [dreg:$0x1]  }
0x3: {  	s3 =	simm.s32 $0x0;
	s8 =	stileid.u32;
	s1 =	srdreg.scid  }
0x4: {  	s14 =	simm.s32 $0x3;
	s16 =	simm.s32 $0x5000;
	s17 =	simm.s32 $0x80  }
0x5: {  	s31 =	simm.s32 $0x8800;
	s15 =	simm.s32 $0x2;
	s18 =	simm.s32 $0x0  }
0x6: {  	[smem:$0x7FF] =	sst s3;
	s5 =	smul.u32 $0x500, s8;
	s1 =	sand.u32 $0x1, s1  }
0x7: {  	s4 =	sadd.s32 $0x16A00, s0;
	s8 =	smul.u32 $0xA000, s8;
	_ =	strace $0x8000004D  }
0x8: {  	p0 =	seq.s32 s1, $0x0;
	s7 =	smul.u32 $0x5000, s1;
	s1 =	ssub.s32 $0x2, s1  }
0x9: {  	s6 =	sadd.s32 $0x5000, s5;
	s29 =	sshrl.u32 s1, $0x1;
	s30 =	sshrl.u32 s8, $0x2  }
0xa: {  	s6 =	smov.u32 @p0 s5;
	s5 =	sadd.s32 s5, s7;
	s1 =	ssub.s32 s1, s29  }
0xb: {  	s9 =	sadd.s32 s6, s0;
	s0 =	sadd.s32 s5, s0;
	s6 =	sadd.s32 s30, s2  }
0xc: {  	s13 =	smax.u32 s1, $0x1;
	s5 =	sadd.s32 $0x2A00, s9;
	s7 =	sadd.s32 $0xCA00, s9  }
0xd: {  	s8 =	sadd.s32 $0x800, s6;
	s9 =	sadd.s32 $0x1000, s6;
	s10 =	sadd.s32 $0x1800, s6  }
0xe: {  	v0 =	vimm.f32 $0.0e+00;
	s11 =	sadd.s32 $0x2000, s6;
	s12 =	sadd.s32 $0x1BA00, s0;
	s0 =	simm.s32 $0x1  }
.LBB2_1:
0xf: {  	[tilespmem:s3], [sflag:$0x3] =	stream.linear.gather [hbm4b:s5+s3], $0x2800, $0x38;
	[tilespmem:$0xF800] =	vst v63  }
0x10: {  	_ =	swait.ge [sflag:s14], $0x2800  }
0x11: {  	[sflag:s14] =	ssyncset.done $0x0  }
0x12: {  	s1 =	simm.s32 $0x2800;
	[sflag:s14] =	ssyncadd.s32 $0xFFFFD800  }
0x13: {  	[tilespmem:s1], [sflag:$0x3] =	stream.linear.gather [hbm4b:s7+s3], $0x2800, $0x38;
	[tilespmem:$0xF800] =	vst v63  }
0x14: {  	_ =	swait.ge [sflag:s14], $0x2800  }
0x15: {  	[sflag:s14] =	ssyncset.done $0x0  }
0x16: {  	s19 =	simm.s32 $0x0;
	s1 =	simm.s32 $0x40;
	[sflag:s14] =	ssyncadd.s32 $0xFFFFD800  }
.LBB2_2:
0x17: {  	p0 =	sne.s32 s1, $0x1FC0;
	[tilespmem:s19+$0x5000] =	vst v0;
	s19 =	smov.u32 s1;
	s1 =	sadd.s32 $0x40, s1  }
.Ltmp0:
0x18: {  	(pc) =	sbr.rel @p0 .LBB2_2-.Ltmp0, $2  }
0x19: {  	_ =	sdelay $0x2  }
0x1a: {  	s19 =	sshra.s32 s19, $0x2  }
0x1b: {  	[tilespmem:s19+$0x5000] =	vst v0  }
0x1c: {  	[spmem:s6] =	stream.linear.scatter [tilespmem:s16], [sflag:$0x3], $0x800, $0x38;
	[tilespmem:$0xF800] =	vst v63  }
0x1d: {  	_ =	swait.ge [sflag:s14], $0x800  }
0x1e: {  	[sflag:s14] =	ssyncset.done $0x0  }
0x1f: {  	[sflag:s14] =	ssyncadd.s32 $0xFFFFF800  }
0x20: {  	[spmem:s8] =	stream.linear.scatter [tilespmem:s16], [sflag:$0x3], $0x800, $0x38;
	[tilespmem:$0xF800] =	vst v63  }
0x21: {  	_ =	swait.ge [sflag:s14], $0x800  }
0x22: {  	[sflag:s14] =	ssyncset.done $0x0  }
0x23: {  	[sflag:s14] =	ssyncadd.s32 $0xFFFFF800  }
0x24: {  	[spmem:s9] =	stream.linear.scatter [tilespmem:s16], [sflag:$0x3], $0x800, $0x38;
	[tilespmem:$0xF800] =	vst v63  }
0x25: {  	_ =	swait.ge [sflag:s14], $0x800  }
0x26: {  	[sflag:s14] =	ssyncset.done $0x0  }
0x27: {  	[sflag:s14] =	ssyncadd.s32 $0xFFFFF800  }
0x28: {  	[spmem:s10] =	stream.linear.scatter [tilespmem:s16], [sflag:$0x3], $0x800, $0x38;
	[tilespmem:$0xF800] =	vst v63  }
0x29: {  	_ =	swait.ge [sflag:s14], $0x800  }
0x2a: {  	[sflag:s14] =	ssyncset.done $0x0  }
0x2b: {  	[sflag:s14] =	ssyncadd.s32 $0xFFFFF800  }
0x2c: {  	[spmem:s11] =	stream.linear.scatter [tilespmem:s16], [sflag:$0x3], $0x800, $0x38;
	[tilespmem:$0xF800] =	vst v63  }
0x2d: {  	_ =	swait.ge [sflag:s14], $0x800  }
0x2e: {  	[sflag:s14] =	ssyncset.done $0x0  }
0x2f: {  	[sflag:s14] =	ssyncadd.s32 $0xFFFFF800  }
0x30: {  	s19 =	simm.s32 $0x0;
	[bflag:$0x0] =	sbarrier.arrive $0xFFFF  }
0x31: {  	[tilespmem:s16], [sflag:$0x1] =	stream.indirect.gather [hbm4b:s4+s17], $0x10, s19, s17, $0xb8;
	[tilespmem:$0xF800] =	vst v63  }
0x32: {  	s1 =	simm.s32 $0x5800  }
0x33: {  	[tilespmem:s1], [sflag:$0x1] =	stream.indirect.gather [hbm4b:s4+s17], $0x10, s17, s17, $0xb8;
	[tilespmem:$0xF800] =	vst v63  }
0x34: {  	s23 =	simm.s32 $0x100;
	s20 =	simm.s32 $0x6000  }
0x35: {  	[tilespmem:s20], [sflag:$0x1] =	stream.indirect.gather [hbm4b:s4+s17], $0x10, s23, s17, $0xb8;
	[tilespmem:$0xF800] =	vst v63  }
0x36: {  	s24 =	simm.s32 $0x180;
	s25 =	simm.s32 $0x6800  }
0x37: {  	[tilespmem:s25], [sflag:$0x1] =	stream.indirect.gather [hbm4b:s4+s17], $0x10, s24, s17, $0xb8;
	[tilespmem:$0xF800] =	vst v63  }
0x38: {  	s26 =	simm.s32 $0x200;
	s28 =	simm.s32 $0x7000  }
0x39: {  	[tilespmem:s28], [sflag:$0x1] =	stream.indirect.gather [hbm4b:s4+s17], $0x10, s26, s17, $0xb8;
	[tilespmem:$0xF800] =	vst v63  }
0x3a: {  	s29 =	simm.s32 $0x280;
	s30 =	simm.s32 $0x7800  }
0x3b: {  	[tilespmem:s30], [sflag:$0x1] =	stream.indirect.gather [hbm4b:s4+s17], $0x10, s29, s17, $0xb8;
	[tilespmem:$0xF800] =	vst v63  }
0x3c: {  	s21 =	simm.s32 $0x8000;
	s20 =	simm.s32 $0x300  }
0x3d: {  	[tilespmem:s21], [sflag:$0x1] =	stream.indirect.gather [hbm4b:s4+s17], $0x10, s20, s17, $0xb8;
	[tilespmem:$0xF800] =	vst v63  }
0x3e: {  	s22 =	simm.s32 $0x380  }
0x3f: {  	[tilespmem:s31], [sflag:$0x1] =	stream.indirect.gather [hbm4b:s4+s17], $0x10, s22, s17, $0xb8;
	[tilespmem:$0xF800] =	vst v63  }
0x40: {  	_ =	swait.ge [sflag:s0], $0x800  }
0x41: {  	[sflag:s0] =	ssyncset.done $0x0  }
0x42: {  	[sflag:s0] =	ssyncadd.s32 $0xFFFFF800  }
0x43: {  	_ =	swait.ge [sflag:s0], $0x800  }
0x44: {  	[sflag:s0] =	ssyncset.done $0x0  }
0x45: {  	[sflag:s0] =	ssyncadd.s32 $0xFFFFF800  }
0x46: {  	_ =	swait.ge [sflag:s0], $0x800  }
0x47: {  	[sflag:s0] =	ssyncset.done $0x0  }
0x48: {  	[sflag:s0] =	ssyncadd.s32 $0xFFFFF800  }
0x49: {  	_ =	swait.ge [sflag:s0], $0x800  }
0x4a: {  	[sflag:s0] =	ssyncset.done $0x0  }
0x4b: {  	[sflag:s0] =	ssyncadd.s32 $0xFFFFF800  }
0x4c: {  	_ =	swait.ge [sflag:s0], $0x800  }
0x4d: {  	[sflag:s0] =	ssyncset.done $0x0  }
0x4e: {  	[sflag:s0] =	ssyncadd.s32 $0xFFFFF800  }
0x4f: {  	_ =	swait.ge [sflag:s0], $0x800  }
0x50: {  	[sflag:s0] =	ssyncset.done $0x0  }
0x51: {  	[sflag:s0] =	ssyncadd.s32 $0xFFFFF800  }
0x52: {  	_ =	swait.ge [sflag:s0], $0x800  }
0x53: {  	[sflag:s0] =	ssyncset.done $0x0  }
0x54: {  	[sflag:s0] =	ssyncadd.s32 $0xFFFFF800  }
0x55: {  	_ =	swait.ge [sflag:s0], $0x800  }
0x56: {  	s1 =	sand.u32 $0x4000, s19;
	[sflag:s0] =	ssyncset.done $0x0  }
0x57: {  	s23 =	sadd.s32 $0x5000, s1;
	s21 =	simm.s32 $0x2800;
	[sflag:s0] =	ssyncadd.s32 $0xFFFFF800  }
0x58: {  	[spmem:s2] =	stream.indirect.scatter.add.f32 [tilespmem:s23], [sflag:$0x2], $0x10, s21, s17, $0xb8;
	[tilespmem:$0xF800] =	vst v63  }
0x59: {  	s24 =	sadd.s32 $0x5800, s1;
	s25 =	simm.s32 $0x2880  }
0x5a: {  	[spmem:s2] =	stream.indirect.scatter.add.f32 [tilespmem:s24], [sflag:$0x2], $0x10, s25, s17, $0xb8;
	[tilespmem:$0xF800] =	vst v63  }
0x5b: {  	s26 =	sadd.s32 $0x6000, s1;
	s28 =	simm.s32 $0x2900  }
0x5c: {  	[spmem:s2] =	stream.indirect.scatter.add.f32 [tilespmem:s26], [sflag:$0x2], $0x10, s28, s17, $0xb8;
	[tilespmem:$0xF800] =	vst v63  }
0x5d: {  	s29 =	sadd.s32 $0x6800, s1;
	s30 =	simm.s32 $0x2980  }
0x5e: {  	[spmem:s2] =	stream.indirect.scatter.add.f32 [tilespmem:s29], [sflag:$0x2], $0x10, s30, s17, $0xb8;
	[tilespmem:$0xF800] =	vst v63  }
0x5f: {  	s22 =	sadd.s32 $0x7000, s1;
	s23 =	simm.s32 $0x2A00  }
0x60: {  	[spmem:s2] =	stream.indirect.scatter.add.f32 [tilespmem:s22], [sflag:$0x2], $0x10, s23, s17, $0xb8;
	[tilespmem:$0xF800] =	vst v63  }
0x61: {  	s24 =	sadd.s32 $0x7800, s1;
	s25 =	simm.s32 $0x2A80  }
0x62: {  	[spmem:s2] =	stream.indirect.scatter.add.f32 [tilespmem:s24], [sflag:$0x2], $0x10, s25, s17, $0xb8;
	[tilespmem:$0xF800] =	vst v63  }
0x63: {  	s26 =	sor.u32 $0x8000, s1;
	s28 =	simm.s32 $0x2B00  }
0x64: {  	[spmem:s2] =	stream.indirect.scatter.add.f32 [tilespmem:s26], [sflag:$0x2], $0x10, s28, s17, $0xb8;
	[tilespmem:$0xF800] =	vst v63  }
0x65: {  	p0 =	por $0x0, $0x0;
	s29 =	sor.u32 $0x8800, s1;
	s30 =	simm.s32 $0x2B80  }
0x66: {  	[spmem:s2] =	stream.indirect.scatter.add.f32 [tilespmem:s29], [sflag:$0x2], $0x10, s30, s17, $0xb8;
	[tilespmem:$0xF800] =	vst v63  }
0x67: {  	s20 =	ssub.s32 @!p0 $0x9000, s1;
	s21 =	simm.s32 @!p0 $0x80;
	s22 =	simm.s32 @!p0 $0x400  }
0x68: {  	[tilespmem:s20], [sflag:$0x1] =	stream.indirect.gather @!p0 [hbm4b:s4+s21], $0x10, s22, s21, $0xb8;
	[tilespmem:$0xF800] =	vst v63  }
0x69: {  	s20 =	simm.s32 @!p0 $0x480;
	s22 =	ssub.s32 @!p0 $0x9800, s1  }
0x6a: {  	[tilespmem:s22], [sflag:$0x1] =	stream.indirect.gather @!p0 [hbm4b:s4+s21], $0x10, s20, s21, $0xb8;
	[tilespmem:$0xF800] =	vst v63  }
0x6b: {  	s20 =	simm.s32 @!p0 $0x500;
	s22 =	ssub.s32 @!p0 $0xA000, s1  }
0x6c: {  	[tilespmem:s22], [sflag:$0x1] =	stream.indirect.gather @!p0 [hbm4b:s4+s21], $0x10, s20, s21, $0xb8;
	[tilespmem:$0xF800] =	vst v63  }
0x6d: {  	s20 =	simm.s32 @!p0 $0x580;
	s22 =	ssub.s32 @!p0 $0xA800, s1  }
0x6e: {  	[tilespmem:s22], [sflag:$0x1] =	stream.indirect.gather @!p0 [hbm4b:s4+s21], $0x10, s20, s21, $0xb8;
	[tilespmem:$0xF800] =	vst v63  }
0x6f: {  	s20 =	simm.s32 @!p0 $0x600;
	s22 =	ssub.s32 @!p0 $0xB000, s1  }
0x70: {  	[tilespmem:s22], [sflag:$0x1] =	stream.indirect.gather @!p0 [hbm4b:s4+s21], $0x10, s20, s21, $0xb8;
	[tilespmem:$0xF800] =	vst v63  }
0x71: {  	s20 =	simm.s32 @!p0 $0x680;
	s22 =	ssub.s32 @!p0 $0xB800, s1  }
0x72: {  	[tilespmem:s22], [sflag:$0x1] =	stream.indirect.gather @!p0 [hbm4b:s4+s21], $0x10, s20, s21, $0xb8;
	[tilespmem:$0xF800] =	vst v63  }
0x73: {  	s20 =	simm.s32 @!p0 $0x700;
	s22 =	ssub.s32 @!p0 $0xC000, s1  }
0x74: {  	[tilespmem:s22], [sflag:$0x1] =	stream.indirect.gather @!p0 [hbm4b:s4+s21], $0x10, s20, s21, $0xb8;
	[tilespmem:$0xF800] =	vst v63  }
0x75: {  	s1 =	ssub.s32 @!p0 $0xC800, s1;
	s20 =	simm.s32 @!p0 $0x780  }
0x76: {  	[tilespmem:s1], [sflag:$0x1] =	stream.indirect.gather @!p0 [hbm4b:s4+s21], $0x10, s20, s21, $0xb8;
	[tilespmem:$0xF800] =	vst v63  }
0x77: {  	_ =	swait.ge [sflag:s15], $0x800  }
0x78: {  	[sflag:s15] =	ssyncset.done $0x0  }
0x79: {  	[sflag:s15] =	ssyncadd.s32 $0xFFFFF800  }
0x7a: {  	_ =	swait.ge [sflag:s15], $0x800  }
0x7b: {  	[sflag:s15] =	ssyncset.done $0x0  }
0x7c: {  	[sflag:s15] =	ssyncadd.s32 $0xFFFFF800  }
0x7d: {  	_ =	swait.ge [sflag:s15], $0x800  }
0x7e: {  	[sflag:s15] =	ssyncset.done $0x0  }
0x7f: {  	[sflag:s15] =	ssyncadd.s32 $0xFFFFF800  }
0x80: {  	_ =	swait.ge [sflag:s15], $0x800  }
0x81: {  	[sflag:s15] =	ssyncset.done $0x0  }
0x82: {  	[sflag:s15] =	ssyncadd.s32 $0xFFFFF800  }
0x83: {  	_ =	swait.ge [sflag:s15], $0x800  }
0x84: {  	[sflag:s15] =	ssyncset.done $0x0  }
0x85: {  	[sflag:s15] =	ssyncadd.s32 $0xFFFFF800  }
0x86: {  	_ =	swait.ge [sflag:s15], $0x800  }
0x87: {  	[sflag:s15] =	ssyncset.done $0x0  }
0x88: {  	[sflag:s15] =	ssyncadd.s32 $0xFFFFF800  }
0x89: {  	_ =	swait.ge [sflag:s15], $0x800  }
0x8a: {  	[sflag:s15] =	ssyncset.done $0x0  }
0x8b: {  	[sflag:s15] =	ssyncadd.s32 $0xFFFFF800  }
0x8c: {  	s1 =	simm.s32 $0x1000;
	_ =	swait.ge [sflag:s15], $0x800  }
.LBB2_4:
0x8d: {  	[sflag:s15] =	ssyncset.done $0x0  }
0x8e: {  	s19 =	sadd.s32 $0x4000, s19;
	s20 =	smov.u32 s1;
	s1 =	sadd.s32 $0x1000, s1  }
0x8f: {  	p0 =	sne.s32 s1, $0xA000;
	[sflag:s15] =	ssyncadd.s32 $0xFFFFF800  }
0x90: {  	_ =	swait.ge [sflag:s0], $0x800  }
0x91: {  	[sflag:s0] =	ssyncset.done $0x0  }
0x92: {  	[sflag:s0] =	ssyncadd.s32 $0xFFFFF800  }
0x93: {  	_ =	swait.ge [sflag:s0], $0x800  }
0x94: {  	[sflag:s0] =	ssyncset.done $0x0  }
0x95: {  	[sflag:s0] =	ssyncadd.s32 $0xFFFFF800  }
0x96: {  	_ =	swait.ge [sflag:s0], $0x800  }
0x97: {  	[sflag:s0] =	ssyncset.done $0x0  }
0x98: {  	[sflag:s0] =	ssyncadd.s32 $0xFFFFF800  }
0x99: {  	_ =	swait.ge [sflag:s0], $0x800  }
0x9a: {  	[sflag:s0] =	ssyncset.done $0x0  }
0x9b: {  	[sflag:s0] =	ssyncadd.s32 $0xFFFFF800  }
0x9c: {  	_ =	swait.ge [sflag:s0], $0x800  }
0x9d: {  	[sflag:s0] =	ssyncset.done $0x0  }
0x9e: {  	[sflag:s0] =	ssyncadd.s32 $0xFFFFF800  }
0x9f: {  	_ =	swait.ge [sflag:s0], $0x800  }
0xa0: {  	[sflag:s0] =	ssyncset.done $0x0  }
0xa1: {  	[sflag:s0] =	ssyncadd.s32 $0xFFFFF800  }
0xa2: {  	_ =	swait.ge [sflag:s0], $0x800  }
0xa3: {  	[sflag:s0] =	ssyncset.done $0x0  }
0xa4: {  	[sflag:s0] =	ssyncadd.s32 $0xFFFFF800  }
0xa5: {  	_ =	swait.ge [sflag:s0], $0x800  }
0xa6: {  	s21 =	sand.u32 $0x4000, s19;
	s22 =	sshra.s32 s20, $0x2;
	[sflag:s0] =	ssyncset.done $0x0  }
0xa7: {  	s23 =	sadd.s32 $0x5000, s21;
	s24 =	sadd.s32 $0x2800, s22;
	[sflag:s0] =	ssyncadd.s32 $0xFFFFF800  }
0xa8: {  	[spmem:s2] =	stream.indirect.scatter.add.f32 [tilespmem:s23], [sflag:$0x2], $0x10, s24, s17, $0xb8;
	[tilespmem:$0xF800] =	vst v63  }
0xa9: {  	s23 =	sadd.s32 $0x5800, s21;
	s24 =	sadd.s32 $0x2880, s22  }
0xaa: {  	[spmem:s2] =	stream.indirect.scatter.add.f32 [tilespmem:s23], [sflag:$0x2], $0x10, s24, s17, $0xb8;
	[tilespmem:$0xF800] =	vst v63  }
0xab: {  	s23 =	sadd.s32 $0x6000, s21;
	s24 =	sadd.s32 $0x2900, s22  }
0xac: {  	[spmem:s2] =	stream.indirect.scatter.add.f32 [tilespmem:s23], [sflag:$0x2], $0x10, s24, s17, $0xb8;
	[tilespmem:$0xF800] =	vst v63  }
0xad: {  	s23 =	sadd.s32 $0x6800, s21;
	s24 =	sadd.s32 $0x2980, s22  }
0xae: {  	[spmem:s2] =	stream.indirect.scatter.add.f32 [tilespmem:s23], [sflag:$0x2], $0x10, s24, s17, $0xb8;
	[tilespmem:$0xF800] =	vst v63  }
0xaf: {  	s23 =	sadd.s32 $0x7000, s21;
	s24 =	sadd.s32 $0x2A00, s22  }
0xb0: {  	[spmem:s2] =	stream.indirect.scatter.add.f32 [tilespmem:s23], [sflag:$0x2], $0x10, s24, s17, $0xb8;
	[tilespmem:$0xF800] =	vst v63  }
0xb1: {  	s23 =	sadd.s32 $0x7800, s21;
	s24 =	sadd.s32 $0x2A80, s22  }
0xb2: {  	[spmem:s2] =	stream.indirect.scatter.add.f32 [tilespmem:s23], [sflag:$0x2], $0x10, s24, s17, $0xb8;
	[tilespmem:$0xF800] =	vst v63  }
0xb3: {  	s23 =	sor.u32 $0x8000, s21;
	s24 =	sadd.s32 $0x2B00, s22  }
0xb4: {  	[spmem:s2] =	stream.indirect.scatter.add.f32 [tilespmem:s23], [sflag:$0x2], $0x10, s24, s17, $0xb8;
	[tilespmem:$0xF800] =	vst v63  }
0xb5: {  	p1 =	seq.s32 s20, $0x9000;
	s22 =	sadd.s32 $0x2B80, s22;
	s23 =	sor.u32 $0x8800, s21  }
0xb6: {  	[spmem:s2] =	stream.indirect.scatter.add.f32 [tilespmem:s23], [sflag:$0x2], $0x10, s22, s17, $0xb8;
	[tilespmem:$0xF800] =	vst v63  }
0xb7: {  	s20 =	sshra.s32 @!p1 s20, $0x2;
	s22 =	ssub.s32 @!p1 $0x9000, s21;
	s23 =	simm.s32 @!p1 $0x80  }
0xb8: {  	s25 =	sadd.s32 @!p1 $0x480, s20;
	s26 =	sadd.s32 @!p1 $0x500, s20;
	s24 =	sadd.s32 @!p1 $0x400, s20  }
0xb9: {  	[tilespmem:s22], [sflag:$0x1] =	stream.indirect.gather @!p1 [hbm4b:s4+s23], $0x10, s24, s23, $0xb8;
	[tilespmem:$0xF800] =	vst v63  }
0xba: {  	s28 =	sadd.s32 @!p1 $0x580, s20;
	s22 =	ssub.s32 @!p1 $0x9800, s21;
	s24 =	ssub.s32 @!p1 $0xA000, s21  }
0xbb: {  	[tilespmem:s22], [sflag:$0x1] =	stream.indirect.gather @!p1 [hbm4b:s4+s23], $0x10, s25, s23, $0xb8;
	[tilespmem:$0xF800] =	vst v63  }
0xbc: {  	s29 =	sadd.s32 @!p1 $0x680, s20;
	s22 =	ssub.s32 @!p1 $0xA800, s21;
	s25 =	sadd.s32 @!p1 $0x600, s20  }
0xbd: {  	[tilespmem:s24], [sflag:$0x1] =	stream.indirect.gather @!p1 [hbm4b:s4+s23], $0x10, s26, s23, $0xb8;
	[tilespmem:$0xF800] =	vst v63  }
0xbe: {  	s30 =	sadd.s32 @!p1 $0x700, s20;
	s24 =	ssub.s32 @!p1 $0xB000, s21;
	s26 =	ssub.s32 @!p1 $0xB800, s21  }
0xbf: {  	[tilespmem:s22], [sflag:$0x1] =	stream.indirect.gather @!p1 [hbm4b:s4+s23], $0x10, s28, s23, $0xb8;
	[tilespmem:$0xF800] =	vst v63  }
0xc0: {  	s20 =	sadd.s32 @!p1 $0x780, s20;
	s22 =	ssub.s32 @!p1 $0xC000, s21;
	s21 =	ssub.s32 @!p1 $0xC800, s21  }
0xc1: {  	[tilespmem:s24], [sflag:$0x1] =	stream.indirect.gather @!p1 [hbm4b:s4+s23], $0x10, s25, s23, $0xb8;
	[tilespmem:$0xF800] =	vst v63  }
0xc2: {  	_ = 	snop  }
0xc3: {  	[tilespmem:s26], [sflag:$0x1] =	stream.indirect.gather @!p1 [hbm4b:s4+s23], $0x10, s29, s23, $0xb8;
	[tilespmem:$0xF800] =	vst v63  }
0xc4: {  	_ = 	snop  }
0xc5: {  	[tilespmem:s22], [sflag:$0x1] =	stream.indirect.gather @!p1 [hbm4b:s4+s23], $0x10, s30, s23, $0xb8;
	[tilespmem:$0xF800] =	vst v63  }
0xc6: {  	_ = 	snop  }
0xc7: {  	[tilespmem:s21], [sflag:$0x1] =	stream.indirect.gather @!p1 [hbm4b:s4+s23], $0x10, s20, s23, $0xb8;
	[tilespmem:$0xF800] =	vst v63  }
0xc8: {  	_ =	swait.ge [sflag:s15], $0x800  }
0xc9: {  	[sflag:s15] =	ssyncset.done $0x0  }
0xca: {  	[sflag:s15] =	ssyncadd.s32 $0xFFFFF800  }
0xcb: {  	_ =	swait.ge [sflag:s15], $0x800  }
0xcc: {  	[sflag:s15] =	ssyncset.done $0x0  }
0xcd: {  	[sflag:s15] =	ssyncadd.s32 $0xFFFFF800  }
0xce: {  	_ =	swait.ge [sflag:s15], $0x800  }
0xcf: {  	[sflag:s15] =	ssyncset.done $0x0  }
0xd0: {  	[sflag:s15] =	ssyncadd.s32 $0xFFFFF800  }
0xd1: {  	_ =	swait.ge [sflag:s15], $0x800  }
0xd2: {  	[sflag:s15] =	ssyncset.done $0x0  }
0xd3: {  	[sflag:s15] =	ssyncadd.s32 $0xFFFFF800  }
0xd4: {  	_ =	swait.ge [sflag:s15], $0x800  }
0xd5: {  	[sflag:s15] =	ssyncset.done $0x0  }
0xd6: {  	[sflag:s15] =	ssyncadd.s32 $0xFFFFF800  }
0xd7: {  	_ =	swait.ge [sflag:s15], $0x800  }
0xd8: {  	[sflag:s15] =	ssyncset.done $0x0  }
.Ltmp1:
0xd9: {  	[sflag:s15] =	ssyncadd.s32 $0xFFFFF800;
	(pc) =	sbr.rel @p0 .LBB2_4-.Ltmp1, $4  }
0xda: {  	_ =	swait.ge [sflag:s15], $0x800  }
0xdb: {  	[sflag:s15] =	ssyncset.done $0x0  }
0xdc: {  	[sflag:s15] =	ssyncadd.s32 $0xFFFFF800  }
0xdd: {  	_ =	swait.ge [sflag:s15], $0x800  }
0xde: {  	[sflag:s15] =	ssyncset.done $0x0  }
0xdf: {  	s1 =	stileid.u32;
	s19 =	sshrl.u32 s6, $0x3;
	s18 =	sadd.s32 $0x1, s18  }
0xe0: {  	[sflag:s15] =	ssyncadd.s32 $0xFFFFF800;
	s1 =	sshll.u32 s1, $0x6;
	p0 =	sne.s32 s18, s13  }
.Ltmp2:
0xe1: {  	[bflag:$0x0] =	sbarrier.arrive $0xFFFF;
	s1 =	sor.u32 $0x1C03, s1;
	(pc) =	sbr.rel @p0 .LBB2_1-.Ltmp2, $4  }
0xe2: {  	[hbm:s12], [sflag:s1] =	dma.local [spmem:s19], $0x500  }
0xe3: {  	_ =	swait.ge [sflag:s14], $0x500  }
0xe4: {  	[sflag:s14] =	ssyncset.done $0x0  }
0xe5: {  	[sflag:s14] =	ssyncadd.s32 $0xFFFFFB00  }
0xe6: {  	_ =	sfence.sel $0x180000  }
0xe7: {  	[bflag:$0x0] =	sbarrier.arrive $0xFFFF  }
0xe8: {  	_ =	strace $0x9000004D  }
0xe9: {  	s0 =	stileid.u32;
	[bflag:$0x2] =	sbarrier.arrive $0xFFFF  }
0xea: {  	p0 =	sne.s32 s0, $0x0;
	s0 =	rddreg [dreg:$0x2]  }
0xeb: {  	s0 =	sadd.s32 @!p0 $0x100000, s0  }
0xec: {  	[sflag:s0] =	ssyncadd.tile.s32 @!p0 $0x1;
	_ =	shalt  }
.Lfunc_end2:
_tile_overlayer_lowered:
.L_overlay_start_2:
0xed: {  	(tag) =	ssettag $0x2  }
0xee: {  	s0 =	rddreg [dreg:$0x0];
	s2 =	stileid.u32  }
0xef: {  	s1 =	rddreg [dreg:$0x1];
	p0 =	sne.s32 s2, $0x0  }
0xf0: {  	s3 =	rddreg [dreg:$0x2];
	[bflag:$0x3] =	sbarrier.arrive $0xFFFF;
	s2 =	simm.s32 @!p0 $0x1C03  }
0xf1: {  	[timem:s3], [sflag:s2] =	dma.local @!p0 [hbm:s0], s1  }
0xf2: {  	s0 =	simm.s32 @!p0 $0x3  }
0xf3: {  	_ =	swait.ge @!p0 [sflag:s0], s1  }
0xf4: {  	s1 =	ssub.s32 @!p0 $0x0, s1;
	[sflag:s0] =	ssyncset.done @!p0 $0x0  }
0xf5: {  	[sflag:s0] =	ssyncadd.s32 @!p0 s1  }
0xf6: {  	[bflag:$0x3] =	sbarrier.arrive $0xFFFF  }
0xf7: {  	_ =	shalt  }

// kernel: kernel.9.cloned.1.call-start
scs
__scs_entry_jumppad:
0x0: {  	(pc) =	sbr.rel $0x88, $3  }
0x1: {  	(tag) =	ssettag $0x0;
	lr =	simm.s32 $0x1  }
0x2: {  	[smem:$0x3F99] =	sst lr;
	_ =	strace $0xD0000000  }
0x3: {  	_ = 	snop  }
0x4: {  	_ = 	snop  }
0x5: {  	_ = 	snop  }
0x6: {  	_ = 	snop  }
0x7: {  	_ = 	snop  }
__scs_overlays_trampoline_lowered:
0x8: {  	[smem:$0x3FA8] =	sst s0  }
0x9: {  	[smem:$0x3FA9] =	sst s1  }
0xa: {  	[smem:$0x3FAA] =	sst s2  }
0xb: {  	[smem:$0x3FAB] =	sst s3  }
0xc: {  	[smem:$0x3FAC] =	sst s4  }
0xd: {  	[smem:$0x3FAD] =	sst s5  }
0xe: {  	[smem:$0x3FAE] =	sst s6  }
0xf: {  	[smem:$0x3FAF] =	sst s7  }
0x10: {  	[smem:$0x3FB0] =	sst s8  }
0x11: {  	[smem:$0x3FB1] =	sst s9;
	s0 =	simm.s32 @!p0 $0x0  }
0x12: {  	s1 =	sld [smem:$0x3F97];
	s0 =	simm.s32 @p0 $0x1  }
0x13: {  	[smem:$0x3FB2] =	sst s0;
	s0 =	simm.s32 @!p1 $0x0  }
0x14: {  	s2 =	sld [smem:$0x3F96];
	s0 =	simm.s32 @p1 $0x1  }
0x15: {  	[smem:$0x3FB3] =	sst s0;
	s0 =	simm.s32 @!p2 $0x0  }
0x16: {  	s3 =	sld [smem:$0x3FDB];
	s0 =	simm.s32 @p2 $0x1  }
0x17: {  	s4 =	simm.s32 $0x1BF5;
	[smem:$0x3FB5] =	sst s0  }
0x18: {  	s0 =	sld [smem:$0x3F98];
	_ =	swait.ge [sflag:s4], $0x0  }
0x19: {  	s7 =	sld [smem:$0x3F99]  }
0x1a: {  	s8 =	sadd.s32 $0xFFFFE003, lr  }
0x1b: {  	s9 =	sadd.s32 $0xFFFFFEF7, lr;
	s5 =	simm.s32 $0xFFFFFFFF;
	p2 =	slt.u32 s8, $0xFFFFF086  }
0x1c: {  	p1 =	slt.u32 s9, $0xF7A;
	s5 =	simm.s32 @!p2 $0x0  }
0x1d: {  	s5 =	simm.s32 @p1 $0x1;
	p0 =	seq.s32 s7, s2  }
0x1e: {  	s7 =	smul.u32 @!p0 $0xF7A, s2;
	p2 =	seq.s32 @!p0 s5, $0x0  }
0x1f: {  	s9 =	smul.u32 $0xF7A, s1;
	s8 =	simm.s32 @!p0 $0x1BF5;
	p2 =	por !p2, p0  }
0x20: {  	[sflag:s8] =	ssyncset.s32 @!p0 $0xFFFFF086;
	s6 =	sadd.s32 @!p0 s3, s7;
	s7 =	simm.s32 @!p0 $0x108  }
0x21: {  	s3 =	sadd.s32 s3, s9;
	s6 =	sadd.s32 @!p0 $0x88, s6;
	s7 =	simm.s32 @p2 $0x1082  }
0x22: {  	[simem:s7], [sflag:s8] =	dma.local @!p0 [hbm:s6], $0xF7A  }
0x23: {  	s9 =	sor.u32 $0xD0000000, s2;
	s6 =	simm.s32 $0x108;
	_ =	swait.ge @!p0 [sflag:s8], $0x0  }
0x24: {  	s3 =	sadd.s32 $0x88, s3;
	s6 =	simm.s32 @!p1 $0x1082;
	[sflag:s4] =	ssyncset.s32 $0xFFFFF086  }
0x25: {  	[simem:s6], [sflag:s4] =	dma.local [hbm:s3], $0xF7A  }
0x26: {  	[smem:$0x3F99] =	sst s1;
	(tag) =	ssettag s2;
	_ =	strace s9  }
0x27: {  	s1 =	sld [smem:$0x3FA9]  }
0x28: {  	s2 =	sld [smem:$0x3FAA]  }
0x29: {  	s4 =	sld [smem:$0x3FAC]  }
0x2a: {  	p0 =	seq.s32 s5, $0x0;
	s5 =	sld [smem:$0x3FAD]  }
0x2b: {  	s6 =	sld [smem:$0x3FAE]  }
0x2c: {  	s7 =	sld [smem:$0x3FAF]  }
0x2d: {  	s3 =	simm.s32 $0x108;
	s8 =	sld [smem:$0x3FB0]  }
0x2e: {  	s3 =	simm.s32 @!p0 $0x1082;
	s9 =	sld [smem:$0x3FB1]  }
0x2f: {  	lr =	sadd.s32 s0, s3;
	s0 =	sld [smem:$0x3FA8]  }
0x30: {  	s3 =	sld [smem:$0x3FAB]  }
0x31: {  	[smem:$0x3FB4] =	sst s10  }
0x32: {  	s10 =	sld [smem:$0x3FB2];
	_ =	sdelay $0x3  }
0x33: {  	p0 =	seq.s32 s10, $0x1;
	s10 =	sld [smem:$0x3FB4];
	_ =	sdelay $0x3  }
0x34: {  	[smem:$0x3FB4] =	sst s10  }
0x35: {  	s10 =	sld [smem:$0x3FB3];
	_ =	sdelay $0x3  }
0x36: {  	p1 =	seq.s32 s10, $0x1;
	s10 =	sld [smem:$0x3FB4];
	_ =	sdelay $0x3  }
0x37: {  	[smem:$0x3FB4] =	sst s10  }
0x38: {  	s10 =	sld [smem:$0x3FB5]  }
0x39: {  	_ = 	snop;
	(pc) =	sbr.ind lr, $3  }
0x3a: {  	_ = 	snop  }
0x3b: {  	_ = 	snop  }
0x3c: {  	p2 =	seq.s32 s10, $0x1;
	s10 =	sld [smem:$0x3FB4]  }
0x3d: {  	_ =	shalt  }
0x3e: {  	_ =	shalt  }
0x3f: {  	_ =	shalt  }
0x40: {  	_ =	shalt  }
0x41: {  	_ =	shalt  }
0x42: {  	_ =	shalt  }
0x43: {  	_ =	shalt  }
0x44: {  	_ =	shalt  }
0x45: {  	_ =	shalt  }
0x46: {  	_ =	shalt  }
0x47: {  	_ =	shalt  }
0x48: {  	_ =	shalt  }
0x49: {  	_ =	shalt  }
0x4a: {  	_ =	shalt  }
0x4b: {  	_ =	shalt  }
0x4c: {  	_ =	shalt  }
0x4d: {  	_ =	shalt  }
0x4e: {  	_ =	shalt  }
0x4f: {  	_ =	shalt  }
0x50: {  	_ =	shalt  }
0x51: {  	_ =	shalt  }
0x52: {  	_ =	shalt  }
0x53: {  	_ =	shalt  }
0x54: {  	_ =	shalt  }
0x55: {  	_ =	shalt  }
0x56: {  	_ =	shalt  }
0x57: {  	_ =	shalt  }
0x58: {  	_ =	shalt  }
0x59: {  	_ =	shalt  }
0x5a: {  	_ =	shalt  }
0x5b: {  	_ =	shalt  }
0x5c: {  	_ =	shalt  }
0x5d: {  	_ =	shalt  }
0x5e: {  	_ =	shalt  }
0x5f: {  	_ =	shalt  }
0x60: {  	_ =	shalt  }
0x61: {  	_ =	shalt  }
0x62: {  	_ =	shalt  }
0x63: {  	_ =	shalt  }
0x64: {  	_ =	shalt  }
0x65: {  	_ =	shalt  }
0x66: {  	_ =	shalt  }
0x67: {  	_ =	shalt  }
0x68: {  	_ =	shalt  }
0x69: {  	_ =	shalt  }
0x6a: {  	_ =	shalt  }
0x6b: {  	_ =	shalt  }
0x6c: {  	_ =	shalt  }
0x6d: {  	_ =	shalt  }
0x6e: {  	_ =	shalt  }
0x6f: {  	_ =	shalt  }
0x70: {  	_ =	shalt  }
0x71: {  	_ =	shalt  }
0x72: {  	_ =	shalt  }
0x73: {  	_ =	shalt  }
0x74: {  	_ =	shalt  }
0x75: {  	_ =	shalt  }
0x76: {  	_ =	shalt  }
0x77: {  	_ =	shalt  }
0x78: {  	_ =	shalt  }
0x79: {  	_ =	shalt  }
0x7a: {  	_ =	shalt  }
0x7b: {  	_ =	shalt  }
0x7c: {  	_ =	shalt  }
0x7d: {  	_ =	shalt  }
0x7e: {  	_ =	shalt  }
0x7f: {  	_ =	shalt  }
0x80: {  	_ =	shalt  }
0x81: {  	_ =	shalt  }
0x82: {  	_ =	shalt  }
0x83: {  	_ =	shalt  }
0x84: {  	_ =	shalt  }
0x85: {  	_ =	shalt  }
0x86: {  	_ =	shalt  }
0x87: {  	_ =	shalt  }
.Lfunc_end0:
.L_simem_size_0:
called_computation_lowered:
.L_overlay_start_0:
0x88: {  	s2 =	sld [smem:$0x3FD9]  }
0x89: {  	s3 =	sld [smem:$0x3FFE];
	_ =	sdelay $0x1  }
0x8a: {  	s1 =	srdreg.scid  }
0x8b: {  	s0 =	sand.u32 $0x1, s1  }
0x8c: {  	s17 =	sshll.u32 s0, $0xA;
	s2 =	sadd.s32 s3, s2  }
0x8d: {  	s2 =	sadd.s32 s2, s17  }
0x8e: {  	[smem:$0x3FC0] =	sst s2  }
0x8f: {  	_ = 	snop  }
0x90: {  	s2 =	sld [smem:$0x3FD0];
	(tm) =	ssettm $0x1  }
0x91: {  	s18 =	sld [smem:$0x3FFB];
	_ =	sdelay $0x3  }
0x92: {  	_ =	strace s18  }
0x93: {  	s3 =	sld [smem:$0x3FFC];
	_ =	sdelay $0x3  }
0x94: {  	_ =	strace s3  }
0x95: {  	s3 =	sld [smem:$0x3FFD];
	_ =	sdelay $0x3  }
0x96: {  	_ =	strace s3  }
0x97: {  	_ =	strace $0x8FFFFFFF  }
0x98: {  	s19 =	sld [smem:$0x3FDB];
	_ =	sdelay $0x1  }
0x99: {  	s4 =	simm.s32 $_scs_section_size  }
0x9a: {  	s5 =	simm.s32 $_size__tile_overlayer_lowered;
	s6 =	simm.s32 $_tile_overlayer_lowered  }
0x9b: {  	s22 =	simm.s32 $0x1BFF;
	s21 =	sshll.u32 s6, $0x1;
	s3 =	sadd.s32 s4, s19  }
0x9c: {  	s7 =	simm.s32 $0x0;
	s20 =	sshll.u32 s5, $0x1;
	s5 =	sadd.s32 s21, s3  }
0x9d: {  	[timem:s7], [sflag:s22] =	dma.local [hbm:s5], s20  }
0x9e: {  	_ =	swait.ge [sflag:s22], s20  }
0x9f: {  	s4 =	ssub.s32 $0x0, s20;
	[sflag:s22] =	ssyncset.done $0x0  }
0xa0: {  	[sflag:s22] =	ssyncadd.s32 s4;
	_ =	sdelay $0x1  }
0xa1: {  	s23 =	simm.s32 $0x1B8B  }
0xa2: {  	_ =	swait.ge [sflag:s23], $0x1  }
0xa3: {  	[sflag:s23] =	ssyncset.done $0x0  }
0xa4: {  	s25 =	simm.s32 $0x1B8E;
	s24 =	sld [smem:$0x3FFE];
	[sflag:s23] =	ssyncadd.s32 $0xFFFFFFFF  }
0xa5: {  	s26 =	simm.s32 $execute0_lowered;
	[smem:$0x3FD2] =	sst s25  }
0xa6: {  	s5 =	sshll.u32 s26, $0x1;
	_ =	strace $0x80000046;
	[dreg:$0x1] =	wrdreg $0xFFFFFFFF  }
0xa7: {  	s28 =	simm.s32 $_size_execute0_lowered;
	s3 =	sadd.s32 s3, s5;
	[dreg:$0x0] =	wrdreg $0x0  }
0xa8: {  	s5 =	sshll.u32 s28, $0x1;
	[dreg:$0x2] =	wrdreg s3  }
0xa9: {  	[dreg:$0x3] =	wrdreg s5  }
0xaa: {  	[dreg:$0x4] =	wrdreg $0xC0  }
0xab: {  	_ =	task [dreg:s7], $0x5FFFF  }
0xac: {  	[dreg:$0x1] =	wrdreg $0xFFFFFFFF  }
0xad: {  	[dreg:$0x0] =	wrdreg $0x60  }
0xae: {  	[dreg:$0x2] =	wrdreg s24  }
0xaf: {  	[dreg:$0x3] =	wrdreg s2  }
0xb0: {  	[dreg:$0x4] =	wrdreg $0x28800  }
0xb1: {  	[dreg:$0x5] =	wrdreg $0x9  }
0xb2: {  	_ =	task.clear_ibuf [dreg:s7], $0x6FFFF;
	_ =	strace $0x90000046  }
0xb3: {  	s29 =	simm.s32 $0x9;
	_ =	strace $0x80000048  }
0xb4: {  	_ =	swait.ge [sflag:s29], $0x1  }
0xb5: {  	[sflag:s29] =	ssyncadd.s32 $0xFFFFFFFF  }
0xb6: {  	_ =	strace $0x90000048  }
0xb7: {  	_ =	sfence  }
0xb8: {  	s30 =	sld [smem:$0x0];
	_ =	sdelay $0x2  }
0xb9: {  	s31 =	sshll.u32 s1, $0xD;
	s1 =	sshrl.u32 s1, $0x2  }
0xba: {  	s3 =	sand.u32 $0x4000, s31;
	s1 =	sadd.s32 s1, s30  }
0xbb: {  	s0 =	sor.u32 s3, s0;
	s1 =	sshll.u32 s1, $0x11  }
0xbc: {  	s0 =	sor.u32 s1, s0  }
0xbd: {  	s0 =	sadd.s32 $0x8F2B, s0  }
0xbe: {  	[sflag:s0] =	ssyncadd.remote.s32 $0x1  }
0xbf: {  	_ =	sfence.sel $0xFFFF  }
0xc0: {  	[dreg:$0x0] =	wrdreg $0xFFFFFFFF;
	(pc) =	sbr.abs _section_cstart, $3  }
0xc1: {  	[dreg:$0x1] =	wrdreg $0xFFFFFFFF  }
0xc2: {  	_ =	task.clear_ibuf [dreg:s7], $0x2FFFF;
	_ =	strace $0x9FFFFFFF  }
0xc3: {  	(tm) =	ssettm $0x7FFFFFFF  }
tec
execute0_lowered:
.L_overlay_start_1:
0x0: {  	(tag) =	ssettag $0x1  }
0x1: {  	s4 =	rddreg [dreg:$0x0]  }
0x2: {  	s10 =	rddreg [dreg:$0x1]  }
0x3: {  	s1 =	srdreg.scid;
	s2 =	rddreg [dreg:$0x2]  }
0x4: {  	s0 =	stileid.u32;
	s5 =	simm.s32 $0xA00;
	s3 =	simm.s32 $0x0  }
0x5: {  	s13 =	simm.s32 $0x2;
	s14 =	simm.s32 $0x100;
	s15 =	simm.s32 $0x180  }
0x6: {  	s16 =	simm.s32 $0x200;
	s17 =	simm.s32 $0x280;
	s18 =	simm.s32 $0x300  }
0x7: {  	s19 =	simm.s32 $0x380;
	s20 =	simm.s32 $0x400;
	s21 =	simm.s32 $0x1  }
0x8: {  	s24 =	simm.s32 $0x20;
	s25 =	simm.s32 $0x10;
	s7 =	smul.u32 $0x50, s0  }
0x9: {  	s26 =	simm.s32 $0x0;
	s6 =	sand.u32 $0x1, s1;
	s8 =	smul.u32 $0xA00, s0  }
0xa: {  	[smem:$0x7FF] =	sst s3;
	s31 =	smul.u32 $0x500, s0;
	s22 =	sshll.u32 s0, $0x6  }
0xb: {  	p0 =	seq.s32 s6, $0x0;
	s28 =	ssub.s32 $0x2, s6;
	_ =	strace $0x80000047  }
0xc: {  	s9 =	sshll.u32 s6, $0x7;
	s22 =	sor.u32 $0x1C02, s22;
	s5 =	simm.s32 @!p0 $0xF00  }
0xd: {  	s29 =	sshrl.u32 s28, $0x1;
	s30 =	sshrl.u32 s8, $0x2;
	s12 =	sor.u32 s9, s31  }
0xe: {  	s5 =	sadd.s32 s7, s5;
	s11 =	ssub.s32 s28, s29;
	s12 =	sshrl.u32 s12, $0x3  }
0xf: {  	s5 =	sshll.u32 s5, $0x4;
	s10 =	sadd.s32 s10, s12;
	s11 =	smax.u32 s11, $0x1  }
0x10: {  	s12 =	simm.s32 $0x80;
	s4 =	sadd.s32 s5, s4;
	s5 =	sadd.s32 s30, s2  }
0x11: {  	s4 =	sadd.s32 $0x2A00, s4;
	s6 =	sadd.s32 $0x80, s5;
	s7 =	sadd.s32 $0x100, s5  }
0x12: {  	v0 =	vimm.f32 $0.0e+00;
	v1 =	vimm.f32 $1.000000000e+00;
	s8 =	sadd.s32 $0x180, s5;
	s9 =	sadd.s32 $0x200, s5;
	s23 =	sshrl.u32 s5, $0x3  }
.LBB2_1:
0x13: {  	[tilespmem:s12], [sflag:$0x2] =	stream.linear.gather [hbm4b:s4+s3], $0x2800, $0x38;
	[tilespmem:$0x2B00] =	vst v63  }
0x14: {  	_ =	swait.ge [sflag:s13], $0x2800  }
0x15: {  	[sflag:s13] =	ssyncset.done $0x0  }
0x16: {  	[sflag:s13] =	ssyncadd.s32 $0xFFFFD800  }
0x17: {  	[tilespmem:$0x0] =	vst v0  }
0x18: {  	[tilespmem:$0x10] =	vst v0  }
0x19: {  	[tilespmem:$0x20] =	vst v0  }
0x1a: {  	[tilespmem:$0x30] =	vst v0  }
0x1b: {  	[tilespmem:$0x40] =	vst v0  }
0x1c: {  	[tilespmem:$0x50] =	vst v0  }
0x1d: {  	[tilespmem:$0x60] =	vst v0  }
0x1e: {  	[tilespmem:$0x70] =	vst v0  }
0x1f: {  	[spmem:s5] =	stream.linear.scatter [tilespmem:s3], [sflag:$0x2], $0x80, $0x38;
	[tilespmem:$0x2B00] =	vst v63  }
0x20: {  	_ =	swait.ge [sflag:s13], $0x80  }
0x21: {  	[sflag:s13] =	ssyncset.done $0x0  }
0x22: {  	[sflag:s13] =	ssyncadd.s32 $0xFFFFFF80  }
0x23: {  	[spmem:s6] =	stream.linear.scatter [tilespmem:s3], [sflag:$0x2], $0x80, $0x38;
	[tilespmem:$0x2B00] =	vst v63  }
0x24: {  	_ =	swait.ge [sflag:s13], $0x80  }
0x25: {  	[sflag:s13] =	ssyncset.done $0x0  }
0x26: {  	[sflag:s13] =	ssyncadd.s32 $0xFFFFFF80  }
0x27: {  	[spmem:s7] =	stream.linear.scatter [tilespmem:s3], [sflag:$0x2], $0x80, $0x38;
	[tilespmem:$0x2B00] =	vst v63  }
0x28: {  	_ =	swait.ge [sflag:s13], $0x80  }
0x29: {  	[sflag:s13] =	ssyncset.done $0x0  }
0x2a: {  	[sflag:s13] =	ssyncadd.s32 $0xFFFFFF80  }
0x2b: {  	[spmem:s8] =	stream.linear.scatter [tilespmem:s3], [sflag:$0x2], $0x80, $0x38;
	[tilespmem:$0x2B00] =	vst v63  }
0x2c: {  	_ =	swait.ge [sflag:s13], $0x80  }
0x2d: {  	[sflag:s13] =	ssyncset.done $0x0  }
0x2e: {  	[sflag:s13] =	ssyncadd.s32 $0xFFFFFF80  }
0x2f: {  	[spmem:s9] =	stream.linear.scatter [tilespmem:s3], [sflag:$0x2], $0x80, $0x38;
	[tilespmem:$0x2B00] =	vst v63  }
0x30: {  	_ =	swait.ge [sflag:s13], $0x80  }
0x31: {  	[sflag:s13] =	ssyncset.done $0x0  }
0x32: {  	[sflag:s13] =	ssyncadd.s32 $0xFFFFFF80  }
0x33: {  	[tilespmem:$0x0] =	vst v1  }
0x34: {  	[tilespmem:$0x10] =	vst v1  }
0x35: {  	[tilespmem:$0x20] =	vst v1  }
0x36: {  	[tilespmem:$0x30] =	vst v1  }
0x37: {  	[tilespmem:$0x40] =	vst v1  }
0x38: {  	[tilespmem:$0x50] =	vst v1  }
0x39: {  	[tilespmem:$0x60] =	vst v1  }
0x3a: {  	[tilespmem:$0x70] =	vst v1  }
0x3b: {  	[bflag:$0x0] =	sbarrier.arrive $0xFFFF  }
0x3c: {  	[spmem:s2] =	stream.indirect.scatter.add.f32 [tilespmem:s3], [sflag:$0x1], $0x1, s12, s12, $0xb8;
	[tilespmem:$0x2B00] =	vst v63  }
0x3d: {  	_ = 	snop  }
0x3e: {  	[spmem:s2] =	stream.indirect.scatter.add.f32 [tilespmem:s3], [sflag:$0x1], $0x1, s14, s12, $0xb8;
	[tilespmem:$0x2B00] =	vst v63  }
0x3f: {  	_ = 	snop  }
0x40: {  	[spmem:s2] =	stream.indirect.scatter.add.f32 [tilespmem:s3], [sflag:$0x1], $0x1, s15, s12, $0xb8;
	[tilespmem:$0x2B00] =	vst v63  }
0x41: {  	_ = 	snop  }
0x42: {  	[spmem:s2] =	stream.indirect.scatter.add.f32 [tilespmem:s3], [sflag:$0x1], $0x1, s16, s12, $0xb8;
	[tilespmem:$0x2B00] =	vst v63  }
0x43: {  	_ = 	snop  }
0x44: {  	[spmem:s2] =	stream.indirect.scatter.add.f32 [tilespmem:s3], [sflag:$0x1], $0x1, s17, s12, $0xb8;
	[tilespmem:$0x2B00] =	vst v63  }
0x45: {  	_ = 	snop  }
0x46: {  	[spmem:s2] =	stream.indirect.scatter.add.f32 [tilespmem:s3], [sflag:$0x1], $0x1, s18, s12, $0xb8;
	[tilespmem:$0x2B00] =	vst v63  }
0x47: {  	_ = 	snop  }
0x48: {  	[spmem:s2] =	stream.indirect.scatter.add.f32 [tilespmem:s3], [sflag:$0x1], $0x1, s19, s12, $0xb8;
	[tilespmem:$0x2B00] =	vst v63  }
0x49: {  	_ = 	snop  }
0x4a: {  	[spmem:s2] =	stream.indirect.scatter.add.f32 [tilespmem:s3], [sflag:$0x1], $0x1, s20, s12, $0xb8;
	[tilespmem:$0x2B00] =	vst v63  }
0x4b: {  	s28 =	simm.s32 $0x480  }
0x4c: {  	[spmem:s2] =	stream.indirect.scatter.add.f32 [tilespmem:s3], [sflag:$0x1], $0x1, s28, s12, $0xb8;
	[tilespmem:$0x2B00] =	vst v63  }
0x4d: {  	s29 =	simm.s32 $0x500  }
0x4e: {  	[spmem:s2] =	stream.indirect.scatter.add.f32 [tilespmem:s3], [sflag:$0x1], $0x1, s29, s12, $0xb8;
	[tilespmem:$0x2B00] =	vst v63  }
0x4f: {  	s1 =	simm.s32 $0x580  }
0x50: {  	[spmem:s2] =	stream.indirect.scatter.add.f32 [tilespmem:s3], [sflag:$0x1], $0x1, s1, s12, $0xb8;
	[tilespmem:$0x2B00] =	vst v63  }
0x51: {  	s29 =	simm.s32 $0x600  }
0x52: {  	[spmem:s2] =	stream.indirect.scatter.add.f32 [tilespmem:s3], [sflag:$0x1], $0x1, s29, s12, $0xb8;
	[tilespmem:$0x2B00] =	vst v63  }
0x53: {  	s1 =	simm.s32 $0x680  }
0x54: {  	[spmem:s2] =	stream.indirect.scatter.add.f32 [tilespmem:s3], [sflag:$0x1], $0x1, s1, s12, $0xb8;
	[tilespmem:$0x2B00] =	vst v63  }
0x55: {  	s29 =	simm.s32 $0x700  }
0x56: {  	[spmem:s2] =	stream.indirect.scatter.add.f32 [tilespmem:s3], [sflag:$0x1], $0x1, s29, s12, $0xb8;
	[tilespmem:$0x2B00] =	vst v63  }
0x57: {  	s1 =	simm.s32 $0x780  }
0x58: {  	[spmem:s2] =	stream.indirect.scatter.add.f32 [tilespmem:s3], [sflag:$0x1], $0x1, s1, s12, $0xb8;
	[tilespmem:$0x2B00] =	vst v63  }
0x59: {  	s29 =	simm.s32 $0x800  }
0x5a: {  	[spmem:s2] =	stream.indirect.scatter.add.f32 [tilespmem:s3], [sflag:$0x1], $0x1, s29, s12, $0xb8;
	[tilespmem:$0x2B00] =	vst v63  }
0x5b: {  	_ =	swait.ge [sflag:s21], $0x80  }
0x5c: {  	[sflag:s21] =	ssyncset.done $0x0  }
0x5d: {  	[sflag:s21] =	ssyncadd.s32 $0xFFFFFF80  }
0x5e: {  	_ =	swait.ge [sflag:s21], $0x80  }
0x5f: {  	[sflag:s21] =	ssyncset.done $0x0  }
0x60: {  	[sflag:s21] =	ssyncadd.s32 $0xFFFFFF80  }
0x61: {  	_ =	swait.ge [sflag:s21], $0x80  }
0x62: {  	[sflag:s21] =	ssyncset.done $0x0  }
0x63: {  	[sflag:s21] =	ssyncadd.s32 $0xFFFFFF80  }
0x64: {  	_ =	swait.ge [sflag:s21], $0x80  }
0x65: {  	[sflag:s21] =	ssyncset.done $0x0  }
0x66: {  	[sflag:s21] =	ssyncadd.s32 $0xFFFFFF80  }
0x67: {  	_ =	swait.ge [sflag:s21], $0x80  }
0x68: {  	[sflag:s21] =	ssyncset.done $0x0  }
0x69: {  	[sflag:s21] =	ssyncadd.s32 $0xFFFFFF80  }
0x6a: {  	_ =	swait.ge [sflag:s21], $0x80  }
0x6b: {  	[sflag:s21] =	ssyncset.done $0x0  }
0x6c: {  	[sflag:s21] =	ssyncadd.s32 $0xFFFFFF80  }
0x6d: {  	_ =	swait.ge [sflag:s21], $0x80  }
0x6e: {  	[sflag:s21] =	ssyncset.done $0x0  }
0x6f: {  	[sflag:s21] =	ssyncadd.s32 $0xFFFFFF80  }
0x70: {  	_ =	swait.ge [sflag:s21], $0x80  }
0x71: {  	s31 =	simm.s32 $0x2000;
	s30 =	simm.s32 $0x400;
	[sflag:s21] =	ssyncset.done $0x0  }
.LBB2_2:
0x72: {  	s1 =	sadd.s32 $0x480, s30  }
0x73: {  	[sflag:s21] =	ssyncadd.s32 $0xFFFFFF80;
	s29 =	smov.u32 s31;
	s28 =	sadd.s32 $0x1000, s31  }
0x74: {  	[spmem:s2] =	stream.indirect.scatter.add.f32 [tilespmem:s3], [sflag:$0x1], $0x1, s1, s12, $0xb8;
	[tilespmem:$0x2B00] =	vst v63  }
0x75: {  	p0 =	sne.s32 s31, $0x8000;
	s1 =	sadd.s32 $0x500, s30  }
0x76: {  	[spmem:s2] =	stream.indirect.scatter.add.f32 [tilespmem:s3], [sflag:$0x1], $0x1, s1, s12, $0xb8;
	[tilespmem:$0x2B00] =	vst v63  }
0x77: {  	s1 =	sadd.s32 $0x580, s30  }
0x78: {  	[spmem:s2] =	stream.indirect.scatter.add.f32 [tilespmem:s3], [sflag:$0x1], $0x1, s1, s12, $0xb8;
	[tilespmem:$0x2B00] =	vst v63  }
0x79: {  	s1 =	sadd.s32 $0x600, s30  }
0x7a: {  	[spmem:s2] =	stream.indirect.scatter.add.f32 [tilespmem:s3], [sflag:$0x1], $0x1, s1, s12, $0xb8;
	[tilespmem:$0x2B00] =	vst v63  }
0x7b: {  	s1 =	sadd.s32 $0x680, s30  }
0x7c: {  	[spmem:s2] =	stream.indirect.scatter.add.f32 [tilespmem:s3], [sflag:$0x1], $0x1, s1, s12, $0xb8;
	[tilespmem:$0x2B00] =	vst v63  }
0x7d: {  	s1 =	sadd.s32 $0x700, s30  }
0x7e: {  	[spmem:s2] =	stream.indirect.scatter.add.f32 [tilespmem:s3], [sflag:$0x1], $0x1, s1, s12, $0xb8;
	[tilespmem:$0x2B00] =	vst v63  }
0x7f: {  	s1 =	sadd.s32 $0x780, s30  }
0x80: {  	[spmem:s2] =	stream.indirect.scatter.add.f32 [tilespmem:s3], [sflag:$0x1], $0x1, s1, s12, $0xb8;
	[tilespmem:$0x2B00] =	vst v63  }
0x81: {  	s1 =	sadd.s32 $0x800, s30  }
0x82: {  	[spmem:s2] =	stream.indirect.scatter.add.f32 [tilespmem:s3], [sflag:$0x1], $0x1, s1, s12, $0xb8;
	[tilespmem:$0x2B00] =	vst v63  }
0x83: {  	_ =	swait.ge [sflag:s21], $0x80  }
0x84: {  	[sflag:s21] =	ssyncset.done $0x0  }
0x85: {  	[sflag:s21] =	ssyncadd.s32 $0xFFFFFF80  }
0x86: {  	_ =	swait.ge [sflag:s21], $0x80  }
0x87: {  	[sflag:s21] =	ssyncset.done $0x0  }
0x88: {  	[sflag:s21] =	ssyncadd.s32 $0xFFFFFF80  }
0x89: {  	_ =	swait.ge [sflag:s21], $0x80  }
0x8a: {  	[sflag:s21] =	ssyncset.done $0x0  }
0x8b: {  	[sflag:s21] =	ssyncadd.s32 $0xFFFFFF80  }
0x8c: {  	_ =	swait.ge [sflag:s21], $0x80  }
0x8d: {  	[sflag:s21] =	ssyncset.done $0x0  }
0x8e: {  	[sflag:s21] =	ssyncadd.s32 $0xFFFFFF80  }
0x8f: {  	_ =	swait.ge [sflag:s21], $0x80  }
0x90: {  	[sflag:s21] =	ssyncset.done $0x0  }
0x91: {  	[sflag:s21] =	ssyncadd.s32 $0xFFFFFF80  }
0x92: {  	_ =	swait.ge [sflag:s21], $0x80  }
0x93: {  	[sflag:s21] =	ssyncset.done $0x0  }
0x94: {  	[sflag:s21] =	ssyncadd.s32 $0xFFFFFF80  }
.Ltmp0:
0x95: {  	_ =	swait.ge [sflag:s21], $0x80;
	(pc) =	sbr.rel @p0 .LBB2_2-.Ltmp0, $4  }
0x96: {  	[sflag:s21] =	ssyncset.done $0x0  }
0x97: {  	[sflag:s21] =	ssyncadd.s32 $0xFFFFFF80  }
0x98: {  	_ =	swait.ge [sflag:s21], $0x80  }
0x99: {  	s31 =	smov.u32 s28;
	s30 =	sshra.s32 s29, $0x2;
	[sflag:s21] =	ssyncset.done $0x0  }
0x9a: {  	s1 =	sadd.s32 $0x480, s30;
	[sflag:s21] =	ssyncadd.s32 $0xFFFFFF80  }
0x9b: {  	[spmem:s2] =	stream.indirect.scatter.add.f32 [tilespmem:s3], [sflag:$0x1], $0x1, s1, s12, $0xb8;
	[tilespmem:$0x2B00] =	vst v63  }
0x9c: {  	s31 =	sadd.s32 $0x500, s30  }
0x9d: {  	[spmem:s2] =	stream.indirect.scatter.add.f32 [tilespmem:s3], [sflag:$0x1], $0x1, s31, s12, $0xb8;
	[tilespmem:$0x2B00] =	vst v63  }
0x9e: {  	s28 =	sadd.s32 $0x580, s30  }
0x9f: {  	[spmem:s2] =	stream.indirect.scatter.add.f32 [tilespmem:s3], [sflag:$0x1], $0x1, s28, s12, $0xb8;
	[tilespmem:$0x2B00] =	vst v63  }
0xa0: {  	s29 =	sadd.s32 $0x600, s30  }
0xa1: {  	[spmem:s2] =	stream.indirect.scatter.add.f32 [tilespmem:s3], [sflag:$0x1], $0x1, s29, s12, $0xb8;
	[tilespmem:$0x2B00] =	vst v63  }
0xa2: {  	s31 =	sadd.s32 $0x680, s30  }
0xa3: {  	[spmem:s2] =	stream.indirect.scatter.add.f32 [tilespmem:s3], [sflag:$0x1], $0x1, s31, s12, $0xb8;
	[tilespmem:$0x2B00] =	vst v63  }
0xa4: {  	s28 =	sadd.s32 $0x700, s30  }
0xa5: {  	[spmem:s2] =	stream.indirect.scatter.add.f32 [tilespmem:s3], [sflag:$0x1], $0x1, s28, s12, $0xb8;
	[tilespmem:$0x2B00] =	vst v63  }
0xa6: {  	s29 =	sadd.s32 $0x780, s30  }
0xa7: {  	[spmem:s2] =	stream.indirect.scatter.add.f32 [tilespmem:s3], [sflag:$0x1], $0x1, s29, s12, $0xb8;
	[tilespmem:$0x2B00] =	vst v63  }
0xa8: {  	s31 =	sadd.s32 $0x800, s30  }
0xa9: {  	[spmem:s2] =	stream.indirect.scatter.add.f32 [tilespmem:s3], [sflag:$0x1], $0x1, s31, s12, $0xb8;
	[tilespmem:$0x2B00] =	vst v63  }
0xaa: {  	_ =	swait.ge [sflag:s21], $0x80  }
0xab: {  	[sflag:s21] =	ssyncset.done $0x0  }
0xac: {  	[sflag:s21] =	ssyncadd.s32 $0xFFFFFF80  }
0xad: {  	_ =	swait.ge [sflag:s21], $0x80  }
0xae: {  	[sflag:s21] =	ssyncset.done $0x0  }
0xaf: {  	[sflag:s21] =	ssyncadd.s32 $0xFFFFFF80  }
0xb0: {  	_ =	swait.ge [sflag:s21], $0x80  }
0xb1: {  	[sflag:s21] =	ssyncset.done $0x0  }
0xb2: {  	[sflag:s21] =	ssyncadd.s32 $0xFFFFFF80  }
0xb3: {  	_ =	swait.ge [sflag:s21], $0x80  }
0xb4: {  	[sflag:s21] =	ssyncset.done $0x0  }
0xb5: {  	[sflag:s21] =	ssyncadd.s32 $0xFFFFFF80  }
0xb6: {  	_ =	swait.ge [sflag:s21], $0x80  }
0xb7: {  	[sflag:s21] =	ssyncset.done $0x0  }
0xb8: {  	[sflag:s21] =	ssyncadd.s32 $0xFFFFFF80  }
0xb9: {  	_ =	swait.ge [sflag:s21], $0x80  }
0xba: {  	[sflag:s21] =	ssyncset.done $0x0  }
0xbb: {  	[sflag:s21] =	ssyncadd.s32 $0xFFFFFF80  }
0xbc: {  	_ =	swait.ge [sflag:s21], $0x80  }
0xbd: {  	[sflag:s21] =	ssyncset.done $0x0  }
0xbe: {  	[sflag:s21] =	ssyncadd.s32 $0xFFFFFF80  }
0xbf: {  	_ =	swait.ge [sflag:s21], $0x80  }
0xc0: {  	[sflag:s21] =	ssyncset.done $0x0  }
0xc1: {  	[sflag:s21] =	ssyncadd.s32 $0xFFFFFF80  }
0xc2: {  	_ =	swait.ge [sflag:s21], $0x80  }
0xc3: {  	[sflag:s21] =	ssyncset.done $0x0  }
0xc4: {  	[sflag:s21] =	ssyncadd.s32 $0xFFFFFF80  }
0xc5: {  	_ =	swait.ge [sflag:s21], $0x80  }
0xc6: {  	[sflag:s21] =	ssyncset.done $0x0  }
0xc7: {  	[sflag:s21] =	ssyncadd.s32 $0xFFFFFF80  }
0xc8: {  	_ =	swait.ge [sflag:s21], $0x80  }
0xc9: {  	[sflag:s21] =	ssyncset.done $0x0  }
0xca: {  	[sflag:s21] =	ssyncadd.s32 $0xFFFFFF80  }
0xcb: {  	_ =	swait.ge [sflag:s21], $0x80  }
0xcc: {  	[sflag:s21] =	ssyncset.done $0x0  }
0xcd: {  	[sflag:s21] =	ssyncadd.s32 $0xFFFFFF80  }
0xce: {  	_ =	swait.ge [sflag:s21], $0x80  }
0xcf: {  	[sflag:s21] =	ssyncset.done $0x0  }
0xd0: {  	[sflag:s21] =	ssyncadd.s32 $0xFFFFFF80  }
0xd1: {  	_ =	swait.ge [sflag:s21], $0x80  }
0xd2: {  	[sflag:s21] =	ssyncset.done $0x0  }
0xd3: {  	[sflag:s21] =	ssyncadd.s32 $0xFFFFFF80  }
0xd4: {  	_ =	swait.ge [sflag:s21], $0x80  }
0xd5: {  	[sflag:s21] =	ssyncset.done $0x0  }
0xd6: {  	[sflag:s21] =	ssyncadd.s32 $0xFFFFFF80  }
0xd7: {  	_ =	swait.ge [sflag:s21], $0x80  }
0xd8: {  	s26 =	sadd.s32 $0x1, s26;
	[sflag:s21] =	ssyncset.done $0x0  }
0xd9: {  	p0 =	sne.s32 s26, s11;
	[sflag:s21] =	ssyncadd.s32 $0xFFFFFF80  }
.Ltmp1:
0xda: {  	[bflag:$0x0] =	sbarrier.arrive $0xFFFF;
	(pc) =	sbr.rel @p0 .LBB2_1-.Ltmp1, $4  }
0xdb: {  	[hbm:s10@s24], [sflag:s22] =	dma.strided [spmem:s23@s25], $0x50, s21, $0x10   }
0xdc: {  	_ =	swait.ge [sflag:s13], $0x50  }
0xdd: {  	[sflag:s13] =	ssyncset.done $0x0  }
0xde: {  	[sflag:s13] =	ssyncadd.s32 $0xFFFFFFB0  }
0xdf: {  	_ =	sfence.sel $0x180000  }
0xe0: {  	[bflag:$0x0] =	sbarrier.arrive $0xFFFF  }
0xe1: {  	_ =	strace $0x90000047  }
0xe2: {  	[bflag:$0x2] =	sbarrier.arrive $0xFFFF  }
0xe3: {  	p0 =	sne.s32 s0, $0x0;
	s0 =	rddreg [dreg:$0x3]  }
0xe4: {  	s0 =	sadd.s32 @!p0 $0x100000, s0  }
0xe5: {  	[sflag:s0] =	ssyncadd.tile.s32 @!p0 $0x1;
	_ =	shalt  }
.Lfunc_end2:
_tile_overlayer_lowered:
.L_overlay_start_2:
0xe6: {  	(tag) =	ssettag $0x2  }
0xe7: {  	s0 =	rddreg [dreg:$0x0];
	s2 =	stileid.u32  }
0xe8: {  	s1 =	rddreg [dreg:$0x1];
	p0 =	sne.s32 s2, $0x0  }
0xe9: {  	s3 =	rddreg [dreg:$0x2];
	[bflag:$0x3] =	sbarrier.arrive $0xFFFF;
	s2 =	simm.s32 @!p0 $0x1C02  }
0xea: {  	[timem:s3], [sflag:s2] =	dma.local @!p0 [hbm:s0], s1  }
0xeb: {  	s0 =	simm.s32 @!p0 $0x2  }
0xec: {  	_ =	swait.ge @!p0 [sflag:s0], s1  }
0xed: {  	s1 =	ssub.s32 @!p0 $0x0, s1;
	[sflag:s0] =	ssyncset.done @!p0 $0x0  }
0xee: {  	[sflag:s0] =	ssyncadd.s32 @!p0 s1  }
0xef: {  	[bflag:$0x3] =	sbarrier.arrive $0xFFFF  }
0xf0: {  	_ =	shalt  }

</sc_bundles>
